<compile_context>
chip_gen: v7x
topology: tpu7x:2x2x1
jax: 0.10.2.dev20260603
libtpu: 0.0.44.dev20260713+nightly
codegen_flags: <defaults>
</compile_context>

<pallas_src>
import jax
import jax.numpy as jnp
from jax import lax
from jax.experimental import pallas as pl
from jax.experimental.pallas import tpu as pltpu
from jax.experimental.pallas import tpu_sc as plsc

DIM = 32
LANES = 16
NC, NS = 2, 16
NW = NC * NS
BATCH = 16384
BPW = BATCH // NW
ROWPACK = 128 // DIM
CHUNK = 128
NCHUNK = BPW // CHUNK
CGROUPS = CHUNK // LANES


def _sc_body(uidx_hbm, pidx_hbm, nidx_hbm, user_hbm, item_hbm, ent_hbm,
             out_hbm,
             uidx_v, pidx_v, nidx_v, ublk_v, pblk_v, nblk_v,
             urows, pirows, perows, nirows, nerows, scores_v, sem):
    wid = lax.axis_index("c") * NS + lax.axis_index("s")
    base = wid * BPW

    pltpu.sync_copy(uidx_hbm.at[pl.ds(base, BPW)], uidx_v)
    pltpu.sync_copy(pidx_hbm.at[pl.ds(base, BPW)], pidx_v)
    pltpu.sync_copy(nidx_hbm.at[pl.ds(base, BPW)], nidx_v)

    iota = lax.iota(jnp.int32, LANES)

    def blk_body(g, carry):
        sl = pl.ds(g * LANES, LANES)
        ublk_v[sl] = lax.shift_right_logical(uidx_v[sl], 2)
        pblk_v[sl] = lax.shift_right_logical(pidx_v[sl], 2)
        nblk_v[sl] = lax.shift_right_logical(nidx_v[sl], 2)
        return carry
    lax.fori_loop(0, BPW // LANES, blk_body, 0)

    for ch in range(NCHUNK):
        sl = pl.ds(ch * CHUNK, CHUNK)
        copies = [
            pltpu.async_copy(user_hbm.at[ublk_v.at[sl]], urows, sem),
            pltpu.async_copy(item_hbm.at[pblk_v.at[sl]], pirows, sem),
            pltpu.async_copy(ent_hbm.at[pblk_v.at[sl]], perows, sem),
            pltpu.async_copy(item_hbm.at[nblk_v.at[sl]], nirows, sem),
            pltpu.async_copy(ent_hbm.at[nblk_v.at[sl]], nerows, sem),
        ]
        for c in copies:
            c.wait()

        def dot_body(g, carry, ch=ch):
            rows = g * LANES + iota
            gsl = pl.ds(ch * CHUNK + g * LANES, LANES)
            uoff = (uidx_v[gsl] & 3) * DIM
            poff = (pidx_v[gsl] & 3) * DIM
            noff = (nidx_v[gsl] & 3) * DIM
            acc = jnp.zeros((LANES,), jnp.float32)
            for s in range(LANES):
                for h in range(DIM // LANES):
                    dv = ((iota + s) & (LANES - 1)) + h * LANES
                    uv = plsc.load_gather(urows, [rows, uoff + dv])
                    pv = (plsc.load_gather(pirows, [rows, poff + dv])
                          + plsc.load_gather(perows, [rows, poff + dv]))
                    nv = (plsc.load_gather(nirows, [rows, noff + dv])
                          + plsc.load_gather(nerows, [rows, noff + dv]))
                    acc = acc + uv * (pv - nv)
            scores_v[gsl] = acc
            return carry
        lax.fori_loop(0, CGROUPS, dot_body, 0)

    pltpu.sync_copy(scores_v, out_hbm.at[pl.ds(base, BPW)])


_sc_diff = pl.kernel(
    _sc_body,
    out_type=jax.ShapeDtypeStruct((BATCH,), jnp.float32),
    mesh=plsc.VectorSubcoreMesh(core_axis_name="c", subcore_axis_name="s"),
    compiler_params=pltpu.CompilerParams(
        needs_layout_passes=False, use_tc_tiling_on_sc=True),
    scratch_types=[
        pltpu.VMEM((BPW,), jnp.int32),
        pltpu.VMEM((BPW,), jnp.int32),
        pltpu.VMEM((BPW,), jnp.int32),
        pltpu.VMEM((BPW,), jnp.int32),
        pltpu.VMEM((BPW,), jnp.int32),
        pltpu.VMEM((BPW,), jnp.int32),
        pltpu.VMEM((CHUNK, 4 * DIM), jnp.float32),
        pltpu.VMEM((CHUNK, 4 * DIM), jnp.float32),
        pltpu.VMEM((CHUNK, 4 * DIM), jnp.float32),
        pltpu.VMEM((CHUNK, 4 * DIM), jnp.float32),
        pltpu.VMEM((CHUNK, 4 * DIM), jnp.float32),
        pltpu.VMEM((BPW,), jnp.float32),
        pltpu.SemaphoreType.DMA,
    ],
)


def _tc_body(x_ref, o_ref):
    x = x_ref[...]
    y = jnp.minimum(x, 0.0) - jnp.log1p(jnp.exp(-jnp.abs(x)))
    o_ref[0, 0] = jnp.sum(y)


_tc_logsig_sum = pl.pallas_call(
    _tc_body,
    out_shape=jax.ShapeDtypeStruct((1, 1), jnp.float32),
    in_specs=[pl.BlockSpec(memory_space=pltpu.VMEM)],
    out_specs=pl.BlockSpec(memory_space=pltpu.SMEM),
)


def kernel(data, name, user_emb_matrix, item_emb_matrix, ent_emb_matrix, Mr_matrix, rel_emb_matrix):
    del name, Mr_matrix, rel_emb_matrix
    n_packed = user_emb_matrix.shape[0] // ROWPACK
    t_user = user_emb_matrix.reshape(n_packed, ROWPACK * DIM)
    t_item = item_emb_matrix.reshape(n_packed, ROWPACK * DIM)
    t_ent = ent_emb_matrix.reshape(n_packed, ROWPACK * DIM)
    diff = _sc_diff(data[:, 0], data[:, 1], data[:, 2], t_user, t_item, t_ent)
    total = _tc_logsig_sum(diff.reshape(BATCH // 128, 128))
    return total[0, 0]

# --- scband reference (transcript-rebuilt; emitter-appended) ---
"""Pipeline reference for scband-cke-21096879358358 (READ-ONLY COPY).

The authoritative reference and input builder live on the scoring server;
editing this copy changes nothing except your own understanding.
"""

import jax, jax.numpy as jnp
import numpy as np

N_ENTITIES = 1000000
N_RELS = 200
DIM = 32
BATCH = 16384


def _xavier(k, shape):
    if len(shape) == 3:
        rf = shape[2]
        fan_in, fan_out = shape[1] * rf, shape[0] * rf
    else:
        fan_in, fan_out = shape[0], shape[1]
    bound = (6.0 / (fan_in + fan_out)) ** 0.5
    return jax.random.uniform(k, shape, jnp.float32, -bound, bound)


def setup_inputs(seed: int = 0) -> dict:
    key = jax.random.key(seed)
    ks = jax.random.split(key, 6)
    user_emb_matrix = _xavier(ks[0], (N_ENTITIES, DIM))
    item_emb_matrix = _xavier(ks[1], (N_ENTITIES, DIM))
    ent_emb_matrix = _xavier(ks[2], (N_ENTITIES, DIM))
    Mr_matrix = _xavier(ks[3], (N_RELS, DIM, DIM))
    rel_emb_matrix = _xavier(ks[4], (N_RELS, DIM))
    data = jax.random.randint(ks[5], (BATCH, 3), 0, N_ENTITIES, dtype=jnp.int32)
    name = 0  # any value != 'kg' selects the CF (recommendation) branch
    return {
        'data': data,
        'name': name,
        'user_emb_matrix': user_emb_matrix,
        'item_emb_matrix': item_emb_matrix,
        'ent_emb_matrix': ent_emb_matrix,
        'Mr_matrix': Mr_matrix,
        'rel_emb_matrix': rel_emb_matrix,
    }


def reference(data, name, user_emb_matrix, item_emb_matrix, ent_emb_matrix, Mr_matrix, rel_emb_matrix):
    # name != 'kg' -> CF branch of CKE.forward
    users_id = data[:, 0]
    poss_id = data[:, 1]
    negs_id = data[:, 2]
    users_emb = jnp.take(user_emb_matrix, users_id, axis=0)
    pos_items_emb = jnp.take(item_emb_matrix, poss_id, axis=0) + jnp.take(ent_emb_matrix, poss_id, axis=0)
    neg_items_emb = jnp.take(item_emb_matrix, negs_id, axis=0) + jnp.take(ent_emb_matrix, negs_id, axis=0)
    base_loss = jax.nn.sigmoid(
        jnp.sum(users_emb * pos_items_emb, axis=1) - jnp.sum(users_emb * neg_items_emb, axis=1)
    )
    base_loss = jnp.log(base_loss).sum()
    return base_loss

if __name__ == "__main__":
    import jax
    _d = setup_inputs()
    print(jax.jit(kernel)(*tuple(_d.values())))

</pallas_src>

<mosaic_0001>
#map = affine_map<(d0, d1) -> (0)>
#map1 = affine_map<(d0, d1) -> (0, 0)>
module attributes {stable_mosaic.version = 14 : i64} {
  func.func @_sc_body(%arg0: i32, %arg1: i32, %arg2: memref<16384xi32, #tpu.memory_space<hbm>>, %arg3: memref<16384xi32, #tpu.memory_space<hbm>>, %arg4: memref<16384xi32, #tpu.memory_space<hbm>>, %arg5: memref<250000x128xf32, #tpu.memory_space<hbm>>, %arg6: memref<250000x128xf32, #tpu.memory_space<hbm>>, %arg7: memref<250000x128xf32, #tpu.memory_space<hbm>>, %arg8: memref<16384xf32, #tpu.memory_space<hbm>>, %arg9: memref<512xi32, #tpu.memory_space<vmem>>, %arg10: memref<512xi32, #tpu.memory_space<vmem>>, %arg11: memref<512xi32, #tpu.memory_space<vmem>>, %arg12: memref<512xi32, #tpu.memory_space<vmem>>, %arg13: memref<512xi32, #tpu.memory_space<vmem>>, %arg14: memref<512xi32, #tpu.memory_space<vmem>>, %arg15: memref<128x128xf32, #tpu.memory_space<vmem>>, %arg16: memref<128x128xf32, #tpu.memory_space<vmem>>, %arg17: memref<128x128xf32, #tpu.memory_space<vmem>>, %arg18: memref<128x128xf32, #tpu.memory_space<vmem>>, %arg19: memref<128x128xf32, #tpu.memory_space<vmem>>, %arg20: memref<512xf32, #tpu.memory_space<vmem>>, %arg21: memref<!tpu.dma_semaphore, #tpu.memory_space<semaphore_mem>>) attributes {dimension_semantics = [#tpu.dimension_semantics<core_parallel>, #tpu.dimension_semantics<subcore_parallel>], iteration_bounds = array<i64: 2, 16>, scalar_prefetch = 0 : i64, scratch_operands = 13 : i64, tpu.core_type = #tpu.core_type<sc_vector_subcore>, window_params = [{transform_indices = #map}, {transform_indices = #map}, {transform_indices = #map}, {transform_indices = #map1}, {transform_indices = #map1}, {transform_indices = #map1}, {transform_indices = #map}]} {
    %mul3A = arith.constant 16 : i32
    %mul3A_0 = arith.muli %arg0, %mul3A : i32
    %add3A = arith.addi %mul3A_0, %arg1 : i32
    %mul3A_1 = arith.constant 512 : i32
    %mul3A_2 = arith.muli %add3A, %mul3A_1 : i32
    "tpu.region"() ({
      %run_scoped3A = tpu.sem_alloc : memref<!tpu.dma_semaphore, #tpu.memory_space<semaphore_mem>>
      %dma_start3A_230 = tpu.memref_slice %arg2[%mul3A_2] : memref<16384xi32, #tpu.memory_space<hbm>> -> memref<512xi32, #tpu.memory_space<hbm>>
      %dma_start3A_231 = tpu.memref_slice %arg2[%mul3A_2] : memref<16384xi32, #tpu.memory_space<hbm>> -> memref<512xi32, #tpu.memory_space<hbm>>
      tpu.enqueue_dma source(%dma_start3A_231 : memref<512xi32, #tpu.memory_space<hbm>>) target(%arg9 : memref<512xi32, #tpu.memory_space<vmem>>) target_semaphore(%run_scoped3A : memref<!tpu.dma_semaphore, #tpu.memory_space<semaphore_mem>>)
      %dma_wait3A_232 = tpu.memref_slice %arg2[%mul3A_2] : memref<16384xi32, #tpu.memory_space<hbm>> -> memref<512xi32, #tpu.memory_space<hbm>>
      %dma_wait3A_233 = tpu.memref_slice %arg2[%mul3A_2] : memref<16384xi32, #tpu.memory_space<hbm>> -> memref<512xi32, #tpu.memory_space<hbm>>
      tpu.wait_dma2 semaphore(%run_scoped3A : memref<!tpu.dma_semaphore, #tpu.memory_space<semaphore_mem>>) src(%dma_wait3A_233 : memref<512xi32, #tpu.memory_space<hbm>>) dst(%arg9 : memref<512xi32, #tpu.memory_space<vmem>>)
      tpu.yield
    }) : () -> ()
    "tpu.region"() ({
      %run_scoped3A = tpu.sem_alloc : memref<!tpu.dma_semaphore, #tpu.memory_space<semaphore_mem>>
      %dma_start3A_230 = tpu.memref_slice %arg3[%mul3A_2] : memref<16384xi32, #tpu.memory_space<hbm>> -> memref<512xi32, #tpu.memory_space<hbm>>
      %dma_start3A_231 = tpu.memref_slice %arg3[%mul3A_2] : memref<16384xi32, #tpu.memory_space<hbm>> -> memref<512xi32, #tpu.memory_space<hbm>>
      tpu.enqueue_dma source(%dma_start3A_231 : memref<512xi32, #tpu.memory_space<hbm>>) target(%arg10 : memref<512xi32, #tpu.memory_space<vmem>>) target_semaphore(%run_scoped3A : memref<!tpu.dma_semaphore, #tpu.memory_space<semaphore_mem>>)
      %dma_wait3A_232 = tpu.memref_slice %arg3[%mul3A_2] : memref<16384xi32, #tpu.memory_space<hbm>> -> memref<512xi32, #tpu.memory_space<hbm>>
      %dma_wait3A_233 = tpu.memref_slice %arg3[%mul3A_2] : memref<16384xi32, #tpu.memory_space<hbm>> -> memref<512xi32, #tpu.memory_space<hbm>>
      tpu.wait_dma2 semaphore(%run_scoped3A : memref<!tpu.dma_semaphore, #tpu.memory_space<semaphore_mem>>) src(%dma_wait3A_233 : memref<512xi32, #tpu.memory_space<hbm>>) dst(%arg10 : memref<512xi32, #tpu.memory_space<vmem>>)
      tpu.yield
    }) : () -> ()
    "tpu.region"() ({
      %run_scoped3A = tpu.sem_alloc : memref<!tpu.dma_semaphore, #tpu.memory_space<semaphore_mem>>
      %dma_start3A_230 = tpu.memref_slice %arg4[%mul3A_2] : memref<16384xi32, #tpu.memory_space<hbm>> -> memref<512xi32, #tpu.memory_space<hbm>>
      %dma_start3A_231 = tpu.memref_slice %arg4[%mul3A_2] : memref<16384xi32, #tpu.memory_space<hbm>> -> memref<512xi32, #tpu.memory_space<hbm>>
      tpu.enqueue_dma source(%dma_start3A_231 : memref<512xi32, #tpu.memory_space<hbm>>) target(%arg11 : memref<512xi32, #tpu.memory_space<vmem>>) target_semaphore(%run_scoped3A : memref<!tpu.dma_semaphore, #tpu.memory_space<semaphore_mem>>)
      %dma_wait3A_232 = tpu.memref_slice %arg4[%mul3A_2] : memref<16384xi32, #tpu.memory_space<hbm>> -> memref<512xi32, #tpu.memory_space<hbm>>
      %dma_wait3A_233 = tpu.memref_slice %arg4[%mul3A_2] : memref<16384xi32, #tpu.memory_space<hbm>> -> memref<512xi32, #tpu.memory_space<hbm>>
      tpu.wait_dma2 semaphore(%run_scoped3A : memref<!tpu.dma_semaphore, #tpu.memory_space<semaphore_mem>>) src(%dma_wait3A_233 : memref<512xi32, #tpu.memory_space<hbm>>) dst(%arg11 : memref<512xi32, #tpu.memory_space<vmem>>)
      tpu.yield
    }) : () -> ()
    %iota3A = tpu.iota {dimensions = array<i32: 0>} : vector<16xi32>
    %scan3A = arith.constant 0 : i32
    %scan3A_3 = arith.constant 0 : i32
    %scan3A_4 = arith.constant 32 : i32
    %scan3A_5 = arith.addi %scan3A_3, %scan3A_4 : i32
    %scan3A_6 = arith.constant 1 : i32
    scf.for %scan3A_230 = %scan3A_3 to %scan3A_5 step %scan3A_6  : i32 {
      %mul3A_231 = arith.constant 16 : i32
      %mul3A_232 = arith.muli %scan3A_230, %mul3A_231 : i32
      %get3A = arith.index_cast %mul3A_232 : i32 to index
      %get3A_233 = tpu.vector_load %arg9[%get3A] {strides = array<i32>} : memref<512xi32, #tpu.memory_space<vmem>>, vector<16xi32>,
      %shift_right_logical3A = arith.constant 2 : i32
      %shift_right_logical3A_234 = vector.broadcast %shift_right_logical3A : i32 to vector<16xi32>
      %shift_right_logical3A_235 = arith.shrui %get3A_233, %shift_right_logical3A_234 : vector<16xi32>
      %swap3A = arith.index_cast %mul3A_232 : i32 to index
      %swap3A_236 = tpu.vector_load %arg12[%swap3A] {strides = array<i32>} : memref<512xi32, #tpu.memory_space<vmem>>, vector<16xi32>,
      tpu.vector_store %arg12[%swap3A], %shift_right_logical3A_235 {strides = array<i32>} : memref<512xi32, #tpu.memory_space<vmem>>, vector<16xi32>,
      %get3A_237 = arith.index_cast %mul3A_232 : i32 to index
      %get3A_238 = tpu.vector_load %arg10[%get3A_237] {strides = array<i32>} : memref<512xi32, #tpu.memory_space<vmem>>, vector<16xi32>,
      %shift_right_logical3A_239 = arith.constant 2 : i32
      %shift_right_logical3A_240 = vector.broadcast %shift_right_logical3A_239 : i32 to vector<16xi32>
      %shift_right_logical3A_241 = arith.shrui %get3A_238, %shift_right_logical3A_240 : vector<16xi32>
      %swap3A_242 = arith.index_cast %mul3A_232 : i32 to index
      %swap3A_243 = tpu.vector_load %arg13[%swap3A_242] {strides = array<i32>} : memref<512xi32, #tpu.memory_space<vmem>>, vector<16xi32>,
      tpu.vector_store %arg13[%swap3A_242], %shift_right_logical3A_241 {strides = array<i32>} : memref<512xi32, #tpu.memory_space<vmem>>, vector<16xi32>,
      %get3A_244 = arith.index_cast %mul3A_232 : i32 to index
      %get3A_245 = tpu.vector_load %arg11[%get3A_244] {strides = array<i32>} : memref<512xi32, #tpu.memory_space<vmem>>, vector<16xi32>,
      %shift_right_logical3A_246 = arith.constant 2 : i32
      %shift_right_logical3A_247 = vector.broadcast %shift_right_logical3A_246 : i32 to vector<16xi32>
      %shift_right_logical3A_248 = arith.shrui %get3A_245, %shift_right_logical3A_247 : vector<16xi32>
      %swap3A_249 = arith.index_cast %mul3A_232 : i32 to index
      %swap3A_250 = tpu.vector_load %arg14[%swap3A_249] {strides = array<i32>} : memref<512xi32, #tpu.memory_space<vmem>>, vector<16xi32>,
      tpu.vector_store %arg14[%swap3A_249], %shift_right_logical3A_248 {strides = array<i32>} : memref<512xi32, #tpu.memory_space<vmem>>, vector<16xi32>,
    }
    %scan3A_7 = arith.constant 32 : i32
    %dma_start3A = arith.constant 0 : i32
    %dma_start3A_8 = tpu.memref_slice %arg12[%dma_start3A] : memref<512xi32, #tpu.memory_space<vmem>> -> memref<128xi32, #tpu.memory_space<vmem>>
    %dma_start3A_9 = arith.constant 0 : i32
    %dma_start3A_10 = arith.constant 0 : i32
    %dma_start3A_11 = tpu.memref_slice %arg5[%dma_start3A_9, %dma_start3A_10] : memref<250000x128xf32, #tpu.memory_space<hbm>> -> memref<250000x128xf32, #tpu.memory_space<hbm>>
    tpu.enqueue_indirect_dma source(%dma_start3A_11 : memref<250000x128xf32, #tpu.memory_space<hbm>>) target(%arg15 : memref<128x128xf32, #tpu.memory_space<vmem>>) offsets(%dma_start3A_8 : memref<128xi32, #tpu.memory_space<vmem>>) semaphore(%arg21 : memref<!tpu.dma_semaphore, #tpu.memory_space<semaphore_mem>>)
    %dma_start3A_12 = arith.constant 0 : i32
    %dma_start3A_13 = tpu.memref_slice %arg13[%dma_start3A_12] : memref<512xi32, #tpu.memory_space<vmem>> -> memref<128xi32, #tpu.memory_space<vmem>>
    %dma_start3A_14 = arith.constant 0 : i32
    %dma_start3A_15 = arith.constant 0 : i32
    %dma_start3A_16 = tpu.memref_slice %arg6[%dma_start3A_14, %dma_start3A_15] : memref<250000x128xf32, #tpu.memory_space<hbm>> -> memref<250000x128xf32, #tpu.memory_space<hbm>>
    tpu.enqueue_indirect_dma source(%dma_start3A_16 : memref<250000x128xf32, #tpu.memory_space<hbm>>) target(%arg16 : memref<128x128xf32, #tpu.memory_space<vmem>>) offsets(%dma_start3A_13 : memref<128xi32, #tpu.memory_space<vmem>>) semaphore(%arg21 : memref<!tpu.dma_semaphore, #tpu.memory_space<semaphore_mem>>)
    %dma_start3A_17 = arith.constant 0 : i32
    %dma_start3A_18 = tpu.memref_slice %arg13[%dma_start3A_17] : memref<512xi32, #tpu.memory_space<vmem>> -> memref<128xi32, #tpu.memory_space<vmem>>
    %dma_start3A_19 = arith.constant 0 : i32
    %dma_start3A_20 = arith.constant 0 : i32
    %dma_start3A_21 = tpu.memref_slice %arg7[%dma_start3A_19, %dma_start3A_20] : memref<250000x128xf32, #tpu.memory_space<hbm>> -> memref<250000x128xf32, #tpu.memory_space<hbm>>
    tpu.enqueue_indirect_dma source(%dma_start3A_21 : memref<250000x128xf32, #tpu.memory_space<hbm>>) target(%arg17 : memref<128x128xf32, #tpu.memory_space<vmem>>) offsets(%dma_start3A_18 : memref<128xi32, #tpu.memory_space<vmem>>) semaphore(%arg21 : memref<!tpu.dma_semaphore, #tpu.memory_space<semaphore_mem>>)
    %dma_start3A_22 = arith.constant 0 : i32
    %dma_start3A_23 = tpu.memref_slice %arg14[%dma_start3A_22] : memref<512xi32, #tpu.memory_space<vmem>> -> memref<128xi32, #tpu.memory_space<vmem>>
    %dma_start3A_24 = arith.constant 0 : i32
    %dma_start3A_25 = arith.constant 0 : i32
    %dma_start3A_26 = tpu.memref_slice %arg6[%dma_start3A_24, %dma_start3A_25] : memref<250000x128xf32, #tpu.memory_space<hbm>> -> memref<250000x128xf32, #tpu.memory_space<hbm>>
    tpu.enqueue_indirect_dma source(%dma_start3A_26 : memref<250000x128xf32, #tpu.memory_space<hbm>>) target(%arg18 : memref<128x128xf32, #tpu.memory_space<vmem>>) offsets(%dma_start3A_23 : memref<128xi32, #tpu.memory_space<vmem>>) semaphore(%arg21 : memref<!tpu.dma_semaphore, #tpu.memory_space<semaphore_mem>>)
    %dma_start3A_27 = arith.constant 0 : i32
    %dma_start3A_28 = tpu.memref_slice %arg14[%dma_start3A_27] : memref<512xi32, #tpu.memory_space<vmem>> -> memref<128xi32, #tpu.memory_space<vmem>>
    %dma_start3A_29 = arith.constant 0 : i32
    %dma_start3A_30 = arith.constant 0 : i32
    %dma_start3A_31 = tpu.memref_slice %arg7[%dma_start3A_29, %dma_start3A_30] : memref<250000x128xf32, #tpu.memory_space<hbm>> -> memref<250000x128xf32, #tpu.memory_space<hbm>>
    tpu.enqueue_indirect_dma source(%dma_start3A_31 : memref<250000x128xf32, #tpu.memory_space<hbm>>) target(%arg19 : memref<128x128xf32, #tpu.memory_space<vmem>>) offsets(%dma_start3A_28 : memref<128xi32, #tpu.memory_space<vmem>>) semaphore(%arg21 : memref<!tpu.dma_semaphore, #tpu.memory_space<semaphore_mem>>)
    %dma_wait3A = arith.constant 0 : i32
    %dma_wait3A_32 = tpu.memref_slice %arg12[%dma_wait3A] : memref<512xi32, #tpu.memory_space<vmem>> -> memref<128xi32, #tpu.memory_space<vmem>>
    %dma_wait3A_33 = arith.constant 0 : i32
    %dma_wait3A_34 = arith.constant 0 : i32
    %dma_wait3A_35 = tpu.memref_slice %arg5[%dma_wait3A_33, %dma_wait3A_34] : memref<250000x128xf32, #tpu.memory_space<hbm>> -> memref<250000x128xf32, #tpu.memory_space<hbm>>
    tpu.wait_indirect_dma semaphore(%arg21 : memref<!tpu.dma_semaphore, #tpu.memory_space<semaphore_mem>>) src(%dma_wait3A_35 : memref<250000x128xf32, #tpu.memory_space<hbm>>) dst(%arg15 : memref<128x128xf32, #tpu.memory_space<vmem>>)
    %dma_wait3A_36 = arith.constant 0 : i32
    %dma_wait3A_37 = tpu.memref_slice %arg13[%dma_wait3A_36] : memref<512xi32, #tpu.memory_space<vmem>> -> memref<128xi32, #tpu.memory_space<vmem>>
    %dma_wait3A_38 = arith.constant 0 : i32
    %dma_wait3A_39 = arith.constant 0 : i32
    %dma_wait3A_40 = tpu.memref_slice %arg6[%dma_wait3A_38, %dma_wait3A_39] : memref<250000x128xf32, #tpu.memory_space<hbm>> -> memref<250000x128xf32, #tpu.memory_space<hbm>>
    tpu.wait_indirect_dma semaphore(%arg21 : memref<!tpu.dma_semaphore, #tpu.memory_space<semaphore_mem>>) src(%dma_wait3A_40 : memref<250000x128xf32, #tpu.memory_space<hbm>>) dst(%arg16 : memref<128x128xf32, #tpu.memory_space<vmem>>)
    %dma_wait3A_41 = arith.constant 0 : i32
    %dma_wait3A_42 = tpu.memref_slice %arg13[%dma_wait3A_41] : memref<512xi32, #tpu.memory_space<vmem>> -> memref<128xi32, #tpu.memory_space<vmem>>
    %dma_wait3A_43 = arith.constant 0 : i32
    %dma_wait3A_44 = arith.constant 0 : i32
    %dma_wait3A_45 = tpu.memref_slice %arg7[%dma_wait3A_43, %dma_wait3A_44] : memref<250000x128xf32, #tpu.memory_space<hbm>> -> memref<250000x128xf32, #tpu.memory_space<hbm>>
    tpu.wait_indirect_dma semaphore(%arg21 : memref<!tpu.dma_semaphore, #tpu.memory_space<semaphore_mem>>) src(%dma_wait3A_45 : memref<250000x128xf32, #tpu.memory_space<hbm>>) dst(%arg17 : memref<128x128xf32, #tpu.memory_space<vmem>>)
    %dma_wait3A_46 = arith.constant 0 : i32
    %dma_wait3A_47 = tpu.memref_slice %arg14[%dma_wait3A_46] : memref<512xi32, #tpu.memory_space<vmem>> -> memref<128xi32, #tpu.memory_space<vmem>>
    %dma_wait3A_48 = arith.constant 0 : i32
    %dma_wait3A_49 = arith.constant 0 : i32
    %dma_wait3A_50 = tpu.memref_slice %arg6[%dma_wait3A_48, %dma_wait3A_49] : memref<250000x128xf32, #tpu.memory_space<hbm>> -> memref<250000x128xf32, #tpu.memory_space<hbm>>
    tpu.wait_indirect_dma semaphore(%arg21 : memref<!tpu.dma_semaphore, #tpu.memory_space<semaphore_mem>>) src(%dma_wait3A_50 : memref<250000x128xf32, #tpu.memory_space<hbm>>) dst(%arg18 : memref<128x128xf32, #tpu.memory_space<vmem>>)
    %dma_wait3A_51 = arith.constant 0 : i32
    %dma_wait3A_52 = tpu.memref_slice %arg14[%dma_wait3A_51] : memref<512xi32, #tpu.memory_space<vmem>> -> memref<128xi32, #tpu.memory_space<vmem>>
    %dma_wait3A_53 = arith.constant 0 : i32
    %dma_wait3A_54 = arith.constant 0 : i32
    %dma_wait3A_55 = tpu.memref_slice %arg7[%dma_wait3A_53, %dma_wait3A_54] : memref<250000x128xf32, #tpu.memory_space<hbm>> -> memref<250000x128xf32, #tpu.memory_space<hbm>>
    tpu.wait_indirect_dma semaphore(%arg21 : memref<!tpu.dma_semaphore, #tpu.memory_space<semaphore_mem>>) src(%dma_wait3A_55 : memref<250000x128xf32, #tpu.memory_space<hbm>>) dst(%arg19 : memref<128x128xf32, #tpu.memory_space<vmem>>)
    %scan3A_56 = arith.constant 0 : i32
    %scan3A_57 = arith.constant 0 : i32
    %scan3A_58 = arith.constant 8 : i32
    %scan3A_59 = arith.addi %scan3A_57, %scan3A_58 : i32
    %scan3A_60 = arith.constant 1 : i32
    scf.for %scan3A_230 = %scan3A_57 to %scan3A_59 step %scan3A_60  : i32 {
      %mul3A_231 = arith.constant 16 : i32
      %mul3A_232 = arith.muli %scan3A_230, %mul3A_231 : i32
      %add3A_233 = vector.broadcast %mul3A_232 : i32 to vector<16xi32>
      %add3A_234 = arith.addi %add3A_233, %iota3A : vector<16xi32>
      %mul3A_235 = arith.constant 16 : i32
      %mul3A_236 = arith.muli %scan3A_230, %mul3A_235 : i32
      %add3A_237 = arith.constant 0 : i32
      %add3A_238 = arith.addi %add3A_237, %mul3A_236 : i32
      %get3A = arith.index_cast %add3A_238 : i32 to index
      %get3A_239 = tpu.vector_load %arg9[%get3A] {strides = array<i32>} : memref<512xi32, #tpu.memory_space<vmem>>, vector<16xi32>,
      %and3A = arith.constant 3 : i32
      %and3A_240 = vector.broadcast %and3A : i32 to vector<16xi32>
      %and3A_241 = arith.andi %get3A_239, %and3A_240 : vector<16xi32>
      %mul3A_242 = arith.constant 32 : i32
      %mul3A_243 = vector.broadcast %mul3A_242 : i32 to vector<16xi32>
      %mul3A_244 = arith.muli %and3A_241, %mul3A_243 : vector<16xi32>
      %get3A_245 = arith.index_cast %add3A_238 : i32 to index
      %get3A_246 = tpu.vector_load %arg10[%get3A_245] {strides = array<i32>} : memref<512xi32, #tpu.memory_space<vmem>>, vector<16xi32>,
      %and3A_247 = arith.constant 3 : i32
      %and3A_248 = vector.broadcast %and3A_247 : i32 to vector<16xi32>
      %and3A_249 = arith.andi %get3A_246, %and3A_248 : vector<16xi32>
      %mul3A_250 = arith.constant 32 : i32
      %mul3A_251 = vector.broadcast %mul3A_250 : i32 to vector<16xi32>
      %mul3A_252 = arith.muli %and3A_249, %mul3A_251 : vector<16xi32>
      %get3A_253 = arith.index_cast %add3A_238 : i32 to index
      %get3A_254 = tpu.vector_load %arg11[%get3A_253] {strides = array<i32>} : memref<512xi32, #tpu.memory_space<vmem>>, vector<16xi32>,
      %and3A_255 = arith.constant 3 : i32
      %and3A_256 = vector.broadcast %and3A_255 : i32 to vector<16xi32>
      %and3A_257 = arith.andi %get3A_254, %and3A_256 : vector<16xi32>
      %mul3A_258 = arith.constant 32 : i32
      %mul3A_259 = vector.broadcast %mul3A_258 : i32 to vector<16xi32>
      %mul3A_260 = arith.muli %and3A_257, %mul3A_259 : vector<16xi32>
      %broadcast_in_dim3A = arith.constant 0.000000e+00 : f32
      %broadcast_in_dim3A_261 = vector.broadcast %broadcast_in_dim3A : f32 to vector<16xf32>
      %add3A_262 = arith.constant 0 : i32
      %add3A_263 = vector.broadcast %add3A_262 : i32 to vector<16xi32>
      %add3A_264 = arith.addi %iota3A, %add3A_263 : vector<16xi32>
      %and3A_265 = arith.constant 15 : i32
      %and3A_266 = vector.broadcast %and3A_265 : i32 to vector<16xi32>
      %and3A_267 = arith.andi %add3A_264, %and3A_266 : vector<16xi32>
      %add3A_268 = arith.constant 0 : i32
      %add3A_269 = vector.broadcast %add3A_268 : i32 to vector<16xi32>
      %add3A_270 = arith.addi %and3A_267, %add3A_269 : vector<16xi32>
      %add3A_271 = arith.addi %mul3A_244, %add3A_270 : vector<16xi32>
      %gather3A = tpu.vector_load_idx %arg15[%add3A_234, %add3A_271] : memref<128x128xf32, #tpu.memory_space<vmem>>[vector<16xi32>, vector<16xi32>], vector<16xf32>,
      %add3A_272 = arith.addi %mul3A_252, %add3A_270 : vector<16xi32>
      %gather3A_273 = tpu.vector_load_idx %arg16[%add3A_234, %add3A_272] : memref<128x128xf32, #tpu.memory_space<vmem>>[vector<16xi32>, vector<16xi32>], vector<16xf32>,
      %add3A_274 = arith.addi %mul3A_252, %add3A_270 : vector<16xi32>
      %gather3A_275 = tpu.vector_load_idx %arg17[%add3A_234, %add3A_274] : memref<128x128xf32, #tpu.memory_space<vmem>>[vector<16xi32>, vector<16xi32>], vector<16xf32>,
      %add3A_276 = arith.addf %gather3A_273, %gather3A_275 : vector<16xf32>
      %add3A_277 = arith.addi %mul3A_260, %add3A_270 : vector<16xi32>
      %gather3A_278 = tpu.vector_load_idx %arg18[%add3A_234, %add3A_277] : memref<128x128xf32, #tpu.memory_space<vmem>>[vector<16xi32>, vector<16xi32>], vector<16xf32>,
      %add3A_279 = arith.addi %mul3A_260, %add3A_270 : vector<16xi32>
      %gather3A_280 = tpu.vector_load_idx %arg19[%add3A_234, %add3A_279] : memref<128x128xf32, #tpu.memory_space<vmem>>[vector<16xi32>, vector<16xi32>], vector<16xf32>,
      %add3A_281 = arith.addf %gather3A_278, %gather3A_280 : vector<16xf32>
      %sub3A = arith.subf %add3A_276, %add3A_281 : vector<16xf32>
      %mul3A_282 = arith.mulf %gather3A, %sub3A : vector<16xf32>
      %add3A_283 = arith.addf %broadcast_in_dim3A_261, %mul3A_282 : vector<16xf32>
      %add3A_284 = arith.constant 0 : i32
      %add3A_285 = vector.broadcast %add3A_284 : i32 to vector<16xi32>
      %add3A_286 = arith.addi %iota3A, %add3A_285 : vector<16xi32>
      %and3A_287 = arith.constant 15 : i32
      %and3A_288 = vector.broadcast %and3A_287 : i32 to vector<16xi32>
      %and3A_289 = arith.andi %add3A_286, %and3A_288 : vector<16xi32>
      %add3A_290 = arith.constant 16 : i32
      %add3A_291 = vector.broadcast %add3A_290 : i32 to vector<16xi32>
      %add3A_292 = arith.addi %and3A_289, %add3A_291 : vector<16xi32>
      %add3A_293 = arith.addi %mul3A_244, %add3A_292 : vector<16xi32>
      %gather3A_294 = tpu.vector_load_idx %arg15[%add3A_234, %add3A_293] : memref<128x128xf32, #tpu.memory_space<vmem>>[vector<16xi32>, vector<16xi32>], vector<16xf32>,
      %add3A_295 = arith.addi %mul3A_252, %add3A_292 : vector<16xi32>
      %gather3A_296 = tpu.vector_load_idx %arg16[%add3A_234, %add3A_295] : memref<128x128xf32, #tpu.memory_space<vmem>>[vector<16xi32>, vector<16xi32>], vector<16xf32>,
      %add3A_297 = arith.addi %mul3A_252, %add3A_292 : vector<16xi32>
      %gather3A_298 = tpu.vector_load_idx %arg17[%add3A_234, %add3A_297] : memref<128x128xf32, #tpu.memory_space<vmem>>[vector<16xi32>, vector<16xi32>], vector<16xf32>,
      %add3A_299 = arith.addf %gather3A_296, %gather3A_298 : vector<16xf32>
      %add3A_300 = arith.addi %mul3A_260, %add3A_292 : vector<16xi32>
      %gather3A_301 = tpu.vector_load_idx %arg18[%add3A_234, %add3A_300] : memref<128x128xf32, #tpu.memory_space<vmem>>[vector<16xi32>, vector<16xi32>], vector<16xf32>,
      %add3A_302 = arith.addi %mul3A_260, %add3A_292 : vector<16xi32>
      %gather3A_303 = tpu.vector_load_idx %arg19[%add3A_234, %add3A_302] : memref<128x128xf32, #tpu.memory_space<vmem>>[vector<16xi32>, vector<16xi32>], vector<16xf32>,
      %add3A_304 = arith.addf %gather3A_301, %gather3A_303 : vector<16xf32>
      %sub3A_305 = arith.subf %add3A_299, %add3A_304 : vector<16xf32>
      %mul3A_306 = arith.mulf %gather3A_294, %sub3A_305 : vector<16xf32>
      %add3A_307 = arith.addf %add3A_283, %mul3A_306 : vector<16xf32>
      %add3A_308 = arith.constant 1 : i32
      %add3A_309 = vector.broadcast %add3A_308 : i32 to vector<16xi32>
      %add3A_310 = arith.addi %iota3A, %add3A_309 : vector<16xi32>
      %and3A_311 = arith.constant 15 : i32
      %and3A_312 = vector.broadcast %and3A_311 : i32 to vector<16xi32>
      %and3A_313 = arith.andi %add3A_310, %and3A_312 : vector<16xi32>
      %add3A_314 = arith.constant 0 : i32
      %add3A_315 = vector.broadcast %add3A_314 : i32 to vector<16xi32>
      %add3A_316 = arith.addi %and3A_313, %add3A_315 : vector<16xi32>
      %add3A_317 = arith.addi %mul3A_244, %add3A_316 : vector<16xi32>
      %gather3A_318 = tpu.vector_load_idx %arg15[%add3A_234, %add3A_317] : memref<128x128xf32, #tpu.memory_space<vmem>>[vector<16xi32>, vector<16xi32>], vector<16xf32>,
      %add3A_319 = arith.addi %mul3A_252, %add3A_316 : vector<16xi32>
      %gather3A_320 = tpu.vector_load_idx %arg16[%add3A_234, %add3A_319] : memref<128x128xf32, #tpu.memory_space<vmem>>[vector<16xi32>, vector<16xi32>], vector<16xf32>,
      %add3A_321 = arith.addi %mul3A_252, %add3A_316 : vector<16xi32>
      %gather3A_322 = tpu.vector_load_idx %arg17[%add3A_234, %add3A_321] : memref<128x128xf32, #tpu.memory_space<vmem>>[vector<16xi32>, vector<16xi32>], vector<16xf32>,
      %add3A_323 = arith.addf %gather3A_320, %gather3A_322 : vector<16xf32>
      %add3A_324 = arith.addi %mul3A_260, %add3A_316 : vector<16xi32>
      %gather3A_325 = tpu.vector_load_idx %arg18[%add3A_234, %add3A_324] : memref<128x128xf32, #tpu.memory_space<vmem>>[vector<16xi32>, vector<16xi32>], vector<16xf32>,
      %add3A_326 = arith.addi %mul3A_260, %add3A_316 : vector<16xi32>
      %gather3A_327 = tpu.vector_load_idx %arg19[%add3A_234, %add3A_326] : memref<128x128xf32, #tpu.memory_space<vmem>>[vector<16xi32>, vector<16xi32>], vector<16xf32>,
      %add3A_328 = arith.addf %gather3A_325, %gather3A_327 : vector<16xf32>
      %sub3A_329 = arith.subf %add3A_323, %add3A_328 : vector<16xf32>
      %mul3A_330 = arith.mulf %gather3A_318, %sub3A_329 : vector<16xf32>
      %add3A_331 = arith.addf %add3A_307, %mul3A_330 : vector<16xf32>
      %add3A_332 = arith.constant 1 : i32
      %add3A_333 = vector.broadcast %add3A_332 : i32 to vector<16xi32>
      %add3A_334 = arith.addi %iota3A, %add3A_333 : vector<16xi32>
      %and3A_335 = arith.constant 15 : i32
      %and3A_336 = vector.broadcast %and3A_335 : i32 to vector<16xi32>
      %and3A_337 = arith.andi %add3A_334, %and3A_336 : vector<16xi32>
      %add3A_338 = arith.constant 16 : i32
      %add3A_339 = vector.broadcast %add3A_338 : i32 to vector<16xi32>
      %add3A_340 = arith.addi %and3A_337, %add3A_339 : vector<16xi32>
      %add3A_341 = arith.addi %mul3A_244, %add3A_340 : vector<16xi32>
      %gather3A_342 = tpu.vector_load_idx %arg15[%add3A_234, %add3A_341] : memref<128x128xf32, #tpu.memory_space<vmem>>[vector<16xi32>, vector<16xi32>], vector<16xf32>,
      %add3A_343 = arith.addi %mul3A_252, %add3A_340 : vector<16xi32>
      %gather3A_344 = tpu.vector_load_idx %arg16[%add3A_234, %add3A_343] : memref<128x128xf32, #tpu.memory_space<vmem>>[vector<16xi32>, vector<16xi32>], vector<16xf32>,
      %add3A_345 = arith.addi %mul3A_252, %add3A_340 : vector<16xi32>
      %gather3A_346 = tpu.vector_load_idx %arg17[%add3A_234, %add3A_345] : memref<128x128xf32, #tpu.memory_space<vmem>>[vector<16xi32>, vector<16xi32>], vector<16xf32>,
      %add3A_347 = arith.addf %gather3A_344, %gather3A_346 : vector<16xf32>
      %add3A_348 = arith.addi %mul3A_260, %add3A_340 : vector<16xi32>
      %gather3A_349 = tpu.vector_load_idx %arg18[%add3A_234, %add3A_348] : memref<128x128xf32, #tpu.memory_space<vmem>>[vector<16xi32>, vector<16xi32>], vector<16xf32>,
      %add3A_350 = arith.addi %mul3A_260, %add3A_340 : vector<16xi32>
      %gather3A_351 = tpu.vector_load_idx %arg19[%add3A_234, %add3A_350] : memref<128x128xf32, #tpu.memory_space<vmem>>[vector<16xi32>, vector<16xi32>], vector<16xf32>,
      %add3A_352 = arith.addf %gather3A_349, %gather3A_351 : vector<16xf32>
      %sub3A_353 = arith.subf %add3A_347, %add3A_352 : vector<16xf32>
      %mul3A_354 = arith.mulf %gather3A_342, %sub3A_353 : vector<16xf32>
      %add3A_355 = arith.addf %add3A_331, %mul3A_354 : vector<16xf32>
      %add3A_356 = arith.constant 2 : i32
      %add3A_357 = vector.broadcast %add3A_356 : i32 to vector<16xi32>
      %add3A_358 = arith.addi %iota3A, %add3A_357 : vector<16xi32>
      %and3A_359 = arith.constant 15 : i32
      %and3A_360 = vector.broadcast %and3A_359 : i32 to vector<16xi32>
      %and3A_361 = arith.andi %add3A_358, %and3A_360 : vector<16xi32>
      %add3A_362 = arith.constant 0 : i32
      %add3A_363 = vector.broadcast %add3A_362 : i32 to vector<16xi32>
      %add3A_364 = arith.addi %and3A_361, %add3A_363 : vector<16xi32>
      %add3A_365 = arith.addi %mul3A_244, %add3A_364 : vector<16xi32>
      %gather3A_366 = tpu.vector_load_idx %arg15[%add3A_234, %add3A_365] : memref<128x128xf32, #tpu.memory_space<vmem>>[vector<16xi32>, vector<16xi32>], vector<16xf32>,
      %add3A_367 = arith.addi %mul3A_252, %add3A_364 : vector<16xi32>
      %gather3A_368 = tpu.vector_load_idx %arg16[%add3A_234, %add3A_367] : memref<128x128xf32, #tpu.memory_space<vmem>>[vector<16xi32>, vector<16xi32>], vector<16xf32>,
      %add3A_369 = arith.addi %mul3A_252, %add3A_364 : vector<16xi32>
      %gather3A_370 = tpu.vector_load_idx %arg17[%add3A_234, %add3A_369] : memref<128x128xf32, #tpu.memory_space<vmem>>[vector<16xi32>, vector<16xi32>], vector<16xf32>,
      %add3A_371 = arith.addf %gather3A_368, %gather3A_370 : vector<16xf32>
      %add3A_372 = arith.addi %mul3A_260, %add3A_364 : vector<16xi32>
      %gather3A_373 = tpu.vector_load_idx %arg18[%add3A_234, %add3A_372] : memref<128x128xf32, #tpu.memory_space<vmem>>[vector<16xi32>, vector<16xi32>], vector<16xf32>,
      %add3A_374 = arith.addi %mul3A_260, %add3A_364 : vector<16xi32>
      %gather3A_375 = tpu.vector_load_idx %arg19[%add3A_234, %add3A_374] : memref<128x128xf32, #tpu.memory_space<vmem>>[vector<16xi32>, vector<16xi32>], vector<16xf32>,
      %add3A_376 = arith.addf %gather3A_373, %gather3A_375 : vector<16xf32>
      %sub3A_377 = arith.subf %add3A_371, %add3A_376 : vector<16xf32>
      %mul3A_378 = arith.mulf %gather3A_366, %sub3A_377 : vector<16xf32>
      %add3A_379 = arith.addf %add3A_355, %mul3A_378 : vector<16xf32>
      %add3A_380 = arith.constant 2 : i32
      %add3A_381 = vector.broadcast %add3A_380 : i32 to vector<16xi32>
      %add3A_382 = arith.addi %iota3A, %add3A_381 : vector<16xi32>
      %and3A_383 = arith.constant 15 : i32
      %and3A_384 = vector.broadcast %and3A_383 : i32 to vector<16xi32>
      %and3A_385 = arith.andi %add3A_382, %and3A_384 : vector<16xi32>
      %add3A_386 = arith.constant 16 : i32
      %add3A_387 = vector.broadcast %add3A_386 : i32 to vector<16xi32>
      %add3A_388 = arith.addi %and3A_385, %add3A_387 : vector<16xi32>
      %add3A_389 = arith.addi %mul3A_244, %add3A_388 : vector<16xi32>
      %gather3A_390 = tpu.vector_load_idx %arg15[%add3A_234, %add3A_389] : memref<128x128xf32, #tpu.memory_space<vmem>>[vector<16xi32>, vector<16xi32>], vector<16xf32>,
      %add3A_391 = arith.addi %mul3A_252, %add3A_388 : vector<16xi32>
      %gather3A_392 = tpu.vector_load_idx %arg16[%add3A_234, %add3A_391] : memref<128x128xf32, #tpu.memory_space<vmem>>[vector<16xi32>, vector<16xi32>], vector<16xf32>,
      %add3A_393 = arith.addi %mul3A_252, %add3A_388 : vector<16xi32>
      %gather3A_394 = tpu.vector_load_idx %arg17[%add3A_234, %add3A_393] : memref<128x128xf32, #tpu.memory_space<vmem>>[vector<16xi32>, vector<16xi32>], vector<16xf32>,
      %add3A_395 = arith.addf %gather3A_392, %gather3A_394 : vector<16xf32>
      %add3A_396 = arith.addi %mul3A_260, %add3A_388 : vector<16xi32>
      %gather3A_397 = tpu.vector_load_idx %arg18[%add3A_234, %add3A_396] : memref<128x128xf32, #tpu.memory_space<vmem>>[vector<16xi32>, vector<16xi32>], vector<16xf32>,
      %add3A_398 = arith.addi %mul3A_260, %add3A_388 : vector<16xi32>
      %gather3A_399 = tpu.vector_load_idx %arg19[%add3A_234, %add3A_398] : memref<128x128xf32, #tpu.memory_space<vmem>>[vector<16xi32>, vector<16xi32>], vector<16xf32>,
      %add3A_400 = arith.addf %gather3A_397, %gather3A_399 : vector<16xf32>
      %sub3A_401 = arith.subf %add3A_395, %add3A_400 : vector<16xf32>
      %mul3A_402 = arith.mulf %gather3A_390, %sub3A_401 : vector<16xf32>
      %add3A_403 = arith.addf %add3A_379, %mul3A_402 : vector<16xf32>
      %add3A_404 = arith.constant 3 : i32
      %add3A_405 = vector.broadcast %add3A_404 : i32 to vector<16xi32>
      %add3A_406 = arith.addi %iota3A, %add3A_405 : vector<16xi32>
      %and3A_407 = arith.constant 15 : i32
      %and3A_408 = vector.broadcast %and3A_407 : i32 to vector<16xi32>
      %and3A_409 = arith.andi %add3A_406, %and3A_408 : vector<16xi32>
      %add3A_410 = arith.constant 0 : i32
      %add3A_411 = vector.broadcast %add3A_410 : i32 to vector<16xi32>
      %add3A_412 = arith.addi %and3A_409, %add3A_411 : vector<16xi32>
      %add3A_413 = arith.addi %mul3A_244, %add3A_412 : vector<16xi32>
      %gather3A_414 = tpu.vector_load_idx %arg15[%add3A_234, %add3A_413] : memref<128x128xf32, #tpu.memory_space<vmem>>[vector<16xi32>, vector<16xi32>], vector<16xf32>,
      %add3A_415 = arith.addi %mul3A_252, %add3A_412 : vector<16xi32>
      %gather3A_416 = tpu.vector_load_idx %arg16[%add3A_234, %add3A_415] : memref<128x128xf32, #tpu.memory_space<vmem>>[vector<16xi32>, vector<16xi32>], vector<16xf32>,
      %add3A_417 = arith.addi %mul3A_252, %add3A_412 : vector<16xi32>
      %gather3A_418 = tpu.vector_load_idx %arg17[%add3A_234, %add3A_417] : memref<128x128xf32, #tpu.memory_space<vmem>>[vector<16xi32>, vector<16xi32>], vector<16xf32>,
      %add3A_419 = arith.addf %gather3A_416, %gather3A_418 : vector<16xf32>
      %add3A_420 = arith.addi %mul3A_260, %add3A_412 : vector<16xi32>
      %gather3A_421 = tpu.vector_load_idx %arg18[%add3A_234, %add3A_420] : memref<128x128xf32, #tpu.memory_space<vmem>>[vector<16xi32>, vector<16xi32>], vector<16xf32>,
      %add3A_422 = arith.addi %mul3A_260, %add3A_412 : vector<16xi32>
      %gather3A_423 = tpu.vector_load_idx %arg19[%add3A_234, %add3A_422] : memref<128x128xf32, #tpu.memory_space<vmem>>[vector<16xi32>, vector<16xi32>], vector<16xf32>,
      %add3A_424 = arith.addf %gather3A_421, %gather3A_423 : vector<16xf32>
      %sub3A_425 = arith.subf %add3A_419, %add3A_424 : vector<16xf32>
      %mul3A_426 = arith.mulf %gather3A_414, %sub3A_425 : vector<16xf32>
      %add3A_427 = arith.addf %add3A_403, %mul3A_426 : vector<16xf32>
      %add3A_428 = arith.constant 3 : i32
      %add3A_429 = vector.broadcast %add3A_428 : i32 to vector<16xi32>
      %add3A_430 = arith.addi %iota3A, %add3A_429 : vector<16xi32>
      %and3A_431 = arith.constant 15 : i32
      %and3A_432 = vector.broadcast %and3A_431 : i32 to vector<16xi32>
      %and3A_433 = arith.andi %add3A_430, %and3A_432 : vector<16xi32>
      %add3A_434 = arith.constant 16 : i32
      %add3A_435 = vector.broadcast %add3A_434 : i32 to vector<16xi32>
      %add3A_436 = arith.addi %and3A_433, %add3A_435 : vector<16xi32>
      %add3A_437 = arith.addi %mul3A_244, %add3A_436 : vector<16xi32>
      %gather3A_438 = tpu.vector_load_idx %arg15[%add3A_234, %add3A_437] : memref<128x128xf32, #tpu.memory_space<vmem>>[vector<16xi32>, vector<16xi32>], vector<16xf32>,
      %add3A_439 = arith.addi %mul3A_252, %add3A_436 : vector<16xi32>
      %gather3A_440 = tpu.vector_load_idx %arg16[%add3A_234, %add3A_439] : memref<128x128xf32, #tpu.memory_space<vmem>>[vector<16xi32>, vector<16xi32>], vector<16xf32>,
      %add3A_441 = arith.addi %mul3A_252, %add3A_436 : vector<16xi32>
      %gather3A_442 = tpu.vector_load_idx %arg17[%add3A_234, %add3A_441] : memref<128x128xf32, #tpu.memory_space<vmem>>[vector<16xi32>, vector<16xi32>], vector<16xf32>,
      %add3A_443 = arith.addf %gather3A_440, %gather3A_442 : vector<16xf32>
      %add3A_444 = arith.addi %mul3A_260, %add3A_436 : vector<16xi32>
      %gather3A_445 = tpu.vector_load_idx %arg18[%add3A_234, %add3A_444] : memref<128x128xf32, #tpu.memory_space<vmem>>[vector<16xi32>, vector<16xi32>], vector<16xf32>,
      %add3A_446 = arith.addi %mul3A_260, %add3A_436 : vector<16xi32>
      %gather3A_447 = tpu.vector_load_idx %arg19[%add3A_234, %add3A_446] : memref<128x128xf32, #tpu.memory_space<vmem>>[vector<16xi32>, vector<16xi32>], vector<16xf32>,
      %add3A_448 = arith.addf %gather3A_445, %gather3A_447 : vector<16xf32>
      %sub3A_449 = arith.subf %add3A_443, %add3A_448 : vector<16xf32>
      %mul3A_450 = arith.mulf %gather3A_438, %sub3A_449 : vector<16xf32>
      %add3A_451 = arith.addf %add3A_427, %mul3A_450 : vector<16xf32>
      %add3A_452 = arith.constant 4 : i32
      %add3A_453 = vector.broadcast %add3A_452 : i32 to vector<16xi32>
      %add3A_454 = arith.addi %iota3A, %add3A_453 : vector<16xi32>
      %and3A_455 = arith.constant 15 : i32
      %and3A_456 = vector.broadcast %and3A_455 : i32 to vector<16xi32>
      %and3A_457 = arith.andi %add3A_454, %and3A_456 : vector<16xi32>
      %add3A_458 = arith.constant 0 : i32
      %add3A_459 = vector.broadcast %add3A_458 : i32 to vector<16xi32>
      %add3A_460 = arith.addi %and3A_457, %add3A_459 : vector<16xi32>
      %add3A_461 = arith.addi %mul3A_244, %add3A_460 : vector<16xi32>
      %gather3A_462 = tpu.vector_load_idx %arg15[%add3A_234, %add3A_461] : memref<128x128xf32, #tpu.memory_space<vmem>>[vector<16xi32>, vector<16xi32>], vector<16xf32>,
      %add3A_463 = arith.addi %mul3A_252, %add3A_460 : vector<16xi32>
      %gather3A_464 = tpu.vector_load_idx %arg16[%add3A_234, %add3A_463] : memref<128x128xf32, #tpu.memory_space<vmem>>[vector<16xi32>, vector<16xi32>], vector<16xf32>,
      %add3A_465 = arith.addi %mul3A_252, %add3A_460 : vector<16xi32>
      %gather3A_466 = tpu.vector_load_idx %arg17[%add3A_234, %add3A_465] : memref<128x128xf32, #tpu.memory_space<vmem>>[vector<16xi32>, vector<16xi32>], vector<16xf32>,
      %add3A_467 = arith.addf %gather3A_464, %gather3A_466 : vector<16xf32>
      %add3A_468 = arith.addi %mul3A_260, %add3A_460 : vector<16xi32>
      %gather3A_469 = tpu.vector_load_idx %arg18[%add3A_234, %add3A_468] : memref<128x128xf32, #tpu.memory_space<vmem>>[vector<16xi32>, vector<16xi32>], vector<16xf32>,
      %add3A_470 = arith.addi %mul3A_260, %add3A_460 : vector<16xi32>
      %gather3A_471 = tpu.vector_load_idx %arg19[%add3A_234, %add3A_470] : memref<128x128xf32, #tpu.memory_space<vmem>>[vector<16xi32>, vector<16xi32>], vector<16xf32>,
      %add3A_472 = arith.addf %gather3A_469, %gather3A_471 : vector<16xf32>
      %sub3A_473 = arith.subf %add3A_467, %add3A_472 : vector<16xf32>
      %mul3A_474 = arith.mulf %gather3A_462, %sub3A_473 : vector<16xf32>
      %add3A_475 = arith.addf %add3A_451, %mul3A_474 : vector<16xf32>
      %add3A_476 = arith.constant 4 : i32
      %add3A_477 = vector.broadcast %add3A_476 : i32 to vector<16xi32>
      %add3A_478 = arith.addi %iota3A, %add3A_477 : vector<16xi32>
      %and3A_479 = arith.constant 15 : i32
      %and3A_480 = vector.broadcast %and3A_479 : i32 to vector<16xi32>
      %and3A_481 = arith.andi %add3A_478, %and3A_480 : vector<16xi32>
      %add3A_482 = arith.constant 16 : i32
      %add3A_483 = vector.broadcast %add3A_482 : i32 to vector<16xi32>
      %add3A_484 = arith.addi %and3A_481, %add3A_483 : vector<16xi32>
      %add3A_485 = arith.addi %mul3A_244, %add3A_484 : vector<16xi32>
      %gather3A_486 = tpu.vector_load_idx %arg15[%add3A_234, %add3A_485] : memref<128x128xf32, #tpu.memory_space<vmem>>[vector<16xi32>, vector<16xi32>], vector<16xf32>,
      %add3A_487 = arith.addi %mul3A_252, %add3A_484 : vector<16xi32>
      %gather3A_488 = tpu.vector_load_idx %arg16[%add3A_234, %add3A_487] : memref<128x128xf32, #tpu.memory_space<vmem>>[vector<16xi32>, vector<16xi32>], vector<16xf32>,
      %add3A_489 = arith.addi %mul3A_252, %add3A_484 : vector<16xi32>
      %gather3A_490 = tpu.vector_load_idx %arg17[%add3A_234, %add3A_489] : memref<128x128xf32, #tpu.memory_space<vmem>>[vector<16xi32>, vector<16xi32>], vector<16xf32>,
      %add3A_491 = arith.addf %gather3A_488, %gather3A_490 : vector<16xf32>
      %add3A_492 = arith.addi %mul3A_260, %add3A_484 : vector<16xi32>
      %gather3A_493 = tpu.vector_load_idx %arg18[%add3A_234, %add3A_492] : memref<128x128xf32, #tpu.memory_space<vmem>>[vector<16xi32>, vector<16xi32>], vector<16xf32>,
      %add3A_494 = arith.addi %mul3A_260, %add3A_484 : vector<16xi32>
      %gather3A_495 = tpu.vector_load_idx %arg19[%add3A_234, %add3A_494] : memref<128x128xf32, #tpu.memory_space<vmem>>[vector<16xi32>, vector<16xi32>], vector<16xf32>,
      %add3A_496 = arith.addf %gather3A_493, %gather3A_495 : vector<16xf32>
      %sub3A_497 = arith.subf %add3A_491, %add3A_496 : vector<16xf32>
      %mul3A_498 = arith.mulf %gather3A_486, %sub3A_497 : vector<16xf32>
      %add3A_499 = arith.addf %add3A_475, %mul3A_498 : vector<16xf32>
      %add3A_500 = arith.constant 5 : i32
      %add3A_501 = vector.broadcast %add3A_500 : i32 to vector<16xi32>
      %add3A_502 = arith.addi %iota3A, %add3A_501 : vector<16xi32>
      %and3A_503 = arith.constant 15 : i32
      %and3A_504 = vector.broadcast %and3A_503 : i32 to vector<16xi32>
      %and3A_505 = arith.andi %add3A_502, %and3A_504 : vector<16xi32>
      %add3A_506 = arith.constant 0 : i32
      %add3A_507 = vector.broadcast %add3A_506 : i32 to vector<16xi32>
      %add3A_508 = arith.addi %and3A_505, %add3A_507 : vector<16xi32>
      %add3A_509 = arith.addi %mul3A_244, %add3A_508 : vector<16xi32>
      %gather3A_510 = tpu.vector_load_idx %arg15[%add3A_234, %add3A_509] : memref<128x128xf32, #tpu.memory_space<vmem>>[vector<16xi32>, vector<16xi32>], vector<16xf32>,
      %add3A_511 = arith.addi %mul3A_252, %add3A_508 : vector<16xi32>
      %gather3A_512 = tpu.vector_load_idx %arg16[%add3A_234, %add3A_511] : memref<128x128xf32, #tpu.memory_space<vmem>>[vector<16xi32>, vector<16xi32>], vector<16xf32>,
      %add3A_513 = arith.addi %mul3A_252, %add3A_508 : vector<16xi32>
      %gather3A_514 = tpu.vector_load_idx %arg17[%add3A_234, %add3A_513] : memref<128x128xf32, #tpu.memory_space<vmem>>[vector<16xi32>, vector<16xi32>], vector<16xf32>,
      %add3A_515 = arith.addf %gather3A_512, %gather3A_514 : vector<16xf32>
      %add3A_516 = arith.addi %mul3A_260, %add3A_508 : vector<16xi32>
      %gather3A_517 = tpu.vector_load_idx %arg18[%add3A_234, %add3A_516] : memref<128x128xf32, #tpu.memory_space<vmem>>[vector<16xi32>, vector<16xi32>], vector<16xf32>,
      %add3A_518 = arith.addi %mul3A_260, %add3A_508 : vector<16xi32>
      %gather3A_519 = tpu.vector_load_idx %arg19[%add3A_234, %add3A_518] : memref<128x128xf32, #tpu.memory_space<vmem>>[vector<16xi32>, vector<16xi32>], vector<16xf32>,
      %add3A_520 = arith.addf %gather3A_517, %gather3A_519 : vector<16xf32>
      %sub3A_521 = arith.subf %add3A_515, %add3A_520 : vector<16xf32>
      %mul3A_522 = arith.mulf %gather3A_510, %sub3A_521 : vector<16xf32>
      %add3A_523 = arith.addf %add3A_499, %mul3A_522 : vector<16xf32>
      %add3A_524 = arith.constant 5 : i32
      %add3A_525 = vector.broadcast %add3A_524 : i32 to vector<16xi32>
      %add3A_526 = arith.addi %iota3A, %add3A_525 : vector<16xi32>
      %and3A_527 = arith.constant 15 : i32
      %and3A_528 = vector.broadcast %and3A_527 : i32 to vector<16xi32>
      %and3A_529 = arith.andi %add3A_526, %and3A_528 : vector<16xi32>
      %add3A_530 = arith.constant 16 : i32
      %add3A_531 = vector.broadcast %add3A_530 : i32 to vector<16xi32>
      %add3A_532 = arith.addi %and3A_529, %add3A_531 : vector<16xi32>
      %add3A_533 = arith.addi %mul3A_244, %add3A_532 : vector<16xi32>
      %gather3A_534 = tpu.vector_load_idx %arg15[%add3A_234, %add3A_533] : memref<128x128xf32, #tpu.memory_space<vmem>>[vector<16xi32>, vector<16xi32>], vector<16xf32>,
      %add3A_535 = arith.addi %mul3A_252, %add3A_532 : vector<16xi32>
      %gather3A_536 = tpu.vector_load_idx %arg16[%add3A_234, %add3A_535] : memref<128x128xf32, #tpu.memory_space<vmem>>[vector<16xi32>, vector<16xi32>], vector<16xf32>,
      %add3A_537 = arith.addi %mul3A_252, %add3A_532 : vector<16xi32>
      %gather3A_538 = tpu.vector_load_idx %arg17[%add3A_234, %add3A_537] : memref<128x128xf32, #tpu.memory_space<vmem>>[vector<16xi32>, vector<16xi32>], vector<16xf32>,
      %add3A_539 = arith.addf %gather3A_536, %gather3A_538 : vector<16xf32>
      %add3A_540 = arith.addi %mul3A_260, %add3A_532 : vector<16xi32>
      %gather3A_541 = tpu.vector_load_idx %arg18[%add3A_234, %add3A_540] : memref<128x128xf32, #tpu.memory_space<vmem>>[vector<16xi32>, vector<16xi32>], vector<16xf32>,
      %add3A_542 = arith.addi %mul3A_260, %add3A_532 : vector<16xi32>
      %gather3A_543 = tpu.vector_load_idx %arg19[%add3A_234, %add3A_542] : memref<128x128xf32, #tpu.memory_space<vmem>>[vector<16xi32>, vector<16xi32>], vector<16xf32>,
      %add3A_544 = arith.addf %gather3A_541, %gather3A_543 : vector<16xf32>
      %sub3A_545 = arith.subf %add3A_539, %add3A_544 : vector<16xf32>
      %mul3A_546 = arith.mulf %gather3A_534, %sub3A_545 : vector<16xf32>
      %add3A_547 = arith.addf %add3A_523, %mul3A_546 : vector<16xf32>
      %add3A_548 = arith.constant 6 : i32
      %add3A_549 = vector.broadcast %add3A_548 : i32 to vector<16xi32>
      %add3A_550 = arith.addi %iota3A, %add3A_549 : vector<16xi32>
      %and3A_551 = arith.constant 15 : i32
      %and3A_552 = vector.broadcast %and3A_551 : i32 to vector<16xi32>
      %and3A_553 = arith.andi %add3A_550, %and3A_552 : vector<16xi32>
      %add3A_554 = arith.constant 0 : i32
      %add3A_555 = vector.broadcast %add3A_554 : i32 to vector<16xi32>
      %add3A_556 = arith.addi %and3A_553, %add3A_555 : vector<16xi32>
      %add3A_557 = arith.addi %mul3A_244, %add3A_556 : vector<16xi32>
      %gather3A_558 = tpu.vector_load_idx %arg15[%add3A_234, %add3A_557] : memref<128x128xf32, #tpu.memory_space<vmem>>[vector<16xi32>, vector<16xi32>], vector<16xf32>,
      %add3A_559 = arith.addi %mul3A_252, %add3A_556 : vector<16xi32>
      %gather3A_560 = tpu.vector_load_idx %arg16[%add3A_234, %add3A_559] : memref<128x128xf32, #tpu.memory_space<vmem>>[vector<16xi32>, vector<16xi32>], vector<16xf32>,
      %add3A_561 = arith.addi %mul3A_252, %add3A_556 : vector<16xi32>
      %gather3A_562 = tpu.vector_load_idx %arg17[%add3A_234, %add3A_561] : memref<128x128xf32, #tpu.memory_space<vmem>>[vector<16xi32>, vector<16xi32>], vector<16xf32>,
      %add3A_563 = arith.addf %gather3A_560, %gather3A_562 : vector<16xf32>
      %add3A_564 = arith.addi %mul3A_260, %add3A_556 : vector<16xi32>
      %gather3A_565 = tpu.vector_load_idx %arg18[%add3A_234, %add3A_564] : memref<128x128xf32, #tpu.memory_space<vmem>>[vector<16xi32>, vector<16xi32>], vector<16xf32>,
      %add3A_566 = arith.addi %mul3A_260, %add3A_556 : vector<16xi32>
      %gather3A_567 = tpu.vector_load_idx %arg19[%add3A_234, %add3A_566] : memref<128x128xf32, #tpu.memory_space<vmem>>[vector<16xi32>, vector<16xi32>], vector<16xf32>,
      %add3A_568 = arith.addf %gather3A_565, %gather3A_567 : vector<16xf32>
      %sub3A_569 = arith.subf %add3A_563, %add3A_568 : vector<16xf32>
      %mul3A_570 = arith.mulf %gather3A_558, %sub3A_569 : vector<16xf32>
      %add3A_571 = arith.addf %add3A_547, %mul3A_570 : vector<16xf32>
      %add3A_572 = arith.constant 6 : i32
      %add3A_573 = vector.broadcast %add3A_572 : i32 to vector<16xi32>
      %add3A_574 = arith.addi %iota3A, %add3A_573 : vector<16xi32>
      %and3A_575 = arith.constant 15 : i32
      %and3A_576 = vector.broadcast %and3A_575 : i32 to vector<16xi32>
      %and3A_577 = arith.andi %add3A_574, %and3A_576 : vector<16xi32>
      %add3A_578 = arith.constant 16 : i32
      %add3A_579 = vector.broadcast %add3A_578 : i32 to vector<16xi32>
      %add3A_580 = arith.addi %and3A_577, %add3A_579 : vector<16xi32>
      %add3A_581 = arith.addi %mul3A_244, %add3A_580 : vector<16xi32>
      %gather3A_582 = tpu.vector_load_idx %arg15[%add3A_234, %add3A_581] : memref<128x128xf32, #tpu.memory_space<vmem>>[vector<16xi32>, vector<16xi32>], vector<16xf32>,
      %add3A_583 = arith.addi %mul3A_252, %add3A_580 : vector<16xi32>
      %gather3A_584 = tpu.vector_load_idx %arg16[%add3A_234, %add3A_583] : memref<128x128xf32, #tpu.memory_space<vmem>>[vector<16xi32>, vector<16xi32>], vector<16xf32>,
      %add3A_585 = arith.addi %mul3A_252, %add3A_580 : vector<16xi32>
      %gather3A_586 = tpu.vector_load_idx %arg17[%add3A_234, %add3A_585] : memref<128x128xf32, #tpu.memory_space<vmem>>[vector<16xi32>, vector<16xi32>], vector<16xf32>,
      %add3A_587 = arith.addf %gather3A_584, %gather3A_586 : vector<16xf32>
      %add3A_588 = arith.addi %mul3A_260, %add3A_580 : vector<16xi32>
      %gather3A_589 = tpu.vector_load_idx %arg18[%add3A_234, %add3A_588] : memref<128x128xf32, #tpu.memory_space<vmem>>[vector<16xi32>, vector<16xi32>], vector<16xf32>,
      %add3A_590 = arith.addi %mul3A_260, %add3A_580 : vector<16xi32>
      %gather3A_591 = tpu.vector_load_idx %arg19[%add3A_234, %add3A_590] : memref<128x128xf32, #tpu.memory_space<vmem>>[vector<16xi32>, vector<16xi32>], vector<16xf32>,
      %add3A_592 = arith.addf %gather3A_589, %gather3A_591 : vector<16xf32>
      %sub3A_593 = arith.subf %add3A_587, %add3A_592 : vector<16xf32>
      %mul3A_594 = arith.mulf %gather3A_582, %sub3A_593 : vector<16xf32>
      %add3A_595 = arith.addf %add3A_571, %mul3A_594 : vector<16xf32>
      %add3A_596 = arith.constant 7 : i32
      %add3A_597 = vector.broadcast %add3A_596 : i32 to vector<16xi32>
      %add3A_598 = arith.addi %iota3A, %add3A_597 : vector<16xi32>
      %and3A_599 = arith.constant 15 : i32
      %and3A_600 = vector.broadcast %and3A_599 : i32 to vector<16xi32>
      %and3A_601 = arith.andi %add3A_598, %and3A_600 : vector<16xi32>
      %add3A_602 = arith.constant 0 : i32
      %add3A_603 = vector.broadcast %add3A_602 : i32 to vector<16xi32>
      %add3A_604 = arith.addi %and3A_601, %add3A_603 : vector<16xi32>
      %add3A_605 = arith.addi %mul3A_244, %add3A_604 : vector<16xi32>
      %gather3A_606 = tpu.vector_load_idx %arg15[%add3A_234, %add3A_605] : memref<128x128xf32, #tpu.memory_space<vmem>>[vector<16xi32>, vector<16xi32>], vector<16xf32>,
      %add3A_607 = arith.addi %mul3A_252, %add3A_604 : vector<16xi32>
      %gather3A_608 = tpu.vector_load_idx %arg16[%add3A_234, %add3A_607] : memref<128x128xf32, #tpu.memory_space<vmem>>[vector<16xi32>, vector<16xi32>], vector<16xf32>,
      %add3A_609 = arith.addi %mul3A_252, %add3A_604 : vector<16xi32>
      %gather3A_610 = tpu.vector_load_idx %arg17[%add3A_234, %add3A_609] : memref<128x128xf32, #tpu.memory_space<vmem>>[vector<16xi32>, vector<16xi32>], vector<16xf32>,
      %add3A_611 = arith.addf %gather3A_608, %gather3A_610 : vector<16xf32>
      %add3A_612 = arith.addi %mul3A_260, %add3A_604 : vector<16xi32>
      %gather3A_613 = tpu.vector_load_idx %arg18[%add3A_234, %add3A_612] : memref<128x128xf32, #tpu.memory_space<vmem>>[vector<16xi32>, vector<16xi32>], vector<16xf32>,
      %add3A_614 = arith.addi %mul3A_260, %add3A_604 : vector<16xi32>
      %gather3A_615 = tpu.vector_load_idx %arg19[%add3A_234, %add3A_614] : memref<128x128xf32, #tpu.memory_space<vmem>>[vector<16xi32>, vector<16xi32>], vector<16xf32>,
      %add3A_616 = arith.addf %gather3A_613, %gather3A_615 : vector<16xf32>
      %sub3A_617 = arith.subf %add3A_611, %add3A_616 : vector<16xf32>
      %mul3A_618 = arith.mulf %gather3A_606, %sub3A_617 : vector<16xf32>
      %add3A_619 = arith.addf %add3A_595, %mul3A_618 : vector<16xf32>
      %add3A_620 = arith.constant 7 : i32
      %add3A_621 = vector.broadcast %add3A_620 : i32 to vector<16xi32>
      %add3A_622 = arith.addi %iota3A, %add3A_621 : vector<16xi32>
      %and3A_623 = arith.constant 15 : i32
      %and3A_624 = vector.broadcast %and3A_623 : i32 to vector<16xi32>
      %and3A_625 = arith.andi %add3A_622, %and3A_624 : vector<16xi32>
      %add3A_626 = arith.constant 16 : i32
      %add3A_627 = vector.broadcast %add3A_626 : i32 to vector<16xi32>
      %add3A_628 = arith.addi %and3A_625, %add3A_627 : vector<16xi32>
      %add3A_629 = arith.addi %mul3A_244, %add3A_628 : vector<16xi32>
      %gather3A_630 = tpu.vector_load_idx %arg15[%add3A_234, %add3A_629] : memref<128x128xf32, #tpu.memory_space<vmem>>[vector<16xi32>, vector<16xi32>], vector<16xf32>,
      %add3A_631 = arith.addi %mul3A_252, %add3A_628 : vector<16xi32>
      %gather3A_632 = tpu.vector_load_idx %arg16[%add3A_234, %add3A_631] : memref<128x128xf32, #tpu.memory_space<vmem>>[vector<16xi32>, vector<16xi32>], vector<16xf32>,
      %add3A_633 = arith.addi %mul3A_252, %add3A_628 : vector<16xi32>
      %gather3A_634 = tpu.vector_load_idx %arg17[%add3A_234, %add3A_633] : memref<128x128xf32, #tpu.memory_space<vmem>>[vector<16xi32>, vector<16xi32>], vector<16xf32>,
      %add3A_635 = arith.addf %gather3A_632, %gather3A_634 : vector<16xf32>
      %add3A_636 = arith.addi %mul3A_260, %add3A_628 : vector<16xi32>
      %gather3A_637 = tpu.vector_load_idx %arg18[%add3A_234, %add3A_636] : memref<128x128xf32, #tpu.memory_space<vmem>>[vector<16xi32>, vector<16xi32>], vector<16xf32>,
      %add3A_638 = arith.addi %mul3A_260, %add3A_628 : vector<16xi32>
      %gather3A_639 = tpu.vector_load_idx %arg19[%add3A_234, %add3A_638] : memref<128x128xf32, #tpu.memory_space<vmem>>[vector<16xi32>, vector<16xi32>], vector<16xf32>,
      %add3A_640 = arith.addf %gather3A_637, %gather3A_639 : vector<16xf32>
      %sub3A_641 = arith.subf %add3A_635, %add3A_640 : vector<16xf32>
      %mul3A_642 = arith.mulf %gather3A_630, %sub3A_641 : vector<16xf32>
      %add3A_643 = arith.addf %add3A_619, %mul3A_642 : vector<16xf32>
      %add3A_644 = arith.constant 8 : i32
      %add3A_645 = vector.broadcast %add3A_644 : i32 to vector<16xi32>
      %add3A_646 = arith.addi %iota3A, %add3A_645 : vector<16xi32>
      %and3A_647 = arith.constant 15 : i32
      %and3A_648 = vector.broadcast %and3A_647 : i32 to vector<16xi32>
      %and3A_649 = arith.andi %add3A_646, %and3A_648 : vector<16xi32>
      %add3A_650 = arith.constant 0 : i32
      %add3A_651 = vector.broadcast %add3A_650 : i32 to vector<16xi32>
      %add3A_652 = arith.addi %and3A_649, %add3A_651 : vector<16xi32>
      %add3A_653 = arith.addi %mul3A_244, %add3A_652 : vector<16xi32>
      %gather3A_654 = tpu.vector_load_idx %arg15[%add3A_234, %add3A_653] : memref<128x128xf32, #tpu.memory_space<vmem>>[vector<16xi32>, vector<16xi32>], vector<16xf32>,
      %add3A_655 = arith.addi %mul3A_252, %add3A_652 : vector<16xi32>
      %gather3A_656 = tpu.vector_load_idx %arg16[%add3A_234, %add3A_655] : memref<128x128xf32, #tpu.memory_space<vmem>>[vector<16xi32>, vector<16xi32>], vector<16xf32>,
      %add3A_657 = arith.addi %mul3A_252, %add3A_652 : vector<16xi32>
      %gather3A_658 = tpu.vector_load_idx %arg17[%add3A_234, %add3A_657] : memref<128x128xf32, #tpu.memory_space<vmem>>[vector<16xi32>, vector<16xi32>], vector<16xf32>,
      %add3A_659 = arith.addf %gather3A_656, %gather3A_658 : vector<16xf32>
      %add3A_660 = arith.addi %mul3A_260, %add3A_652 : vector<16xi32>
      %gather3A_661 = tpu.vector_load_idx %arg18[%add3A_234, %add3A_660] : memref<128x128xf32, #tpu.memory_space<vmem>>[vector<16xi32>, vector<16xi32>], vector<16xf32>,
      %add3A_662 = arith.addi %mul3A_260, %add3A_652 : vector<16xi32>
      %gather3A_663 = tpu.vector_load_idx %arg19[%add3A_234, %add3A_662] : memref<128x128xf32, #tpu.memory_space<vmem>>[vector<16xi32>, vector<16xi32>], vector<16xf32>,
      %add3A_664 = arith.addf %gather3A_661, %gather3A_663 : vector<16xf32>
      %sub3A_665 = arith.subf %add3A_659, %add3A_664 : vector<16xf32>
      %mul3A_666 = arith.mulf %gather3A_654, %sub3A_665 : vector<16xf32>
      %add3A_667 = arith.addf %add3A_643, %mul3A_666 : vector<16xf32>
      %add3A_668 = arith.constant 8 : i32
      %add3A_669 = vector.broadcast %add3A_668 : i32 to vector<16xi32>
      %add3A_670 = arith.addi %iota3A, %add3A_669 : vector<16xi32>
      %and3A_671 = arith.constant 15 : i32
      %and3A_672 = vector.broadcast %and3A_671 : i32 to vector<16xi32>
      %and3A_673 = arith.andi %add3A_670, %and3A_672 : vector<16xi32>
      %add3A_674 = arith.constant 16 : i32
      %add3A_675 = vector.broadcast %add3A_674 : i32 to vector<16xi32>
      %add3A_676 = arith.addi %and3A_673, %add3A_675 : vector<16xi32>
      %add3A_677 = arith.addi %mul3A_244, %add3A_676 : vector<16xi32>
      %gather3A_678 = tpu.vector_load_idx %arg15[%add3A_234, %add3A_677] : memref<128x128xf32, #tpu.memory_space<vmem>>[vector<16xi32>, vector<16xi32>], vector<16xf32>,
      %add3A_679 = arith.addi %mul3A_252, %add3A_676 : vector<16xi32>
      %gather3A_680 = tpu.vector_load_idx %arg16[%add3A_234, %add3A_679] : memref<128x128xf32, #tpu.memory_space<vmem>>[vector<16xi32>, vector<16xi32>], vector<16xf32>,
      %add3A_681 = arith.addi %mul3A_252, %add3A_676 : vector<16xi32>
      %gather3A_682 = tpu.vector_load_idx %arg17[%add3A_234, %add3A_681] : memref<128x128xf32, #tpu.memory_space<vmem>>[vector<16xi32>, vector<16xi32>], vector<16xf32>,
      %add3A_683 = arith.addf %gather3A_680, %gather3A_682 : vector<16xf32>
      %add3A_684 = arith.addi %mul3A_260, %add3A_676 : vector<16xi32>
      %gather3A_685 = tpu.vector_load_idx %arg18[%add3A_234, %add3A_684] : memref<128x128xf32, #tpu.memory_space<vmem>>[vector<16xi32>, vector<16xi32>], vector<16xf32>,
      %add3A_686 = arith.addi %mul3A_260, %add3A_676 : vector<16xi32>
      %gather3A_687 = tpu.vector_load_idx %arg19[%add3A_234, %add3A_686] : memref<128x128xf32, #tpu.memory_space<vmem>>[vector<16xi32>, vector<16xi32>], vector<16xf32>,
      %add3A_688 = arith.addf %gather3A_685, %gather3A_687 : vector<16xf32>
      %sub3A_689 = arith.subf %add3A_683, %add3A_688 : vector<16xf32>
      %mul3A_690 = arith.mulf %gather3A_678, %sub3A_689 : vector<16xf32>
      %add3A_691 = arith.addf %add3A_667, %mul3A_690 : vector<16xf32>
      %add3A_692 = arith.constant 9 : i32
      %add3A_693 = vector.broadcast %add3A_692 : i32 to vector<16xi32>
      %add3A_694 = arith.addi %iota3A, %add3A_693 : vector<16xi32>
      %and3A_695 = arith.constant 15 : i32
      %and3A_696 = vector.broadcast %and3A_695 : i32 to vector<16xi32>
      %and3A_697 = arith.andi %add3A_694, %and3A_696 : vector<16xi32>
      %add3A_698 = arith.constant 0 : i32
      %add3A_699 = vector.broadcast %add3A_698 : i32 to vector<16xi32>
      %add3A_700 = arith.addi %and3A_697, %add3A_699 : vector<16xi32>
      %add3A_701 = arith.addi %mul3A_244, %add3A_700 : vector<16xi32>
      %gather3A_702 = tpu.vector_load_idx %arg15[%add3A_234, %add3A_701] : memref<128x128xf32, #tpu.memory_space<vmem>>[vector<16xi32>, vector<16xi32>], vector<16xf32>,
      %add3A_703 = arith.addi %mul3A_252, %add3A_700 : vector<16xi32>
      %gather3A_704 = tpu.vector_load_idx %arg16[%add3A_234, %add3A_703] : memref<128x128xf32, #tpu.memory_space<vmem>>[vector<16xi32>, vector<16xi32>], vector<16xf32>,
      %add3A_705 = arith.addi %mul3A_252, %add3A_700 : vector<16xi32>
      %gather3A_706 = tpu.vector_load_idx %arg17[%add3A_234, %add3A_705] : memref<128x128xf32, #tpu.memory_space<vmem>>[vector<16xi32>, vector<16xi32>], vector<16xf32>,
      %add3A_707 = arith.addf %gather3A_704, %gather3A_706 : vector<16xf32>
      %add3A_708 = arith.addi %mul3A_260, %add3A_700 : vector<16xi32>
      %gather3A_709 = tpu.vector_load_idx %arg18[%add3A_234, %add3A_708] : memref<128x128xf32, #tpu.memory_space<vmem>>[vector<16xi32>, vector<16xi32>], vector<16xf32>,
      %add3A_710 = arith.addi %mul3A_260, %add3A_700 : vector<16xi32>
      %gather3A_711 = tpu.vector_load_idx %arg19[%add3A_234, %add3A_710] : memref<128x128xf32, #tpu.memory_space<vmem>>[vector<16xi32>, vector<16xi32>], vector<16xf32>,
      %add3A_712 = arith.addf %gather3A_709, %gather3A_711 : vector<16xf32>
      %sub3A_713 = arith.subf %add3A_707, %add3A_712 : vector<16xf32>
      %mul3A_714 = arith.mulf %gather3A_702, %sub3A_713 : vector<16xf32>
      %add3A_715 = arith.addf %add3A_691, %mul3A_714 : vector<16xf32>
      %add3A_716 = arith.constant 9 : i32
      %add3A_717 = vector.broadcast %add3A_716 : i32 to vector<16xi32>
      %add3A_718 = arith.addi %iota3A, %add3A_717 : vector<16xi32>
      %and3A_719 = arith.constant 15 : i32
      %and3A_720 = vector.broadcast %and3A_719 : i32 to vector<16xi32>
      %and3A_721 = arith.andi %add3A_718, %and3A_720 : vector<16xi32>
      %add3A_722 = arith.constant 16 : i32
      %add3A_723 = vector.broadcast %add3A_722 : i32 to vector<16xi32>
      %add3A_724 = arith.addi %and3A_721, %add3A_723 : vector<16xi32>
      %add3A_725 = arith.addi %mul3A_244, %add3A_724 : vector<16xi32>
      %gather3A_726 = tpu.vector_load_idx %arg15[%add3A_234, %add3A_725] : memref<128x128xf32, #tpu.memory_space<vmem>>[vector<16xi32>, vector<16xi32>], vector<16xf32>,
      %add3A_727 = arith.addi %mul3A_252, %add3A_724 : vector<16xi32>
      %gather3A_728 = tpu.vector_load_idx %arg16[%add3A_234, %add3A_727] : memref<128x128xf32, #tpu.memory_space<vmem>>[vector<16xi32>, vector<16xi32>], vector<16xf32>,
      %add3A_729 = arith.addi %mul3A_252, %add3A_724 : vector<16xi32>
      %gather3A_730 = tpu.vector_load_idx %arg17[%add3A_234, %add3A_729] : memref<128x128xf32, #tpu.memory_space<vmem>>[vector<16xi32>, vector<16xi32>], vector<16xf32>,
      %add3A_731 = arith.addf %gather3A_728, %gather3A_730 : vector<16xf32>
      %add3A_732 = arith.addi %mul3A_260, %add3A_724 : vector<16xi32>
      %gather3A_733 = tpu.vector_load_idx %arg18[%add3A_234, %add3A_732] : memref<128x128xf32, #tpu.memory_space<vmem>>[vector<16xi32>, vector<16xi32>], vector<16xf32>,
      %add3A_734 = arith.addi %mul3A_260, %add3A_724 : vector<16xi32>
      %gather3A_735 = tpu.vector_load_idx %arg19[%add3A_234, %add3A_734] : memref<128x128xf32, #tpu.memory_space<vmem>>[vector<16xi32>, vector<16xi32>], vector<16xf32>,
      %add3A_736 = arith.addf %gather3A_733, %gather3A_735 : vector<16xf32>
      %sub3A_737 = arith.subf %add3A_731, %add3A_736 : vector<16xf32>
      %mul3A_738 = arith.mulf %gather3A_726, %sub3A_737 : vector<16xf32>
      %add3A_739 = arith.addf %add3A_715, %mul3A_738 : vector<16xf32>
      %add3A_740 = arith.constant 10 : i32
      %add3A_741 = vector.broadcast %add3A_740 : i32 to vector<16xi32>
      %add3A_742 = arith.addi %iota3A, %add3A_741 : vector<16xi32>
      %and3A_743 = arith.constant 15 : i32
      %and3A_744 = vector.broadcast %and3A_743 : i32 to vector<16xi32>
      %and3A_745 = arith.andi %add3A_742, %and3A_744 : vector<16xi32>
      %add3A_746 = arith.constant 0 : i32
      %add3A_747 = vector.broadcast %add3A_746 : i32 to vector<16xi32>
      %add3A_748 = arith.addi %and3A_745, %add3A_747 : vector<16xi32>
      %add3A_749 = arith.addi %mul3A_244, %add3A_748 : vector<16xi32>
      %gather3A_750 = tpu.vector_load_idx %arg15[%add3A_234, %add3A_749] : memref<128x128xf32, #tpu.memory_space<vmem>>[vector<16xi32>, vector<16xi32>], vector<16xf32>,
      %add3A_751 = arith.addi %mul3A_252, %add3A_748 : vector<16xi32>
      %gather3A_752 = tpu.vector_load_idx %arg16[%add3A_234, %add3A_751] : memref<128x128xf32, #tpu.memory_space<vmem>>[vector<16xi32>, vector<16xi32>], vector<16xf32>,
      %add3A_753 = arith.addi %mul3A_252, %add3A_748 : vector<16xi32>
      %gather3A_754 = tpu.vector_load_idx %arg17[%add3A_234, %add3A_753] : memref<128x128xf32, #tpu.memory_space<vmem>>[vector<16xi32>, vector<16xi32>], vector<16xf32>,
      %add3A_755 = arith.addf %gather3A_752, %gather3A_754 : vector<16xf32>
      %add3A_756 = arith.addi %mul3A_260, %add3A_748 : vector<16xi32>
      %gather3A_757 = tpu.vector_load_idx %arg18[%add3A_234, %add3A_756] : memref<128x128xf32, #tpu.memory_space<vmem>>[vector<16xi32>, vector<16xi32>], vector<16xf32>,
      %add3A_758 = arith.addi %mul3A_260, %add3A_748 : vector<16xi32>
      %gather3A_759 = tpu.vector_load_idx %arg19[%add3A_234, %add3A_758] : memref<128x128xf32, #tpu.memory_space<vmem>>[vector<16xi32>, vector<16xi32>], vector<16xf32>,
      %add3A_760 = arith.addf %gather3A_757, %gather3A_759 : vector<16xf32>
      %sub3A_761 = arith.subf %add3A_755, %add3A_760 : vector<16xf32>
      %mul3A_762 = arith.mulf %gather3A_750, %sub3A_761 : vector<16xf32>
      %add3A_763 = arith.addf %add3A_739, %mul3A_762 : vector<16xf32>
      %add3A_764 = arith.constant 10 : i32
      %add3A_765 = vector.broadcast %add3A_764 : i32 to vector<16xi32>
      %add3A_766 = arith.addi %iota3A, %add3A_765 : vector<16xi32>
      %and3A_767 = arith.constant 15 : i32
      %and3A_768 = vector.broadcast %and3A_767 : i32 to vector<16xi32>
      %and3A_769 = arith.andi %add3A_766, %and3A_768 : vector<16xi32>
      %add3A_770 = arith.constant 16 : i32
      %add3A_771 = vector.broadcast %add3A_770 : i32 to vector<16xi32>
      %add3A_772 = arith.addi %and3A_769, %add3A_771 : vector<16xi32>
      %add3A_773 = arith.addi %mul3A_244, %add3A_772 : vector<16xi32>
      %gather3A_774 = tpu.vector_load_idx %arg15[%add3A_234, %add3A_773] : memref<128x128xf32, #tpu.memory_space<vmem>>[vector<16xi32>, vector<16xi32>], vector<16xf32>,
      %add3A_775 = arith.addi %mul3A_252, %add3A_772 : vector<16xi32>
      %gather3A_776 = tpu.vector_load_idx %arg16[%add3A_234, %add3A_775] : memref<128x128xf32, #tpu.memory_space<vmem>>[vector<16xi32>, vector<16xi32>], vector<16xf32>,
      %add3A_777 = arith.addi %mul3A_252, %add3A_772 : vector<16xi32>
      %gather3A_778 = tpu.vector_load_idx %arg17[%add3A_234, %add3A_777] : memref<128x128xf32, #tpu.memory_space<vmem>>[vector<16xi32>, vector<16xi32>], vector<16xf32>,
      %add3A_779 = arith.addf %gather3A_776, %gather3A_778 : vector<16xf32>
      %add3A_780 = arith.addi %mul3A_260, %add3A_772 : vector<16xi32>
      %gather3A_781 = tpu.vector_load_idx %arg18[%add3A_234, %add3A_780] : memref<128x128xf32, #tpu.memory_space<vmem>>[vector<16xi32>, vector<16xi32>], vector<16xf32>,
      %add3A_782 = arith.addi %mul3A_260, %add3A_772 : vector<16xi32>
      %gather3A_783 = tpu.vector_load_idx %arg19[%add3A_234, %add3A_782] : memref<128x128xf32, #tpu.memory_space<vmem>>[vector<16xi32>, vector<16xi32>], vector<16xf32>,
      %add3A_784 = arith.addf %gather3A_781, %gather3A_783 : vector<16xf32>
      %sub3A_785 = arith.subf %add3A_779, %add3A_784 : vector<16xf32>
      %mul3A_786 = arith.mulf %gather3A_774, %sub3A_785 : vector<16xf32>
      %add3A_787 = arith.addf %add3A_763, %mul3A_786 : vector<16xf32>
      %add3A_788 = arith.constant 11 : i32
      %add3A_789 = vector.broadcast %add3A_788 : i32 to vector<16xi32>
      %add3A_790 = arith.addi %iota3A, %add3A_789 : vector<16xi32>
      %and3A_791 = arith.constant 15 : i32
      %and3A_792 = vector.broadcast %and3A_791 : i32 to vector<16xi32>
      %and3A_793 = arith.andi %add3A_790, %and3A_792 : vector<16xi32>
      %add3A_794 = arith.constant 0 : i32
      %add3A_795 = vector.broadcast %add3A_794 : i32 to vector<16xi32>
      %add3A_796 = arith.addi %and3A_793, %add3A_795 : vector<16xi32>
      %add3A_797 = arith.addi %mul3A_244, %add3A_796 : vector<16xi32>
      %gather3A_798 = tpu.vector_load_idx %arg15[%add3A_234, %add3A_797] : memref<128x128xf32, #tpu.memory_space<vmem>>[vector<16xi32>, vector<16xi32>], vector<16xf32>,
      %add3A_799 = arith.addi %mul3A_252, %add3A_796 : vector<16xi32>
      %gather3A_800 = tpu.vector_load_idx %arg16[%add3A_234, %add3A_799] : memref<128x128xf32, #tpu.memory_space<vmem>>[vector<16xi32>, vector<16xi32>], vector<16xf32>,
      %add3A_801 = arith.addi %mul3A_252, %add3A_796 : vector<16xi32>
      %gather3A_802 = tpu.vector_load_idx %arg17[%add3A_234, %add3A_801] : memref<128x128xf32, #tpu.memory_space<vmem>>[vector<16xi32>, vector<16xi32>], vector<16xf32>,
      %add3A_803 = arith.addf %gather3A_800, %gather3A_802 : vector<16xf32>
      %add3A_804 = arith.addi %mul3A_260, %add3A_796 : vector<16xi32>
      %gather3A_805 = tpu.vector_load_idx %arg18[%add3A_234, %add3A_804] : memref<128x128xf32, #tpu.memory_space<vmem>>[vector<16xi32>, vector<16xi32>], vector<16xf32>,
      %add3A_806 = arith.addi %mul3A_260, %add3A_796 : vector<16xi32>
      %gather3A_807 = tpu.vector_load_idx %arg19[%add3A_234, %add3A_806] : memref<128x128xf32, #tpu.memory_space<vmem>>[vector<16xi32>, vector<16xi32>], vector<16xf32>,
      %add3A_808 = arith.addf %gather3A_805, %gather3A_807 : vector<16xf32>
      %sub3A_809 = arith.subf %add3A_803, %add3A_808 : vector<16xf32>
      %mul3A_810 = arith.mulf %gather3A_798, %sub3A_809 : vector<16xf32>
      %add3A_811 = arith.addf %add3A_787, %mul3A_810 : vector<16xf32>
      %add3A_812 = arith.constant 11 : i32
      %add3A_813 = vector.broadcast %add3A_812 : i32 to vector<16xi32>
      %add3A_814 = arith.addi %iota3A, %add3A_813 : vector<16xi32>
      %and3A_815 = arith.constant 15 : i32
      %and3A_816 = vector.broadcast %and3A_815 : i32 to vector<16xi32>
      %and3A_817 = arith.andi %add3A_814, %and3A_816 : vector<16xi32>
      %add3A_818 = arith.constant 16 : i32
      %add3A_819 = vector.broadcast %add3A_818 : i32 to vector<16xi32>
      %add3A_820 = arith.addi %and3A_817, %add3A_819 : vector<16xi32>
      %add3A_821 = arith.addi %mul3A_244, %add3A_820 : vector<16xi32>
      %gather3A_822 = tpu.vector_load_idx %arg15[%add3A_234, %add3A_821] : memref<128x128xf32, #tpu.memory_space<vmem>>[vector<16xi32>, vector<16xi32>], vector<16xf32>,
      %add3A_823 = arith.addi %mul3A_252, %add3A_820 : vector<16xi32>
      %gather3A_824 = tpu.vector_load_idx %arg16[%add3A_234, %add3A_823] : memref<128x128xf32, #tpu.memory_space<vmem>>[vector<16xi32>, vector<16xi32>], vector<16xf32>,
      %add3A_825 = arith.addi %mul3A_252, %add3A_820 : vector<16xi32>
      %gather3A_826 = tpu.vector_load_idx %arg17[%add3A_234, %add3A_825] : memref<128x128xf32, #tpu.memory_space<vmem>>[vector<16xi32>, vector<16xi32>], vector<16xf32>,
      %add3A_827 = arith.addf %gather3A_824, %gather3A_826 : vector<16xf32>
      %add3A_828 = arith.addi %mul3A_260, %add3A_820 : vector<16xi32>
      %gather3A_829 = tpu.vector_load_idx %arg18[%add3A_234, %add3A_828] : memref<128x128xf32, #tpu.memory_space<vmem>>[vector<16xi32>, vector<16xi32>], vector<16xf32>,
      %add3A_830 = arith.addi %mul3A_260, %add3A_820 : vector<16xi32>
      %gather3A_831 = tpu.vector_load_idx %arg19[%add3A_234, %add3A_830] : memref<128x128xf32, #tpu.memory_space<vmem>>[vector<16xi32>, vector<16xi32>], vector<16xf32>,
      %add3A_832 = arith.addf %gather3A_829, %gather3A_831 : vector<16xf32>
      %sub3A_833 = arith.subf %add3A_827, %add3A_832 : vector<16xf32>
      %mul3A_834 = arith.mulf %gather3A_822, %sub3A_833 : vector<16xf32>
      %add3A_835 = arith.addf %add3A_811, %mul3A_834 : vector<16xf32>
      %add3A_836 = arith.constant 12 : i32
      %add3A_837 = vector.broadcast %add3A_836 : i32 to vector<16xi32>
      %add3A_838 = arith.addi %iota3A, %add3A_837 : vector<16xi32>
      %and3A_839 = arith.constant 15 : i32
      %and3A_840 = vector.broadcast %and3A_839 : i32 to vector<16xi32>
      %and3A_841 = arith.andi %add3A_838, %and3A_840 : vector<16xi32>
      %add3A_842 = arith.constant 0 : i32
      %add3A_843 = vector.broadcast %add3A_842 : i32 to vector<16xi32>
      %add3A_844 = arith.addi %and3A_841, %add3A_843 : vector<16xi32>
      %add3A_845 = arith.addi %mul3A_244, %add3A_844 : vector<16xi32>
      %gather3A_846 = tpu.vector_load_idx %arg15[%add3A_234, %add3A_845] : memref<128x128xf32, #tpu.memory_space<vmem>>[vector<16xi32>, vector<16xi32>], vector<16xf32>,
      %add3A_847 = arith.addi %mul3A_252, %add3A_844 : vector<16xi32>
      %gather3A_848 = tpu.vector_load_idx %arg16[%add3A_234, %add3A_847] : memref<128x128xf32, #tpu.memory_space<vmem>>[vector<16xi32>, vector<16xi32>], vector<16xf32>,
      %add3A_849 = arith.addi %mul3A_252, %add3A_844 : vector<16xi32>
      %gather3A_850 = tpu.vector_load_idx %arg17[%add3A_234, %add3A_849] : memref<128x128xf32, #tpu.memory_space<vmem>>[vector<16xi32>, vector<16xi32>], vector<16xf32>,
      %add3A_851 = arith.addf %gather3A_848, %gather3A_850 : vector<16xf32>
      %add3A_852 = arith.addi %mul3A_260, %add3A_844 : vector<16xi32>
      %gather3A_853 = tpu.vector_load_idx %arg18[%add3A_234, %add3A_852] : memref<128x128xf32, #tpu.memory_space<vmem>>[vector<16xi32>, vector<16xi32>], vector<16xf32>,
      %add3A_854 = arith.addi %mul3A_260, %add3A_844 : vector<16xi32>
      %gather3A_855 = tpu.vector_load_idx %arg19[%add3A_234, %add3A_854] : memref<128x128xf32, #tpu.memory_space<vmem>>[vector<16xi32>, vector<16xi32>], vector<16xf32>,
      %add3A_856 = arith.addf %gather3A_853, %gather3A_855 : vector<16xf32>
      %sub3A_857 = arith.subf %add3A_851, %add3A_856 : vector<16xf32>
      %mul3A_858 = arith.mulf %gather3A_846, %sub3A_857 : vector<16xf32>
      %add3A_859 = arith.addf %add3A_835, %mul3A_858 : vector<16xf32>
      %add3A_860 = arith.constant 12 : i32
      %add3A_861 = vector.broadcast %add3A_860 : i32 to vector<16xi32>
      %add3A_862 = arith.addi %iota3A, %add3A_861 : vector<16xi32>
      %and3A_863 = arith.constant 15 : i32
      %and3A_864 = vector.broadcast %and3A_863 : i32 to vector<16xi32>
      %and3A_865 = arith.andi %add3A_862, %and3A_864 : vector<16xi32>
      %add3A_866 = arith.constant 16 : i32
      %add3A_867 = vector.broadcast %add3A_866 : i32 to vector<16xi32>
      %add3A_868 = arith.addi %and3A_865, %add3A_867 : vector<16xi32>
      %add3A_869 = arith.addi %mul3A_244, %add3A_868 : vector<16xi32>
      %gather3A_870 = tpu.vector_load_idx %arg15[%add3A_234, %add3A_869] : memref<128x128xf32, #tpu.memory_space<vmem>>[vector<16xi32>, vector<16xi32>], vector<16xf32>,
      %add3A_871 = arith.addi %mul3A_252, %add3A_868 : vector<16xi32>
      %gather3A_872 = tpu.vector_load_idx %arg16[%add3A_234, %add3A_871] : memref<128x128xf32, #tpu.memory_space<vmem>>[vector<16xi32>, vector<16xi32>], vector<16xf32>,
      %add3A_873 = arith.addi %mul3A_252, %add3A_868 : vector<16xi32>
      %gather3A_874 = tpu.vector_load_idx %arg17[%add3A_234, %add3A_873] : memref<128x128xf32, #tpu.memory_space<vmem>>[vector<16xi32>, vector<16xi32>], vector<16xf32>,
      %add3A_875 = arith.addf %gather3A_872, %gather3A_874 : vector<16xf32>
      %add3A_876 = arith.addi %mul3A_260, %add3A_868 : vector<16xi32>
      %gather3A_877 = tpu.vector_load_idx %arg18[%add3A_234, %add3A_876] : memref<128x128xf32, #tpu.memory_space<vmem>>[vector<16xi32>, vector<16xi32>], vector<16xf32>,
      %add3A_878 = arith.addi %mul3A_260, %add3A_868 : vector<16xi32>
      %gather3A_879 = tpu.vector_load_idx %arg19[%add3A_234, %add3A_878] : memref<128x128xf32, #tpu.memory_space<vmem>>[vector<16xi32>, vector<16xi32>], vector<16xf32>,
      %add3A_880 = arith.addf %gather3A_877, %gather3A_879 : vector<16xf32>
      %sub3A_881 = arith.subf %add3A_875, %add3A_880 : vector<16xf32>
      %mul3A_882 = arith.mulf %gather3A_870, %sub3A_881 : vector<16xf32>
      %add3A_883 = arith.addf %add3A_859, %mul3A_882 : vector<16xf32>
      %add3A_884 = arith.constant 13 : i32
      %add3A_885 = vector.broadcast %add3A_884 : i32 to vector<16xi32>
      %add3A_886 = arith.addi %iota3A, %add3A_885 : vector<16xi32>
      %and3A_887 = arith.constant 15 : i32
      %and3A_888 = vector.broadcast %and3A_887 : i32 to vector<16xi32>
      %and3A_889 = arith.andi %add3A_886, %and3A_888 : vector<16xi32>
      %add3A_890 = arith.constant 0 : i32
      %add3A_891 = vector.broadcast %add3A_890 : i32 to vector<16xi32>
      %add3A_892 = arith.addi %and3A_889, %add3A_891 : vector<16xi32>
      %add3A_893 = arith.addi %mul3A_244, %add3A_892 : vector<16xi32>
      %gather3A_894 = tpu.vector_load_idx %arg15[%add3A_234, %add3A_893] : memref<128x128xf32, #tpu.memory_space<vmem>>[vector<16xi32>, vector<16xi32>], vector<16xf32>,
      %add3A_895 = arith.addi %mul3A_252, %add3A_892 : vector<16xi32>
      %gather3A_896 = tpu.vector_load_idx %arg16[%add3A_234, %add3A_895] : memref<128x128xf32, #tpu.memory_space<vmem>>[vector<16xi32>, vector<16xi32>], vector<16xf32>,
      %add3A_897 = arith.addi %mul3A_252, %add3A_892 : vector<16xi32>
      %gather3A_898 = tpu.vector_load_idx %arg17[%add3A_234, %add3A_897] : memref<128x128xf32, #tpu.memory_space<vmem>>[vector<16xi32>, vector<16xi32>], vector<16xf32>,
      %add3A_899 = arith.addf %gather3A_896, %gather3A_898 : vector<16xf32>
      %add3A_900 = arith.addi %mul3A_260, %add3A_892 : vector<16xi32>
      %gather3A_901 = tpu.vector_load_idx %arg18[%add3A_234, %add3A_900] : memref<128x128xf32, #tpu.memory_space<vmem>>[vector<16xi32>, vector<16xi32>], vector<16xf32>,
      %add3A_902 = arith.addi %mul3A_260, %add3A_892 : vector<16xi32>
      %gather3A_903 = tpu.vector_load_idx %arg19[%add3A_234, %add3A_902] : memref<128x128xf32, #tpu.memory_space<vmem>>[vector<16xi32>, vector<16xi32>], vector<16xf32>,
      %add3A_904 = arith.addf %gather3A_901, %gather3A_903 : vector<16xf32>
      %sub3A_905 = arith.subf %add3A_899, %add3A_904 : vector<16xf32>
      %mul3A_906 = arith.mulf %gather3A_894, %sub3A_905 : vector<16xf32>
      %add3A_907 = arith.addf %add3A_883, %mul3A_906 : vector<16xf32>
      %add3A_908 = arith.constant 13 : i32
      %add3A_909 = vector.broadcast %add3A_908 : i32 to vector<16xi32>
      %add3A_910 = arith.addi %iota3A, %add3A_909 : vector<16xi32>
      %and3A_911 = arith.constant 15 : i32
      %and3A_912 = vector.broadcast %and3A_911 : i32 to vector<16xi32>
      %and3A_913 = arith.andi %add3A_910, %and3A_912 : vector<16xi32>
      %add3A_914 = arith.constant 16 : i32
      %add3A_915 = vector.broadcast %add3A_914 : i32 to vector<16xi32>
      %add3A_916 = arith.addi %and3A_913, %add3A_915 : vector<16xi32>
      %add3A_917 = arith.addi %mul3A_244, %add3A_916 : vector<16xi32>
      %gather3A_918 = tpu.vector_load_idx %arg15[%add3A_234, %add3A_917] : memref<128x128xf32, #tpu.memory_space<vmem>>[vector<16xi32>, vector<16xi32>], vector<16xf32>,
      %add3A_919 = arith.addi %mul3A_252, %add3A_916 : vector<16xi32>
      %gather3A_920 = tpu.vector_load_idx %arg16[%add3A_234, %add3A_919] : memref<128x128xf32, #tpu.memory_space<vmem>>[vector<16xi32>, vector<16xi32>], vector<16xf32>,
      %add3A_921 = arith.addi %mul3A_252, %add3A_916 : vector<16xi32>
      %gather3A_922 = tpu.vector_load_idx %arg17[%add3A_234, %add3A_921] : memref<128x128xf32, #tpu.memory_space<vmem>>[vector<16xi32>, vector<16xi32>], vector<16xf32>,
      %add3A_923 = arith.addf %gather3A_920, %gather3A_922 : vector<16xf32>
      %add3A_924 = arith.addi %mul3A_260, %add3A_916 : vector<16xi32>
      %gather3A_925 = tpu.vector_load_idx %arg18[%add3A_234, %add3A_924] : memref<128x128xf32, #tpu.memory_space<vmem>>[vector<16xi32>, vector<16xi32>], vector<16xf32>,
      %add3A_926 = arith.addi %mul3A_260, %add3A_916 : vector<16xi32>
      %gather3A_927 = tpu.vector_load_idx %arg19[%add3A_234, %add3A_926] : memref<128x128xf32, #tpu.memory_space<vmem>>[vector<16xi32>, vector<16xi32>], vector<16xf32>,
      %add3A_928 = arith.addf %gather3A_925, %gather3A_927 : vector<16xf32>
      %sub3A_929 = arith.subf %add3A_923, %add3A_928 : vector<16xf32>
      %mul3A_930 = arith.mulf %gather3A_918, %sub3A_929 : vector<16xf32>
      %add3A_931 = arith.addf %add3A_907, %mul3A_930 : vector<16xf32>
      %add3A_932 = arith.constant 14 : i32
      %add3A_933 = vector.broadcast %add3A_932 : i32 to vector<16xi32>
      %add3A_934 = arith.addi %iota3A, %add3A_933 : vector<16xi32>
      %and3A_935 = arith.constant 15 : i32
      %and3A_936 = vector.broadcast %and3A_935 : i32 to vector<16xi32>
      %and3A_937 = arith.andi %add3A_934, %and3A_936 : vector<16xi32>
      %add3A_938 = arith.constant 0 : i32
      %add3A_939 = vector.broadcast %add3A_938 : i32 to vector<16xi32>
      %add3A_940 = arith.addi %and3A_937, %add3A_939 : vector<16xi32>
      %add3A_941 = arith.addi %mul3A_244, %add3A_940 : vector<16xi32>
      %gather3A_942 = tpu.vector_load_idx %arg15[%add3A_234, %add3A_941] : memref<128x128xf32, #tpu.memory_space<vmem>>[vector<16xi32>, vector<16xi32>], vector<16xf32>,
      %add3A_943 = arith.addi %mul3A_252, %add3A_940 : vector<16xi32>
      %gather3A_944 = tpu.vector_load_idx %arg16[%add3A_234, %add3A_943] : memref<128x128xf32, #tpu.memory_space<vmem>>[vector<16xi32>, vector<16xi32>], vector<16xf32>,
      %add3A_945 = arith.addi %mul3A_252, %add3A_940 : vector<16xi32>
      %gather3A_946 = tpu.vector_load_idx %arg17[%add3A_234, %add3A_945] : memref<128x128xf32, #tpu.memory_space<vmem>>[vector<16xi32>, vector<16xi32>], vector<16xf32>,
      %add3A_947 = arith.addf %gather3A_944, %gather3A_946 : vector<16xf32>
      %add3A_948 = arith.addi %mul3A_260, %add3A_940 : vector<16xi32>
      %gather3A_949 = tpu.vector_load_idx %arg18[%add3A_234, %add3A_948] : memref<128x128xf32, #tpu.memory_space<vmem>>[vector<16xi32>, vector<16xi32>], vector<16xf32>,
      %add3A_950 = arith.addi %mul3A_260, %add3A_940 : vector<16xi32>
      %gather3A_951 = tpu.vector_load_idx %arg19[%add3A_234, %add3A_950] : memref<128x128xf32, #tpu.memory_space<vmem>>[vector<16xi32>, vector<16xi32>], vector<16xf32>,
      %add3A_952 = arith.addf %gather3A_949, %gather3A_951 : vector<16xf32>
      %sub3A_953 = arith.subf %add3A_947, %add3A_952 : vector<16xf32>
      %mul3A_954 = arith.mulf %gather3A_942, %sub3A_953 : vector<16xf32>
      %add3A_955 = arith.addf %add3A_931, %mul3A_954 : vector<16xf32>
      %add3A_956 = arith.constant 14 : i32
      %add3A_957 = vector.broadcast %add3A_956 : i32 to vector<16xi32>
      %add3A_958 = arith.addi %iota3A, %add3A_957 : vector<16xi32>
      %and3A_959 = arith.constant 15 : i32
      %and3A_960 = vector.broadcast %and3A_959 : i32 to vector<16xi32>
      %and3A_961 = arith.andi %add3A_958, %and3A_960 : vector<16xi32>
      %add3A_962 = arith.constant 16 : i32
      %add3A_963 = vector.broadcast %add3A_962 : i32 to vector<16xi32>
      %add3A_964 = arith.addi %and3A_961, %add3A_963 : vector<16xi32>
      %add3A_965 = arith.addi %mul3A_244, %add3A_964 : vector<16xi32>
      %gather3A_966 = tpu.vector_load_idx %arg15[%add3A_234, %add3A_965] : memref<128x128xf32, #tpu.memory_space<vmem>>[vector<16xi32>, vector<16xi32>], vector<16xf32>,
      %add3A_967 = arith.addi %mul3A_252, %add3A_964 : vector<16xi32>
      %gather3A_968 = tpu.vector_load_idx %arg16[%add3A_234, %add3A_967] : memref<128x128xf32, #tpu.memory_space<vmem>>[vector<16xi32>, vector<16xi32>], vector<16xf32>,
      %add3A_969 = arith.addi %mul3A_252, %add3A_964 : vector<16xi32>
      %gather3A_970 = tpu.vector_load_idx %arg17[%add3A_234, %add3A_969] : memref<128x128xf32, #tpu.memory_space<vmem>>[vector<16xi32>, vector<16xi32>], vector<16xf32>,
      %add3A_971 = arith.addf %gather3A_968, %gather3A_970 : vector<16xf32>
      %add3A_972 = arith.addi %mul3A_260, %add3A_964 : vector<16xi32>
      %gather3A_973 = tpu.vector_load_idx %arg18[%add3A_234, %add3A_972] : memref<128x128xf32, #tpu.memory_space<vmem>>[vector<16xi32>, vector<16xi32>], vector<16xf32>,
      %add3A_974 = arith.addi %mul3A_260, %add3A_964 : vector<16xi32>
      %gather3A_975 = tpu.vector_load_idx %arg19[%add3A_234, %add3A_974] : memref<128x128xf32, #tpu.memory_space<vmem>>[vector<16xi32>, vector<16xi32>], vector<16xf32>,
      %add3A_976 = arith.addf %gather3A_973, %gather3A_975 : vector<16xf32>
      %sub3A_977 = arith.subf %add3A_971, %add3A_976 : vector<16xf32>
      %mul3A_978 = arith.mulf %gather3A_966, %sub3A_977 : vector<16xf32>
      %add3A_979 = arith.addf %add3A_955, %mul3A_978 : vector<16xf32>
      %add3A_980 = arith.constant 15 : i32
      %add3A_981 = vector.broadcast %add3A_980 : i32 to vector<16xi32>
      %add3A_982 = arith.addi %iota3A, %add3A_981 : vector<16xi32>
      %and3A_983 = arith.constant 15 : i32
      %and3A_984 = vector.broadcast %and3A_983 : i32 to vector<16xi32>
      %and3A_985 = arith.andi %add3A_982, %and3A_984 : vector<16xi32>
      %add3A_986 = arith.constant 0 : i32
      %add3A_987 = vector.broadcast %add3A_986 : i32 to vector<16xi32>
      %add3A_988 = arith.addi %and3A_985, %add3A_987 : vector<16xi32>
      %add3A_989 = arith.addi %mul3A_244, %add3A_988 : vector<16xi32>
      %gather3A_990 = tpu.vector_load_idx %arg15[%add3A_234, %add3A_989] : memref<128x128xf32, #tpu.memory_space<vmem>>[vector<16xi32>, vector<16xi32>], vector<16xf32>,
      %add3A_991 = arith.addi %mul3A_252, %add3A_988 : vector<16xi32>
      %gather3A_992 = tpu.vector_load_idx %arg16[%add3A_234, %add3A_991] : memref<128x128xf32, #tpu.memory_space<vmem>>[vector<16xi32>, vector<16xi32>], vector<16xf32>,
      %add3A_993 = arith.addi %mul3A_252, %add3A_988 : vector<16xi32>
      %gather3A_994 = tpu.vector_load_idx %arg17[%add3A_234, %add3A_993] : memref<128x128xf32, #tpu.memory_space<vmem>>[vector<16xi32>, vector<16xi32>], vector<16xf32>,
      %add3A_995 = arith.addf %gather3A_992, %gather3A_994 : vector<16xf32>
      %add3A_996 = arith.addi %mul3A_260, %add3A_988 : vector<16xi32>
      %gather3A_997 = tpu.vector_load_idx %arg18[%add3A_234, %add3A_996] : memref<128x128xf32, #tpu.memory_space<vmem>>[vector<16xi32>, vector<16xi32>], vector<16xf32>,
      %add3A_998 = arith.addi %mul3A_260, %add3A_988 : vector<16xi32>
      %gather3A_999 = tpu.vector_load_idx %arg19[%add3A_234, %add3A_998] : memref<128x128xf32, #tpu.memory_space<vmem>>[vector<16xi32>, vector<16xi32>], vector<16xf32>,
      %add3A_1000 = arith.addf %gather3A_997, %gather3A_999 : vector<16xf32>
      %sub3A_1001 = arith.subf %add3A_995, %add3A_1000 : vector<16xf32>
      %mul3A_1002 = arith.mulf %gather3A_990, %sub3A_1001 : vector<16xf32>
      %add3A_1003 = arith.addf %add3A_979, %mul3A_1002 : vector<16xf32>
      %add3A_1004 = arith.constant 15 : i32
      %add3A_1005 = vector.broadcast %add3A_1004 : i32 to vector<16xi32>
      %add3A_1006 = arith.addi %iota3A, %add3A_1005 : vector<16xi32>
      %and3A_1007 = arith.constant 15 : i32
      %and3A_1008 = vector.broadcast %and3A_1007 : i32 to vector<16xi32>
      %and3A_1009 = arith.andi %add3A_1006, %and3A_1008 : vector<16xi32>
      %add3A_1010 = arith.constant 16 : i32
      %add3A_1011 = vector.broadcast %add3A_1010 : i32 to vector<16xi32>
      %add3A_1012 = arith.addi %and3A_1009, %add3A_1011 : vector<16xi32>
      %add3A_1013 = arith.addi %mul3A_244, %add3A_1012 : vector<16xi32>
      %gather3A_1014 = tpu.vector_load_idx %arg15[%add3A_234, %add3A_1013] : memref<128x128xf32, #tpu.memory_space<vmem>>[vector<16xi32>, vector<16xi32>], vector<16xf32>,
      %add3A_1015 = arith.addi %mul3A_252, %add3A_1012 : vector<16xi32>
      %gather3A_1016 = tpu.vector_load_idx %arg16[%add3A_234, %add3A_1015] : memref<128x128xf32, #tpu.memory_space<vmem>>[vector<16xi32>, vector<16xi32>], vector<16xf32>,
      %add3A_1017 = arith.addi %mul3A_252, %add3A_1012 : vector<16xi32>
      %gather3A_1018 = tpu.vector_load_idx %arg17[%add3A_234, %add3A_1017] : memref<128x128xf32, #tpu.memory_space<vmem>>[vector<16xi32>, vector<16xi32>], vector<16xf32>,
      %add3A_1019 = arith.addf %gather3A_1016, %gather3A_1018 : vector<16xf32>
      %add3A_1020 = arith.addi %mul3A_260, %add3A_1012 : vector<16xi32>
      %gather3A_1021 = tpu.vector_load_idx %arg18[%add3A_234, %add3A_1020] : memref<128x128xf32, #tpu.memory_space<vmem>>[vector<16xi32>, vector<16xi32>], vector<16xf32>,
      %add3A_1022 = arith.addi %mul3A_260, %add3A_1012 : vector<16xi32>
      %gather3A_1023 = tpu.vector_load_idx %arg19[%add3A_234, %add3A_1022] : memref<128x128xf32, #tpu.memory_space<vmem>>[vector<16xi32>, vector<16xi32>], vector<16xf32>,
      %add3A_1024 = arith.addf %gather3A_1021, %gather3A_1023 : vector<16xf32>
      %sub3A_1025 = arith.subf %add3A_1019, %add3A_1024 : vector<16xf32>
      %mul3A_1026 = arith.mulf %gather3A_1014, %sub3A_1025 : vector<16xf32>
      %add3A_1027 = arith.addf %add3A_1003, %mul3A_1026 : vector<16xf32>
      %swap3A = arith.index_cast %add3A_238 : i32 to index
      %swap3A_1028 = tpu.vector_load %arg20[%swap3A] {strides = array<i32>} : memref<512xf32, #tpu.memory_space<vmem>>, vector<16xf32>,
      tpu.vector_store %arg20[%swap3A], %add3A_1027 {strides = array<i32>} : memref<512xf32, #tpu.memory_space<vmem>>, vector<16xf32>,
    }
    %scan3A_61 = arith.constant 8 : i32
    %dma_start3A_62 = arith.constant 128 : i32
    %dma_start3A_63 = tpu.memref_slice %arg12[%dma_start3A_62] : memref<512xi32, #tpu.memory_space<vmem>> -> memref<128xi32, #tpu.memory_space<vmem>>
    %dma_start3A_64 = arith.constant 0 : i32
    %dma_start3A_65 = arith.constant 0 : i32
    %dma_start3A_66 = tpu.memref_slice %arg5[%dma_start3A_64, %dma_start3A_65] : memref<250000x128xf32, #tpu.memory_space<hbm>> -> memref<250000x128xf32, #tpu.memory_space<hbm>>
    tpu.enqueue_indirect_dma source(%dma_start3A_66 : memref<250000x128xf32, #tpu.memory_space<hbm>>) target(%arg15 : memref<128x128xf32, #tpu.memory_space<vmem>>) offsets(%dma_start3A_63 : memref<128xi32, #tpu.memory_space<vmem>>) semaphore(%arg21 : memref<!tpu.dma_semaphore, #tpu.memory_space<semaphore_mem>>)
    %dma_start3A_67 = arith.constant 128 : i32
    %dma_start3A_68 = tpu.memref_slice %arg13[%dma_start3A_67] : memref<512xi32, #tpu.memory_space<vmem>> -> memref<128xi32, #tpu.memory_space<vmem>>
    %dma_start3A_69 = arith.constant 0 : i32
    %dma_start3A_70 = arith.constant 0 : i32
    %dma_start3A_71 = tpu.memref_slice %arg6[%dma_start3A_69, %dma_start3A_70] : memref<250000x128xf32, #tpu.memory_space<hbm>> -> memref<250000x128xf32, #tpu.memory_space<hbm>>
    tpu.enqueue_indirect_dma source(%dma_start3A_71 : memref<250000x128xf32, #tpu.memory_space<hbm>>) target(%arg16 : memref<128x128xf32, #tpu.memory_space<vmem>>) offsets(%dma_start3A_68 : memref<128xi32, #tpu.memory_space<vmem>>) semaphore(%arg21 : memref<!tpu.dma_semaphore, #tpu.memory_space<semaphore_mem>>)
    %dma_start3A_72 = arith.constant 128 : i32
    %dma_start3A_73 = tpu.memref_slice %arg13[%dma_start3A_72] : memref<512xi32, #tpu.memory_space<vmem>> -> memref<128xi32, #tpu.memory_space<vmem>>
    %dma_start3A_74 = arith.constant 0 : i32
    %dma_start3A_75 = arith.constant 0 : i32
    %dma_start3A_76 = tpu.memref_slice %arg7[%dma_start3A_74, %dma_start3A_75] : memref<250000x128xf32, #tpu.memory_space<hbm>> -> memref<250000x128xf32, #tpu.memory_space<hbm>>
    tpu.enqueue_indirect_dma source(%dma_start3A_76 : memref<250000x128xf32, #tpu.memory_space<hbm>>) target(%arg17 : memref<128x128xf32, #tpu.memory_space<vmem>>) offsets(%dma_start3A_73 : memref<128xi32, #tpu.memory_space<vmem>>) semaphore(%arg21 : memref<!tpu.dma_semaphore, #tpu.memory_space<semaphore_mem>>)
    %dma_start3A_77 = arith.constant 128 : i32
    %dma_start3A_78 = tpu.memref_slice %arg14[%dma_start3A_77] : memref<512xi32, #tpu.memory_space<vmem>> -> memref<128xi32, #tpu.memory_space<vmem>>
    %dma_start3A_79 = arith.constant 0 : i32
    %dma_start3A_80 = arith.constant 0 : i32
    %dma_start3A_81 = tpu.memref_slice %arg6[%dma_start3A_79, %dma_start3A_80] : memref<250000x128xf32, #tpu.memory_space<hbm>> -> memref<250000x128xf32, #tpu.memory_space<hbm>>
    tpu.enqueue_indirect_dma source(%dma_start3A_81 : memref<250000x128xf32, #tpu.memory_space<hbm>>) target(%arg18 : memref<128x128xf32, #tpu.memory_space<vmem>>) offsets(%dma_start3A_78 : memref<128xi32, #tpu.memory_space<vmem>>) semaphore(%arg21 : memref<!tpu.dma_semaphore, #tpu.memory_space<semaphore_mem>>)
    %dma_start3A_82 = arith.constant 128 : i32
    %dma_start3A_83 = tpu.memref_slice %arg14[%dma_start3A_82] : memref<512xi32, #tpu.memory_space<vmem>> -> memref<128xi32, #tpu.memory_space<vmem>>
    %dma_start3A_84 = arith.constant 0 : i32
    %dma_start3A_85 = arith.constant 0 : i32
    %dma_start3A_86 = tpu.memref_slice %arg7[%dma_start3A_84, %dma_start3A_85] : memref<250000x128xf32, #tpu.memory_space<hbm>> -> memref<250000x128xf32, #tpu.memory_space<hbm>>
    tpu.enqueue_indirect_dma source(%dma_start3A_86 : memref<250000x128xf32, #tpu.memory_space<hbm>>) target(%arg19 : memref<128x128xf32, #tpu.memory_space<vmem>>) offsets(%dma_start3A_83 : memref<128xi32, #tpu.memory_space<vmem>>) semaphore(%arg21 : memref<!tpu.dma_semaphore, #tpu.memory_space<semaphore_mem>>)
    %dma_wait3A_87 = arith.constant 128 : i32
    %dma_wait3A_88 = tpu.memref_slice %arg12[%dma_wait3A_87] : memref<512xi32, #tpu.memory_space<vmem>> -> memref<128xi32, #tpu.memory_space<vmem>>
    %dma_wait3A_89 = arith.constant 0 : i32
    %dma_wait3A_90 = arith.constant 0 : i32
    %dma_wait3A_91 = tpu.memref_slice %arg5[%dma_wait3A_89, %dma_wait3A_90] : memref<250000x128xf32, #tpu.memory_space<hbm>> -> memref<250000x128xf32, #tpu.memory_space<hbm>>
    tpu.wait_indirect_dma semaphore(%arg21 : memref<!tpu.dma_semaphore, #tpu.memory_space<semaphore_mem>>) src(%dma_wait3A_91 : memref<250000x128xf32, #tpu.memory_space<hbm>>) dst(%arg15 : memref<128x128xf32, #tpu.memory_space<vmem>>)
    %dma_wait3A_92 = arith.constant 128 : i32
    %dma_wait3A_93 = tpu.memref_slice %arg13[%dma_wait3A_92] : memref<512xi32, #tpu.memory_space<vmem>> -> memref<128xi32, #tpu.memory_space<vmem>>
    %dma_wait3A_94 = arith.constant 0 : i32
    %dma_wait3A_95 = arith.constant 0 : i32
    %dma_wait3A_96 = tpu.memref_slice %arg6[%dma_wait3A_94, %dma_wait3A_95] : memref<250000x128xf32, #tpu.memory_space<hbm>> -> memref<250000x128xf32, #tpu.memory_space<hbm>>
    tpu.wait_indirect_dma semaphore(%arg21 : memref<!tpu.dma_semaphore, #tpu.memory_space<semaphore_mem>>) src(%dma_wait3A_96 : memref<250000x128xf32, #tpu.memory_space<hbm>>) dst(%arg16 : memref<128x128xf32, #tpu.memory_space<vmem>>)
    %dma_wait3A_97 = arith.constant 128 : i32
    %dma_wait3A_98 = tpu.memref_slice %arg13[%dma_wait3A_97] : memref<512xi32, #tpu.memory_space<vmem>> -> memref<128xi32, #tpu.memory_space<vmem>>
    %dma_wait3A_99 = arith.constant 0 : i32
    %dma_wait3A_100 = arith.constant 0 : i32
    %dma_wait3A_101 = tpu.memref_slice %arg7[%dma_wait3A_99, %dma_wait3A_100] : memref<250000x128xf32, #tpu.memory_space<hbm>> -> memref<250000x128xf32, #tpu.memory_space<hbm>>
    tpu.wait_indirect_dma semaphore(%arg21 : memref<!tpu.dma_semaphore, #tpu.memory_space<semaphore_mem>>) src(%dma_wait3A_101 : memref<250000x128xf32, #tpu.memory_space<hbm>>) dst(%arg17 : memref<128x128xf32, #tpu.memory_space<vmem>>)
    %dma_wait3A_102 = arith.constant 128 : i32
    %dma_wait3A_103 = tpu.memref_slice %arg14[%dma_wait3A_102] : memref<512xi32, #tpu.memory_space<vmem>> -> memref<128xi32, #tpu.memory_space<vmem>>
    %dma_wait3A_104 = arith.constant 0 : i32
    %dma_wait3A_105 = arith.constant 0 : i32
    %dma_wait3A_106 = tpu.memref_slice %arg6[%dma_wait3A_104, %dma_wait3A_105] : memref<250000x128xf32, #tpu.memory_space<hbm>> -> memref<250000x128xf32, #tpu.memory_space<hbm>>
    tpu.wait_indirect_dma semaphore(%arg21 : memref<!tpu.dma_semaphore, #tpu.memory_space<semaphore_mem>>) src(%dma_wait3A_106 : memref<250000x128xf32, #tpu.memory_space<hbm>>) dst(%arg18 : memref<128x128xf32, #tpu.memory_space<vmem>>)
    %dma_wait3A_107 = arith.constant 128 : i32
    %dma_wait3A_108 = tpu.memref_slice %arg14[%dma_wait3A_107] : memref<512xi32, #tpu.memory_space<vmem>> -> memref<128xi32, #tpu.memory_space<vmem>>
    %dma_wait3A_109 = arith.constant 0 : i32
    %dma_wait3A_110 = arith.constant 0 : i32
    %dma_wait3A_111 = tpu.memref_slice %arg7[%dma_wait3A_109, %dma_wait3A_110] : memref<250000x128xf32, #tpu.memory_space<hbm>> -> memref<250000x128xf32, #tpu.memory_space<hbm>>
    tpu.wait_indirect_dma semaphore(%arg21 : memref<!tpu.dma_semaphore, #tpu.memory_space<semaphore_mem>>) src(%dma_wait3A_111 : memref<250000x128xf32, #tpu.memory_space<hbm>>) dst(%arg19 : memref<128x128xf32, #tpu.memory_space<vmem>>)
    %scan3A_112 = arith.constant 0 : i32
    %scan3A_113 = arith.constant 0 : i32
    %scan3A_114 = arith.constant 8 : i32
    %scan3A_115 = arith.addi %scan3A_113, %scan3A_114 : i32
    %scan3A_116 = arith.constant 1 : i32
    scf.for %scan3A_230 = %scan3A_113 to %scan3A_115 step %scan3A_116  : i32 {
      %mul3A_231 = arith.constant 16 : i32
      %mul3A_232 = arith.muli %scan3A_230, %mul3A_231 : i32
      %add3A_233 = vector.broadcast %mul3A_232 : i32 to vector<16xi32>
      %add3A_234 = arith.addi %add3A_233, %iota3A : vector<16xi32>
      %mul3A_235 = arith.constant 16 : i32
      %mul3A_236 = arith.muli %scan3A_230, %mul3A_235 : i32
      %add3A_237 = arith.constant 128 : i32
      %add3A_238 = arith.addi %add3A_237, %mul3A_236 : i32
      %get3A = arith.index_cast %add3A_238 : i32 to index
      %get3A_239 = tpu.vector_load %arg9[%get3A] {strides = array<i32>} : memref<512xi32, #tpu.memory_space<vmem>>, vector<16xi32>,
      %and3A = arith.constant 3 : i32
      %and3A_240 = vector.broadcast %and3A : i32 to vector<16xi32>
      %and3A_241 = arith.andi %get3A_239, %and3A_240 : vector<16xi32>
      %mul3A_242 = arith.constant 32 : i32
      %mul3A_243 = vector.broadcast %mul3A_242 : i32 to vector<16xi32>
      %mul3A_244 = arith.muli %and3A_241, %mul3A_243 : vector<16xi32>
      %get3A_245 = arith.index_cast %add3A_238 : i32 to index
      %get3A_246 = tpu.vector_load %arg10[%get3A_245] {strides = array<i32>} : memref<512xi32, #tpu.memory_space<vmem>>, vector<16xi32>,
      %and3A_247 = arith.constant 3 : i32
      %and3A_248 = vector.broadcast %and3A_247 : i32 to vector<16xi32>
      %and3A_249 = arith.andi %get3A_246, %and3A_248 : vector<16xi32>
      %mul3A_250 = arith.constant 32 : i32
      %mul3A_251 = vector.broadcast %mul3A_250 : i32 to vector<16xi32>
      %mul3A_252 = arith.muli %and3A_249, %mul3A_251 : vector<16xi32>
      %get3A_253 = arith.index_cast %add3A_238 : i32 to index
      %get3A_254 = tpu.vector_load %arg11[%get3A_253] {strides = array<i32>} : memref<512xi32, #tpu.memory_space<vmem>>, vector<16xi32>,
      %and3A_255 = arith.constant 3 : i32
      %and3A_256 = vector.broadcast %and3A_255 : i32 to vector<16xi32>
      %and3A_257 = arith.andi %get3A_254, %and3A_256 : vector<16xi32>
      %mul3A_258 = arith.constant 32 : i32
      %mul3A_259 = vector.broadcast %mul3A_258 : i32 to vector<16xi32>
      %mul3A_260 = arith.muli %and3A_257, %mul3A_259 : vector<16xi32>
      %broadcast_in_dim3A = arith.constant 0.000000e+00 : f32
      %broadcast_in_dim3A_261 = vector.broadcast %broadcast_in_dim3A : f32 to vector<16xf32>
      %add3A_262 = arith.constant 0 : i32
      %add3A_263 = vector.broadcast %add3A_262 : i32 to vector<16xi32>
      %add3A_264 = arith.addi %iota3A, %add3A_263 : vector<16xi32>
      %and3A_265 = arith.constant 15 : i32
      %and3A_266 = vector.broadcast %and3A_265 : i32 to vector<16xi32>
      %and3A_267 = arith.andi %add3A_264, %and3A_266 : vector<16xi32>
      %add3A_268 = arith.constant 0 : i32
      %add3A_269 = vector.broadcast %add3A_268 : i32 to vector<16xi32>
      %add3A_270 = arith.addi %and3A_267, %add3A_269 : vector<16xi32>
      %add3A_271 = arith.addi %mul3A_244, %add3A_270 : vector<16xi32>
      %gather3A = tpu.vector_load_idx %arg15[%add3A_234, %add3A_271] : memref<128x128xf32, #tpu.memory_space<vmem>>[vector<16xi32>, vector<16xi32>], vector<16xf32>,
      %add3A_272 = arith.addi %mul3A_252, %add3A_270 : vector<16xi32>
      %gather3A_273 = tpu.vector_load_idx %arg16[%add3A_234, %add3A_272] : memref<128x128xf32, #tpu.memory_space<vmem>>[vector<16xi32>, vector<16xi32>], vector<16xf32>,
      %add3A_274 = arith.addi %mul3A_252, %add3A_270 : vector<16xi32>
      %gather3A_275 = tpu.vector_load_idx %arg17[%add3A_234, %add3A_274] : memref<128x128xf32, #tpu.memory_space<vmem>>[vector<16xi32>, vector<16xi32>], vector<16xf32>,
      %add3A_276 = arith.addf %gather3A_273, %gather3A_275 : vector<16xf32>
      %add3A_277 = arith.addi %mul3A_260, %add3A_270 : vector<16xi32>
      %gather3A_278 = tpu.vector_load_idx %arg18[%add3A_234, %add3A_277] : memref<128x128xf32, #tpu.memory_space<vmem>>[vector<16xi32>, vector<16xi32>], vector<16xf32>,
      %add3A_279 = arith.addi %mul3A_260, %add3A_270 : vector<16xi32>
      %gather3A_280 = tpu.vector_load_idx %arg19[%add3A_234, %add3A_279] : memref<128x128xf32, #tpu.memory_space<vmem>>[vector<16xi32>, vector<16xi32>], vector<16xf32>,
      %add3A_281 = arith.addf %gather3A_278, %gather3A_280 : vector<16xf32>
      %sub3A = arith.subf %add3A_276, %add3A_281 : vector<16xf32>
      %mul3A_282 = arith.mulf %gather3A, %sub3A : vector<16xf32>
      %add3A_283 = arith.addf %broadcast_in_dim3A_261, %mul3A_282 : vector<16xf32>
      %add3A_284 = arith.constant 0 : i32
      %add3A_285 = vector.broadcast %add3A_284 : i32 to vector<16xi32>
      %add3A_286 = arith.addi %iota3A, %add3A_285 : vector<16xi32>
      %and3A_287 = arith.constant 15 : i32
      %and3A_288 = vector.broadcast %and3A_287 : i32 to vector<16xi32>
      %and3A_289 = arith.andi %add3A_286, %and3A_288 : vector<16xi32>
      %add3A_290 = arith.constant 16 : i32
      %add3A_291 = vector.broadcast %add3A_290 : i32 to vector<16xi32>
      %add3A_292 = arith.addi %and3A_289, %add3A_291 : vector<16xi32>
      %add3A_293 = arith.addi %mul3A_244, %add3A_292 : vector<16xi32>
      %gather3A_294 = tpu.vector_load_idx %arg15[%add3A_234, %add3A_293] : memref<128x128xf32, #tpu.memory_space<vmem>>[vector<16xi32>, vector<16xi32>], vector<16xf32>,
      %add3A_295 = arith.addi %mul3A_252, %add3A_292 : vector<16xi32>
      %gather3A_296 = tpu.vector_load_idx %arg16[%add3A_234, %add3A_295] : memref<128x128xf32, #tpu.memory_space<vmem>>[vector<16xi32>, vector<16xi32>], vector<16xf32>,
      %add3A_297 = arith.addi %mul3A_252, %add3A_292 : vector<16xi32>
      %gather3A_298 = tpu.vector_load_idx %arg17[%add3A_234, %add3A_297] : memref<128x128xf32, #tpu.memory_space<vmem>>[vector<16xi32>, vector<16xi32>], vector<16xf32>,
      %add3A_299 = arith.addf %gather3A_296, %gather3A_298 : vector<16xf32>
      %add3A_300 = arith.addi %mul3A_260, %add3A_292 : vector<16xi32>
      %gather3A_301 = tpu.vector_load_idx %arg18[%add3A_234, %add3A_300] : memref<128x128xf32, #tpu.memory_space<vmem>>[vector<16xi32>, vector<16xi32>], vector<16xf32>,
      %add3A_302 = arith.addi %mul3A_260, %add3A_292 : vector<16xi32>
      %gather3A_303 = tpu.vector_load_idx %arg19[%add3A_234, %add3A_302] : memref<128x128xf32, #tpu.memory_space<vmem>>[vector<16xi32>, vector<16xi32>], vector<16xf32>,
      %add3A_304 = arith.addf %gather3A_301, %gather3A_303 : vector<16xf32>
      %sub3A_305 = arith.subf %add3A_299, %add3A_304 : vector<16xf32>
      %mul3A_306 = arith.mulf %gather3A_294, %sub3A_305 : vector<16xf32>
      %add3A_307 = arith.addf %add3A_283, %mul3A_306 : vector<16xf32>
      %add3A_308 = arith.constant 1 : i32
      %add3A_309 = vector.broadcast %add3A_308 : i32 to vector<16xi32>
      %add3A_310 = arith.addi %iota3A, %add3A_309 : vector<16xi32>
      %and3A_311 = arith.constant 15 : i32
      %and3A_312 = vector.broadcast %and3A_311 : i32 to vector<16xi32>
      %and3A_313 = arith.andi %add3A_310, %and3A_312 : vector<16xi32>
      %add3A_314 = arith.constant 0 : i32
      %add3A_315 = vector.broadcast %add3A_314 : i32 to vector<16xi32>
      %add3A_316 = arith.addi %and3A_313, %add3A_315 : vector<16xi32>
      %add3A_317 = arith.addi %mul3A_244, %add3A_316 : vector<16xi32>
      %gather3A_318 = tpu.vector_load_idx %arg15[%add3A_234, %add3A_317] : memref<128x128xf32, #tpu.memory_space<vmem>>[vector<16xi32>, vector<16xi32>], vector<16xf32>,
      %add3A_319 = arith.addi %mul3A_252, %add3A_316 : vector<16xi32>
      %gather3A_320 = tpu.vector_load_idx %arg16[%add3A_234, %add3A_319] : memref<128x128xf32, #tpu.memory_space<vmem>>[vector<16xi32>, vector<16xi32>], vector<16xf32>,
      %add3A_321 = arith.addi %mul3A_252, %add3A_316 : vector<16xi32>
      %gather3A_322 = tpu.vector_load_idx %arg17[%add3A_234, %add3A_321] : memref<128x128xf32, #tpu.memory_space<vmem>>[vector<16xi32>, vector<16xi32>], vector<16xf32>,
      %add3A_323 = arith.addf %gather3A_320, %gather3A_322 : vector<16xf32>
      %add3A_324 = arith.addi %mul3A_260, %add3A_316 : vector<16xi32>
      %gather3A_325 = tpu.vector_load_idx %arg18[%add3A_234, %add3A_324] : memref<128x128xf32, #tpu.memory_space<vmem>>[vector<16xi32>, vector<16xi32>], vector<16xf32>,
      %add3A_326 = arith.addi %mul3A_260, %add3A_316 : vector<16xi32>
      %gather3A_327 = tpu.vector_load_idx %arg19[%add3A_234, %add3A_326] : memref<128x128xf32, #tpu.memory_space<vmem>>[vector<16xi32>, vector<16xi32>], vector<16xf32>,
      %add3A_328 = arith.addf %gather3A_325, %gather3A_327 : vector<16xf32>
      %sub3A_329 = arith.subf %add3A_323, %add3A_328 : vector<16xf32>
      %mul3A_330 = arith.mulf %gather3A_318, %sub3A_329 : vector<16xf32>
      %add3A_331 = arith.addf %add3A_307, %mul3A_330 : vector<16xf32>
      %add3A_332 = arith.constant 1 : i32
      %add3A_333 = vector.broadcast %add3A_332 : i32 to vector<16xi32>
      %add3A_334 = arith.addi %iota3A, %add3A_333 : vector<16xi32>
      %and3A_335 = arith.constant 15 : i32
      %and3A_336 = vector.broadcast %and3A_335 : i32 to vector<16xi32>
      %and3A_337 = arith.andi %add3A_334, %and3A_336 : vector<16xi32>
      %add3A_338 = arith.constant 16 : i32
      %add3A_339 = vector.broadcast %add3A_338 : i32 to vector<16xi32>
      %add3A_340 = arith.addi %and3A_337, %add3A_339 : vector<16xi32>
      %add3A_341 = arith.addi %mul3A_244, %add3A_340 : vector<16xi32>
      %gather3A_342 = tpu.vector_load_idx %arg15[%add3A_234, %add3A_341] : memref<128x128xf32, #tpu.memory_space<vmem>>[vector<16xi32>, vector<16xi32>], vector<16xf32>,
      %add3A_343 = arith.addi %mul3A_252, %add3A_340 : vector<16xi32>
      %gather3A_344 = tpu.vector_load_idx %arg16[%add3A_234, %add3A_343] : memref<128x128xf32, #tpu.memory_space<vmem>>[vector<16xi32>, vector<16xi32>], vector<16xf32>,
      %add3A_345 = arith.addi %mul3A_252, %add3A_340 : vector<16xi32>
      %gather3A_346 = tpu.vector_load_idx %arg17[%add3A_234, %add3A_345] : memref<128x128xf32, #tpu.memory_space<vmem>>[vector<16xi32>, vector<16xi32>], vector<16xf32>,
      %add3A_347 = arith.addf %gather3A_344, %gather3A_346 : vector<16xf32>
      %add3A_348 = arith.addi %mul3A_260, %add3A_340 : vector<16xi32>
      %gather3A_349 = tpu.vector_load_idx %arg18[%add3A_234, %add3A_348] : memref<128x128xf32, #tpu.memory_space<vmem>>[vector<16xi32>, vector<16xi32>], vector<16xf32>,
      %add3A_350 = arith.addi %mul3A_260, %add3A_340 : vector<16xi32>
      %gather3A_351 = tpu.vector_load_idx %arg19[%add3A_234, %add3A_350] : memref<128x128xf32, #tpu.memory_space<vmem>>[vector<16xi32>, vector<16xi32>], vector<16xf32>,
      %add3A_352 = arith.addf %gather3A_349, %gather3A_351 : vector<16xf32>
      %sub3A_353 = arith.subf %add3A_347, %add3A_352 : vector<16xf32>
      %mul3A_354 = arith.mulf %gather3A_342, %sub3A_353 : vector<16xf32>
      %add3A_355 = arith.addf %add3A_331, %mul3A_354 : vector<16xf32>
      %add3A_356 = arith.constant 2 : i32
      %add3A_357 = vector.broadcast %add3A_356 : i32 to vector<16xi32>
      %add3A_358 = arith.addi %iota3A, %add3A_357 : vector<16xi32>
      %and3A_359 = arith.constant 15 : i32
      %and3A_360 = vector.broadcast %and3A_359 : i32 to vector<16xi32>
      %and3A_361 = arith.andi %add3A_358, %and3A_360 : vector<16xi32>
      %add3A_362 = arith.constant 0 : i32
      %add3A_363 = vector.broadcast %add3A_362 : i32 to vector<16xi32>
      %add3A_364 = arith.addi %and3A_361, %add3A_363 : vector<16xi32>
      %add3A_365 = arith.addi %mul3A_244, %add3A_364 : vector<16xi32>
      %gather3A_366 = tpu.vector_load_idx %arg15[%add3A_234, %add3A_365] : memref<128x128xf32, #tpu.memory_space<vmem>>[vector<16xi32>, vector<16xi32>], vector<16xf32>,
      %add3A_367 = arith.addi %mul3A_252, %add3A_364 : vector<16xi32>
      %gather3A_368 = tpu.vector_load_idx %arg16[%add3A_234, %add3A_367] : memref<128x128xf32, #tpu.memory_space<vmem>>[vector<16xi32>, vector<16xi32>], vector<16xf32>,
      %add3A_369 = arith.addi %mul3A_252, %add3A_364 : vector<16xi32>
      %gather3A_370 = tpu.vector_load_idx %arg17[%add3A_234, %add3A_369] : memref<128x128xf32, #tpu.memory_space<vmem>>[vector<16xi32>, vector<16xi32>], vector<16xf32>,
      %add3A_371 = arith.addf %gather3A_368, %gather3A_370 : vector<16xf32>
      %add3A_372 = arith.addi %mul3A_260, %add3A_364 : vector<16xi32>
      %gather3A_373 = tpu.vector_load_idx %arg18[%add3A_234, %add3A_372] : memref<128x128xf32, #tpu.memory_space<vmem>>[vector<16xi32>, vector<16xi32>], vector<16xf32>,
      %add3A_374 = arith.addi %mul3A_260, %add3A_364 : vector<16xi32>
      %gather3A_375 = tpu.vector_load_idx %arg19[%add3A_234, %add3A_374] : memref<128x128xf32, #tpu.memory_space<vmem>>[vector<16xi32>, vector<16xi32>], vector<16xf32>,
      %add3A_376 = arith.addf %gather3A_373, %gather3A_375 : vector<16xf32>
      %sub3A_377 = arith.subf %add3A_371, %add3A_376 : vector<16xf32>
      %mul3A_378 = arith.mulf %gather3A_366, %sub3A_377 : vector<16xf32>
      %add3A_379 = arith.addf %add3A_355, %mul3A_378 : vector<16xf32>
      %add3A_380 = arith.constant 2 : i32
      %add3A_381 = vector.broadcast %add3A_380 : i32 to vector<16xi32>
      %add3A_382 = arith.addi %iota3A, %add3A_381 : vector<16xi32>
      %and3A_383 = arith.constant 15 : i32
      %and3A_384 = vector.broadcast %and3A_383 : i32 to vector<16xi32>
      %and3A_385 = arith.andi %add3A_382, %and3A_384 : vector<16xi32>
      %add3A_386 = arith.constant 16 : i32
      %add3A_387 = vector.broadcast %add3A_386 : i32 to vector<16xi32>
      %add3A_388 = arith.addi %and3A_385, %add3A_387 : vector<16xi32>
      %add3A_389 = arith.addi %mul3A_244, %add3A_388 : vector<16xi32>
      %gather3A_390 = tpu.vector_load_idx %arg15[%add3A_234, %add3A_389] : memref<128x128xf32, #tpu.memory_space<vmem>>[vector<16xi32>, vector<16xi32>], vector<16xf32>,
      %add3A_391 = arith.addi %mul3A_252, %add3A_388 : vector<16xi32>
      %gather3A_392 = tpu.vector_load_idx %arg16[%add3A_234, %add3A_391] : memref<128x128xf32, #tpu.memory_space<vmem>>[vector<16xi32>, vector<16xi32>], vector<16xf32>,
      %add3A_393 = arith.addi %mul3A_252, %add3A_388 : vector<16xi32>
      %gather3A_394 = tpu.vector_load_idx %arg17[%add3A_234, %add3A_393] : memref<128x128xf32, #tpu.memory_space<vmem>>[vector<16xi32>, vector<16xi32>], vector<16xf32>,
      %add3A_395 = arith.addf %gather3A_392, %gather3A_394 : vector<16xf32>
      %add3A_396 = arith.addi %mul3A_260, %add3A_388 : vector<16xi32>
      %gather3A_397 = tpu.vector_load_idx %arg18[%add3A_234, %add3A_396] : memref<128x128xf32, #tpu.memory_space<vmem>>[vector<16xi32>, vector<16xi32>], vector<16xf32>,
      %add3A_398 = arith.addi %mul3A_260, %add3A_388 : vector<16xi32>
      %gather3A_399 = tpu.vector_load_idx %arg19[%add3A_234, %add3A_398] : memref<128x128xf32, #tpu.memory_space<vmem>>[vector<16xi32>, vector<16xi32>], vector<16xf32>,
      %add3A_400 = arith.addf %gather3A_397, %gather3A_399 : vector<16xf32>
      %sub3A_401 = arith.subf %add3A_395, %add3A_400 : vector<16xf32>
      %mul3A_402 = arith.mulf %gather3A_390, %sub3A_401 : vector<16xf32>
      %add3A_403 = arith.addf %add3A_379, %mul3A_402 : vector<16xf32>
      %add3A_404 = arith.constant 3 : i32
      %add3A_405 = vector.broadcast %add3A_404 : i32 to vector<16xi32>
      %add3A_406 = arith.addi %iota3A, %add3A_405 : vector<16xi32>
      %and3A_407 = arith.constant 15 : i32
      %and3A_408 = vector.broadcast %and3A_407 : i32 to vector<16xi32>
      %and3A_409 = arith.andi %add3A_406, %and3A_408 : vector<16xi32>
      %add3A_410 = arith.constant 0 : i32
      %add3A_411 = vector.broadcast %add3A_410 : i32 to vector<16xi32>
      %add3A_412 = arith.addi %and3A_409, %add3A_411 : vector<16xi32>
      %add3A_413 = arith.addi %mul3A_244, %add3A_412 : vector<16xi32>
      %gather3A_414 = tpu.vector_load_idx %arg15[%add3A_234, %add3A_413] : memref<128x128xf32, #tpu.memory_space<vmem>>[vector<16xi32>, vector<16xi32>], vector<16xf32>,
      %add3A_415 = arith.addi %mul3A_252, %add3A_412 : vector<16xi32>
      %gather3A_416 = tpu.vector_load_idx %arg16[%add3A_234, %add3A_415] : memref<128x128xf32, #tpu.memory_space<vmem>>[vector<16xi32>, vector<16xi32>], vector<16xf32>,
      %add3A_417 = arith.addi %mul3A_252, %add3A_412 : vector<16xi32>
      %gather3A_418 = tpu.vector_load_idx %arg17[%add3A_234, %add3A_417] : memref<128x128xf32, #tpu.memory_space<vmem>>[vector<16xi32>, vector<16xi32>], vector<16xf32>,
      %add3A_419 = arith.addf %gather3A_416, %gather3A_418 : vector<16xf32>
      %add3A_420 = arith.addi %mul3A_260, %add3A_412 : vector<16xi32>
      %gather3A_421 = tpu.vector_load_idx %arg18[%add3A_234, %add3A_420] : memref<128x128xf32, #tpu.memory_space<vmem>>[vector<16xi32>, vector<16xi32>], vector<16xf32>,
      %add3A_422 = arith.addi %mul3A_260, %add3A_412 : vector<16xi32>
      %gather3A_423 = tpu.vector_load_idx %arg19[%add3A_234, %add3A_422] : memref<128x128xf32, #tpu.memory_space<vmem>>[vector<16xi32>, vector<16xi32>], vector<16xf32>,
      %add3A_424 = arith.addf %gather3A_421, %gather3A_423 : vector<16xf32>
      %sub3A_425 = arith.subf %add3A_419, %add3A_424 : vector<16xf32>
      %mul3A_426 = arith.mulf %gather3A_414, %sub3A_425 : vector<16xf32>
      %add3A_427 = arith.addf %add3A_403, %mul3A_426 : vector<16xf32>
      %add3A_428 = arith.constant 3 : i32
      %add3A_429 = vector.broadcast %add3A_428 : i32 to vector<16xi32>
      %add3A_430 = arith.addi %iota3A, %add3A_429 : vector<16xi32>
      %and3A_431 = arith.constant 15 : i32
      %and3A_432 = vector.broadcast %and3A_431 : i32 to vector<16xi32>
      %and3A_433 = arith.andi %add3A_430, %and3A_432 : vector<16xi32>
      %add3A_434 = arith.constant 16 : i32
      %add3A_435 = vector.broadcast %add3A_434 : i32 to vector<16xi32>
      %add3A_436 = arith.addi %and3A_433, %add3A_435 : vector<16xi32>
      %add3A_437 = arith.addi %mul3A_244, %add3A_436 : vector<16xi32>
      %gather3A_438 = tpu.vector_load_idx %arg15[%add3A_234, %add3A_437] : memref<128x128xf32, #tpu.memory_space<vmem>>[vector<16xi32>, vector<16xi32>], vector<16xf32>,
      %add3A_439 = arith.addi %mul3A_252, %add3A_436 : vector<16xi32>
      %gather3A_440 = tpu.vector_load_idx %arg16[%add3A_234, %add3A_439] : memref<128x128xf32, #tpu.memory_space<vmem>>[vector<16xi32>, vector<16xi32>], vector<16xf32>,
      %add3A_441 = arith.addi %mul3A_252, %add3A_436 : vector<16xi32>
      %gather3A_442 = tpu.vector_load_idx %arg17[%add3A_234, %add3A_441] : memref<128x128xf32, #tpu.memory_space<vmem>>[vector<16xi32>, vector<16xi32>], vector<16xf32>,
      %add3A_443 = arith.addf %gather3A_440, %gather3A_442 : vector<16xf32>
      %add3A_444 = arith.addi %mul3A_260, %add3A_436 : vector<16xi32>
      %gather3A_445 = tpu.vector_load_idx %arg18[%add3A_234, %add3A_444] : memref<128x128xf32, #tpu.memory_space<vmem>>[vector<16xi32>, vector<16xi32>], vector<16xf32>,
      %add3A_446 = arith.addi %mul3A_260, %add3A_436 : vector<16xi32>
      %gather3A_447 = tpu.vector_load_idx %arg19[%add3A_234, %add3A_446] : memref<128x128xf32, #tpu.memory_space<vmem>>[vector<16xi32>, vector<16xi32>], vector<16xf32>,
      %add3A_448 = arith.addf %gather3A_445, %gather3A_447 : vector<16xf32>
      %sub3A_449 = arith.subf %add3A_443, %add3A_448 : vector<16xf32>
      %mul3A_450 = arith.mulf %gather3A_438, %sub3A_449 : vector<16xf32>
      %add3A_451 = arith.addf %add3A_427, %mul3A_450 : vector<16xf32>
      %add3A_452 = arith.constant 4 : i32
      %add3A_453 = vector.broadcast %add3A_452 : i32 to vector<16xi32>
      %add3A_454 = arith.addi %iota3A, %add3A_453 : vector<16xi32>
      %and3A_455 = arith.constant 15 : i32
      %and3A_456 = vector.broadcast %and3A_455 : i32 to vector<16xi32>
      %and3A_457 = arith.andi %add3A_454, %and3A_456 : vector<16xi32>
      %add3A_458 = arith.constant 0 : i32
      %add3A_459 = vector.broadcast %add3A_458 : i32 to vector<16xi32>
      %add3A_460 = arith.addi %and3A_457, %add3A_459 : vector<16xi32>
      %add3A_461 = arith.addi %mul3A_244, %add3A_460 : vector<16xi32>
      %gather3A_462 = tpu.vector_load_idx %arg15[%add3A_234, %add3A_461] : memref<128x128xf32, #tpu.memory_space<vmem>>[vector<16xi32>, vector<16xi32>], vector<16xf32>,
      %add3A_463 = arith.addi %mul3A_252, %add3A_460 : vector<16xi32>
      %gather3A_464 = tpu.vector_load_idx %arg16[%add3A_234, %add3A_463] : memref<128x128xf32, #tpu.memory_space<vmem>>[vector<16xi32>, vector<16xi32>], vector<16xf32>,
      %add3A_465 = arith.addi %mul3A_252, %add3A_460 : vector<16xi32>
      %gather3A_466 = tpu.vector_load_idx %arg17[%add3A_234, %add3A_465] : memref<128x128xf32, #tpu.memory_space<vmem>>[vector<16xi32>, vector<16xi32>], vector<16xf32>,
      %add3A_467 = arith.addf %gather3A_464, %gather3A_466 : vector<16xf32>
      %add3A_468 = arith.addi %mul3A_260, %add3A_460 : vector<16xi32>
      %gather3A_469 = tpu.vector_load_idx %arg18[%add3A_234, %add3A_468] : memref<128x128xf32, #tpu.memory_space<vmem>>[vector<16xi32>, vector<16xi32>], vector<16xf32>,
      %add3A_470 = arith.addi %mul3A_260, %add3A_460 : vector<16xi32>
      %gather3A_471 = tpu.vector_load_idx %arg19[%add3A_234, %add3A_470] : memref<128x128xf32, #tpu.memory_space<vmem>>[vector<16xi32>, vector<16xi32>], vector<16xf32>,
      %add3A_472 = arith.addf %gather3A_469, %gather3A_471 : vector<16xf32>
      %sub3A_473 = arith.subf %add3A_467, %add3A_472 : vector<16xf32>
      %mul3A_474 = arith.mulf %gather3A_462, %sub3A_473 : vector<16xf32>
      %add3A_475 = arith.addf %add3A_451, %mul3A_474 : vector<16xf32>
      %add3A_476 = arith.constant 4 : i32
      %add3A_477 = vector.broadcast %add3A_476 : i32 to vector<16xi32>
      %add3A_478 = arith.addi %iota3A, %add3A_477 : vector<16xi32>
      %and3A_479 = arith.constant 15 : i32
      %and3A_480 = vector.broadcast %and3A_479 : i32 to vector<16xi32>
      %and3A_481 = arith.andi %add3A_478, %and3A_480 : vector<16xi32>
      %add3A_482 = arith.constant 16 : i32
      %add3A_483 = vector.broadcast %add3A_482 : i32 to vector<16xi32>
      %add3A_484 = arith.addi %and3A_481, %add3A_483 : vector<16xi32>
      %add3A_485 = arith.addi %mul3A_244, %add3A_484 : vector<16xi32>
      %gather3A_486 = tpu.vector_load_idx %arg15[%add3A_234, %add3A_485] : memref<128x128xf32, #tpu.memory_space<vmem>>[vector<16xi32>, vector<16xi32>], vector<16xf32>,
      %add3A_487 = arith.addi %mul3A_252, %add3A_484 : vector<16xi32>
      %gather3A_488 = tpu.vector_load_idx %arg16[%add3A_234, %add3A_487] : memref<128x128xf32, #tpu.memory_space<vmem>>[vector<16xi32>, vector<16xi32>], vector<16xf32>,
      %add3A_489 = arith.addi %mul3A_252, %add3A_484 : vector<16xi32>
      %gather3A_490 = tpu.vector_load_idx %arg17[%add3A_234, %add3A_489] : memref<128x128xf32, #tpu.memory_space<vmem>>[vector<16xi32>, vector<16xi32>], vector<16xf32>,
      %add3A_491 = arith.addf %gather3A_488, %gather3A_490 : vector<16xf32>
      %add3A_492 = arith.addi %mul3A_260, %add3A_484 : vector<16xi32>
      %gather3A_493 = tpu.vector_load_idx %arg18[%add3A_234, %add3A_492] : memref<128x128xf32, #tpu.memory_space<vmem>>[vector<16xi32>, vector<16xi32>], vector<16xf32>,
      %add3A_494 = arith.addi %mul3A_260, %add3A_484 : vector<16xi32>
      %gather3A_495 = tpu.vector_load_idx %arg19[%add3A_234, %add3A_494] : memref<128x128xf32, #tpu.memory_space<vmem>>[vector<16xi32>, vector<16xi32>], vector<16xf32>,
      %add3A_496 = arith.addf %gather3A_493, %gather3A_495 : vector<16xf32>
      %sub3A_497 = arith.subf %add3A_491, %add3A_496 : vector<16xf32>
      %mul3A_498 = arith.mulf %gather3A_486, %sub3A_497 : vector<16xf32>
      %add3A_499 = arith.addf %add3A_475, %mul3A_498 : vector<16xf32>
      %add3A_500 = arith.constant 5 : i32
      %add3A_501 = vector.broadcast %add3A_500 : i32 to vector<16xi32>
      %add3A_502 = arith.addi %iota3A, %add3A_501 : vector<16xi32>
      %and3A_503 = arith.constant 15 : i32
      %and3A_504 = vector.broadcast %and3A_503 : i32 to vector<16xi32>
      %and3A_505 = arith.andi %add3A_502, %and3A_504 : vector<16xi32>
      %add3A_506 = arith.constant 0 : i32
      %add3A_507 = vector.broadcast %add3A_506 : i32 to vector<16xi32>
      %add3A_508 = arith.addi %and3A_505, %add3A_507 : vector<16xi32>
      %add3A_509 = arith.addi %mul3A_244, %add3A_508 : vector<16xi32>
      %gather3A_510 = tpu.vector_load_idx %arg15[%add3A_234, %add3A_509] : memref<128x128xf32, #tpu.memory_space<vmem>>[vector<16xi32>, vector<16xi32>], vector<16xf32>,
      %add3A_511 = arith.addi %mul3A_252, %add3A_508 : vector<16xi32>
      %gather3A_512 = tpu.vector_load_idx %arg16[%add3A_234, %add3A_511] : memref<128x128xf32, #tpu.memory_space<vmem>>[vector<16xi32>, vector<16xi32>], vector<16xf32>,
      %add3A_513 = arith.addi %mul3A_252, %add3A_508 : vector<16xi32>
      %gather3A_514 = tpu.vector_load_idx %arg17[%add3A_234, %add3A_513] : memref<128x128xf32, #tpu.memory_space<vmem>>[vector<16xi32>, vector<16xi32>], vector<16xf32>,
      %add3A_515 = arith.addf %gather3A_512, %gather3A_514 : vector<16xf32>
      %add3A_516 = arith.addi %mul3A_260, %add3A_508 : vector<16xi32>
      %gather3A_517 = tpu.vector_load_idx %arg18[%add3A_234, %add3A_516] : memref<128x128xf32, #tpu.memory_space<vmem>>[vector<16xi32>, vector<16xi32>], vector<16xf32>,
      %add3A_518 = arith.addi %mul3A_260, %add3A_508 : vector<16xi32>
      %gather3A_519 = tpu.vector_load_idx %arg19[%add3A_234, %add3A_518] : memref<128x128xf32, #tpu.memory_space<vmem>>[vector<16xi32>, vector<16xi32>], vector<16xf32>,
      %add3A_520 = arith.addf %gather3A_517, %gather3A_519 : vector<16xf32>
      %sub3A_521 = arith.subf %add3A_515, %add3A_520 : vector<16xf32>
      %mul3A_522 = arith.mulf %gather3A_510, %sub3A_521 : vector<16xf32>
      %add3A_523 = arith.addf %add3A_499, %mul3A_522 : vector<16xf32>
      %add3A_524 = arith.constant 5 : i32
      %add3A_525 = vector.broadcast %add3A_524 : i32 to vector<16xi32>
      %add3A_526 = arith.addi %iota3A, %add3A_525 : vector<16xi32>
      %and3A_527 = arith.constant 15 : i32
      %and3A_528 = vector.broadcast %and3A_527 : i32 to vector<16xi32>
      %and3A_529 = arith.andi %add3A_526, %and3A_528 : vector<16xi32>
      %add3A_530 = arith.constant 16 : i32
      %add3A_531 = vector.broadcast %add3A_530 : i32 to vector<16xi32>
      %add3A_532 = arith.addi %and3A_529, %add3A_531 : vector<16xi32>
      %add3A_533 = arith.addi %mul3A_244, %add3A_532 : vector<16xi32>
      %gather3A_534 = tpu.vector_load_idx %arg15[%add3A_234, %add3A_533] : memref<128x128xf32, #tpu.memory_space<vmem>>[vector<16xi32>, vector<16xi32>], vector<16xf32>,
      %add3A_535 = arith.addi %mul3A_252, %add3A_532 : vector<16xi32>
      %gather3A_536 = tpu.vector_load_idx %arg16[%add3A_234, %add3A_535] : memref<128x128xf32, #tpu.memory_space<vmem>>[vector<16xi32>, vector<16xi32>], vector<16xf32>,
      %add3A_537 = arith.addi %mul3A_252, %add3A_532 : vector<16xi32>
      %gather3A_538 = tpu.vector_load_idx %arg17[%add3A_234, %add3A_537] : memref<128x128xf32, #tpu.memory_space<vmem>>[vector<16xi32>, vector<16xi32>], vector<16xf32>,
      %add3A_539 = arith.addf %gather3A_536, %gather3A_538 : vector<16xf32>
      %add3A_540 = arith.addi %mul3A_260, %add3A_532 : vector<16xi32>
      %gather3A_541 = tpu.vector_load_idx %arg18[%add3A_234, %add3A_540] : memref<128x128xf32, #tpu.memory_space<vmem>>[vector<16xi32>, vector<16xi32>], vector<16xf32>,
      %add3A_542 = arith.addi %mul3A_260, %add3A_532 : vector<16xi32>
      %gather3A_543 = tpu.vector_load_idx %arg19[%add3A_234, %add3A_542] : memref<128x128xf32, #tpu.memory_space<vmem>>[vector<16xi32>, vector<16xi32>], vector<16xf32>,
      %add3A_544 = arith.addf %gather3A_541, %gather3A_543 : vector<16xf32>
      %sub3A_545 = arith.subf %add3A_539, %add3A_544 : vector<16xf32>
      %mul3A_546 = arith.mulf %gather3A_534, %sub3A_545 : vector<16xf32>
      %add3A_547 = arith.addf %add3A_523, %mul3A_546 : vector<16xf32>
      %add3A_548 = arith.constant 6 : i32
      %add3A_549 = vector.broadcast %add3A_548 : i32 to vector<16xi32>
      %add3A_550 = arith.addi %iota3A, %add3A_549 : vector<16xi32>
      %and3A_551 = arith.constant 15 : i32
      %and3A_552 = vector.broadcast %and3A_551 : i32 to vector<16xi32>
      %and3A_553 = arith.andi %add3A_550, %and3A_552 : vector<16xi32>
      %add3A_554 = arith.constant 0 : i32
      %add3A_555 = vector.broadcast %add3A_554 : i32 to vector<16xi32>
      %add3A_556 = arith.addi %and3A_553, %add3A_555 : vector<16xi32>
      %add3A_557 = arith.addi %mul3A_244, %add3A_556 : vector<16xi32>
      %gather3A_558 = tpu.vector_load_idx %arg15[%add3A_234, %add3A_557] : memref<128x128xf32, #tpu.memory_space<vmem>>[vector<16xi32>, vector<16xi32>], vector<16xf32>,
      %add3A_559 = arith.addi %mul3A_252, %add3A_556 : vector<16xi32>
      %gather3A_560 = tpu.vector_load_idx %arg16[%add3A_234, %add3A_559] : memref<128x128xf32, #tpu.memory_space<vmem>>[vector<16xi32>, vector<16xi32>], vector<16xf32>,
      %add3A_561 = arith.addi %mul3A_252, %add3A_556 : vector<16xi32>
      %gather3A_562 = tpu.vector_load_idx %arg17[%add3A_234, %add3A_561] : memref<128x128xf32, #tpu.memory_space<vmem>>[vector<16xi32>, vector<16xi32>], vector<16xf32>,
      %add3A_563 = arith.addf %gather3A_560, %gather3A_562 : vector<16xf32>
      %add3A_564 = arith.addi %mul3A_260, %add3A_556 : vector<16xi32>
      %gather3A_565 = tpu.vector_load_idx %arg18[%add3A_234, %add3A_564] : memref<128x128xf32, #tpu.memory_space<vmem>>[vector<16xi32>, vector<16xi32>], vector<16xf32>,
      %add3A_566 = arith.addi %mul3A_260, %add3A_556 : vector<16xi32>
      %gather3A_567 = tpu.vector_load_idx %arg19[%add3A_234, %add3A_566] : memref<128x128xf32, #tpu.memory_space<vmem>>[vector<16xi32>, vector<16xi32>], vector<16xf32>,
      %add3A_568 = arith.addf %gather3A_565, %gather3A_567 : vector<16xf32>
      %sub3A_569 = arith.subf %add3A_563, %add3A_568 : vector<16xf32>
      %mul3A_570 = arith.mulf %gather3A_558, %sub3A_569 : vector<16xf32>
      %add3A_571 = arith.addf %add3A_547, %mul3A_570 : vector<16xf32>
      %add3A_572 = arith.constant 6 : i32
      %add3A_573 = vector.broadcast %add3A_572 : i32 to vector<16xi32>
      %add3A_574 = arith.addi %iota3A, %add3A_573 : vector<16xi32>
      %and3A_575 = arith.constant 15 : i32
      %and3A_576 = vector.broadcast %and3A_575 : i32 to vector<16xi32>
      %and3A_577 = arith.andi %add3A_574, %and3A_576 : vector<16xi32>
      %add3A_578 = arith.constant 16 : i32
      %add3A_579 = vector.broadcast %add3A_578 : i32 to vector<16xi32>
      %add3A_580 = arith.addi %and3A_577, %add3A_579 : vector<16xi32>
      %add3A_581 = arith.addi %mul3A_244, %add3A_580 : vector<16xi32>
      %gather3A_582 = tpu.vector_load_idx %arg15[%add3A_234, %add3A_581] : memref<128x128xf32, #tpu.memory_space<vmem>>[vector<16xi32>, vector<16xi32>], vector<16xf32>,
      %add3A_583 = arith.addi %mul3A_252, %add3A_580 : vector<16xi32>
      %gather3A_584 = tpu.vector_load_idx %arg16[%add3A_234, %add3A_583] : memref<128x128xf32, #tpu.memory_space<vmem>>[vector<16xi32>, vector<16xi32>], vector<16xf32>,
      %add3A_585 = arith.addi %mul3A_252, %add3A_580 : vector<16xi32>
      %gather3A_586 = tpu.vector_load_idx %arg17[%add3A_234, %add3A_585] : memref<128x128xf32, #tpu.memory_space<vmem>>[vector<16xi32>, vector<16xi32>], vector<16xf32>,
      %add3A_587 = arith.addf %gather3A_584, %gather3A_586 : vector<16xf32>
      %add3A_588 = arith.addi %mul3A_260, %add3A_580 : vector<16xi32>
      %gather3A_589 = tpu.vector_load_idx %arg18[%add3A_234, %add3A_588] : memref<128x128xf32, #tpu.memory_space<vmem>>[vector<16xi32>, vector<16xi32>], vector<16xf32>,
      %add3A_590 = arith.addi %mul3A_260, %add3A_580 : vector<16xi32>
      %gather3A_591 = tpu.vector_load_idx %arg19[%add3A_234, %add3A_590] : memref<128x128xf32, #tpu.memory_space<vmem>>[vector<16xi32>, vector<16xi32>], vector<16xf32>,
      %add3A_592 = arith.addf %gather3A_589, %gather3A_591 : vector<16xf32>
      %sub3A_593 = arith.subf %add3A_587, %add3A_592 : vector<16xf32>
      %mul3A_594 = arith.mulf %gather3A_582, %sub3A_593 : vector<16xf32>
      %add3A_595 = arith.addf %add3A_571, %mul3A_594 : vector<16xf32>
      %add3A_596 = arith.constant 7 : i32
      %add3A_597 = vector.broadcast %add3A_596 : i32 to vector<16xi32>
      %add3A_598 = arith.addi %iota3A, %add3A_597 : vector<16xi32>
      %and3A_599 = arith.constant 15 : i32
      %and3A_600 = vector.broadcast %and3A_599 : i32 to vector<16xi32>
      %and3A_601 = arith.andi %add3A_598, %and3A_600 : vector<16xi32>
      %add3A_602 = arith.constant 0 : i32
      %add3A_603 = vector.broadcast %add3A_602 : i32 to vector<16xi32>
      %add3A_604 = arith.addi %and3A_601, %add3A_603 : vector<16xi32>
      %add3A_605 = arith.addi %mul3A_244, %add3A_604 : vector<16xi32>
      %gather3A_606 = tpu.vector_load_idx %arg15[%add3A_234, %add3A_605] : memref<128x128xf32, #tpu.memory_space<vmem>>[vector<16xi32>, vector<16xi32>], vector<16xf32>,
      %add3A_607 = arith.addi %mul3A_252, %add3A_604 : vector<16xi32>
      %gather3A_608 = tpu.vector_load_idx %arg16[%add3A_234, %add3A_607] : memref<128x128xf32, #tpu.memory_space<vmem>>[vector<16xi32>, vector<16xi32>], vector<16xf32>,
      %add3A_609 = arith.addi %mul3A_252, %add3A_604 : vector<16xi32>
      %gather3A_610 = tpu.vector_load_idx %arg17[%add3A_234, %add3A_609] : memref<128x128xf32, #tpu.memory_space<vmem>>[vector<16xi32>, vector<16xi32>], vector<16xf32>,
      %add3A_611 = arith.addf %gather3A_608, %gather3A_610 : vector<16xf32>
      %add3A_612 = arith.addi %mul3A_260, %add3A_604 : vector<16xi32>
      %gather3A_613 = tpu.vector_load_idx %arg18[%add3A_234, %add3A_612] : memref<128x128xf32, #tpu.memory_space<vmem>>[vector<16xi32>, vector<16xi32>], vector<16xf32>,
      %add3A_614 = arith.addi %mul3A_260, %add3A_604 : vector<16xi32>
      %gather3A_615 = tpu.vector_load_idx %arg19[%add3A_234, %add3A_614] : memref<128x128xf32, #tpu.memory_space<vmem>>[vector<16xi32>, vector<16xi32>], vector<16xf32>,
      %add3A_616 = arith.addf %gather3A_613, %gather3A_615 : vector<16xf32>
      %sub3A_617 = arith.subf %add3A_611, %add3A_616 : vector<16xf32>
      %mul3A_618 = arith.mulf %gather3A_606, %sub3A_617 : vector<16xf32>
      %add3A_619 = arith.addf %add3A_595, %mul3A_618 : vector<16xf32>
      %add3A_620 = arith.constant 7 : i32
      %add3A_621 = vector.broadcast %add3A_620 : i32 to vector<16xi32>
      %add3A_622 = arith.addi %iota3A, %add3A_621 : vector<16xi32>
      %and3A_623 = arith.constant 15 : i32
      %and3A_624 = vector.broadcast %and3A_623 : i32 to vector<16xi32>
      %and3A_625 = arith.andi %add3A_622, %and3A_624 : vector<16xi32>
      %add3A_626 = arith.constant 16 : i32
      %add3A_627 = vector.broadcast %add3A_626 : i32 to vector<16xi32>
      %add3A_628 = arith.addi %and3A_625, %add3A_627 : vector<16xi32>
      %add3A_629 = arith.addi %mul3A_244, %add3A_628 : vector<16xi32>
      %gather3A_630 = tpu.vector_load_idx %arg15[%add3A_234, %add3A_629] : memref<128x128xf32, #tpu.memory_space<vmem>>[vector<16xi32>, vector<16xi32>], vector<16xf32>,
      %add3A_631 = arith.addi %mul3A_252, %add3A_628 : vector<16xi32>
      %gather3A_632 = tpu.vector_load_idx %arg16[%add3A_234, %add3A_631] : memref<128x128xf32, #tpu.memory_space<vmem>>[vector<16xi32>, vector<16xi32>], vector<16xf32>,
      %add3A_633 = arith.addi %mul3A_252, %add3A_628 : vector<16xi32>
      %gather3A_634 = tpu.vector_load_idx %arg17[%add3A_234, %add3A_633] : memref<128x128xf32, #tpu.memory_space<vmem>>[vector<16xi32>, vector<16xi32>], vector<16xf32>,
      %add3A_635 = arith.addf %gather3A_632, %gather3A_634 : vector<16xf32>
      %add3A_636 = arith.addi %mul3A_260, %add3A_628 : vector<16xi32>
      %gather3A_637 = tpu.vector_load_idx %arg18[%add3A_234, %add3A_636] : memref<128x128xf32, #tpu.memory_space<vmem>>[vector<16xi32>, vector<16xi32>], vector<16xf32>,
      %add3A_638 = arith.addi %mul3A_260, %add3A_628 : vector<16xi32>
      %gather3A_639 = tpu.vector_load_idx %arg19[%add3A_234, %add3A_638] : memref<128x128xf32, #tpu.memory_space<vmem>>[vector<16xi32>, vector<16xi32>], vector<16xf32>,
      %add3A_640 = arith.addf %gather3A_637, %gather3A_639 : vector<16xf32>
      %sub3A_641 = arith.subf %add3A_635, %add3A_640 : vector<16xf32>
      %mul3A_642 = arith.mulf %gather3A_630, %sub3A_641 : vector<16xf32>
      %add3A_643 = arith.addf %add3A_619, %mul3A_642 : vector<16xf32>
      %add3A_644 = arith.constant 8 : i32
      %add3A_645 = vector.broadcast %add3A_644 : i32 to vector<16xi32>
      %add3A_646 = arith.addi %iota3A, %add3A_645 : vector<16xi32>
      %and3A_647 = arith.constant 15 : i32
      %and3A_648 = vector.broadcast %and3A_647 : i32 to vector<16xi32>
      %and3A_649 = arith.andi %add3A_646, %and3A_648 : vector<16xi32>
      %add3A_650 = arith.constant 0 : i32
      %add3A_651 = vector.broadcast %add3A_650 : i32 to vector<16xi32>
      %add3A_652 = arith.addi %and3A_649, %add3A_651 : vector<16xi32>
      %add3A_653 = arith.addi %mul3A_244, %add3A_652 : vector<16xi32>
      %gather3A_654 = tpu.vector_load_idx %arg15[%add3A_234, %add3A_653] : memref<128x128xf32, #tpu.memory_space<vmem>>[vector<16xi32>, vector<16xi32>], vector<16xf32>,
      %add3A_655 = arith.addi %mul3A_252, %add3A_652 : vector<16xi32>
      %gather3A_656 = tpu.vector_load_idx %arg16[%add3A_234, %add3A_655] : memref<128x128xf32, #tpu.memory_space<vmem>>[vector<16xi32>, vector<16xi32>], vector<16xf32>,
      %add3A_657 = arith.addi %mul3A_252, %add3A_652 : vector<16xi32>
      %gather3A_658 = tpu.vector_load_idx %arg17[%add3A_234, %add3A_657] : memref<128x128xf32, #tpu.memory_space<vmem>>[vector<16xi32>, vector<16xi32>], vector<16xf32>,
      %add3A_659 = arith.addf %gather3A_656, %gather3A_658 : vector<16xf32>
      %add3A_660 = arith.addi %mul3A_260, %add3A_652 : vector<16xi32>
      %gather3A_661 = tpu.vector_load_idx %arg18[%add3A_234, %add3A_660] : memref<128x128xf32, #tpu.memory_space<vmem>>[vector<16xi32>, vector<16xi32>], vector<16xf32>,
      %add3A_662 = arith.addi %mul3A_260, %add3A_652 : vector<16xi32>
      %gather3A_663 = tpu.vector_load_idx %arg19[%add3A_234, %add3A_662] : memref<128x128xf32, #tpu.memory_space<vmem>>[vector<16xi32>, vector<16xi32>], vector<16xf32>,
      %add3A_664 = arith.addf %gather3A_661, %gather3A_663 : vector<16xf32>
      %sub3A_665 = arith.subf %add3A_659, %add3A_664 : vector<16xf32>
      %mul3A_666 = arith.mulf %gather3A_654, %sub3A_665 : vector<16xf32>
      %add3A_667 = arith.addf %add3A_643, %mul3A_666 : vector<16xf32>
      %add3A_668 = arith.constant 8 : i32
      %add3A_669 = vector.broadcast %add3A_668 : i32 to vector<16xi32>
      %add3A_670 = arith.addi %iota3A, %add3A_669 : vector<16xi32>
      %and3A_671 = arith.constant 15 : i32
      %and3A_672 = vector.broadcast %and3A_671 : i32 to vector<16xi32>
      %and3A_673 = arith.andi %add3A_670, %and3A_672 : vector<16xi32>
      %add3A_674 = arith.constant 16 : i32
      %add3A_675 = vector.broadcast %add3A_674 : i32 to vector<16xi32>
      %add3A_676 = arith.addi %and3A_673, %add3A_675 : vector<16xi32>
      %add3A_677 = arith.addi %mul3A_244, %add3A_676 : vector<16xi32>
      %gather3A_678 = tpu.vector_load_idx %arg15[%add3A_234, %add3A_677] : memref<128x128xf32, #tpu.memory_space<vmem>>[vector<16xi32>, vector<16xi32>], vector<16xf32>,
      %add3A_679 = arith.addi %mul3A_252, %add3A_676 : vector<16xi32>
      %gather3A_680 = tpu.vector_load_idx %arg16[%add3A_234, %add3A_679] : memref<128x128xf32, #tpu.memory_space<vmem>>[vector<16xi32>, vector<16xi32>], vector<16xf32>,
      %add3A_681 = arith.addi %mul3A_252, %add3A_676 : vector<16xi32>
      %gather3A_682 = tpu.vector_load_idx %arg17[%add3A_234, %add3A_681] : memref<128x128xf32, #tpu.memory_space<vmem>>[vector<16xi32>, vector<16xi32>], vector<16xf32>,
      %add3A_683 = arith.addf %gather3A_680, %gather3A_682 : vector<16xf32>
      %add3A_684 = arith.addi %mul3A_260, %add3A_676 : vector<16xi32>
      %gather3A_685 = tpu.vector_load_idx %arg18[%add3A_234, %add3A_684] : memref<128x128xf32, #tpu.memory_space<vmem>>[vector<16xi32>, vector<16xi32>], vector<16xf32>,
      %add3A_686 = arith.addi %mul3A_260, %add3A_676 : vector<16xi32>
      %gather3A_687 = tpu.vector_load_idx %arg19[%add3A_234, %add3A_686] : memref<128x128xf32, #tpu.memory_space<vmem>>[vector<16xi32>, vector<16xi32>], vector<16xf32>,
      %add3A_688 = arith.addf %gather3A_685, %gather3A_687 : vector<16xf32>
      %sub3A_689 = arith.subf %add3A_683, %add3A_688 : vector<16xf32>
      %mul3A_690 = arith.mulf %gather3A_678, %sub3A_689 : vector<16xf32>
      %add3A_691 = arith.addf %add3A_667, %mul3A_690 : vector<16xf32>
      %add3A_692 = arith.constant 9 : i32
      %add3A_693 = vector.broadcast %add3A_692 : i32 to vector<16xi32>
      %add3A_694 = arith.addi %iota3A, %add3A_693 : vector<16xi32>
      %and3A_695 = arith.constant 15 : i32
      %and3A_696 = vector.broadcast %and3A_695 : i32 to vector<16xi32>
      %and3A_697 = arith.andi %add3A_694, %and3A_696 : vector<16xi32>
      %add3A_698 = arith.constant 0 : i32
      %add3A_699 = vector.broadcast %add3A_698 : i32 to vector<16xi32>
      %add3A_700 = arith.addi %and3A_697, %add3A_699 : vector<16xi32>
      %add3A_701 = arith.addi %mul3A_244, %add3A_700 : vector<16xi32>
      %gather3A_702 = tpu.vector_load_idx %arg15[%add3A_234, %add3A_701] : memref<128x128xf32, #tpu.memory_space<vmem>>[vector<16xi32>, vector<16xi32>], vector<16xf32>,
      %add3A_703 = arith.addi %mul3A_252, %add3A_700 : vector<16xi32>
      %gather3A_704 = tpu.vector_load_idx %arg16[%add3A_234, %add3A_703] : memref<128x128xf32, #tpu.memory_space<vmem>>[vector<16xi32>, vector<16xi32>], vector<16xf32>,
      %add3A_705 = arith.addi %mul3A_252, %add3A_700 : vector<16xi32>
      %gather3A_706 = tpu.vector_load_idx %arg17[%add3A_234, %add3A_705] : memref<128x128xf32, #tpu.memory_space<vmem>>[vector<16xi32>, vector<16xi32>], vector<16xf32>,
      %add3A_707 = arith.addf %gather3A_704, %gather3A_706 : vector<16xf32>
      %add3A_708 = arith.addi %mul3A_260, %add3A_700 : vector<16xi32>
      %gather3A_709 = tpu.vector_load_idx %arg18[%add3A_234, %add3A_708] : memref<128x128xf32, #tpu.memory_space<vmem>>[vector<16xi32>, vector<16xi32>], vector<16xf32>,
      %add3A_710 = arith.addi %mul3A_260, %add3A_700 : vector<16xi32>
      %gather3A_711 = tpu.vector_load_idx %arg19[%add3A_234, %add3A_710] : memref<128x128xf32, #tpu.memory_space<vmem>>[vector<16xi32>, vector<16xi32>], vector<16xf32>,
      %add3A_712 = arith.addf %gather3A_709, %gather3A_711 : vector<16xf32>
      %sub3A_713 = arith.subf %add3A_707, %add3A_712 : vector<16xf32>
      %mul3A_714 = arith.mulf %gather3A_702, %sub3A_713 : vector<16xf32>
      %add3A_715 = arith.addf %add3A_691, %mul3A_714 : vector<16xf32>
      %add3A_716 = arith.constant 9 : i32
      %add3A_717 = vector.broadcast %add3A_716 : i32 to vector<16xi32>
      %add3A_718 = arith.addi %iota3A, %add3A_717 : vector<16xi32>
      %and3A_719 = arith.constant 15 : i32
      %and3A_720 = vector.broadcast %and3A_719 : i32 to vector<16xi32>
      %and3A_721 = arith.andi %add3A_718, %and3A_720 : vector<16xi32>
      %add3A_722 = arith.constant 16 : i32
      %add3A_723 = vector.broadcast %add3A_722 : i32 to vector<16xi32>
      %add3A_724 = arith.addi %and3A_721, %add3A_723 : vector<16xi32>
      %add3A_725 = arith.addi %mul3A_244, %add3A_724 : vector<16xi32>
      %gather3A_726 = tpu.vector_load_idx %arg15[%add3A_234, %add3A_725] : memref<128x128xf32, #tpu.memory_space<vmem>>[vector<16xi32>, vector<16xi32>], vector<16xf32>,
      %add3A_727 = arith.addi %mul3A_252, %add3A_724 : vector<16xi32>
      %gather3A_728 = tpu.vector_load_idx %arg16[%add3A_234, %add3A_727] : memref<128x128xf32, #tpu.memory_space<vmem>>[vector<16xi32>, vector<16xi32>], vector<16xf32>,
      %add3A_729 = arith.addi %mul3A_252, %add3A_724 : vector<16xi32>
      %gather3A_730 = tpu.vector_load_idx %arg17[%add3A_234, %add3A_729] : memref<128x128xf32, #tpu.memory_space<vmem>>[vector<16xi32>, vector<16xi32>], vector<16xf32>,
      %add3A_731 = arith.addf %gather3A_728, %gather3A_730 : vector<16xf32>
      %add3A_732 = arith.addi %mul3A_260, %add3A_724 : vector<16xi32>
      %gather3A_733 = tpu.vector_load_idx %arg18[%add3A_234, %add3A_732] : memref<128x128xf32, #tpu.memory_space<vmem>>[vector<16xi32>, vector<16xi32>], vector<16xf32>,
      %add3A_734 = arith.addi %mul3A_260, %add3A_724 : vector<16xi32>
      %gather3A_735 = tpu.vector_load_idx %arg19[%add3A_234, %add3A_734] : memref<128x128xf32, #tpu.memory_space<vmem>>[vector<16xi32>, vector<16xi32>], vector<16xf32>,
      %add3A_736 = arith.addf %gather3A_733, %gather3A_735 : vector<16xf32>
      %sub3A_737 = arith.subf %add3A_731, %add3A_736 : vector<16xf32>
      %mul3A_738 = arith.mulf %gather3A_726, %sub3A_737 : vector<16xf32>
      %add3A_739 = arith.addf %add3A_715, %mul3A_738 : vector<16xf32>
      %add3A_740 = arith.constant 10 : i32
      %add3A_741 = vector.broadcast %add3A_740 : i32 to vector<16xi32>
      %add3A_742 = arith.addi %iota3A, %add3A_741 : vector<16xi32>
      %and3A_743 = arith.constant 15 : i32
      %and3A_744 = vector.broadcast %and3A_743 : i32 to vector<16xi32>
      %and3A_745 = arith.andi %add3A_742, %and3A_744 : vector<16xi32>
      %add3A_746 = arith.constant 0 : i32
      %add3A_747 = vector.broadcast %add3A_746 : i32 to vector<16xi32>
      %add3A_748 = arith.addi %and3A_745, %add3A_747 : vector<16xi32>
      %add3A_749 = arith.addi %mul3A_244, %add3A_748 : vector<16xi32>
      %gather3A_750 = tpu.vector_load_idx %arg15[%add3A_234, %add3A_749] : memref<128x128xf32, #tpu.memory_space<vmem>>[vector<16xi32>, vector<16xi32>], vector<16xf32>,
      %add3A_751 = arith.addi %mul3A_252, %add3A_748 : vector<16xi32>
      %gather3A_752 = tpu.vector_load_idx %arg16[%add3A_234, %add3A_751] : memref<128x128xf32, #tpu.memory_space<vmem>>[vector<16xi32>, vector<16xi32>], vector<16xf32>,
      %add3A_753 = arith.addi %mul3A_252, %add3A_748 : vector<16xi32>
      %gather3A_754 = tpu.vector_load_idx %arg17[%add3A_234, %add3A_753] : memref<128x128xf32, #tpu.memory_space<vmem>>[vector<16xi32>, vector<16xi32>], vector<16xf32>,
      %add3A_755 = arith.addf %gather3A_752, %gather3A_754 : vector<16xf32>
      %add3A_756 = arith.addi %mul3A_260, %add3A_748 : vector<16xi32>
      %gather3A_757 = tpu.vector_load_idx %arg18[%add3A_234, %add3A_756] : memref<128x128xf32, #tpu.memory_space<vmem>>[vector<16xi32>, vector<16xi32>], vector<16xf32>,
      %add3A_758 = arith.addi %mul3A_260, %add3A_748 : vector<16xi32>
      %gather3A_759 = tpu.vector_load_idx %arg19[%add3A_234, %add3A_758] : memref<128x128xf32, #tpu.memory_space<vmem>>[vector<16xi32>, vector<16xi32>], vector<16xf32>,
      %add3A_760 = arith.addf %gather3A_757, %gather3A_759 : vector<16xf32>
      %sub3A_761 = arith.subf %add3A_755, %add3A_760 : vector<16xf32>
      %mul3A_762 = arith.mulf %gather3A_750, %sub3A_761 : vector<16xf32>
      %add3A_763 = arith.addf %add3A_739, %mul3A_762 : vector<16xf32>
      %add3A_764 = arith.constant 10 : i32
      %add3A_765 = vector.broadcast %add3A_764 : i32 to vector<16xi32>
      %add3A_766 = arith.addi %iota3A, %add3A_765 : vector<16xi32>
      %and3A_767 = arith.constant 15 : i32
      %and3A_768 = vector.broadcast %and3A_767 : i32 to vector<16xi32>
      %and3A_769 = arith.andi %add3A_766, %and3A_768 : vector<16xi32>
      %add3A_770 = arith.constant 16 : i32
      %add3A_771 = vector.broadcast %add3A_770 : i32 to vector<16xi32>
      %add3A_772 = arith.addi %and3A_769, %add3A_771 : vector<16xi32>
      %add3A_773 = arith.addi %mul3A_244, %add3A_772 : vector<16xi32>
      %gather3A_774 = tpu.vector_load_idx %arg15[%add3A_234, %add3A_773] : memref<128x128xf32, #tpu.memory_space<vmem>>[vector<16xi32>, vector<16xi32>], vector<16xf32>,
      %add3A_775 = arith.addi %mul3A_252, %add3A_772 : vector<16xi32>
      %gather3A_776 = tpu.vector_load_idx %arg16[%add3A_234, %add3A_775] : memref<128x128xf32, #tpu.memory_space<vmem>>[vector<16xi32>, vector<16xi32>], vector<16xf32>,
      %add3A_777 = arith.addi %mul3A_252, %add3A_772 : vector<16xi32>
      %gather3A_778 = tpu.vector_load_idx %arg17[%add3A_234, %add3A_777] : memref<128x128xf32, #tpu.memory_space<vmem>>[vector<16xi32>, vector<16xi32>], vector<16xf32>,
      %add3A_779 = arith.addf %gather3A_776, %gather3A_778 : vector<16xf32>
      %add3A_780 = arith.addi %mul3A_260, %add3A_772 : vector<16xi32>
      %gather3A_781 = tpu.vector_load_idx %arg18[%add3A_234, %add3A_780] : memref<128x128xf32, #tpu.memory_space<vmem>>[vector<16xi32>, vector<16xi32>], vector<16xf32>,
      %add3A_782 = arith.addi %mul3A_260, %add3A_772 : vector<16xi32>
      %gather3A_783 = tpu.vector_load_idx %arg19[%add3A_234, %add3A_782] : memref<128x128xf32, #tpu.memory_space<vmem>>[vector<16xi32>, vector<16xi32>], vector<16xf32>,
      %add3A_784 = arith.addf %gather3A_781, %gather3A_783 : vector<16xf32>
      %sub3A_785 = arith.subf %add3A_779, %add3A_784 : vector<16xf32>
      %mul3A_786 = arith.mulf %gather3A_774, %sub3A_785 : vector<16xf32>
      %add3A_787 = arith.addf %add3A_763, %mul3A_786 : vector<16xf32>
      %add3A_788 = arith.constant 11 : i32
      %add3A_789 = vector.broadcast %add3A_788 : i32 to vector<16xi32>
      %add3A_790 = arith.addi %iota3A, %add3A_789 : vector<16xi32>
      %and3A_791 = arith.constant 15 : i32
      %and3A_792 = vector.broadcast %and3A_791 : i32 to vector<16xi32>
      %and3A_793 = arith.andi %add3A_790, %and3A_792 : vector<16xi32>
      %add3A_794 = arith.constant 0 : i32
      %add3A_795 = vector.broadcast %add3A_794 : i32 to vector<16xi32>
      %add3A_796 = arith.addi %and3A_793, %add3A_795 : vector<16xi32>
      %add3A_797 = arith.addi %mul3A_244, %add3A_796 : vector<16xi32>
      %gather3A_798 = tpu.vector_load_idx %arg15[%add3A_234, %add3A_797] : memref<128x128xf32, #tpu.memory_space<vmem>>[vector<16xi32>, vector<16xi32>], vector<16xf32>,
      %add3A_799 = arith.addi %mul3A_252, %add3A_796 : vector<16xi32>
      %gather3A_800 = tpu.vector_load_idx %arg16[%add3A_234, %add3A_799] : memref<128x128xf32, #tpu.memory_space<vmem>>[vector<16xi32>, vector<16xi32>], vector<16xf32>,
      %add3A_801 = arith.addi %mul3A_252, %add3A_796 : vector<16xi32>
      %gather3A_802 = tpu.vector_load_idx %arg17[%add3A_234, %add3A_801] : memref<128x128xf32, #tpu.memory_space<vmem>>[vector<16xi32>, vector<16xi32>], vector<16xf32>,
      %add3A_803 = arith.addf %gather3A_800, %gather3A_802 : vector<16xf32>
      %add3A_804 = arith.addi %mul3A_260, %add3A_796 : vector<16xi32>
      %gather3A_805 = tpu.vector_load_idx %arg18[%add3A_234, %add3A_804] : memref<128x128xf32, #tpu.memory_space<vmem>>[vector<16xi32>, vector<16xi32>], vector<16xf32>,
      %add3A_806 = arith.addi %mul3A_260, %add3A_796 : vector<16xi32>
      %gather3A_807 = tpu.vector_load_idx %arg19[%add3A_234, %add3A_806] : memref<128x128xf32, #tpu.memory_space<vmem>>[vector<16xi32>, vector<16xi32>], vector<16xf32>,
      %add3A_808 = arith.addf %gather3A_805, %gather3A_807 : vector<16xf32>
      %sub3A_809 = arith.subf %add3A_803, %add3A_808 : vector<16xf32>
      %mul3A_810 = arith.mulf %gather3A_798, %sub3A_809 : vector<16xf32>
      %add3A_811 = arith.addf %add3A_787, %mul3A_810 : vector<16xf32>
      %add3A_812 = arith.constant 11 : i32
      %add3A_813 = vector.broadcast %add3A_812 : i32 to vector<16xi32>
      %add3A_814 = arith.addi %iota3A, %add3A_813 : vector<16xi32>
      %and3A_815 = arith.constant 15 : i32
      %and3A_816 = vector.broadcast %and3A_815 : i32 to vector<16xi32>
      %and3A_817 = arith.andi %add3A_814, %and3A_816 : vector<16xi32>
      %add3A_818 = arith.constant 16 : i32
      %add3A_819 = vector.broadcast %add3A_818 : i32 to vector<16xi32>
      %add3A_820 = arith.addi %and3A_817, %add3A_819 : vector<16xi32>
      %add3A_821 = arith.addi %mul3A_244, %add3A_820 : vector<16xi32>
      %gather3A_822 = tpu.vector_load_idx %arg15[%add3A_234, %add3A_821] : memref<128x128xf32, #tpu.memory_space<vmem>>[vector<16xi32>, vector<16xi32>], vector<16xf32>,
      %add3A_823 = arith.addi %mul3A_252, %add3A_820 : vector<16xi32>
      %gather3A_824 = tpu.vector_load_idx %arg16[%add3A_234, %add3A_823] : memref<128x128xf32, #tpu.memory_space<vmem>>[vector<16xi32>, vector<16xi32>], vector<16xf32>,
      %add3A_825 = arith.addi %mul3A_252, %add3A_820 : vector<16xi32>
      %gather3A_826 = tpu.vector_load_idx %arg17[%add3A_234, %add3A_825] : memref<128x128xf32, #tpu.memory_space<vmem>>[vector<16xi32>, vector<16xi32>], vector<16xf32>,
      %add3A_827 = arith.addf %gather3A_824, %gather3A_826 : vector<16xf32>
      %add3A_828 = arith.addi %mul3A_260, %add3A_820 : vector<16xi32>
      %gather3A_829 = tpu.vector_load_idx %arg18[%add3A_234, %add3A_828] : memref<128x128xf32, #tpu.memory_space<vmem>>[vector<16xi32>, vector<16xi32>], vector<16xf32>,
      %add3A_830 = arith.addi %mul3A_260, %add3A_820 : vector<16xi32>
      %gather3A_831 = tpu.vector_load_idx %arg19[%add3A_234, %add3A_830] : memref<128x128xf32, #tpu.memory_space<vmem>>[vector<16xi32>, vector<16xi32>], vector<16xf32>,
      %add3A_832 = arith.addf %gather3A_829, %gather3A_831 : vector<16xf32>
      %sub3A_833 = arith.subf %add3A_827, %add3A_832 : vector<16xf32>
      %mul3A_834 = arith.mulf %gather3A_822, %sub3A_833 : vector<16xf32>
      %add3A_835 = arith.addf %add3A_811, %mul3A_834 : vector<16xf32>
      %add3A_836 = arith.constant 12 : i32
      %add3A_837 = vector.broadcast %add3A_836 : i32 to vector<16xi32>
      %add3A_838 = arith.addi %iota3A, %add3A_837 : vector<16xi32>
      %and3A_839 = arith.constant 15 : i32
      %and3A_840 = vector.broadcast %and3A_839 : i32 to vector<16xi32>
      %and3A_841 = arith.andi %add3A_838, %and3A_840 : vector<16xi32>
      %add3A_842 = arith.constant 0 : i32
      %add3A_843 = vector.broadcast %add3A_842 : i32 to vector<16xi32>
      %add3A_844 = arith.addi %and3A_841, %add3A_843 : vector<16xi32>
      %add3A_845 = arith.addi %mul3A_244, %add3A_844 : vector<16xi32>
      %gather3A_846 = tpu.vector_load_idx %arg15[%add3A_234, %add3A_845] : memref<128x128xf32, #tpu.memory_space<vmem>>[vector<16xi32>, vector<16xi32>], vector<16xf32>,
      %add3A_847 = arith.addi %mul3A_252, %add3A_844 : vector<16xi32>
      %gather3A_848 = tpu.vector_load_idx %arg16[%add3A_234, %add3A_847] : memref<128x128xf32, #tpu.memory_space<vmem>>[vector<16xi32>, vector<16xi32>], vector<16xf32>,
      %add3A_849 = arith.addi %mul3A_252, %add3A_844 : vector<16xi32>
      %gather3A_850 = tpu.vector_load_idx %arg17[%add3A_234, %add3A_849] : memref<128x128xf32, #tpu.memory_space<vmem>>[vector<16xi32>, vector<16xi32>], vector<16xf32>,
      %add3A_851 = arith.addf %gather3A_848, %gather3A_850 : vector<16xf32>
      %add3A_852 = arith.addi %mul3A_260, %add3A_844 : vector<16xi32>
      %gather3A_853 = tpu.vector_load_idx %arg18[%add3A_234, %add3A_852] : memref<128x128xf32, #tpu.memory_space<vmem>>[vector<16xi32>, vector<16xi32>], vector<16xf32>,
      %add3A_854 = arith.addi %mul3A_260, %add3A_844 : vector<16xi32>
      %gather3A_855 = tpu.vector_load_idx %arg19[%add3A_234, %add3A_854] : memref<128x128xf32, #tpu.memory_space<vmem>>[vector<16xi32>, vector<16xi32>], vector<16xf32>,
      %add3A_856 = arith.addf %gather3A_853, %gather3A_855 : vector<16xf32>
      %sub3A_857 = arith.subf %add3A_851, %add3A_856 : vector<16xf32>
      %mul3A_858 = arith.mulf %gather3A_846, %sub3A_857 : vector<16xf32>
      %add3A_859 = arith.addf %add3A_835, %mul3A_858 : vector<16xf32>
      %add3A_860 = arith.constant 12 : i32
      %add3A_861 = vector.broadcast %add3A_860 : i32 to vector<16xi32>
      %add3A_862 = arith.addi %iota3A, %add3A_861 : vector<16xi32>
      %and3A_863 = arith.constant 15 : i32
      %and3A_864 = vector.broadcast %and3A_863 : i32 to vector<16xi32>
      %and3A_865 = arith.andi %add3A_862, %and3A_864 : vector<16xi32>
      %add3A_866 = arith.constant 16 : i32
      %add3A_867 = vector.broadcast %add3A_866 : i32 to vector<16xi32>
      %add3A_868 = arith.addi %and3A_865, %add3A_867 : vector<16xi32>
      %add3A_869 = arith.addi %mul3A_244, %add3A_868 : vector<16xi32>
      %gather3A_870 = tpu.vector_load_idx %arg15[%add3A_234, %add3A_869] : memref<128x128xf32, #tpu.memory_space<vmem>>[vector<16xi32>, vector<16xi32>], vector<16xf32>,
      %add3A_871 = arith.addi %mul3A_252, %add3A_868 : vector<16xi32>
      %gather3A_872 = tpu.vector_load_idx %arg16[%add3A_234, %add3A_871] : memref<128x128xf32, #tpu.memory_space<vmem>>[vector<16xi32>, vector<16xi32>], vector<16xf32>,
      %add3A_873 = arith.addi %mul3A_252, %add3A_868 : vector<16xi32>
      %gather3A_874 = tpu.vector_load_idx %arg17[%add3A_234, %add3A_873] : memref<128x128xf32, #tpu.memory_space<vmem>>[vector<16xi32>, vector<16xi32>], vector<16xf32>,
      %add3A_875 = arith.addf %gather3A_872, %gather3A_874 : vector<16xf32>
      %add3A_876 = arith.addi %mul3A_260, %add3A_868 : vector<16xi32>
      %gather3A_877 = tpu.vector_load_idx %arg18[%add3A_234, %add3A_876] : memref<128x128xf32, #tpu.memory_space<vmem>>[vector<16xi32>, vector<16xi32>], vector<16xf32>,
      %add3A_878 = arith.addi %mul3A_260, %add3A_868 : vector<16xi32>
      %gather3A_879 = tpu.vector_load_idx %arg19[%add3A_234, %add3A_878] : memref<128x128xf32, #tpu.memory_space<vmem>>[vector<16xi32>, vector<16xi32>], vector<16xf32>,
      %add3A_880 = arith.addf %gather3A_877, %gather3A_879 : vector<16xf32>
      %sub3A_881 = arith.subf %add3A_875, %add3A_880 : vector<16xf32>
      %mul3A_882 = arith.mulf %gather3A_870, %sub3A_881 : vector<16xf32>
      %add3A_883 = arith.addf %add3A_859, %mul3A_882 : vector<16xf32>
      %add3A_884 = arith.constant 13 : i32
      %add3A_885 = vector.broadcast %add3A_884 : i32 to vector<16xi32>
      %add3A_886 = arith.addi %iota3A, %add3A_885 : vector<16xi32>
      %and3A_887 = arith.constant 15 : i32
      %and3A_888 = vector.broadcast %and3A_887 : i32 to vector<16xi32>
      %and3A_889 = arith.andi %add3A_886, %and3A_888 : vector<16xi32>
      %add3A_890 = arith.constant 0 : i32
      %add3A_891 = vector.broadcast %add3A_890 : i32 to vector<16xi32>
      %add3A_892 = arith.addi %and3A_889, %add3A_891 : vector<16xi32>
      %add3A_893 = arith.addi %mul3A_244, %add3A_892 : vector<16xi32>
      %gather3A_894 = tpu.vector_load_idx %arg15[%add3A_234, %add3A_893] : memref<128x128xf32, #tpu.memory_space<vmem>>[vector<16xi32>, vector<16xi32>], vector<16xf32>,
      %add3A_895 = arith.addi %mul3A_252, %add3A_892 : vector<16xi32>
      %gather3A_896 = tpu.vector_load_idx %arg16[%add3A_234, %add3A_895] : memref<128x128xf32, #tpu.memory_space<vmem>>[vector<16xi32>, vector<16xi32>], vector<16xf32>,
      %add3A_897 = arith.addi %mul3A_252, %add3A_892 : vector<16xi32>
      %gather3A_898 = tpu.vector_load_idx %arg17[%add3A_234, %add3A_897] : memref<128x128xf32, #tpu.memory_space<vmem>>[vector<16xi32>, vector<16xi32>], vector<16xf32>,
      %add3A_899 = arith.addf %gather3A_896, %gather3A_898 : vector<16xf32>
      %add3A_900 = arith.addi %mul3A_260, %add3A_892 : vector<16xi32>
      %gather3A_901 = tpu.vector_load_idx %arg18[%add3A_234, %add3A_900] : memref<128x128xf32, #tpu.memory_space<vmem>>[vector<16xi32>, vector<16xi32>], vector<16xf32>,
      %add3A_902 = arith.addi %mul3A_260, %add3A_892 : vector<16xi32>
      %gather3A_903 = tpu.vector_load_idx %arg19[%add3A_234, %add3A_902] : memref<128x128xf32, #tpu.memory_space<vmem>>[vector<16xi32>, vector<16xi32>], vector<16xf32>,
      %add3A_904 = arith.addf %gather3A_901, %gather3A_903 : vector<16xf32>
      %sub3A_905 = arith.subf %add3A_899, %add3A_904 : vector<16xf32>
      %mul3A_906 = arith.mulf %gather3A_894, %sub3A_905 : vector<16xf32>
      %add3A_907 = arith.addf %add3A_883, %mul3A_906 : vector<16xf32>
      %add3A_908 = arith.constant 13 : i32
      %add3A_909 = vector.broadcast %add3A_908 : i32 to vector<16xi32>
      %add3A_910 = arith.addi %iota3A, %add3A_909 : vector<16xi32>
      %and3A_911 = arith.constant 15 : i32
      %and3A_912 = vector.broadcast %and3A_911 : i32 to vector<16xi32>
      %and3A_913 = arith.andi %add3A_910, %and3A_912 : vector<16xi32>
      %add3A_914 = arith.constant 16 : i32
      %add3A_915 = vector.broadcast %add3A_914 : i32 to vector<16xi32>
      %add3A_916 = arith.addi %and3A_913, %add3A_915 : vector<16xi32>
      %add3A_917 = arith.addi %mul3A_244, %add3A_916 : vector<16xi32>
      %gather3A_918 = tpu.vector_load_idx %arg15[%add3A_234, %add3A_917] : memref<128x128xf32, #tpu.memory_space<vmem>>[vector<16xi32>, vector<16xi32>], vector<16xf32>,
      %add3A_919 = arith.addi %mul3A_252, %add3A_916 : vector<16xi32>
      %gather3A_920 = tpu.vector_load_idx %arg16[%add3A_234, %add3A_919] : memref<128x128xf32, #tpu.memory_space<vmem>>[vector<16xi32>, vector<16xi32>], vector<16xf32>,
      %add3A_921 = arith.addi %mul3A_252, %add3A_916 : vector<16xi32>
      %gather3A_922 = tpu.vector_load_idx %arg17[%add3A_234, %add3A_921] : memref<128x128xf32, #tpu.memory_space<vmem>>[vector<16xi32>, vector<16xi32>], vector<16xf32>,
      %add3A_923 = arith.addf %gather3A_920, %gather3A_922 : vector<16xf32>
      %add3A_924 = arith.addi %mul3A_260, %add3A_916 : vector<16xi32>
      %gather3A_925 = tpu.vector_load_idx %arg18[%add3A_234, %add3A_924] : memref<128x128xf32, #tpu.memory_space<vmem>>[vector<16xi32>, vector<16xi32>], vector<16xf32>,
      %add3A_926 = arith.addi %mul3A_260, %add3A_916 : vector<16xi32>
      %gather3A_927 = tpu.vector_load_idx %arg19[%add3A_234, %add3A_926] : memref<128x128xf32, #tpu.memory_space<vmem>>[vector<16xi32>, vector<16xi32>], vector<16xf32>,
      %add3A_928 = arith.addf %gather3A_925, %gather3A_927 : vector<16xf32>
      %sub3A_929 = arith.subf %add3A_923, %add3A_928 : vector<16xf32>
      %mul3A_930 = arith.mulf %gather3A_918, %sub3A_929 : vector<16xf32>
      %add3A_931 = arith.addf %add3A_907, %mul3A_930 : vector<16xf32>
      %add3A_932 = arith.constant 14 : i32
      %add3A_933 = vector.broadcast %add3A_932 : i32 to vector<16xi32>
      %add3A_934 = arith.addi %iota3A, %add3A_933 : vector<16xi32>
      %and3A_935 = arith.constant 15 : i32
      %and3A_936 = vector.broadcast %and3A_935 : i32 to vector<16xi32>
      %and3A_937 = arith.andi %add3A_934, %and3A_936 : vector<16xi32>
      %add3A_938 = arith.constant 0 : i32
      %add3A_939 = vector.broadcast %add3A_938 : i32 to vector<16xi32>
      %add3A_940 = arith.addi %and3A_937, %add3A_939 : vector<16xi32>
      %add3A_941 = arith.addi %mul3A_244, %add3A_940 : vector<16xi32>
      %gather3A_942 = tpu.vector_load_idx %arg15[%add3A_234, %add3A_941] : memref<128x128xf32, #tpu.memory_space<vmem>>[vector<16xi32>, vector<16xi32>], vector<16xf32>,
      %add3A_943 = arith.addi %mul3A_252, %add3A_940 : vector<16xi32>
      %gather3A_944 = tpu.vector_load_idx %arg16[%add3A_234, %add3A_943] : memref<128x128xf32, #tpu.memory_space<vmem>>[vector<16xi32>, vector<16xi32>], vector<16xf32>,
      %add3A_945 = arith.addi %mul3A_252, %add3A_940 : vector<16xi32>
      %gather3A_946 = tpu.vector_load_idx %arg17[%add3A_234, %add3A_945] : memref<128x128xf32, #tpu.memory_space<vmem>>[vector<16xi32>, vector<16xi32>], vector<16xf32>,
      %add3A_947 = arith.addf %gather3A_944, %gather3A_946 : vector<16xf32>
      %add3A_948 = arith.addi %mul3A_260, %add3A_940 : vector<16xi32>
      %gather3A_949 = tpu.vector_load_idx %arg18[%add3A_234, %add3A_948] : memref<128x128xf32, #tpu.memory_space<vmem>>[vector<16xi32>, vector<16xi32>], vector<16xf32>,
      %add3A_950 = arith.addi %mul3A_260, %add3A_940 : vector<16xi32>
      %gather3A_951 = tpu.vector_load_idx %arg19[%add3A_234, %add3A_950] : memref<128x128xf32, #tpu.memory_space<vmem>>[vector<16xi32>, vector<16xi32>], vector<16xf32>,
      %add3A_952 = arith.addf %gather3A_949, %gather3A_951 : vector<16xf32>
      %sub3A_953 = arith.subf %add3A_947, %add3A_952 : vector<16xf32>
      %mul3A_954 = arith.mulf %gather3A_942, %sub3A_953 : vector<16xf32>
      %add3A_955 = arith.addf %add3A_931, %mul3A_954 : vector<16xf32>
      %add3A_956 = arith.constant 14 : i32
      %add3A_957 = vector.broadcast %add3A_956 : i32 to vector<16xi32>
      %add3A_958 = arith.addi %iota3A, %add3A_957 : vector<16xi32>
      %and3A_959 = arith.constant 15 : i32
      %and3A_960 = vector.broadcast %and3A_959 : i32 to vector<16xi32>
      %and3A_961 = arith.andi %add3A_958, %and3A_960 : vector<16xi32>
      %add3A_962 = arith.constant 16 : i32
      %add3A_963 = vector.broadcast %add3A_962 : i32 to vector<16xi32>
      %add3A_964 = arith.addi %and3A_961, %add3A_963 : vector<16xi32>
      %add3A_965 = arith.addi %mul3A_244, %add3A_964 : vector<16xi32>
      %gather3A_966 = tpu.vector_load_idx %arg15[%add3A_234, %add3A_965] : memref<128x128xf32, #tpu.memory_space<vmem>>[vector<16xi32>, vector<16xi32>], vector<16xf32>,
      %add3A_967 = arith.addi %mul3A_252, %add3A_964 : vector<16xi32>
      %gather3A_968 = tpu.vector_load_idx %arg16[%add3A_234, %add3A_967] : memref<128x128xf32, #tpu.memory_space<vmem>>[vector<16xi32>, vector<16xi32>], vector<16xf32>,
      %add3A_969 = arith.addi %mul3A_252, %add3A_964 : vector<16xi32>
      %gather3A_970 = tpu.vector_load_idx %arg17[%add3A_234, %add3A_969] : memref<128x128xf32, #tpu.memory_space<vmem>>[vector<16xi32>, vector<16xi32>], vector<16xf32>,
      %add3A_971 = arith.addf %gather3A_968, %gather3A_970 : vector<16xf32>
      %add3A_972 = arith.addi %mul3A_260, %add3A_964 : vector<16xi32>
      %gather3A_973 = tpu.vector_load_idx %arg18[%add3A_234, %add3A_972] : memref<128x128xf32, #tpu.memory_space<vmem>>[vector<16xi32>, vector<16xi32>], vector<16xf32>,
      %add3A_974 = arith.addi %mul3A_260, %add3A_964 : vector<16xi32>
      %gather3A_975 = tpu.vector_load_idx %arg19[%add3A_234, %add3A_974] : memref<128x128xf32, #tpu.memory_space<vmem>>[vector<16xi32>, vector<16xi32>], vector<16xf32>,
      %add3A_976 = arith.addf %gather3A_973, %gather3A_975 : vector<16xf32>
      %sub3A_977 = arith.subf %add3A_971, %add3A_976 : vector<16xf32>
      %mul3A_978 = arith.mulf %gather3A_966, %sub3A_977 : vector<16xf32>
      %add3A_979 = arith.addf %add3A_955, %mul3A_978 : vector<16xf32>
      %add3A_980 = arith.constant 15 : i32
      %add3A_981 = vector.broadcast %add3A_980 : i32 to vector<16xi32>
      %add3A_982 = arith.addi %iota3A, %add3A_981 : vector<16xi32>
      %and3A_983 = arith.constant 15 : i32
      %and3A_984 = vector.broadcast %and3A_983 : i32 to vector<16xi32>
      %and3A_985 = arith.andi %add3A_982, %and3A_984 : vector<16xi32>
      %add3A_986 = arith.constant 0 : i32
      %add3A_987 = vector.broadcast %add3A_986 : i32 to vector<16xi32>
      %add3A_988 = arith.addi %and3A_985, %add3A_987 : vector<16xi32>
      %add3A_989 = arith.addi %mul3A_244, %add3A_988 : vector<16xi32>
      %gather3A_990 = tpu.vector_load_idx %arg15[%add3A_234, %add3A_989] : memref<128x128xf32, #tpu.memory_space<vmem>>[vector<16xi32>, vector<16xi32>], vector<16xf32>,
      %add3A_991 = arith.addi %mul3A_252, %add3A_988 : vector<16xi32>
      %gather3A_992 = tpu.vector_load_idx %arg16[%add3A_234, %add3A_991] : memref<128x128xf32, #tpu.memory_space<vmem>>[vector<16xi32>, vector<16xi32>], vector<16xf32>,
      %add3A_993 = arith.addi %mul3A_252, %add3A_988 : vector<16xi32>
      %gather3A_994 = tpu.vector_load_idx %arg17[%add3A_234, %add3A_993] : memref<128x128xf32, #tpu.memory_space<vmem>>[vector<16xi32>, vector<16xi32>], vector<16xf32>,
      %add3A_995 = arith.addf %gather3A_992, %gather3A_994 : vector<16xf32>
      %add3A_996 = arith.addi %mul3A_260, %add3A_988 : vector<16xi32>
      %gather3A_997 = tpu.vector_load_idx %arg18[%add3A_234, %add3A_996] : memref<128x128xf32, #tpu.memory_space<vmem>>[vector<16xi32>, vector<16xi32>], vector<16xf32>,
      %add3A_998 = arith.addi %mul3A_260, %add3A_988 : vector<16xi32>
      %gather3A_999 = tpu.vector_load_idx %arg19[%add3A_234, %add3A_998] : memref<128x128xf32, #tpu.memory_space<vmem>>[vector<16xi32>, vector<16xi32>], vector<16xf32>,
      %add3A_1000 = arith.addf %gather3A_997, %gather3A_999 : vector<16xf32>
      %sub3A_1001 = arith.subf %add3A_995, %add3A_1000 : vector<16xf32>
      %mul3A_1002 = arith.mulf %gather3A_990, %sub3A_1001 : vector<16xf32>
      %add3A_1003 = arith.addf %add3A_979, %mul3A_1002 : vector<16xf32>
      %add3A_1004 = arith.constant 15 : i32
      %add3A_1005 = vector.broadcast %add3A_1004 : i32 to vector<16xi32>
      %add3A_1006 = arith.addi %iota3A, %add3A_1005 : vector<16xi32>
      %and3A_1007 = arith.constant 15 : i32
      %and3A_1008 = vector.broadcast %and3A_1007 : i32 to vector<16xi32>
      %and3A_1009 = arith.andi %add3A_1006, %and3A_1008 : vector<16xi32>
      %add3A_1010 = arith.constant 16 : i32
      %add3A_1011 = vector.broadcast %add3A_1010 : i32 to vector<16xi32>
      %add3A_1012 = arith.addi %and3A_1009, %add3A_1011 : vector<16xi32>
      %add3A_1013 = arith.addi %mul3A_244, %add3A_1012 : vector<16xi32>
      %gather3A_1014 = tpu.vector_load_idx %arg15[%add3A_234, %add3A_1013] : memref<128x128xf32, #tpu.memory_space<vmem>>[vector<16xi32>, vector<16xi32>], vector<16xf32>,
      %add3A_1015 = arith.addi %mul3A_252, %add3A_1012 : vector<16xi32>
      %gather3A_1016 = tpu.vector_load_idx %arg16[%add3A_234, %add3A_1015] : memref<128x128xf32, #tpu.memory_space<vmem>>[vector<16xi32>, vector<16xi32>], vector<16xf32>,
      %add3A_1017 = arith.addi %mul3A_252, %add3A_1012 : vector<16xi32>
      %gather3A_1018 = tpu.vector_load_idx %arg17[%add3A_234, %add3A_1017] : memref<128x128xf32, #tpu.memory_space<vmem>>[vector<16xi32>, vector<16xi32>], vector<16xf32>,
      %add3A_1019 = arith.addf %gather3A_1016, %gather3A_1018 : vector<16xf32>
      %add3A_1020 = arith.addi %mul3A_260, %add3A_1012 : vector<16xi32>
      %gather3A_1021 = tpu.vector_load_idx %arg18[%add3A_234, %add3A_1020] : memref<128x128xf32, #tpu.memory_space<vmem>>[vector<16xi32>, vector<16xi32>], vector<16xf32>,
      %add3A_1022 = arith.addi %mul3A_260, %add3A_1012 : vector<16xi32>
      %gather3A_1023 = tpu.vector_load_idx %arg19[%add3A_234, %add3A_1022] : memref<128x128xf32, #tpu.memory_space<vmem>>[vector<16xi32>, vector<16xi32>], vector<16xf32>,
      %add3A_1024 = arith.addf %gather3A_1021, %gather3A_1023 : vector<16xf32>
      %sub3A_1025 = arith.subf %add3A_1019, %add3A_1024 : vector<16xf32>
      %mul3A_1026 = arith.mulf %gather3A_1014, %sub3A_1025 : vector<16xf32>
      %add3A_1027 = arith.addf %add3A_1003, %mul3A_1026 : vector<16xf32>
      %swap3A = arith.index_cast %add3A_238 : i32 to index
      %swap3A_1028 = tpu.vector_load %arg20[%swap3A] {strides = array<i32>} : memref<512xf32, #tpu.memory_space<vmem>>, vector<16xf32>,
      tpu.vector_store %arg20[%swap3A], %add3A_1027 {strides = array<i32>} : memref<512xf32, #tpu.memory_space<vmem>>, vector<16xf32>,
    }
    %scan3A_117 = arith.constant 8 : i32
    %dma_start3A_118 = arith.constant 256 : i32
    %dma_start3A_119 = tpu.memref_slice %arg12[%dma_start3A_118] : memref<512xi32, #tpu.memory_space<vmem>> -> memref<128xi32, #tpu.memory_space<vmem>>
    %dma_start3A_120 = arith.constant 0 : i32
    %dma_start3A_121 = arith.constant 0 : i32
    %dma_start3A_122 = tpu.memref_slice %arg5[%dma_start3A_120, %dma_start3A_121] : memref<250000x128xf32, #tpu.memory_space<hbm>> -> memref<250000x128xf32, #tpu.memory_space<hbm>>
    tpu.enqueue_indirect_dma source(%dma_start3A_122 : memref<250000x128xf32, #tpu.memory_space<hbm>>) target(%arg15 : memref<128x128xf32, #tpu.memory_space<vmem>>) offsets(%dma_start3A_119 : memref<128xi32, #tpu.memory_space<vmem>>) semaphore(%arg21 : memref<!tpu.dma_semaphore, #tpu.memory_space<semaphore_mem>>)
    %dma_start3A_123 = arith.constant 256 : i32
    %dma_start3A_124 = tpu.memref_slice %arg13[%dma_start3A_123] : memref<512xi32, #tpu.memory_space<vmem>> -> memref<128xi32, #tpu.memory_space<vmem>>
    %dma_start3A_125 = arith.constant 0 : i32
    %dma_start3A_126 = arith.constant 0 : i32
    %dma_start3A_127 = tpu.memref_slice %arg6[%dma_start3A_125, %dma_start3A_126] : memref<250000x128xf32, #tpu.memory_space<hbm>> -> memref<250000x128xf32, #tpu.memory_space<hbm>>
    tpu.enqueue_indirect_dma source(%dma_start3A_127 : memref<250000x128xf32, #tpu.memory_space<hbm>>) target(%arg16 : memref<128x128xf32, #tpu.memory_space<vmem>>) offsets(%dma_start3A_124 : memref<128xi32, #tpu.memory_space<vmem>>) semaphore(%arg21 : memref<!tpu.dma_semaphore, #tpu.memory_space<semaphore_mem>>)
    %dma_start3A_128 = arith.constant 256 : i32
    %dma_start3A_129 = tpu.memref_slice %arg13[%dma_start3A_128] : memref<512xi32, #tpu.memory_space<vmem>> -> memref<128xi32, #tpu.memory_space<vmem>>
    %dma_start3A_130 = arith.constant 0 : i32
    %dma_start3A_131 = arith.constant 0 : i32
    %dma_start3A_132 = tpu.memref_slice %arg7[%dma_start3A_130, %dma_start3A_131] : memref<250000x128xf32, #tpu.memory_space<hbm>> -> memref<250000x128xf32, #tpu.memory_space<hbm>>
    tpu.enqueue_indirect_dma source(%dma_start3A_132 : memref<250000x128xf32, #tpu.memory_space<hbm>>) target(%arg17 : memref<128x128xf32, #tpu.memory_space<vmem>>) offsets(%dma_start3A_129 : memref<128xi32, #tpu.memory_space<vmem>>) semaphore(%arg21 : memref<!tpu.dma_semaphore, #tpu.memory_space<semaphore_mem>>)
    %dma_start3A_133 = arith.constant 256 : i32
    %dma_start3A_134 = tpu.memref_slice %arg14[%dma_start3A_133] : memref<512xi32, #tpu.memory_space<vmem>> -> memref<128xi32, #tpu.memory_space<vmem>>
    %dma_start3A_135 = arith.constant 0 : i32
    %dma_start3A_136 = arith.constant 0 : i32
    %dma_start3A_137 = tpu.memref_slice %arg6[%dma_start3A_135, %dma_start3A_136] : memref<250000x128xf32, #tpu.memory_space<hbm>> -> memref<250000x128xf32, #tpu.memory_space<hbm>>
    tpu.enqueue_indirect_dma source(%dma_start3A_137 : memref<250000x128xf32, #tpu.memory_space<hbm>>) target(%arg18 : memref<128x128xf32, #tpu.memory_space<vmem>>) offsets(%dma_start3A_134 : memref<128xi32, #tpu.memory_space<vmem>>) semaphore(%arg21 : memref<!tpu.dma_semaphore, #tpu.memory_space<semaphore_mem>>)
    %dma_start3A_138 = arith.constant 256 : i32
    %dma_start3A_139 = tpu.memref_slice %arg14[%dma_start3A_138] : memref<512xi32, #tpu.memory_space<vmem>> -> memref<128xi32, #tpu.memory_space<vmem>>
    %dma_start3A_140 = arith.constant 0 : i32
    %dma_start3A_141 = arith.constant 0 : i32
    %dma_start3A_142 = tpu.memref_slice %arg7[%dma_start3A_140, %dma_start3A_141] : memref<250000x128xf32, #tpu.memory_space<hbm>> -> memref<250000x128xf32, #tpu.memory_space<hbm>>
    tpu.enqueue_indirect_dma source(%dma_start3A_142 : memref<250000x128xf32, #tpu.memory_space<hbm>>) target(%arg19 : memref<128x128xf32, #tpu.memory_space<vmem>>) offsets(%dma_start3A_139 : memref<128xi32, #tpu.memory_space<vmem>>) semaphore(%arg21 : memref<!tpu.dma_semaphore, #tpu.memory_space<semaphore_mem>>)
    %dma_wait3A_143 = arith.constant 256 : i32
    %dma_wait3A_144 = tpu.memref_slice %arg12[%dma_wait3A_143] : memref<512xi32, #tpu.memory_space<vmem>> -> memref<128xi32, #tpu.memory_space<vmem>>
    %dma_wait3A_145 = arith.constant 0 : i32
    %dma_wait3A_146 = arith.constant 0 : i32
    %dma_wait3A_147 = tpu.memref_slice %arg5[%dma_wait3A_145, %dma_wait3A_146] : memref<250000x128xf32, #tpu.memory_space<hbm>> -> memref<250000x128xf32, #tpu.memory_space<hbm>>
    tpu.wait_indirect_dma semaphore(%arg21 : memref<!tpu.dma_semaphore, #tpu.memory_space<semaphore_mem>>) src(%dma_wait3A_147 : memref<250000x128xf32, #tpu.memory_space<hbm>>) dst(%arg15 : memref<128x128xf32, #tpu.memory_space<vmem>>)
    %dma_wait3A_148 = arith.constant 256 : i32
    %dma_wait3A_149 = tpu.memref_slice %arg13[%dma_wait3A_148] : memref<512xi32, #tpu.memory_space<vmem>> -> memref<128xi32, #tpu.memory_space<vmem>>
    %dma_wait3A_150 = arith.constant 0 : i32
    %dma_wait3A_151 = arith.constant 0 : i32
    %dma_wait3A_152 = tpu.memref_slice %arg6[%dma_wait3A_150, %dma_wait3A_151] : memref<250000x128xf32, #tpu.memory_space<hbm>> -> memref<250000x128xf32, #tpu.memory_space<hbm>>
    tpu.wait_indirect_dma semaphore(%arg21 : memref<!tpu.dma_semaphore, #tpu.memory_space<semaphore_mem>>) src(%dma_wait3A_152 : memref<250000x128xf32, #tpu.memory_space<hbm>>) dst(%arg16 : memref<128x128xf32, #tpu.memory_space<vmem>>)
    %dma_wait3A_153 = arith.constant 256 : i32
    %dma_wait3A_154 = tpu.memref_slice %arg13[%dma_wait3A_153] : memref<512xi32, #tpu.memory_space<vmem>> -> memref<128xi32, #tpu.memory_space<vmem>>
    %dma_wait3A_155 = arith.constant 0 : i32
    %dma_wait3A_156 = arith.constant 0 : i32
    %dma_wait3A_157 = tpu.memref_slice %arg7[%dma_wait3A_155, %dma_wait3A_156] : memref<250000x128xf32, #tpu.memory_space<hbm>> -> memref<250000x128xf32, #tpu.memory_space<hbm>>
    tpu.wait_indirect_dma semaphore(%arg21 : memref<!tpu.dma_semaphore, #tpu.memory_space<semaphore_mem>>) src(%dma_wait3A_157 : memref<250000x128xf32, #tpu.memory_space<hbm>>) dst(%arg17 : memref<128x128xf32, #tpu.memory_space<vmem>>)
    %dma_wait3A_158 = arith.constant 256 : i32
    %dma_wait3A_159 = tpu.memref_slice %arg14[%dma_wait3A_158] : memref<512xi32, #tpu.memory_space<vmem>> -> memref<128xi32, #tpu.memory_space<vmem>>
    %dma_wait3A_160 = arith.constant 0 : i32
    %dma_wait3A_161 = arith.constant 0 : i32
    %dma_wait3A_162 = tpu.memref_slice %arg6[%dma_wait3A_160, %dma_wait3A_161] : memref<250000x128xf32, #tpu.memory_space<hbm>> -> memref<250000x128xf32, #tpu.memory_space<hbm>>
    tpu.wait_indirect_dma semaphore(%arg21 : memref<!tpu.dma_semaphore, #tpu.memory_space<semaphore_mem>>) src(%dma_wait3A_162 : memref<250000x128xf32, #tpu.memory_space<hbm>>) dst(%arg18 : memref<128x128xf32, #tpu.memory_space<vmem>>)
    %dma_wait3A_163 = arith.constant 256 : i32
    %dma_wait3A_164 = tpu.memref_slice %arg14[%dma_wait3A_163] : memref<512xi32, #tpu.memory_space<vmem>> -> memref<128xi32, #tpu.memory_space<vmem>>
    %dma_wait3A_165 = arith.constant 0 : i32
    %dma_wait3A_166 = arith.constant 0 : i32
    %dma_wait3A_167 = tpu.memref_slice %arg7[%dma_wait3A_165, %dma_wait3A_166] : memref<250000x128xf32, #tpu.memory_space<hbm>> -> memref<250000x128xf32, #tpu.memory_space<hbm>>
    tpu.wait_indirect_dma semaphore(%arg21 : memref<!tpu.dma_semaphore, #tpu.memory_space<semaphore_mem>>) src(%dma_wait3A_167 : memref<250000x128xf32, #tpu.memory_space<hbm>>) dst(%arg19 : memref<128x128xf32, #tpu.memory_space<vmem>>)
    %scan3A_168 = arith.constant 0 : i32
    %scan3A_169 = arith.constant 0 : i32
    %scan3A_170 = arith.constant 8 : i32
    %scan3A_171 = arith.addi %scan3A_169, %scan3A_170 : i32
    %scan3A_172 = arith.constant 1 : i32
    scf.for %scan3A_230 = %scan3A_169 to %scan3A_171 step %scan3A_172  : i32 {
      %mul3A_231 = arith.constant 16 : i32
      %mul3A_232 = arith.muli %scan3A_230, %mul3A_231 : i32
      %add3A_233 = vector.broadcast %mul3A_232 : i32 to vector<16xi32>
      %add3A_234 = arith.addi %add3A_233, %iota3A : vector<16xi32>
      %mul3A_235 = arith.constant 16 : i32
      %mul3A_236 = arith.muli %scan3A_230, %mul3A_235 : i32
      %add3A_237 = arith.constant 256 : i32
      %add3A_238 = arith.addi %add3A_237, %mul3A_236 : i32
      %get3A = arith.index_cast %add3A_238 : i32 to index
      %get3A_239 = tpu.vector_load %arg9[%get3A] {strides = array<i32>} : memref<512xi32, #tpu.memory_space<vmem>>, vector<16xi32>,
      %and3A = arith.constant 3 : i32
      %and3A_240 = vector.broadcast %and3A : i32 to vector<16xi32>
      %and3A_241 = arith.andi %get3A_239, %and3A_240 : vector<16xi32>
      %mul3A_242 = arith.constant 32 : i32
      %mul3A_243 = vector.broadcast %mul3A_242 : i32 to vector<16xi32>
      %mul3A_244 = arith.muli %and3A_241, %mul3A_243 : vector<16xi32>
      %get3A_245 = arith.index_cast %add3A_238 : i32 to index
      %get3A_246 = tpu.vector_load %arg10[%get3A_245] {strides = array<i32>} : memref<512xi32, #tpu.memory_space<vmem>>, vector<16xi32>,
      %and3A_247 = arith.constant 3 : i32
      %and3A_248 = vector.broadcast %and3A_247 : i32 to vector<16xi32>
      %and3A_249 = arith.andi %get3A_246, %and3A_248 : vector<16xi32>
      %mul3A_250 = arith.constant 32 : i32
      %mul3A_251 = vector.broadcast %mul3A_250 : i32 to vector<16xi32>
      %mul3A_252 = arith.muli %and3A_249, %mul3A_251 : vector<16xi32>
      %get3A_253 = arith.index_cast %add3A_238 : i32 to index
      %get3A_254 = tpu.vector_load %arg11[%get3A_253] {strides = array<i32>} : memref<512xi32, #tpu.memory_space<vmem>>, vector<16xi32>,
      %and3A_255 = arith.constant 3 : i32
      %and3A_256 = vector.broadcast %and3A_255 : i32 to vector<16xi32>
      %and3A_257 = arith.andi %get3A_254, %and3A_256 : vector<16xi32>
      %mul3A_258 = arith.constant 32 : i32
      %mul3A_259 = vector.broadcast %mul3A_258 : i32 to vector<16xi32>
      %mul3A_260 = arith.muli %and3A_257, %mul3A_259 : vector<16xi32>
      %broadcast_in_dim3A = arith.constant 0.000000e+00 : f32
      %broadcast_in_dim3A_261 = vector.broadcast %broadcast_in_dim3A : f32 to vector<16xf32>
      %add3A_262 = arith.constant 0 : i32
      %add3A_263 = vector.broadcast %add3A_262 : i32 to vector<16xi32>
      %add3A_264 = arith.addi %iota3A, %add3A_263 : vector<16xi32>
      %and3A_265 = arith.constant 15 : i32
      %and3A_266 = vector.broadcast %and3A_265 : i32 to vector<16xi32>
      %and3A_267 = arith.andi %add3A_264, %and3A_266 : vector<16xi32>
      %add3A_268 = arith.constant 0 : i32
      %add3A_269 = vector.broadcast %add3A_268 : i32 to vector<16xi32>
      %add3A_270 = arith.addi %and3A_267, %add3A_269 : vector<16xi32>
      %add3A_271 = arith.addi %mul3A_244, %add3A_270 : vector<16xi32>
      %gather3A = tpu.vector_load_idx %arg15[%add3A_234, %add3A_271] : memref<128x128xf32, #tpu.memory_space<vmem>>[vector<16xi32>, vector<16xi32>], vector<16xf32>,
      %add3A_272 = arith.addi %mul3A_252, %add3A_270 : vector<16xi32>
      %gather3A_273 = tpu.vector_load_idx %arg16[%add3A_234, %add3A_272] : memref<128x128xf32, #tpu.memory_space<vmem>>[vector<16xi32>, vector<16xi32>], vector<16xf32>,
      %add3A_274 = arith.addi %mul3A_252, %add3A_270 : vector<16xi32>
      %gather3A_275 = tpu.vector_load_idx %arg17[%add3A_234, %add3A_274] : memref<128x128xf32, #tpu.memory_space<vmem>>[vector<16xi32>, vector<16xi32>], vector<16xf32>,
      %add3A_276 = arith.addf %gather3A_273, %gather3A_275 : vector<16xf32>
      %add3A_277 = arith.addi %mul3A_260, %add3A_270 : vector<16xi32>
      %gather3A_278 = tpu.vector_load_idx %arg18[%add3A_234, %add3A_277] : memref<128x128xf32, #tpu.memory_space<vmem>>[vector<16xi32>, vector<16xi32>], vector<16xf32>,
      %add3A_279 = arith.addi %mul3A_260, %add3A_270 : vector<16xi32>
      %gather3A_280 = tpu.vector_load_idx %arg19[%add3A_234, %add3A_279] : memref<128x128xf32, #tpu.memory_space<vmem>>[vector<16xi32>, vector<16xi32>], vector<16xf32>,
      %add3A_281 = arith.addf %gather3A_278, %gather3A_280 : vector<16xf32>
      %sub3A = arith.subf %add3A_276, %add3A_281 : vector<16xf32>
      %mul3A_282 = arith.mulf %gather3A, %sub3A : vector<16xf32>
      %add3A_283 = arith.addf %broadcast_in_dim3A_261, %mul3A_282 : vector<16xf32>
      %add3A_284 = arith.constant 0 : i32
      %add3A_285 = vector.broadcast %add3A_284 : i32 to vector<16xi32>
      %add3A_286 = arith.addi %iota3A, %add3A_285 : vector<16xi32>
      %and3A_287 = arith.constant 15 : i32
      %and3A_288 = vector.broadcast %and3A_287 : i32 to vector<16xi32>
      %and3A_289 = arith.andi %add3A_286, %and3A_288 : vector<16xi32>
      %add3A_290 = arith.constant 16 : i32
      %add3A_291 = vector.broadcast %add3A_290 : i32 to vector<16xi32>
      %add3A_292 = arith.addi %and3A_289, %add3A_291 : vector<16xi32>
      %add3A_293 = arith.addi %mul3A_244, %add3A_292 : vector<16xi32>
      %gather3A_294 = tpu.vector_load_idx %arg15[%add3A_234, %add3A_293] : memref<128x128xf32, #tpu.memory_space<vmem>>[vector<16xi32>, vector<16xi32>], vector<16xf32>,
      %add3A_295 = arith.addi %mul3A_252, %add3A_292 : vector<16xi32>
      %gather3A_296 = tpu.vector_load_idx %arg16[%add3A_234, %add3A_295] : memref<128x128xf32, #tpu.memory_space<vmem>>[vector<16xi32>, vector<16xi32>], vector<16xf32>,
      %add3A_297 = arith.addi %mul3A_252, %add3A_292 : vector<16xi32>
      %gather3A_298 = tpu.vector_load_idx %arg17[%add3A_234, %add3A_297] : memref<128x128xf32, #tpu.memory_space<vmem>>[vector<16xi32>, vector<16xi32>], vector<16xf32>,
      %add3A_299 = arith.addf %gather3A_296, %gather3A_298 : vector<16xf32>
      %add3A_300 = arith.addi %mul3A_260, %add3A_292 : vector<16xi32>
      %gather3A_301 = tpu.vector_load_idx %arg18[%add3A_234, %add3A_300] : memref<128x128xf32, #tpu.memory_space<vmem>>[vector<16xi32>, vector<16xi32>], vector<16xf32>,
      %add3A_302 = arith.addi %mul3A_260, %add3A_292 : vector<16xi32>
      %gather3A_303 = tpu.vector_load_idx %arg19[%add3A_234, %add3A_302] : memref<128x128xf32, #tpu.memory_space<vmem>>[vector<16xi32>, vector<16xi32>], vector<16xf32>,
      %add3A_304 = arith.addf %gather3A_301, %gather3A_303 : vector<16xf32>
      %sub3A_305 = arith.subf %add3A_299, %add3A_304 : vector<16xf32>
      %mul3A_306 = arith.mulf %gather3A_294, %sub3A_305 : vector<16xf32>
      %add3A_307 = arith.addf %add3A_283, %mul3A_306 : vector<16xf32>
      %add3A_308 = arith.constant 1 : i32
      %add3A_309 = vector.broadcast %add3A_308 : i32 to vector<16xi32>
      %add3A_310 = arith.addi %iota3A, %add3A_309 : vector<16xi32>
      %and3A_311 = arith.constant 15 : i32
      %and3A_312 = vector.broadcast %and3A_311 : i32 to vector<16xi32>
      %and3A_313 = arith.andi %add3A_310, %and3A_312 : vector<16xi32>
      %add3A_314 = arith.constant 0 : i32
      %add3A_315 = vector.broadcast %add3A_314 : i32 to vector<16xi32>
      %add3A_316 = arith.addi %and3A_313, %add3A_315 : vector<16xi32>
      %add3A_317 = arith.addi %mul3A_244, %add3A_316 : vector<16xi32>
      %gather3A_318 = tpu.vector_load_idx %arg15[%add3A_234, %add3A_317] : memref<128x128xf32, #tpu.memory_space<vmem>>[vector<16xi32>, vector<16xi32>], vector<16xf32>,
      %add3A_319 = arith.addi %mul3A_252, %add3A_316 : vector<16xi32>
      %gather3A_320 = tpu.vector_load_idx %arg16[%add3A_234, %add3A_319] : memref<128x128xf32, #tpu.memory_space<vmem>>[vector<16xi32>, vector<16xi32>], vector<16xf32>,
      %add3A_321 = arith.addi %mul3A_252, %add3A_316 : vector<16xi32>
      %gather3A_322 = tpu.vector_load_idx %arg17[%add3A_234, %add3A_321] : memref<128x128xf32, #tpu.memory_space<vmem>>[vector<16xi32>, vector<16xi32>], vector<16xf32>,
      %add3A_323 = arith.addf %gather3A_320, %gather3A_322 : vector<16xf32>
      %add3A_324 = arith.addi %mul3A_260, %add3A_316 : vector<16xi32>
      %gather3A_325 = tpu.vector_load_idx %arg18[%add3A_234, %add3A_324] : memref<128x128xf32, #tpu.memory_space<vmem>>[vector<16xi32>, vector<16xi32>], vector<16xf32>,
      %add3A_326 = arith.addi %mul3A_260, %add3A_316 : vector<16xi32>
      %gather3A_327 = tpu.vector_load_idx %arg19[%add3A_234, %add3A_326] : memref<128x128xf32, #tpu.memory_space<vmem>>[vector<16xi32>, vector<16xi32>], vector<16xf32>,
      %add3A_328 = arith.addf %gather3A_325, %gather3A_327 : vector<16xf32>
      %sub3A_329 = arith.subf %add3A_323, %add3A_328 : vector<16xf32>
      %mul3A_330 = arith.mulf %gather3A_318, %sub3A_329 : vector<16xf32>
      %add3A_331 = arith.addf %add3A_307, %mul3A_330 : vector<16xf32>
      %add3A_332 = arith.constant 1 : i32
      %add3A_333 = vector.broadcast %add3A_332 : i32 to vector<16xi32>
      %add3A_334 = arith.addi %iota3A, %add3A_333 : vector<16xi32>
      %and3A_335 = arith.constant 15 : i32
      %and3A_336 = vector.broadcast %and3A_335 : i32 to vector<16xi32>
      %and3A_337 = arith.andi %add3A_334, %and3A_336 : vector<16xi32>
      %add3A_338 = arith.constant 16 : i32
      %add3A_339 = vector.broadcast %add3A_338 : i32 to vector<16xi32>
      %add3A_340 = arith.addi %and3A_337, %add3A_339 : vector<16xi32>
      %add3A_341 = arith.addi %mul3A_244, %add3A_340 : vector<16xi32>
      %gather3A_342 = tpu.vector_load_idx %arg15[%add3A_234, %add3A_341] : memref<128x128xf32, #tpu.memory_space<vmem>>[vector<16xi32>, vector<16xi32>], vector<16xf32>,
      %add3A_343 = arith.addi %mul3A_252, %add3A_340 : vector<16xi32>
      %gather3A_344 = tpu.vector_load_idx %arg16[%add3A_234, %add3A_343] : memref<128x128xf32, #tpu.memory_space<vmem>>[vector<16xi32>, vector<16xi32>], vector<16xf32>,
      %add3A_345 = arith.addi %mul3A_252, %add3A_340 : vector<16xi32>
      %gather3A_346 = tpu.vector_load_idx %arg17[%add3A_234, %add3A_345] : memref<128x128xf32, #tpu.memory_space<vmem>>[vector<16xi32>, vector<16xi32>], vector<16xf32>,
      %add3A_347 = arith.addf %gather3A_344, %gather3A_346 : vector<16xf32>
      %add3A_348 = arith.addi %mul3A_260, %add3A_340 : vector<16xi32>
      %gather3A_349 = tpu.vector_load_idx %arg18[%add3A_234, %add3A_348] : memref<128x128xf32, #tpu.memory_space<vmem>>[vector<16xi32>, vector<16xi32>], vector<16xf32>,
      %add3A_350 = arith.addi %mul3A_260, %add3A_340 : vector<16xi32>
      %gather3A_351 = tpu.vector_load_idx %arg19[%add3A_234, %add3A_350] : memref<128x128xf32, #tpu.memory_space<vmem>>[vector<16xi32>, vector<16xi32>], vector<16xf32>,
      %add3A_352 = arith.addf %gather3A_349, %gather3A_351 : vector<16xf32>
      %sub3A_353 = arith.subf %add3A_347, %add3A_352 : vector<16xf32>
      %mul3A_354 = arith.mulf %gather3A_342, %sub3A_353 : vector<16xf32>
      %add3A_355 = arith.addf %add3A_331, %mul3A_354 : vector<16xf32>
      %add3A_356 = arith.constant 2 : i32
      %add3A_357 = vector.broadcast %add3A_356 : i32 to vector<16xi32>
      %add3A_358 = arith.addi %iota3A, %add3A_357 : vector<16xi32>
      %and3A_359 = arith.constant 15 : i32
      %and3A_360 = vector.broadcast %and3A_359 : i32 to vector<16xi32>
      %and3A_361 = arith.andi %add3A_358, %and3A_360 : vector<16xi32>
      %add3A_362 = arith.constant 0 : i32
      %add3A_363 = vector.broadcast %add3A_362 : i32 to vector<16xi32>
      %add3A_364 = arith.addi %and3A_361, %add3A_363 : vector<16xi32>
      %add3A_365 = arith.addi %mul3A_244, %add3A_364 : vector<16xi32>
      %gather3A_366 = tpu.vector_load_idx %arg15[%add3A_234, %add3A_365] : memref<128x128xf32, #tpu.memory_space<vmem>>[vector<16xi32>, vector<16xi32>], vector<16xf32>,
      %add3A_367 = arith.addi %mul3A_252, %add3A_364 : vector<16xi32>
      %gather3A_368 = tpu.vector_load_idx %arg16[%add3A_234, %add3A_367] : memref<128x128xf32, #tpu.memory_space<vmem>>[vector<16xi32>, vector<16xi32>], vector<16xf32>,
      %add3A_369 = arith.addi %mul3A_252, %add3A_364 : vector<16xi32>
      %gather3A_370 = tpu.vector_load_idx %arg17[%add3A_234, %add3A_369] : memref<128x128xf32, #tpu.memory_space<vmem>>[vector<16xi32>, vector<16xi32>], vector<16xf32>,
      %add3A_371 = arith.addf %gather3A_368, %gather3A_370 : vector<16xf32>
      %add3A_372 = arith.addi %mul3A_260, %add3A_364 : vector<16xi32>
      %gather3A_373 = tpu.vector_load_idx %arg18[%add3A_234, %add3A_372] : memref<128x128xf32, #tpu.memory_space<vmem>>[vector<16xi32>, vector<16xi32>], vector<16xf32>,
      %add3A_374 = arith.addi %mul3A_260, %add3A_364 : vector<16xi32>
      %gather3A_375 = tpu.vector_load_idx %arg19[%add3A_234, %add3A_374] : memref<128x128xf32, #tpu.memory_space<vmem>>[vector<16xi32>, vector<16xi32>], vector<16xf32>,
      %add3A_376 = arith.addf %gather3A_373, %gather3A_375 : vector<16xf32>
      %sub3A_377 = arith.subf %add3A_371, %add3A_376 : vector<16xf32>
      %mul3A_378 = arith.mulf %gather3A_366, %sub3A_377 : vector<16xf32>
      %add3A_379 = arith.addf %add3A_355, %mul3A_378 : vector<16xf32>
      %add3A_380 = arith.constant 2 : i32
      %add3A_381 = vector.broadcast %add3A_380 : i32 to vector<16xi32>
      %add3A_382 = arith.addi %iota3A, %add3A_381 : vector<16xi32>
      %and3A_383 = arith.constant 15 : i32
      %and3A_384 = vector.broadcast %and3A_383 : i32 to vector<16xi32>
      %and3A_385 = arith.andi %add3A_382, %and3A_384 : vector<16xi32>
      %add3A_386 = arith.constant 16 : i32
      %add3A_387 = vector.broadcast %add3A_386 : i32 to vector<16xi32>
      %add3A_388 = arith.addi %and3A_385, %add3A_387 : vector<16xi32>
      %add3A_389 = arith.addi %mul3A_244, %add3A_388 : vector<16xi32>
      %gather3A_390 = tpu.vector_load_idx %arg15[%add3A_234, %add3A_389] : memref<128x128xf32, #tpu.memory_space<vmem>>[vector<16xi32>, vector<16xi32>], vector<16xf32>,
      %add3A_391 = arith.addi %mul3A_252, %add3A_388 : vector<16xi32>
      %gather3A_392 = tpu.vector_load_idx %arg16[%add3A_234, %add3A_391] : memref<128x128xf32, #tpu.memory_space<vmem>>[vector<16xi32>, vector<16xi32>], vector<16xf32>,
      %add3A_393 = arith.addi %mul3A_252, %add3A_388 : vector<16xi32>
      %gather3A_394 = tpu.vector_load_idx %arg17[%add3A_234, %add3A_393] : memref<128x128xf32, #tpu.memory_space<vmem>>[vector<16xi32>, vector<16xi32>], vector<16xf32>,
      %add3A_395 = arith.addf %gather3A_392, %gather3A_394 : vector<16xf32>
      %add3A_396 = arith.addi %mul3A_260, %add3A_388 : vector<16xi32>
      %gather3A_397 = tpu.vector_load_idx %arg18[%add3A_234, %add3A_396] : memref<128x128xf32, #tpu.memory_space<vmem>>[vector<16xi32>, vector<16xi32>], vector<16xf32>,
      %add3A_398 = arith.addi %mul3A_260, %add3A_388 : vector<16xi32>
      %gather3A_399 = tpu.vector_load_idx %arg19[%add3A_234, %add3A_398] : memref<128x128xf32, #tpu.memory_space<vmem>>[vector<16xi32>, vector<16xi32>], vector<16xf32>,
      %add3A_400 = arith.addf %gather3A_397, %gather3A_399 : vector<16xf32>
      %sub3A_401 = arith.subf %add3A_395, %add3A_400 : vector<16xf32>
      %mul3A_402 = arith.mulf %gather3A_390, %sub3A_401 : vector<16xf32>
      %add3A_403 = arith.addf %add3A_379, %mul3A_402 : vector<16xf32>
      %add3A_404 = arith.constant 3 : i32
      %add3A_405 = vector.broadcast %add3A_404 : i32 to vector<16xi32>
      %add3A_406 = arith.addi %iota3A, %add3A_405 : vector<16xi32>
      %and3A_407 = arith.constant 15 : i32
      %and3A_408 = vector.broadcast %and3A_407 : i32 to vector<16xi32>
      %and3A_409 = arith.andi %add3A_406, %and3A_408 : vector<16xi32>
      %add3A_410 = arith.constant 0 : i32
      %add3A_411 = vector.broadcast %add3A_410 : i32 to vector<16xi32>
      %add3A_412 = arith.addi %and3A_409, %add3A_411 : vector<16xi32>
      %add3A_413 = arith.addi %mul3A_244, %add3A_412 : vector<16xi32>
      %gather3A_414 = tpu.vector_load_idx %arg15[%add3A_234, %add3A_413] : memref<128x128xf32, #tpu.memory_space<vmem>>[vector<16xi32>, vector<16xi32>], vector<16xf32>,
      %add3A_415 = arith.addi %mul3A_252, %add3A_412 : vector<16xi32>
      %gather3A_416 = tpu.vector_load_idx %arg16[%add3A_234, %add3A_415] : memref<128x128xf32, #tpu.memory_space<vmem>>[vector<16xi32>, vector<16xi32>], vector<16xf32>,
      %add3A_417 = arith.addi %mul3A_252, %add3A_412 : vector<16xi32>
      %gather3A_418 = tpu.vector_load_idx %arg17[%add3A_234, %add3A_417] : memref<128x128xf32, #tpu.memory_space<vmem>>[vector<16xi32>, vector<16xi32>], vector<16xf32>,
      %add3A_419 = arith.addf %gather3A_416, %gather3A_418 : vector<16xf32>
      %add3A_420 = arith.addi %mul3A_260, %add3A_412 : vector<16xi32>
      %gather3A_421 = tpu.vector_load_idx %arg18[%add3A_234, %add3A_420] : memref<128x128xf32, #tpu.memory_space<vmem>>[vector<16xi32>, vector<16xi32>], vector<16xf32>,
      %add3A_422 = arith.addi %mul3A_260, %add3A_412 : vector<16xi32>
      %gather3A_423 = tpu.vector_load_idx %arg19[%add3A_234, %add3A_422] : memref<128x128xf32, #tpu.memory_space<vmem>>[vector<16xi32>, vector<16xi32>], vector<16xf32>,
      %add3A_424 = arith.addf %gather3A_421, %gather3A_423 : vector<16xf32>
      %sub3A_425 = arith.subf %add3A_419, %add3A_424 : vector<16xf32>
      %mul3A_426 = arith.mulf %gather3A_414, %sub3A_425 : vector<16xf32>
      %add3A_427 = arith.addf %add3A_403, %mul3A_426 : vector<16xf32>
      %add3A_428 = arith.constant 3 : i32
      %add3A_429 = vector.broadcast %add3A_428 : i32 to vector<16xi32>
      %add3A_430 = arith.addi %iota3A, %add3A_429 : vector<16xi32>
      %and3A_431 = arith.constant 15 : i32
      %and3A_432 = vector.broadcast %and3A_431 : i32 to vector<16xi32>
      %and3A_433 = arith.andi %add3A_430, %and3A_432 : vector<16xi32>
      %add3A_434 = arith.constant 16 : i32
      %add3A_435 = vector.broadcast %add3A_434 : i32 to vector<16xi32>
      %add3A_436 = arith.addi %and3A_433, %add3A_435 : vector<16xi32>
      %add3A_437 = arith.addi %mul3A_244, %add3A_436 : vector<16xi32>
      %gather3A_438 = tpu.vector_load_idx %arg15[%add3A_234, %add3A_437] : memref<128x128xf32, #tpu.memory_space<vmem>>[vector<16xi32>, vector<16xi32>], vector<16xf32>,
      %add3A_439 = arith.addi %mul3A_252, %add3A_436 : vector<16xi32>
      %gather3A_440 = tpu.vector_load_idx %arg16[%add3A_234, %add3A_439] : memref<128x128xf32, #tpu.memory_space<vmem>>[vector<16xi32>, vector<16xi32>], vector<16xf32>,
      %add3A_441 = arith.addi %mul3A_252, %add3A_436 : vector<16xi32>
      %gather3A_442 = tpu.vector_load_idx %arg17[%add3A_234, %add3A_441] : memref<128x128xf32, #tpu.memory_space<vmem>>[vector<16xi32>, vector<16xi32>], vector<16xf32>,
      %add3A_443 = arith.addf %gather3A_440, %gather3A_442 : vector<16xf32>
      %add3A_444 = arith.addi %mul3A_260, %add3A_436 : vector<16xi32>
      %gather3A_445 = tpu.vector_load_idx %arg18[%add3A_234, %add3A_444] : memref<128x128xf32, #tpu.memory_space<vmem>>[vector<16xi32>, vector<16xi32>], vector<16xf32>,
      %add3A_446 = arith.addi %mul3A_260, %add3A_436 : vector<16xi32>
      %gather3A_447 = tpu.vector_load_idx %arg19[%add3A_234, %add3A_446] : memref<128x128xf32, #tpu.memory_space<vmem>>[vector<16xi32>, vector<16xi32>], vector<16xf32>,
      %add3A_448 = arith.addf %gather3A_445, %gather3A_447 : vector<16xf32>
      %sub3A_449 = arith.subf %add3A_443, %add3A_448 : vector<16xf32>
      %mul3A_450 = arith.mulf %gather3A_438, %sub3A_449 : vector<16xf32>
      %add3A_451 = arith.addf %add3A_427, %mul3A_450 : vector<16xf32>
      %add3A_452 = arith.constant 4 : i32
      %add3A_453 = vector.broadcast %add3A_452 : i32 to vector<16xi32>
      %add3A_454 = arith.addi %iota3A, %add3A_453 : vector<16xi32>
      %and3A_455 = arith.constant 15 : i32
      %and3A_456 = vector.broadcast %and3A_455 : i32 to vector<16xi32>
      %and3A_457 = arith.andi %add3A_454, %and3A_456 : vector<16xi32>
      %add3A_458 = arith.constant 0 : i32
      %add3A_459 = vector.broadcast %add3A_458 : i32 to vector<16xi32>
      %add3A_460 = arith.addi %and3A_457, %add3A_459 : vector<16xi32>
      %add3A_461 = arith.addi %mul3A_244, %add3A_460 : vector<16xi32>
      %gather3A_462 = tpu.vector_load_idx %arg15[%add3A_234, %add3A_461] : memref<128x128xf32, #tpu.memory_space<vmem>>[vector<16xi32>, vector<16xi32>], vector<16xf32>,
      %add3A_463 = arith.addi %mul3A_252, %add3A_460 : vector<16xi32>
      %gather3A_464 = tpu.vector_load_idx %arg16[%add3A_234, %add3A_463] : memref<128x128xf32, #tpu.memory_space<vmem>>[vector<16xi32>, vector<16xi32>], vector<16xf32>,
      %add3A_465 = arith.addi %mul3A_252, %add3A_460 : vector<16xi32>
      %gather3A_466 = tpu.vector_load_idx %arg17[%add3A_234, %add3A_465] : memref<128x128xf32, #tpu.memory_space<vmem>>[vector<16xi32>, vector<16xi32>], vector<16xf32>,
      %add3A_467 = arith.addf %gather3A_464, %gather3A_466 : vector<16xf32>
      %add3A_468 = arith.addi %mul3A_260, %add3A_460 : vector<16xi32>
      %gather3A_469 = tpu.vector_load_idx %arg18[%add3A_234, %add3A_468] : memref<128x128xf32, #tpu.memory_space<vmem>>[vector<16xi32>, vector<16xi32>], vector<16xf32>,
      %add3A_470 = arith.addi %mul3A_260, %add3A_460 : vector<16xi32>
      %gather3A_471 = tpu.vector_load_idx %arg19[%add3A_234, %add3A_470] : memref<128x128xf32, #tpu.memory_space<vmem>>[vector<16xi32>, vector<16xi32>], vector<16xf32>,
      %add3A_472 = arith.addf %gather3A_469, %gather3A_471 : vector<16xf32>
      %sub3A_473 = arith.subf %add3A_467, %add3A_472 : vector<16xf32>
      %mul3A_474 = arith.mulf %gather3A_462, %sub3A_473 : vector<16xf32>
      %add3A_475 = arith.addf %add3A_451, %mul3A_474 : vector<16xf32>
      %add3A_476 = arith.constant 4 : i32
      %add3A_477 = vector.broadcast %add3A_476 : i32 to vector<16xi32>
      %add3A_478 = arith.addi %iota3A, %add3A_477 : vector<16xi32>
      %and3A_479 = arith.constant 15 : i32
      %and3A_480 = vector.broadcast %and3A_479 : i32 to vector<16xi32>
      %and3A_481 = arith.andi %add3A_478, %and3A_480 : vector<16xi32>
      %add3A_482 = arith.constant 16 : i32
      %add3A_483 = vector.broadcast %add3A_482 : i32 to vector<16xi32>
      %add3A_484 = arith.addi %and3A_481, %add3A_483 : vector<16xi32>
      %add3A_485 = arith.addi %mul3A_244, %add3A_484 : vector<16xi32>
      %gather3A_486 = tpu.vector_load_idx %arg15[%add3A_234, %add3A_485] : memref<128x128xf32, #tpu.memory_space<vmem>>[vector<16xi32>, vector<16xi32>], vector<16xf32>,
      %add3A_487 = arith.addi %mul3A_252, %add3A_484 : vector<16xi32>
      %gather3A_488 = tpu.vector_load_idx %arg16[%add3A_234, %add3A_487] : memref<128x128xf32, #tpu.memory_space<vmem>>[vector<16xi32>, vector<16xi32>], vector<16xf32>,
      %add3A_489 = arith.addi %mul3A_252, %add3A_484 : vector<16xi32>
      %gather3A_490 = tpu.vector_load_idx %arg17[%add3A_234, %add3A_489] : memref<128x128xf32, #tpu.memory_space<vmem>>[vector<16xi32>, vector<16xi32>], vector<16xf32>,
      %add3A_491 = arith.addf %gather3A_488, %gather3A_490 : vector<16xf32>
      %add3A_492 = arith.addi %mul3A_260, %add3A_484 : vector<16xi32>
      %gather3A_493 = tpu.vector_load_idx %arg18[%add3A_234, %add3A_492] : memref<128x128xf32, #tpu.memory_space<vmem>>[vector<16xi32>, vector<16xi32>], vector<16xf32>,
      %add3A_494 = arith.addi %mul3A_260, %add3A_484 : vector<16xi32>
      %gather3A_495 = tpu.vector_load_idx %arg19[%add3A_234, %add3A_494] : memref<128x128xf32, #tpu.memory_space<vmem>>[vector<16xi32>, vector<16xi32>], vector<16xf32>,
      %add3A_496 = arith.addf %gather3A_493, %gather3A_495 : vector<16xf32>
      %sub3A_497 = arith.subf %add3A_491, %add3A_496 : vector<16xf32>
      %mul3A_498 = arith.mulf %gather3A_486, %sub3A_497 : vector<16xf32>
      %add3A_499 = arith.addf %add3A_475, %mul3A_498 : vector<16xf32>
      %add3A_500 = arith.constant 5 : i32
      %add3A_501 = vector.broadcast %add3A_500 : i32 to vector<16xi32>
      %add3A_502 = arith.addi %iota3A, %add3A_501 : vector<16xi32>
      %and3A_503 = arith.constant 15 : i32
      %and3A_504 = vector.broadcast %and3A_503 : i32 to vector<16xi32>
      %and3A_505 = arith.andi %add3A_502, %and3A_504 : vector<16xi32>
      %add3A_506 = arith.constant 0 : i32
      %add3A_507 = vector.broadcast %add3A_506 : i32 to vector<16xi32>
      %add3A_508 = arith.addi %and3A_505, %add3A_507 : vector<16xi32>
      %add3A_509 = arith.addi %mul3A_244, %add3A_508 : vector<16xi32>
      %gather3A_510 = tpu.vector_load_idx %arg15[%add3A_234, %add3A_509] : memref<128x128xf32, #tpu.memory_space<vmem>>[vector<16xi32>, vector<16xi32>], vector<16xf32>,
      %add3A_511 = arith.addi %mul3A_252, %add3A_508 : vector<16xi32>
      %gather3A_512 = tpu.vector_load_idx %arg16[%add3A_234, %add3A_511] : memref<128x128xf32, #tpu.memory_space<vmem>>[vector<16xi32>, vector<16xi32>], vector<16xf32>,
      %add3A_513 = arith.addi %mul3A_252, %add3A_508 : vector<16xi32>
      %gather3A_514 = tpu.vector_load_idx %arg17[%add3A_234, %add3A_513] : memref<128x128xf32, #tpu.memory_space<vmem>>[vector<16xi32>, vector<16xi32>], vector<16xf32>,
      %add3A_515 = arith.addf %gather3A_512, %gather3A_514 : vector<16xf32>
      %add3A_516 = arith.addi %mul3A_260, %add3A_508 : vector<16xi32>
      %gather3A_517 = tpu.vector_load_idx %arg18[%add3A_234, %add3A_516] : memref<128x128xf32, #tpu.memory_space<vmem>>[vector<16xi32>, vector<16xi32>], vector<16xf32>,
      %add3A_518 = arith.addi %mul3A_260, %add3A_508 : vector<16xi32>
      %gather3A_519 = tpu.vector_load_idx %arg19[%add3A_234, %add3A_518] : memref<128x128xf32, #tpu.memory_space<vmem>>[vector<16xi32>, vector<16xi32>], vector<16xf32>,
      %add3A_520 = arith.addf %gather3A_517, %gather3A_519 : vector<16xf32>
      %sub3A_521 = arith.subf %add3A_515, %add3A_520 : vector<16xf32>
      %mul3A_522 = arith.mulf %gather3A_510, %sub3A_521 : vector<16xf32>
      %add3A_523 = arith.addf %add3A_499, %mul3A_522 : vector<16xf32>
      %add3A_524 = arith.constant 5 : i32
      %add3A_525 = vector.broadcast %add3A_524 : i32 to vector<16xi32>
      %add3A_526 = arith.addi %iota3A, %add3A_525 : vector<16xi32>
      %and3A_527 = arith.constant 15 : i32
      %and3A_528 = vector.broadcast %and3A_527 : i32 to vector<16xi32>
      %and3A_529 = arith.andi %add3A_526, %and3A_528 : vector<16xi32>
      %add3A_530 = arith.constant 16 : i32
      %add3A_531 = vector.broadcast %add3A_530 : i32 to vector<16xi32>
      %add3A_532 = arith.addi %and3A_529, %add3A_531 : vector<16xi32>
      %add3A_533 = arith.addi %mul3A_244, %add3A_532 : vector<16xi32>
      %gather3A_534 = tpu.vector_load_idx %arg15[%add3A_234, %add3A_533] : memref<128x128xf32, #tpu.memory_space<vmem>>[vector<16xi32>, vector<16xi32>], vector<16xf32>,
      %add3A_535 = arith.addi %mul3A_252, %add3A_532 : vector<16xi32>
      %gather3A_536 = tpu.vector_load_idx %arg16[%add3A_234, %add3A_535] : memref<128x128xf32, #tpu.memory_space<vmem>>[vector<16xi32>, vector<16xi32>], vector<16xf32>,
      %add3A_537 = arith.addi %mul3A_252, %add3A_532 : vector<16xi32>
      %gather3A_538 = tpu.vector_load_idx %arg17[%add3A_234, %add3A_537] : memref<128x128xf32, #tpu.memory_space<vmem>>[vector<16xi32>, vector<16xi32>], vector<16xf32>,
      %add3A_539 = arith.addf %gather3A_536, %gather3A_538 : vector<16xf32>
      %add3A_540 = arith.addi %mul3A_260, %add3A_532 : vector<16xi32>
      %gather3A_541 = tpu.vector_load_idx %arg18[%add3A_234, %add3A_540] : memref<128x128xf32, #tpu.memory_space<vmem>>[vector<16xi32>, vector<16xi32>], vector<16xf32>,
      %add3A_542 = arith.addi %mul3A_260, %add3A_532 : vector<16xi32>
      %gather3A_543 = tpu.vector_load_idx %arg19[%add3A_234, %add3A_542] : memref<128x128xf32, #tpu.memory_space<vmem>>[vector<16xi32>, vector<16xi32>], vector<16xf32>,
      %add3A_544 = arith.addf %gather3A_541, %gather3A_543 : vector<16xf32>
      %sub3A_545 = arith.subf %add3A_539, %add3A_544 : vector<16xf32>
      %mul3A_546 = arith.mulf %gather3A_534, %sub3A_545 : vector<16xf32>
      %add3A_547 = arith.addf %add3A_523, %mul3A_546 : vector<16xf32>
      %add3A_548 = arith.constant 6 : i32
      %add3A_549 = vector.broadcast %add3A_548 : i32 to vector<16xi32>
      %add3A_550 = arith.addi %iota3A, %add3A_549 : vector<16xi32>
      %and3A_551 = arith.constant 15 : i32
      %and3A_552 = vector.broadcast %and3A_551 : i32 to vector<16xi32>
      %and3A_553 = arith.andi %add3A_550, %and3A_552 : vector<16xi32>
      %add3A_554 = arith.constant 0 : i32
      %add3A_555 = vector.broadcast %add3A_554 : i32 to vector<16xi32>
      %add3A_556 = arith.addi %and3A_553, %add3A_555 : vector<16xi32>
      %add3A_557 = arith.addi %mul3A_244, %add3A_556 : vector<16xi32>
      %gather3A_558 = tpu.vector_load_idx %arg15[%add3A_234, %add3A_557] : memref<128x128xf32, #tpu.memory_space<vmem>>[vector<16xi32>, vector<16xi32>], vector<16xf32>,
      %add3A_559 = arith.addi %mul3A_252, %add3A_556 : vector<16xi32>
      %gather3A_560 = tpu.vector_load_idx %arg16[%add3A_234, %add3A_559] : memref<128x128xf32, #tpu.memory_space<vmem>>[vector<16xi32>, vector<16xi32>], vector<16xf32>,
      %add3A_561 = arith.addi %mul3A_252, %add3A_556 : vector<16xi32>
      %gather3A_562 = tpu.vector_load_idx %arg17[%add3A_234, %add3A_561] : memref<128x128xf32, #tpu.memory_space<vmem>>[vector<16xi32>, vector<16xi32>], vector<16xf32>,
      %add3A_563 = arith.addf %gather3A_560, %gather3A_562 : vector<16xf32>
      %add3A_564 = arith.addi %mul3A_260, %add3A_556 : vector<16xi32>
      %gather3A_565 = tpu.vector_load_idx %arg18[%add3A_234, %add3A_564] : memref<128x128xf32, #tpu.memory_space<vmem>>[vector<16xi32>, vector<16xi32>], vector<16xf32>,
      %add3A_566 = arith.addi %mul3A_260, %add3A_556 : vector<16xi32>
      %gather3A_567 = tpu.vector_load_idx %arg19[%add3A_234, %add3A_566] : memref<128x128xf32, #tpu.memory_space<vmem>>[vector<16xi32>, vector<16xi32>], vector<16xf32>,
      %add3A_568 = arith.addf %gather3A_565, %gather3A_567 : vector<16xf32>
      %sub3A_569 = arith.subf %add3A_563, %add3A_568 : vector<16xf32>
      %mul3A_570 = arith.mulf %gather3A_558, %sub3A_569 : vector<16xf32>
      %add3A_571 = arith.addf %add3A_547, %mul3A_570 : vector<16xf32>
      %add3A_572 = arith.constant 6 : i32
      %add3A_573 = vector.broadcast %add3A_572 : i32 to vector<16xi32>
      %add3A_574 = arith.addi %iota3A, %add3A_573 : vector<16xi32>
      %and3A_575 = arith.constant 15 : i32
      %and3A_576 = vector.broadcast %and3A_575 : i32 to vector<16xi32>
      %and3A_577 = arith.andi %add3A_574, %and3A_576 : vector<16xi32>
      %add3A_578 = arith.constant 16 : i32
      %add3A_579 = vector.broadcast %add3A_578 : i32 to vector<16xi32>
      %add3A_580 = arith.addi %and3A_577, %add3A_579 : vector<16xi32>
      %add3A_581 = arith.addi %mul3A_244, %add3A_580 : vector<16xi32>
      %gather3A_582 = tpu.vector_load_idx %arg15[%add3A_234, %add3A_581] : memref<128x128xf32, #tpu.memory_space<vmem>>[vector<16xi32>, vector<16xi32>], vector<16xf32>,
      %add3A_583 = arith.addi %mul3A_252, %add3A_580 : vector<16xi32>
      %gather3A_584 = tpu.vector_load_idx %arg16[%add3A_234, %add3A_583] : memref<128x128xf32, #tpu.memory_space<vmem>>[vector<16xi32>, vector<16xi32>], vector<16xf32>,
      %add3A_585 = arith.addi %mul3A_252, %add3A_580 : vector<16xi32>
      %gather3A_586 = tpu.vector_load_idx %arg17[%add3A_234, %add3A_585] : memref<128x128xf32, #tpu.memory_space<vmem>>[vector<16xi32>, vector<16xi32>], vector<16xf32>,
      %add3A_587 = arith.addf %gather3A_584, %gather3A_586 : vector<16xf32>
      %add3A_588 = arith.addi %mul3A_260, %add3A_580 : vector<16xi32>
      %gather3A_589 = tpu.vector_load_idx %arg18[%add3A_234, %add3A_588] : memref<128x128xf32, #tpu.memory_space<vmem>>[vector<16xi32>, vector<16xi32>], vector<16xf32>,
      %add3A_590 = arith.addi %mul3A_260, %add3A_580 : vector<16xi32>
      %gather3A_591 = tpu.vector_load_idx %arg19[%add3A_234, %add3A_590] : memref<128x128xf32, #tpu.memory_space<vmem>>[vector<16xi32>, vector<16xi32>], vector<16xf32>,
      %add3A_592 = arith.addf %gather3A_589, %gather3A_591 : vector<16xf32>
      %sub3A_593 = arith.subf %add3A_587, %add3A_592 : vector<16xf32>
      %mul3A_594 = arith.mulf %gather3A_582, %sub3A_593 : vector<16xf32>
      %add3A_595 = arith.addf %add3A_571, %mul3A_594 : vector<16xf32>
      %add3A_596 = arith.constant 7 : i32
      %add3A_597 = vector.broadcast %add3A_596 : i32 to vector<16xi32>
      %add3A_598 = arith.addi %iota3A, %add3A_597 : vector<16xi32>
      %and3A_599 = arith.constant 15 : i32
      %and3A_600 = vector.broadcast %and3A_599 : i32 to vector<16xi32>
      %and3A_601 = arith.andi %add3A_598, %and3A_600 : vector<16xi32>
      %add3A_602 = arith.constant 0 : i32
      %add3A_603 = vector.broadcast %add3A_602 : i32 to vector<16xi32>
      %add3A_604 = arith.addi %and3A_601, %add3A_603 : vector<16xi32>
      %add3A_605 = arith.addi %mul3A_244, %add3A_604 : vector<16xi32>
      %gather3A_606 = tpu.vector_load_idx %arg15[%add3A_234, %add3A_605] : memref<128x128xf32, #tpu.memory_space<vmem>>[vector<16xi32>, vector<16xi32>], vector<16xf32>,
      %add3A_607 = arith.addi %mul3A_252, %add3A_604 : vector<16xi32>
      %gather3A_608 = tpu.vector_load_idx %arg16[%add3A_234, %add3A_607] : memref<128x128xf32, #tpu.memory_space<vmem>>[vector<16xi32>, vector<16xi32>], vector<16xf32>,
      %add3A_609 = arith.addi %mul3A_252, %add3A_604 : vector<16xi32>
      %gather3A_610 = tpu.vector_load_idx %arg17[%add3A_234, %add3A_609] : memref<128x128xf32, #tpu.memory_space<vmem>>[vector<16xi32>, vector<16xi32>], vector<16xf32>,
      %add3A_611 = arith.addf %gather3A_608, %gather3A_610 : vector<16xf32>
      %add3A_612 = arith.addi %mul3A_260, %add3A_604 : vector<16xi32>
      %gather3A_613 = tpu.vector_load_idx %arg18[%add3A_234, %add3A_612] : memref<128x128xf32, #tpu.memory_space<vmem>>[vector<16xi32>, vector<16xi32>], vector<16xf32>,
      %add3A_614 = arith.addi %mul3A_260, %add3A_604 : vector<16xi32>
      %gather3A_615 = tpu.vector_load_idx %arg19[%add3A_234, %add3A_614] : memref<128x128xf32, #tpu.memory_space<vmem>>[vector<16xi32>, vector<16xi32>], vector<16xf32>,
      %add3A_616 = arith.addf %gather3A_613, %gather3A_615 : vector<16xf32>
      %sub3A_617 = arith.subf %add3A_611, %add3A_616 : vector<16xf32>
      %mul3A_618 = arith.mulf %gather3A_606, %sub3A_617 : vector<16xf32>
      %add3A_619 = arith.addf %add3A_595, %mul3A_618 : vector<16xf32>
      %add3A_620 = arith.constant 7 : i32
      %add3A_621 = vector.broadcast %add3A_620 : i32 to vector<16xi32>
      %add3A_622 = arith.addi %iota3A, %add3A_621 : vector<16xi32>
      %and3A_623 = arith.constant 15 : i32
      %and3A_624 = vector.broadcast %and3A_623 : i32 to vector<16xi32>
      %and3A_625 = arith.andi %add3A_622, %and3A_624 : vector<16xi32>
      %add3A_626 = arith.constant 16 : i32
      %add3A_627 = vector.broadcast %add3A_626 : i32 to vector<16xi32>
      %add3A_628 = arith.addi %and3A_625, %add3A_627 : vector<16xi32>
      %add3A_629 = arith.addi %mul3A_244, %add3A_628 : vector<16xi32>
      %gather3A_630 = tpu.vector_load_idx %arg15[%add3A_234, %add3A_629] : memref<128x128xf32, #tpu.memory_space<vmem>>[vector<16xi32>, vector<16xi32>], vector<16xf32>,
      %add3A_631 = arith.addi %mul3A_252, %add3A_628 : vector<16xi32>
      %gather3A_632 = tpu.vector_load_idx %arg16[%add3A_234, %add3A_631] : memref<128x128xf32, #tpu.memory_space<vmem>>[vector<16xi32>, vector<16xi32>], vector<16xf32>,
      %add3A_633 = arith.addi %mul3A_252, %add3A_628 : vector<16xi32>
      %gather3A_634 = tpu.vector_load_idx %arg17[%add3A_234, %add3A_633] : memref<128x128xf32, #tpu.memory_space<vmem>>[vector<16xi32>, vector<16xi32>], vector<16xf32>,
      %add3A_635 = arith.addf %gather3A_632, %gather3A_634 : vector<16xf32>
      %add3A_636 = arith.addi %mul3A_260, %add3A_628 : vector<16xi32>
      %gather3A_637 = tpu.vector_load_idx %arg18[%add3A_234, %add3A_636] : memref<128x128xf32, #tpu.memory_space<vmem>>[vector<16xi32>, vector<16xi32>], vector<16xf32>,
      %add3A_638 = arith.addi %mul3A_260, %add3A_628 : vector<16xi32>
      %gather3A_639 = tpu.vector_load_idx %arg19[%add3A_234, %add3A_638] : memref<128x128xf32, #tpu.memory_space<vmem>>[vector<16xi32>, vector<16xi32>], vector<16xf32>,
      %add3A_640 = arith.addf %gather3A_637, %gather3A_639 : vector<16xf32>
      %sub3A_641 = arith.subf %add3A_635, %add3A_640 : vector<16xf32>
      %mul3A_642 = arith.mulf %gather3A_630, %sub3A_641 : vector<16xf32>
      %add3A_643 = arith.addf %add3A_619, %mul3A_642 : vector<16xf32>
      %add3A_644 = arith.constant 8 : i32
      %add3A_645 = vector.broadcast %add3A_644 : i32 to vector<16xi32>
      %add3A_646 = arith.addi %iota3A, %add3A_645 : vector<16xi32>
      %and3A_647 = arith.constant 15 : i32
      %and3A_648 = vector.broadcast %and3A_647 : i32 to vector<16xi32>
      %and3A_649 = arith.andi %add3A_646, %and3A_648 : vector<16xi32>
      %add3A_650 = arith.constant 0 : i32
      %add3A_651 = vector.broadcast %add3A_650 : i32 to vector<16xi32>
      %add3A_652 = arith.addi %and3A_649, %add3A_651 : vector<16xi32>
      %add3A_653 = arith.addi %mul3A_244, %add3A_652 : vector<16xi32>
      %gather3A_654 = tpu.vector_load_idx %arg15[%add3A_234, %add3A_653] : memref<128x128xf32, #tpu.memory_space<vmem>>[vector<16xi32>, vector<16xi32>], vector<16xf32>,
      %add3A_655 = arith.addi %mul3A_252, %add3A_652 : vector<16xi32>
      %gather3A_656 = tpu.vector_load_idx %arg16[%add3A_234, %add3A_655] : memref<128x128xf32, #tpu.memory_space<vmem>>[vector<16xi32>, vector<16xi32>], vector<16xf32>,
      %add3A_657 = arith.addi %mul3A_252, %add3A_652 : vector<16xi32>
      %gather3A_658 = tpu.vector_load_idx %arg17[%add3A_234, %add3A_657] : memref<128x128xf32, #tpu.memory_space<vmem>>[vector<16xi32>, vector<16xi32>], vector<16xf32>,
      %add3A_659 = arith.addf %gather3A_656, %gather3A_658 : vector<16xf32>
      %add3A_660 = arith.addi %mul3A_260, %add3A_652 : vector<16xi32>
      %gather3A_661 = tpu.vector_load_idx %arg18[%add3A_234, %add3A_660] : memref<128x128xf32, #tpu.memory_space<vmem>>[vector<16xi32>, vector<16xi32>], vector<16xf32>,
      %add3A_662 = arith.addi %mul3A_260, %add3A_652 : vector<16xi32>
      %gather3A_663 = tpu.vector_load_idx %arg19[%add3A_234, %add3A_662] : memref<128x128xf32, #tpu.memory_space<vmem>>[vector<16xi32>, vector<16xi32>], vector<16xf32>,
      %add3A_664 = arith.addf %gather3A_661, %gather3A_663 : vector<16xf32>
      %sub3A_665 = arith.subf %add3A_659, %add3A_664 : vector<16xf32>
      %mul3A_666 = arith.mulf %gather3A_654, %sub3A_665 : vector<16xf32>
      %add3A_667 = arith.addf %add3A_643, %mul3A_666 : vector<16xf32>
      %add3A_668 = arith.constant 8 : i32
      %add3A_669 = vector.broadcast %add3A_668 : i32 to vector<16xi32>
      %add3A_670 = arith.addi %iota3A, %add3A_669 : vector<16xi32>
      %and3A_671 = arith.constant 15 : i32
      %and3A_672 = vector.broadcast %and3A_671 : i32 to vector<16xi32>
      %and3A_673 = arith.andi %add3A_670, %and3A_672 : vector<16xi32>
      %add3A_674 = arith.constant 16 : i32
      %add3A_675 = vector.broadcast %add3A_674 : i32 to vector<16xi32>
      %add3A_676 = arith.addi %and3A_673, %add3A_675 : vector<16xi32>
      %add3A_677 = arith.addi %mul3A_244, %add3A_676 : vector<16xi32>
      %gather3A_678 = tpu.vector_load_idx %arg15[%add3A_234, %add3A_677] : memref<128x128xf32, #tpu.memory_space<vmem>>[vector<16xi32>, vector<16xi32>], vector<16xf32>,
      %add3A_679 = arith.addi %mul3A_252, %add3A_676 : vector<16xi32>
      %gather3A_680 = tpu.vector_load_idx %arg16[%add3A_234, %add3A_679] : memref<128x128xf32, #tpu.memory_space<vmem>>[vector<16xi32>, vector<16xi32>], vector<16xf32>,
      %add3A_681 = arith.addi %mul3A_252, %add3A_676 : vector<16xi32>
      %gather3A_682 = tpu.vector_load_idx %arg17[%add3A_234, %add3A_681] : memref<128x128xf32, #tpu.memory_space<vmem>>[vector<16xi32>, vector<16xi32>], vector<16xf32>,
      %add3A_683 = arith.addf %gather3A_680, %gather3A_682 : vector<16xf32>
      %add3A_684 = arith.addi %mul3A_260, %add3A_676 : vector<16xi32>
      %gather3A_685 = tpu.vector_load_idx %arg18[%add3A_234, %add3A_684] : memref<128x128xf32, #tpu.memory_space<vmem>>[vector<16xi32>, vector<16xi32>], vector<16xf32>,
      %add3A_686 = arith.addi %mul3A_260, %add3A_676 : vector<16xi32>
      %gather3A_687 = tpu.vector_load_idx %arg19[%add3A_234, %add3A_686] : memref<128x128xf32, #tpu.memory_space<vmem>>[vector<16xi32>, vector<16xi32>], vector<16xf32>,
      %add3A_688 = arith.addf %gather3A_685, %gather3A_687 : vector<16xf32>
      %sub3A_689 = arith.subf %add3A_683, %add3A_688 : vector<16xf32>
      %mul3A_690 = arith.mulf %gather3A_678, %sub3A_689 : vector<16xf32>
      %add3A_691 = arith.addf %add3A_667, %mul3A_690 : vector<16xf32>
      %add3A_692 = arith.constant 9 : i32
      %add3A_693 = vector.broadcast %add3A_692 : i32 to vector<16xi32>
      %add3A_694 = arith.addi %iota3A, %add3A_693 : vector<16xi32>
      %and3A_695 = arith.constant 15 : i32
      %and3A_696 = vector.broadcast %and3A_695 : i32 to vector<16xi32>
      %and3A_697 = arith.andi %add3A_694, %and3A_696 : vector<16xi32>
      %add3A_698 = arith.constant 0 : i32
      %add3A_699 = vector.broadcast %add3A_698 : i32 to vector<16xi32>
      %add3A_700 = arith.addi %and3A_697, %add3A_699 : vector<16xi32>
      %add3A_701 = arith.addi %mul3A_244, %add3A_700 : vector<16xi32>
      %gather3A_702 = tpu.vector_load_idx %arg15[%add3A_234, %add3A_701] : memref<128x128xf32, #tpu.memory_space<vmem>>[vector<16xi32>, vector<16xi32>], vector<16xf32>,
      %add3A_703 = arith.addi %mul3A_252, %add3A_700 : vector<16xi32>
      %gather3A_704 = tpu.vector_load_idx %arg16[%add3A_234, %add3A_703] : memref<128x128xf32, #tpu.memory_space<vmem>>[vector<16xi32>, vector<16xi32>], vector<16xf32>,
      %add3A_705 = arith.addi %mul3A_252, %add3A_700 : vector<16xi32>
      %gather3A_706 = tpu.vector_load_idx %arg17[%add3A_234, %add3A_705] : memref<128x128xf32, #tpu.memory_space<vmem>>[vector<16xi32>, vector<16xi32>], vector<16xf32>,
      %add3A_707 = arith.addf %gather3A_704, %gather3A_706 : vector<16xf32>
      %add3A_708 = arith.addi %mul3A_260, %add3A_700 : vector<16xi32>
      %gather3A_709 = tpu.vector_load_idx %arg18[%add3A_234, %add3A_708] : memref<128x128xf32, #tpu.memory_space<vmem>>[vector<16xi32>, vector<16xi32>], vector<16xf32>,
      %add3A_710 = arith.addi %mul3A_260, %add3A_700 : vector<16xi32>
      %gather3A_711 = tpu.vector_load_idx %arg19[%add3A_234, %add3A_710] : memref<128x128xf32, #tpu.memory_space<vmem>>[vector<16xi32>, vector<16xi32>], vector<16xf32>,
      %add3A_712 = arith.addf %gather3A_709, %gather3A_711 : vector<16xf32>
      %sub3A_713 = arith.subf %add3A_707, %add3A_712 : vector<16xf32>
      %mul3A_714 = arith.mulf %gather3A_702, %sub3A_713 : vector<16xf32>
      %add3A_715 = arith.addf %add3A_691, %mul3A_714 : vector<16xf32>
      %add3A_716 = arith.constant 9 : i32
      %add3A_717 = vector.broadcast %add3A_716 : i32 to vector<16xi32>
      %add3A_718 = arith.addi %iota3A, %add3A_717 : vector<16xi32>
      %and3A_719 = arith.constant 15 : i32
      %and3A_720 = vector.broadcast %and3A_719 : i32 to vector<16xi32>
      %and3A_721 = arith.andi %add3A_718, %and3A_720 : vector<16xi32>
      %add3A_722 = arith.constant 16 : i32
      %add3A_723 = vector.broadcast %add3A_722 : i32 to vector<16xi32>
      %add3A_724 = arith.addi %and3A_721, %add3A_723 : vector<16xi32>
      %add3A_725 = arith.addi %mul3A_244, %add3A_724 : vector<16xi32>
      %gather3A_726 = tpu.vector_load_idx %arg15[%add3A_234, %add3A_725] : memref<128x128xf32, #tpu.memory_space<vmem>>[vector<16xi32>, vector<16xi32>], vector<16xf32>,
      %add3A_727 = arith.addi %mul3A_252, %add3A_724 : vector<16xi32>
      %gather3A_728 = tpu.vector_load_idx %arg16[%add3A_234, %add3A_727] : memref<128x128xf32, #tpu.memory_space<vmem>>[vector<16xi32>, vector<16xi32>], vector<16xf32>,
      %add3A_729 = arith.addi %mul3A_252, %add3A_724 : vector<16xi32>
      %gather3A_730 = tpu.vector_load_idx %arg17[%add3A_234, %add3A_729] : memref<128x128xf32, #tpu.memory_space<vmem>>[vector<16xi32>, vector<16xi32>], vector<16xf32>,
      %add3A_731 = arith.addf %gather3A_728, %gather3A_730 : vector<16xf32>
      %add3A_732 = arith.addi %mul3A_260, %add3A_724 : vector<16xi32>
      %gather3A_733 = tpu.vector_load_idx %arg18[%add3A_234, %add3A_732] : memref<128x128xf32, #tpu.memory_space<vmem>>[vector<16xi32>, vector<16xi32>], vector<16xf32>,
      %add3A_734 = arith.addi %mul3A_260, %add3A_724 : vector<16xi32>
      %gather3A_735 = tpu.vector_load_idx %arg19[%add3A_234, %add3A_734] : memref<128x128xf32, #tpu.memory_space<vmem>>[vector<16xi32>, vector<16xi32>], vector<16xf32>,
      %add3A_736 = arith.addf %gather3A_733, %gather3A_735 : vector<16xf32>
      %sub3A_737 = arith.subf %add3A_731, %add3A_736 : vector<16xf32>
      %mul3A_738 = arith.mulf %gather3A_726, %sub3A_737 : vector<16xf32>
      %add3A_739 = arith.addf %add3A_715, %mul3A_738 : vector<16xf32>
      %add3A_740 = arith.constant 10 : i32
      %add3A_741 = vector.broadcast %add3A_740 : i32 to vector<16xi32>
      %add3A_742 = arith.addi %iota3A, %add3A_741 : vector<16xi32>
      %and3A_743 = arith.constant 15 : i32
      %and3A_744 = vector.broadcast %and3A_743 : i32 to vector<16xi32>
      %and3A_745 = arith.andi %add3A_742, %and3A_744 : vector<16xi32>
      %add3A_746 = arith.constant 0 : i32
      %add3A_747 = vector.broadcast %add3A_746 : i32 to vector<16xi32>
      %add3A_748 = arith.addi %and3A_745, %add3A_747 : vector<16xi32>
      %add3A_749 = arith.addi %mul3A_244, %add3A_748 : vector<16xi32>
      %gather3A_750 = tpu.vector_load_idx %arg15[%add3A_234, %add3A_749] : memref<128x128xf32, #tpu.memory_space<vmem>>[vector<16xi32>, vector<16xi32>], vector<16xf32>,
      %add3A_751 = arith.addi %mul3A_252, %add3A_748 : vector<16xi32>
      %gather3A_752 = tpu.vector_load_idx %arg16[%add3A_234, %add3A_751] : memref<128x128xf32, #tpu.memory_space<vmem>>[vector<16xi32>, vector<16xi32>], vector<16xf32>,
      %add3A_753 = arith.addi %mul3A_252, %add3A_748 : vector<16xi32>
      %gather3A_754 = tpu.vector_load_idx %arg17[%add3A_234, %add3A_753] : memref<128x128xf32, #tpu.memory_space<vmem>>[vector<16xi32>, vector<16xi32>], vector<16xf32>,
      %add3A_755 = arith.addf %gather3A_752, %gather3A_754 : vector<16xf32>
      %add3A_756 = arith.addi %mul3A_260, %add3A_748 : vector<16xi32>
      %gather3A_757 = tpu.vector_load_idx %arg18[%add3A_234, %add3A_756] : memref<128x128xf32, #tpu.memory_space<vmem>>[vector<16xi32>, vector<16xi32>], vector<16xf32>,
      %add3A_758 = arith.addi %mul3A_260, %add3A_748 : vector<16xi32>
      %gather3A_759 = tpu.vector_load_idx %arg19[%add3A_234, %add3A_758] : memref<128x128xf32, #tpu.memory_space<vmem>>[vector<16xi32>, vector<16xi32>], vector<16xf32>,
      %add3A_760 = arith.addf %gather3A_757, %gather3A_759 : vector<16xf32>
      %sub3A_761 = arith.subf %add3A_755, %add3A_760 : vector<16xf32>
      %mul3A_762 = arith.mulf %gather3A_750, %sub3A_761 : vector<16xf32>
      %add3A_763 = arith.addf %add3A_739, %mul3A_762 : vector<16xf32>
      %add3A_764 = arith.constant 10 : i32
      %add3A_765 = vector.broadcast %add3A_764 : i32 to vector<16xi32>
      %add3A_766 = arith.addi %iota3A, %add3A_765 : vector<16xi32>
      %and3A_767 = arith.constant 15 : i32
      %and3A_768 = vector.broadcast %and3A_767 : i32 to vector<16xi32>
      %and3A_769 = arith.andi %add3A_766, %and3A_768 : vector<16xi32>
      %add3A_770 = arith.constant 16 : i32
      %add3A_771 = vector.broadcast %add3A_770 : i32 to vector<16xi32>
      %add3A_772 = arith.addi %and3A_769, %add3A_771 : vector<16xi32>
      %add3A_773 = arith.addi %mul3A_244, %add3A_772 : vector<16xi32>
      %gather3A_774 = tpu.vector_load_idx %arg15[%add3A_234, %add3A_773] : memref<128x128xf32, #tpu.memory_space<vmem>>[vector<16xi32>, vector<16xi32>], vector<16xf32>,
      %add3A_775 = arith.addi %mul3A_252, %add3A_772 : vector<16xi32>
      %gather3A_776 = tpu.vector_load_idx %arg16[%add3A_234, %add3A_775] : memref<128x128xf32, #tpu.memory_space<vmem>>[vector<16xi32>, vector<16xi32>], vector<16xf32>,
      %add3A_777 = arith.addi %mul3A_252, %add3A_772 : vector<16xi32>
      %gather3A_778 = tpu.vector_load_idx %arg17[%add3A_234, %add3A_777] : memref<128x128xf32, #tpu.memory_space<vmem>>[vector<16xi32>, vector<16xi32>], vector<16xf32>,
      %add3A_779 = arith.addf %gather3A_776, %gather3A_778 : vector<16xf32>
      %add3A_780 = arith.addi %mul3A_260, %add3A_772 : vector<16xi32>
      %gather3A_781 = tpu.vector_load_idx %arg18[%add3A_234, %add3A_780] : memref<128x128xf32, #tpu.memory_space<vmem>>[vector<16xi32>, vector<16xi32>], vector<16xf32>,
      %add3A_782 = arith.addi %mul3A_260, %add3A_772 : vector<16xi32>
      %gather3A_783 = tpu.vector_load_idx %arg19[%add3A_234, %add3A_782] : memref<128x128xf32, #tpu.memory_space<vmem>>[vector<16xi32>, vector<16xi32>], vector<16xf32>,
      %add3A_784 = arith.addf %gather3A_781, %gather3A_783 : vector<16xf32>
      %sub3A_785 = arith.subf %add3A_779, %add3A_784 : vector<16xf32>
      %mul3A_786 = arith.mulf %gather3A_774, %sub3A_785 : vector<16xf32>
      %add3A_787 = arith.addf %add3A_763, %mul3A_786 : vector<16xf32>
      %add3A_788 = arith.constant 11 : i32
      %add3A_789 = vector.broadcast %add3A_788 : i32 to vector<16xi32>
      %add3A_790 = arith.addi %iota3A, %add3A_789 : vector<16xi32>
      %and3A_791 = arith.constant 15 : i32
      %and3A_792 = vector.broadcast %and3A_791 : i32 to vector<16xi32>
      %and3A_793 = arith.andi %add3A_790, %and3A_792 : vector<16xi32>
      %add3A_794 = arith.constant 0 : i32
      %add3A_795 = vector.broadcast %add3A_794 : i32 to vector<16xi32>
      %add3A_796 = arith.addi %and3A_793, %add3A_795 : vector<16xi32>
      %add3A_797 = arith.addi %mul3A_244, %add3A_796 : vector<16xi32>
      %gather3A_798 = tpu.vector_load_idx %arg15[%add3A_234, %add3A_797] : memref<128x128xf32, #tpu.memory_space<vmem>>[vector<16xi32>, vector<16xi32>], vector<16xf32>,
      %add3A_799 = arith.addi %mul3A_252, %add3A_796 : vector<16xi32>
      %gather3A_800 = tpu.vector_load_idx %arg16[%add3A_234, %add3A_799] : memref<128x128xf32, #tpu.memory_space<vmem>>[vector<16xi32>, vector<16xi32>], vector<16xf32>,
      %add3A_801 = arith.addi %mul3A_252, %add3A_796 : vector<16xi32>
      %gather3A_802 = tpu.vector_load_idx %arg17[%add3A_234, %add3A_801] : memref<128x128xf32, #tpu.memory_space<vmem>>[vector<16xi32>, vector<16xi32>], vector<16xf32>,
      %add3A_803 = arith.addf %gather3A_800, %gather3A_802 : vector<16xf32>
      %add3A_804 = arith.addi %mul3A_260, %add3A_796 : vector<16xi32>
      %gather3A_805 = tpu.vector_load_idx %arg18[%add3A_234, %add3A_804] : memref<128x128xf32, #tpu.memory_space<vmem>>[vector<16xi32>, vector<16xi32>], vector<16xf32>,
      %add3A_806 = arith.addi %mul3A_260, %add3A_796 : vector<16xi32>
      %gather3A_807 = tpu.vector_load_idx %arg19[%add3A_234, %add3A_806] : memref<128x128xf32, #tpu.memory_space<vmem>>[vector<16xi32>, vector<16xi32>], vector<16xf32>,
      %add3A_808 = arith.addf %gather3A_805, %gather3A_807 : vector<16xf32>
      %sub3A_809 = arith.subf %add3A_803, %add3A_808 : vector<16xf32>
      %mul3A_810 = arith.mulf %gather3A_798, %sub3A_809 : vector<16xf32>
      %add3A_811 = arith.addf %add3A_787, %mul3A_810 : vector<16xf32>
      %add3A_812 = arith.constant 11 : i32
      %add3A_813 = vector.broadcast %add3A_812 : i32 to vector<16xi32>
      %add3A_814 = arith.addi %iota3A, %add3A_813 : vector<16xi32>
      %and3A_815 = arith.constant 15 : i32
      %and3A_816 = vector.broadcast %and3A_815 : i32 to vector<16xi32>
      %and3A_817 = arith.andi %add3A_814, %and3A_816 : vector<16xi32>
      %add3A_818 = arith.constant 16 : i32
      %add3A_819 = vector.broadcast %add3A_818 : i32 to vector<16xi32>
      %add3A_820 = arith.addi %and3A_817, %add3A_819 : vector<16xi32>
      %add3A_821 = arith.addi %mul3A_244, %add3A_820 : vector<16xi32>
      %gather3A_822 = tpu.vector_load_idx %arg15[%add3A_234, %add3A_821] : memref<128x128xf32, #tpu.memory_space<vmem>>[vector<16xi32>, vector<16xi32>], vector<16xf32>,
      %add3A_823 = arith.addi %mul3A_252, %add3A_820 : vector<16xi32>
      %gather3A_824 = tpu.vector_load_idx %arg16[%add3A_234, %add3A_823] : memref<128x128xf32, #tpu.memory_space<vmem>>[vector<16xi32>, vector<16xi32>], vector<16xf32>,
      %add3A_825 = arith.addi %mul3A_252, %add3A_820 : vector<16xi32>
      %gather3A_826 = tpu.vector_load_idx %arg17[%add3A_234, %add3A_825] : memref<128x128xf32, #tpu.memory_space<vmem>>[vector<16xi32>, vector<16xi32>], vector<16xf32>,
      %add3A_827 = arith.addf %gather3A_824, %gather3A_826 : vector<16xf32>
      %add3A_828 = arith.addi %mul3A_260, %add3A_820 : vector<16xi32>
      %gather3A_829 = tpu.vector_load_idx %arg18[%add3A_234, %add3A_828] : memref<128x128xf32, #tpu.memory_space<vmem>>[vector<16xi32>, vector<16xi32>], vector<16xf32>,
      %add3A_830 = arith.addi %mul3A_260, %add3A_820 : vector<16xi32>
      %gather3A_831 = tpu.vector_load_idx %arg19[%add3A_234, %add3A_830] : memref<128x128xf32, #tpu.memory_space<vmem>>[vector<16xi32>, vector<16xi32>], vector<16xf32>,
      %add3A_832 = arith.addf %gather3A_829, %gather3A_831 : vector<16xf32>
      %sub3A_833 = arith.subf %add3A_827, %add3A_832 : vector<16xf32>
      %mul3A_834 = arith.mulf %gather3A_822, %sub3A_833 : vector<16xf32>
      %add3A_835 = arith.addf %add3A_811, %mul3A_834 : vector<16xf32>
      %add3A_836 = arith.constant 12 : i32
      %add3A_837 = vector.broadcast %add3A_836 : i32 to vector<16xi32>
      %add3A_838 = arith.addi %iota3A, %add3A_837 : vector<16xi32>
      %and3A_839 = arith.constant 15 : i32
      %and3A_840 = vector.broadcast %and3A_839 : i32 to vector<16xi32>
      %and3A_841 = arith.andi %add3A_838, %and3A_840 : vector<16xi32>
      %add3A_842 = arith.constant 0 : i32
      %add3A_843 = vector.broadcast %add3A_842 : i32 to vector<16xi32>
      %add3A_844 = arith.addi %and3A_841, %add3A_843 : vector<16xi32>
      %add3A_845 = arith.addi %mul3A_244, %add3A_844 : vector<16xi32>
      %gather3A_846 = tpu.vector_load_idx %arg15[%add3A_234, %add3A_845] : memref<128x128xf32, #tpu.memory_space<vmem>>[vector<16xi32>, vector<16xi32>], vector<16xf32>,
      %add3A_847 = arith.addi %mul3A_252, %add3A_844 : vector<16xi32>
      %gather3A_848 = tpu.vector_load_idx %arg16[%add3A_234, %add3A_847] : memref<128x128xf32, #tpu.memory_space<vmem>>[vector<16xi32>, vector<16xi32>], vector<16xf32>,
      %add3A_849 = arith.addi %mul3A_252, %add3A_844 : vector<16xi32>
      %gather3A_850 = tpu.vector_load_idx %arg17[%add3A_234, %add3A_849] : memref<128x128xf32, #tpu.memory_space<vmem>>[vector<16xi32>, vector<16xi32>], vector<16xf32>,
      %add3A_851 = arith.addf %gather3A_848, %gather3A_850 : vector<16xf32>
      %add3A_852 = arith.addi %mul3A_260, %add3A_844 : vector<16xi32>
      %gather3A_853 = tpu.vector_load_idx %arg18[%add3A_234, %add3A_852] : memref<128x128xf32, #tpu.memory_space<vmem>>[vector<16xi32>, vector<16xi32>], vector<16xf32>,
      %add3A_854 = arith.addi %mul3A_260, %add3A_844 : vector<16xi32>
      %gather3A_855 = tpu.vector_load_idx %arg19[%add3A_234, %add3A_854] : memref<128x128xf32, #tpu.memory_space<vmem>>[vector<16xi32>, vector<16xi32>], vector<16xf32>,
      %add3A_856 = arith.addf %gather3A_853, %gather3A_855 : vector<16xf32>
      %sub3A_857 = arith.subf %add3A_851, %add3A_856 : vector<16xf32>
      %mul3A_858 = arith.mulf %gather3A_846, %sub3A_857 : vector<16xf32>
      %add3A_859 = arith.addf %add3A_835, %mul3A_858 : vector<16xf32>
      %add3A_860 = arith.constant 12 : i32
      %add3A_861 = vector.broadcast %add3A_860 : i32 to vector<16xi32>
      %add3A_862 = arith.addi %iota3A, %add3A_861 : vector<16xi32>
      %and3A_863 = arith.constant 15 : i32
      %and3A_864 = vector.broadcast %and3A_863 : i32 to vector<16xi32>
      %and3A_865 = arith.andi %add3A_862, %and3A_864 : vector<16xi32>
      %add3A_866 = arith.constant 16 : i32
      %add3A_867 = vector.broadcast %add3A_866 : i32 to vector<16xi32>
      %add3A_868 = arith.addi %and3A_865, %add3A_867 : vector<16xi32>
      %add3A_869 = arith.addi %mul3A_244, %add3A_868 : vector<16xi32>
      %gather3A_870 = tpu.vector_load_idx %arg15[%add3A_234, %add3A_869] : memref<128x128xf32, #tpu.memory_space<vmem>>[vector<16xi32>, vector<16xi32>], vector<16xf32>,
      %add3A_871 = arith.addi %mul3A_252, %add3A_868 : vector<16xi32>
      %gather3A_872 = tpu.vector_load_idx %arg16[%add3A_234, %add3A_871] : memref<128x128xf32, #tpu.memory_space<vmem>>[vector<16xi32>, vector<16xi32>], vector<16xf32>,
      %add3A_873 = arith.addi %mul3A_252, %add3A_868 : vector<16xi32>
      %gather3A_874 = tpu.vector_load_idx %arg17[%add3A_234, %add3A_873] : memref<128x128xf32, #tpu.memory_space<vmem>>[vector<16xi32>, vector<16xi32>], vector<16xf32>,
      %add3A_875 = arith.addf %gather3A_872, %gather3A_874 : vector<16xf32>
      %add3A_876 = arith.addi %mul3A_260, %add3A_868 : vector<16xi32>
      %gather3A_877 = tpu.vector_load_idx %arg18[%add3A_234, %add3A_876] : memref<128x128xf32, #tpu.memory_space<vmem>>[vector<16xi32>, vector<16xi32>], vector<16xf32>,
      %add3A_878 = arith.addi %mul3A_260, %add3A_868 : vector<16xi32>
      %gather3A_879 = tpu.vector_load_idx %arg19[%add3A_234, %add3A_878] : memref<128x128xf32, #tpu.memory_space<vmem>>[vector<16xi32>, vector<16xi32>], vector<16xf32>,
      %add3A_880 = arith.addf %gather3A_877, %gather3A_879 : vector<16xf32>
      %sub3A_881 = arith.subf %add3A_875, %add3A_880 : vector<16xf32>
      %mul3A_882 = arith.mulf %gather3A_870, %sub3A_881 : vector<16xf32>
      %add3A_883 = arith.addf %add3A_859, %mul3A_882 : vector<16xf32>
      %add3A_884 = arith.constant 13 : i32
      %add3A_885 = vector.broadcast %add3A_884 : i32 to vector<16xi32>
      %add3A_886 = arith.addi %iota3A, %add3A_885 : vector<16xi32>
      %and3A_887 = arith.constant 15 : i32
      %and3A_888 = vector.broadcast %and3A_887 : i32 to vector<16xi32>
      %and3A_889 = arith.andi %add3A_886, %and3A_888 : vector<16xi32>
      %add3A_890 = arith.constant 0 : i32
      %add3A_891 = vector.broadcast %add3A_890 : i32 to vector<16xi32>
      %add3A_892 = arith.addi %and3A_889, %add3A_891 : vector<16xi32>
      %add3A_893 = arith.addi %mul3A_244, %add3A_892 : vector<16xi32>
      %gather3A_894 = tpu.vector_load_idx %arg15[%add3A_234, %add3A_893] : memref<128x128xf32, #tpu.memory_space<vmem>>[vector<16xi32>, vector<16xi32>], vector<16xf32>,
      %add3A_895 = arith.addi %mul3A_252, %add3A_892 : vector<16xi32>
      %gather3A_896 = tpu.vector_load_idx %arg16[%add3A_234, %add3A_895] : memref<128x128xf32, #tpu.memory_space<vmem>>[vector<16xi32>, vector<16xi32>], vector<16xf32>,
      %add3A_897 = arith.addi %mul3A_252, %add3A_892 : vector<16xi32>
      %gather3A_898 = tpu.vector_load_idx %arg17[%add3A_234, %add3A_897] : memref<128x128xf32, #tpu.memory_space<vmem>>[vector<16xi32>, vector<16xi32>], vector<16xf32>,
      %add3A_899 = arith.addf %gather3A_896, %gather3A_898 : vector<16xf32>
      %add3A_900 = arith.addi %mul3A_260, %add3A_892 : vector<16xi32>
      %gather3A_901 = tpu.vector_load_idx %arg18[%add3A_234, %add3A_900] : memref<128x128xf32, #tpu.memory_space<vmem>>[vector<16xi32>, vector<16xi32>], vector<16xf32>,
      %add3A_902 = arith.addi %mul3A_260, %add3A_892 : vector<16xi32>
      %gather3A_903 = tpu.vector_load_idx %arg19[%add3A_234, %add3A_902] : memref<128x128xf32, #tpu.memory_space<vmem>>[vector<16xi32>, vector<16xi32>], vector<16xf32>,
      %add3A_904 = arith.addf %gather3A_901, %gather3A_903 : vector<16xf32>
      %sub3A_905 = arith.subf %add3A_899, %add3A_904 : vector<16xf32>
      %mul3A_906 = arith.mulf %gather3A_894, %sub3A_905 : vector<16xf32>
      %add3A_907 = arith.addf %add3A_883, %mul3A_906 : vector<16xf32>
      %add3A_908 = arith.constant 13 : i32
      %add3A_909 = vector.broadcast %add3A_908 : i32 to vector<16xi32>
      %add3A_910 = arith.addi %iota3A, %add3A_909 : vector<16xi32>
      %and3A_911 = arith.constant 15 : i32
      %and3A_912 = vector.broadcast %and3A_911 : i32 to vector<16xi32>
      %and3A_913 = arith.andi %add3A_910, %and3A_912 : vector<16xi32>
      %add3A_914 = arith.constant 16 : i32
      %add3A_915 = vector.broadcast %add3A_914 : i32 to vector<16xi32>
      %add3A_916 = arith.addi %and3A_913, %add3A_915 : vector<16xi32>
      %add3A_917 = arith.addi %mul3A_244, %add3A_916 : vector<16xi32>
      %gather3A_918 = tpu.vector_load_idx %arg15[%add3A_234, %add3A_917] : memref<128x128xf32, #tpu.memory_space<vmem>>[vector<16xi32>, vector<16xi32>], vector<16xf32>,
      %add3A_919 = arith.addi %mul3A_252, %add3A_916 : vector<16xi32>
      %gather3A_920 = tpu.vector_load_idx %arg16[%add3A_234, %add3A_919] : memref<128x128xf32, #tpu.memory_space<vmem>>[vector<16xi32>, vector<16xi32>], vector<16xf32>,
      %add3A_921 = arith.addi %mul3A_252, %add3A_916 : vector<16xi32>
      %gather3A_922 = tpu.vector_load_idx %arg17[%add3A_234, %add3A_921] : memref<128x128xf32, #tpu.memory_space<vmem>>[vector<16xi32>, vector<16xi32>], vector<16xf32>,
      %add3A_923 = arith.addf %gather3A_920, %gather3A_922 : vector<16xf32>
      %add3A_924 = arith.addi %mul3A_260, %add3A_916 : vector<16xi32>
      %gather3A_925 = tpu.vector_load_idx %arg18[%add3A_234, %add3A_924] : memref<128x128xf32, #tpu.memory_space<vmem>>[vector<16xi32>, vector<16xi32>], vector<16xf32>,
      %add3A_926 = arith.addi %mul3A_260, %add3A_916 : vector<16xi32>
      %gather3A_927 = tpu.vector_load_idx %arg19[%add3A_234, %add3A_926] : memref<128x128xf32, #tpu.memory_space<vmem>>[vector<16xi32>, vector<16xi32>], vector<16xf32>,
      %add3A_928 = arith.addf %gather3A_925, %gather3A_927 : vector<16xf32>
      %sub3A_929 = arith.subf %add3A_923, %add3A_928 : vector<16xf32>
      %mul3A_930 = arith.mulf %gather3A_918, %sub3A_929 : vector<16xf32>
      %add3A_931 = arith.addf %add3A_907, %mul3A_930 : vector<16xf32>
      %add3A_932 = arith.constant 14 : i32
      %add3A_933 = vector.broadcast %add3A_932 : i32 to vector<16xi32>
      %add3A_934 = arith.addi %iota3A, %add3A_933 : vector<16xi32>
      %and3A_935 = arith.constant 15 : i32
      %and3A_936 = vector.broadcast %and3A_935 : i32 to vector<16xi32>
      %and3A_937 = arith.andi %add3A_934, %and3A_936 : vector<16xi32>
      %add3A_938 = arith.constant 0 : i32
      %add3A_939 = vector.broadcast %add3A_938 : i32 to vector<16xi32>
      %add3A_940 = arith.addi %and3A_937, %add3A_939 : vector<16xi32>
      %add3A_941 = arith.addi %mul3A_244, %add3A_940 : vector<16xi32>
      %gather3A_942 = tpu.vector_load_idx %arg15[%add3A_234, %add3A_941] : memref<128x128xf32, #tpu.memory_space<vmem>>[vector<16xi32>, vector<16xi32>], vector<16xf32>,
      %add3A_943 = arith.addi %mul3A_252, %add3A_940 : vector<16xi32>
      %gather3A_944 = tpu.vector_load_idx %arg16[%add3A_234, %add3A_943] : memref<128x128xf32, #tpu.memory_space<vmem>>[vector<16xi32>, vector<16xi32>], vector<16xf32>,
      %add3A_945 = arith.addi %mul3A_252, %add3A_940 : vector<16xi32>
      %gather3A_946 = tpu.vector_load_idx %arg17[%add3A_234, %add3A_945] : memref<128x128xf32, #tpu.memory_space<vmem>>[vector<16xi32>, vector<16xi32>], vector<16xf32>,
      %add3A_947 = arith.addf %gather3A_944, %gather3A_946 : vector<16xf32>
      %add3A_948 = arith.addi %mul3A_260, %add3A_940 : vector<16xi32>
      %gather3A_949 = tpu.vector_load_idx %arg18[%add3A_234, %add3A_948] : memref<128x128xf32, #tpu.memory_space<vmem>>[vector<16xi32>, vector<16xi32>], vector<16xf32>,
      %add3A_950 = arith.addi %mul3A_260, %add3A_940 : vector<16xi32>
      %gather3A_951 = tpu.vector_load_idx %arg19[%add3A_234, %add3A_950] : memref<128x128xf32, #tpu.memory_space<vmem>>[vector<16xi32>, vector<16xi32>], vector<16xf32>,
      %add3A_952 = arith.addf %gather3A_949, %gather3A_951 : vector<16xf32>
      %sub3A_953 = arith.subf %add3A_947, %add3A_952 : vector<16xf32>
      %mul3A_954 = arith.mulf %gather3A_942, %sub3A_953 : vector<16xf32>
      %add3A_955 = arith.addf %add3A_931, %mul3A_954 : vector<16xf32>
      %add3A_956 = arith.constant 14 : i32
      %add3A_957 = vector.broadcast %add3A_956 : i32 to vector<16xi32>
      %add3A_958 = arith.addi %iota3A, %add3A_957 : vector<16xi32>
      %and3A_959 = arith.constant 15 : i32
      %and3A_960 = vector.broadcast %and3A_959 : i32 to vector<16xi32>
      %and3A_961 = arith.andi %add3A_958, %and3A_960 : vector<16xi32>
      %add3A_962 = arith.constant 16 : i32
      %add3A_963 = vector.broadcast %add3A_962 : i32 to vector<16xi32>
      %add3A_964 = arith.addi %and3A_961, %add3A_963 : vector<16xi32>
      %add3A_965 = arith.addi %mul3A_244, %add3A_964 : vector<16xi32>
      %gather3A_966 = tpu.vector_load_idx %arg15[%add3A_234, %add3A_965] : memref<128x128xf32, #tpu.memory_space<vmem>>[vector<16xi32>, vector<16xi32>], vector<16xf32>,
      %add3A_967 = arith.addi %mul3A_252, %add3A_964 : vector<16xi32>
      %gather3A_968 = tpu.vector_load_idx %arg16[%add3A_234, %add3A_967] : memref<128x128xf32, #tpu.memory_space<vmem>>[vector<16xi32>, vector<16xi32>], vector<16xf32>,
      %add3A_969 = arith.addi %mul3A_252, %add3A_964 : vector<16xi32>
      %gather3A_970 = tpu.vector_load_idx %arg17[%add3A_234, %add3A_969] : memref<128x128xf32, #tpu.memory_space<vmem>>[vector<16xi32>, vector<16xi32>], vector<16xf32>,
      %add3A_971 = arith.addf %gather3A_968, %gather3A_970 : vector<16xf32>
      %add3A_972 = arith.addi %mul3A_260, %add3A_964 : vector<16xi32>
      %gather3A_973 = tpu.vector_load_idx %arg18[%add3A_234, %add3A_972] : memref<128x128xf32, #tpu.memory_space<vmem>>[vector<16xi32>, vector<16xi32>], vector<16xf32>,
      %add3A_974 = arith.addi %mul3A_260, %add3A_964 : vector<16xi32>
      %gather3A_975 = tpu.vector_load_idx %arg19[%add3A_234, %add3A_974] : memref<128x128xf32, #tpu.memory_space<vmem>>[vector<16xi32>, vector<16xi32>], vector<16xf32>,
      %add3A_976 = arith.addf %gather3A_973, %gather3A_975 : vector<16xf32>
      %sub3A_977 = arith.subf %add3A_971, %add3A_976 : vector<16xf32>
      %mul3A_978 = arith.mulf %gather3A_966, %sub3A_977 : vector<16xf32>
      %add3A_979 = arith.addf %add3A_955, %mul3A_978 : vector<16xf32>
      %add3A_980 = arith.constant 15 : i32
      %add3A_981 = vector.broadcast %add3A_980 : i32 to vector<16xi32>
      %add3A_982 = arith.addi %iota3A, %add3A_981 : vector<16xi32>
      %and3A_983 = arith.constant 15 : i32
      %and3A_984 = vector.broadcast %and3A_983 : i32 to vector<16xi32>
      %and3A_985 = arith.andi %add3A_982, %and3A_984 : vector<16xi32>
      %add3A_986 = arith.constant 0 : i32
      %add3A_987 = vector.broadcast %add3A_986 : i32 to vector<16xi32>
      %add3A_988 = arith.addi %and3A_985, %add3A_987 : vector<16xi32>
      %add3A_989 = arith.addi %mul3A_244, %add3A_988 : vector<16xi32>
      %gather3A_990 = tpu.vector_load_idx %arg15[%add3A_234, %add3A_989] : memref<128x128xf32, #tpu.memory_space<vmem>>[vector<16xi32>, vector<16xi32>], vector<16xf32>,
      %add3A_991 = arith.addi %mul3A_252, %add3A_988 : vector<16xi32>
      %gather3A_992 = tpu.vector_load_idx %arg16[%add3A_234, %add3A_991] : memref<128x128xf32, #tpu.memory_space<vmem>>[vector<16xi32>, vector<16xi32>], vector<16xf32>,
      %add3A_993 = arith.addi %mul3A_252, %add3A_988 : vector<16xi32>
      %gather3A_994 = tpu.vector_load_idx %arg17[%add3A_234, %add3A_993] : memref<128x128xf32, #tpu.memory_space<vmem>>[vector<16xi32>, vector<16xi32>], vector<16xf32>,
      %add3A_995 = arith.addf %gather3A_992, %gather3A_994 : vector<16xf32>
      %add3A_996 = arith.addi %mul3A_260, %add3A_988 : vector<16xi32>
      %gather3A_997 = tpu.vector_load_idx %arg18[%add3A_234, %add3A_996] : memref<128x128xf32, #tpu.memory_space<vmem>>[vector<16xi32>, vector<16xi32>], vector<16xf32>,
      %add3A_998 = arith.addi %mul3A_260, %add3A_988 : vector<16xi32>
      %gather3A_999 = tpu.vector_load_idx %arg19[%add3A_234, %add3A_998] : memref<128x128xf32, #tpu.memory_space<vmem>>[vector<16xi32>, vector<16xi32>], vector<16xf32>,
      %add3A_1000 = arith.addf %gather3A_997, %gather3A_999 : vector<16xf32>
      %sub3A_1001 = arith.subf %add3A_995, %add3A_1000 : vector<16xf32>
      %mul3A_1002 = arith.mulf %gather3A_990, %sub3A_1001 : vector<16xf32>
      %add3A_1003 = arith.addf %add3A_979, %mul3A_1002 : vector<16xf32>
      %add3A_1004 = arith.constant 15 : i32
      %add3A_1005 = vector.broadcast %add3A_1004 : i32 to vector<16xi32>
      %add3A_1006 = arith.addi %iota3A, %add3A_1005 : vector<16xi32>
      %and3A_1007 = arith.constant 15 : i32
      %and3A_1008 = vector.broadcast %and3A_1007 : i32 to vector<16xi32>
      %and3A_1009 = arith.andi %add3A_1006, %and3A_1008 : vector<16xi32>
      %add3A_1010 = arith.constant 16 : i32
      %add3A_1011 = vector.broadcast %add3A_1010 : i32 to vector<16xi32>
      %add3A_1012 = arith.addi %and3A_1009, %add3A_1011 : vector<16xi32>
      %add3A_1013 = arith.addi %mul3A_244, %add3A_1012 : vector<16xi32>
      %gather3A_1014 = tpu.vector_load_idx %arg15[%add3A_234, %add3A_1013] : memref<128x128xf32, #tpu.memory_space<vmem>>[vector<16xi32>, vector<16xi32>], vector<16xf32>,
      %add3A_1015 = arith.addi %mul3A_252, %add3A_1012 : vector<16xi32>
      %gather3A_1016 = tpu.vector_load_idx %arg16[%add3A_234, %add3A_1015] : memref<128x128xf32, #tpu.memory_space<vmem>>[vector<16xi32>, vector<16xi32>], vector<16xf32>,
      %add3A_1017 = arith.addi %mul3A_252, %add3A_1012 : vector<16xi32>
      %gather3A_1018 = tpu.vector_load_idx %arg17[%add3A_234, %add3A_1017] : memref<128x128xf32, #tpu.memory_space<vmem>>[vector<16xi32>, vector<16xi32>], vector<16xf32>,
      %add3A_1019 = arith.addf %gather3A_1016, %gather3A_1018 : vector<16xf32>
      %add3A_1020 = arith.addi %mul3A_260, %add3A_1012 : vector<16xi32>
      %gather3A_1021 = tpu.vector_load_idx %arg18[%add3A_234, %add3A_1020] : memref<128x128xf32, #tpu.memory_space<vmem>>[vector<16xi32>, vector<16xi32>], vector<16xf32>,
      %add3A_1022 = arith.addi %mul3A_260, %add3A_1012 : vector<16xi32>
      %gather3A_1023 = tpu.vector_load_idx %arg19[%add3A_234, %add3A_1022] : memref<128x128xf32, #tpu.memory_space<vmem>>[vector<16xi32>, vector<16xi32>], vector<16xf32>,
      %add3A_1024 = arith.addf %gather3A_1021, %gather3A_1023 : vector<16xf32>
      %sub3A_1025 = arith.subf %add3A_1019, %add3A_1024 : vector<16xf32>
      %mul3A_1026 = arith.mulf %gather3A_1014, %sub3A_1025 : vector<16xf32>
      %add3A_1027 = arith.addf %add3A_1003, %mul3A_1026 : vector<16xf32>
      %swap3A = arith.index_cast %add3A_238 : i32 to index
      %swap3A_1028 = tpu.vector_load %arg20[%swap3A] {strides = array<i32>} : memref<512xf32, #tpu.memory_space<vmem>>, vector<16xf32>,
      tpu.vector_store %arg20[%swap3A], %add3A_1027 {strides = array<i32>} : memref<512xf32, #tpu.memory_space<vmem>>, vector<16xf32>,
    }
    %scan3A_173 = arith.constant 8 : i32
    %dma_start3A_174 = arith.constant 384 : i32
    %dma_start3A_175 = tpu.memref_slice %arg12[%dma_start3A_174] : memref<512xi32, #tpu.memory_space<vmem>> -> memref<128xi32, #tpu.memory_space<vmem>>
    %dma_start3A_176 = arith.constant 0 : i32
    %dma_start3A_177 = arith.constant 0 : i32
    %dma_start3A_178 = tpu.memref_slice %arg5[%dma_start3A_176, %dma_start3A_177] : memref<250000x128xf32, #tpu.memory_space<hbm>> -> memref<250000x128xf32, #tpu.memory_space<hbm>>
    tpu.enqueue_indirect_dma source(%dma_start3A_178 : memref<250000x128xf32, #tpu.memory_space<hbm>>) target(%arg15 : memref<128x128xf32, #tpu.memory_space<vmem>>) offsets(%dma_start3A_175 : memref<128xi32, #tpu.memory_space<vmem>>) semaphore(%arg21 : memref<!tpu.dma_semaphore, #tpu.memory_space<semaphore_mem>>)
    %dma_start3A_179 = arith.constant 384 : i32
    %dma_start3A_180 = tpu.memref_slice %arg13[%dma_start3A_179] : memref<512xi32, #tpu.memory_space<vmem>> -> memref<128xi32, #tpu.memory_space<vmem>>
    %dma_start3A_181 = arith.constant 0 : i32
    %dma_start3A_182 = arith.constant 0 : i32
    %dma_start3A_183 = tpu.memref_slice %arg6[%dma_start3A_181, %dma_start3A_182] : memref<250000x128xf32, #tpu.memory_space<hbm>> -> memref<250000x128xf32, #tpu.memory_space<hbm>>
    tpu.enqueue_indirect_dma source(%dma_start3A_183 : memref<250000x128xf32, #tpu.memory_space<hbm>>) target(%arg16 : memref<128x128xf32, #tpu.memory_space<vmem>>) offsets(%dma_start3A_180 : memref<128xi32, #tpu.memory_space<vmem>>) semaphore(%arg21 : memref<!tpu.dma_semaphore, #tpu.memory_space<semaphore_mem>>)
    %dma_start3A_184 = arith.constant 384 : i32
    %dma_start3A_185 = tpu.memref_slice %arg13[%dma_start3A_184] : memref<512xi32, #tpu.memory_space<vmem>> -> memref<128xi32, #tpu.memory_space<vmem>>
    %dma_start3A_186 = arith.constant 0 : i32
    %dma_start3A_187 = arith.constant 0 : i32
    %dma_start3A_188 = tpu.memref_slice %arg7[%dma_start3A_186, %dma_start3A_187] : memref<250000x128xf32, #tpu.memory_space<hbm>> -> memref<250000x128xf32, #tpu.memory_space<hbm>>
    tpu.enqueue_indirect_dma source(%dma_start3A_188 : memref<250000x128xf32, #tpu.memory_space<hbm>>) target(%arg17 : memref<128x128xf32, #tpu.memory_space<vmem>>) offsets(%dma_start3A_185 : memref<128xi32, #tpu.memory_space<vmem>>) semaphore(%arg21 : memref<!tpu.dma_semaphore, #tpu.memory_space<semaphore_mem>>)
    %dma_start3A_189 = arith.constant 384 : i32
    %dma_start3A_190 = tpu.memref_slice %arg14[%dma_start3A_189] : memref<512xi32, #tpu.memory_space<vmem>> -> memref<128xi32, #tpu.memory_space<vmem>>
    %dma_start3A_191 = arith.constant 0 : i32
    %dma_start3A_192 = arith.constant 0 : i32
    %dma_start3A_193 = tpu.memref_slice %arg6[%dma_start3A_191, %dma_start3A_192] : memref<250000x128xf32, #tpu.memory_space<hbm>> -> memref<250000x128xf32, #tpu.memory_space<hbm>>
    tpu.enqueue_indirect_dma source(%dma_start3A_193 : memref<250000x128xf32, #tpu.memory_space<hbm>>) target(%arg18 : memref<128x128xf32, #tpu.memory_space<vmem>>) offsets(%dma_start3A_190 : memref<128xi32, #tpu.memory_space<vmem>>) semaphore(%arg21 : memref<!tpu.dma_semaphore, #tpu.memory_space<semaphore_mem>>)
    %dma_start3A_194 = arith.constant 384 : i32
    %dma_start3A_195 = tpu.memref_slice %arg14[%dma_start3A_194] : memref<512xi32, #tpu.memory_space<vmem>> -> memref<128xi32, #tpu.memory_space<vmem>>
    %dma_start3A_196 = arith.constant 0 : i32
    %dma_start3A_197 = arith.constant 0 : i32
    %dma_start3A_198 = tpu.memref_slice %arg7[%dma_start3A_196, %dma_start3A_197] : memref<250000x128xf32, #tpu.memory_space<hbm>> -> memref<250000x128xf32, #tpu.memory_space<hbm>>
    tpu.enqueue_indirect_dma source(%dma_start3A_198 : memref<250000x128xf32, #tpu.memory_space<hbm>>) target(%arg19 : memref<128x128xf32, #tpu.memory_space<vmem>>) offsets(%dma_start3A_195 : memref<128xi32, #tpu.memory_space<vmem>>) semaphore(%arg21 : memref<!tpu.dma_semaphore, #tpu.memory_space<semaphore_mem>>)
    %dma_wait3A_199 = arith.constant 384 : i32
    %dma_wait3A_200 = tpu.memref_slice %arg12[%dma_wait3A_199] : memref<512xi32, #tpu.memory_space<vmem>> -> memref<128xi32, #tpu.memory_space<vmem>>
    %dma_wait3A_201 = arith.constant 0 : i32
    %dma_wait3A_202 = arith.constant 0 : i32
    %dma_wait3A_203 = tpu.memref_slice %arg5[%dma_wait3A_201, %dma_wait3A_202] : memref<250000x128xf32, #tpu.memory_space<hbm>> -> memref<250000x128xf32, #tpu.memory_space<hbm>>
    tpu.wait_indirect_dma semaphore(%arg21 : memref<!tpu.dma_semaphore, #tpu.memory_space<semaphore_mem>>) src(%dma_wait3A_203 : memref<250000x128xf32, #tpu.memory_space<hbm>>) dst(%arg15 : memref<128x128xf32, #tpu.memory_space<vmem>>)
    %dma_wait3A_204 = arith.constant 384 : i32
    %dma_wait3A_205 = tpu.memref_slice %arg13[%dma_wait3A_204] : memref<512xi32, #tpu.memory_space<vmem>> -> memref<128xi32, #tpu.memory_space<vmem>>
    %dma_wait3A_206 = arith.constant 0 : i32
    %dma_wait3A_207 = arith.constant 0 : i32
    %dma_wait3A_208 = tpu.memref_slice %arg6[%dma_wait3A_206, %dma_wait3A_207] : memref<250000x128xf32, #tpu.memory_space<hbm>> -> memref<250000x128xf32, #tpu.memory_space<hbm>>
    tpu.wait_indirect_dma semaphore(%arg21 : memref<!tpu.dma_semaphore, #tpu.memory_space<semaphore_mem>>) src(%dma_wait3A_208 : memref<250000x128xf32, #tpu.memory_space<hbm>>) dst(%arg16 : memref<128x128xf32, #tpu.memory_space<vmem>>)
    %dma_wait3A_209 = arith.constant 384 : i32
    %dma_wait3A_210 = tpu.memref_slice %arg13[%dma_wait3A_209] : memref<512xi32, #tpu.memory_space<vmem>> -> memref<128xi32, #tpu.memory_space<vmem>>
    %dma_wait3A_211 = arith.constant 0 : i32
    %dma_wait3A_212 = arith.constant 0 : i32
    %dma_wait3A_213 = tpu.memref_slice %arg7[%dma_wait3A_211, %dma_wait3A_212] : memref<250000x128xf32, #tpu.memory_space<hbm>> -> memref<250000x128xf32, #tpu.memory_space<hbm>>
    tpu.wait_indirect_dma semaphore(%arg21 : memref<!tpu.dma_semaphore, #tpu.memory_space<semaphore_mem>>) src(%dma_wait3A_213 : memref<250000x128xf32, #tpu.memory_space<hbm>>) dst(%arg17 : memref<128x128xf32, #tpu.memory_space<vmem>>)
    %dma_wait3A_214 = arith.constant 384 : i32
    %dma_wait3A_215 = tpu.memref_slice %arg14[%dma_wait3A_214] : memref<512xi32, #tpu.memory_space<vmem>> -> memref<128xi32, #tpu.memory_space<vmem>>
    %dma_wait3A_216 = arith.constant 0 : i32
    %dma_wait3A_217 = arith.constant 0 : i32
    %dma_wait3A_218 = tpu.memref_slice %arg6[%dma_wait3A_216, %dma_wait3A_217] : memref<250000x128xf32, #tpu.memory_space<hbm>> -> memref<250000x128xf32, #tpu.memory_space<hbm>>
    tpu.wait_indirect_dma semaphore(%arg21 : memref<!tpu.dma_semaphore, #tpu.memory_space<semaphore_mem>>) src(%dma_wait3A_218 : memref<250000x128xf32, #tpu.memory_space<hbm>>) dst(%arg18 : memref<128x128xf32, #tpu.memory_space<vmem>>)
    %dma_wait3A_219 = arith.constant 384 : i32
    %dma_wait3A_220 = tpu.memref_slice %arg14[%dma_wait3A_219] : memref<512xi32, #tpu.memory_space<vmem>> -> memref<128xi32, #tpu.memory_space<vmem>>
    %dma_wait3A_221 = arith.constant 0 : i32
    %dma_wait3A_222 = arith.constant 0 : i32
    %dma_wait3A_223 = tpu.memref_slice %arg7[%dma_wait3A_221, %dma_wait3A_222] : memref<250000x128xf32, #tpu.memory_space<hbm>> -> memref<250000x128xf32, #tpu.memory_space<hbm>>
    tpu.wait_indirect_dma semaphore(%arg21 : memref<!tpu.dma_semaphore, #tpu.memory_space<semaphore_mem>>) src(%dma_wait3A_223 : memref<250000x128xf32, #tpu.memory_space<hbm>>) dst(%arg19 : memref<128x128xf32, #tpu.memory_space<vmem>>)
    %scan3A_224 = arith.constant 0 : i32
    %scan3A_225 = arith.constant 0 : i32
    %scan3A_226 = arith.constant 8 : i32
    %scan3A_227 = arith.addi %scan3A_225, %scan3A_226 : i32
    %scan3A_228 = arith.constant 1 : i32
    scf.for %scan3A_230 = %scan3A_225 to %scan3A_227 step %scan3A_228  : i32 {
      %mul3A_231 = arith.constant 16 : i32
      %mul3A_232 = arith.muli %scan3A_230, %mul3A_231 : i32
      %add3A_233 = vector.broadcast %mul3A_232 : i32 to vector<16xi32>
      %add3A_234 = arith.addi %add3A_233, %iota3A : vector<16xi32>
      %mul3A_235 = arith.constant 16 : i32
      %mul3A_236 = arith.muli %scan3A_230, %mul3A_235 : i32
      %add3A_237 = arith.constant 384 : i32
      %add3A_238 = arith.addi %add3A_237, %mul3A_236 : i32
      %get3A = arith.index_cast %add3A_238 : i32 to index
      %get3A_239 = tpu.vector_load %arg9[%get3A] {strides = array<i32>} : memref<512xi32, #tpu.memory_space<vmem>>, vector<16xi32>,
      %and3A = arith.constant 3 : i32
      %and3A_240 = vector.broadcast %and3A : i32 to vector<16xi32>
      %and3A_241 = arith.andi %get3A_239, %and3A_240 : vector<16xi32>
      %mul3A_242 = arith.constant 32 : i32
      %mul3A_243 = vector.broadcast %mul3A_242 : i32 to vector<16xi32>
      %mul3A_244 = arith.muli %and3A_241, %mul3A_243 : vector<16xi32>
      %get3A_245 = arith.index_cast %add3A_238 : i32 to index
      %get3A_246 = tpu.vector_load %arg10[%get3A_245] {strides = array<i32>} : memref<512xi32, #tpu.memory_space<vmem>>, vector<16xi32>,
      %and3A_247 = arith.constant 3 : i32
      %and3A_248 = vector.broadcast %and3A_247 : i32 to vector<16xi32>
      %and3A_249 = arith.andi %get3A_246, %and3A_248 : vector<16xi32>
      %mul3A_250 = arith.constant 32 : i32
      %mul3A_251 = vector.broadcast %mul3A_250 : i32 to vector<16xi32>
      %mul3A_252 = arith.muli %and3A_249, %mul3A_251 : vector<16xi32>
      %get3A_253 = arith.index_cast %add3A_238 : i32 to index
      %get3A_254 = tpu.vector_load %arg11[%get3A_253] {strides = array<i32>} : memref<512xi32, #tpu.memory_space<vmem>>, vector<16xi32>,
      %and3A_255 = arith.constant 3 : i32
      %and3A_256 = vector.broadcast %and3A_255 : i32 to vector<16xi32>
      %and3A_257 = arith.andi %get3A_254, %and3A_256 : vector<16xi32>
      %mul3A_258 = arith.constant 32 : i32
      %mul3A_259 = vector.broadcast %mul3A_258 : i32 to vector<16xi32>
      %mul3A_260 = arith.muli %and3A_257, %mul3A_259 : vector<16xi32>
      %broadcast_in_dim3A = arith.constant 0.000000e+00 : f32
      %broadcast_in_dim3A_261 = vector.broadcast %broadcast_in_dim3A : f32 to vector<16xf32>
      %add3A_262 = arith.constant 0 : i32
      %add3A_263 = vector.broadcast %add3A_262 : i32 to vector<16xi32>
      %add3A_264 = arith.addi %iota3A, %add3A_263 : vector<16xi32>
      %and3A_265 = arith.constant 15 : i32
      %and3A_266 = vector.broadcast %and3A_265 : i32 to vector<16xi32>
      %and3A_267 = arith.andi %add3A_264, %and3A_266 : vector<16xi32>
      %add3A_268 = arith.constant 0 : i32
      %add3A_269 = vector.broadcast %add3A_268 : i32 to vector<16xi32>
      %add3A_270 = arith.addi %and3A_267, %add3A_269 : vector<16xi32>
      %add3A_271 = arith.addi %mul3A_244, %add3A_270 : vector<16xi32>
      %gather3A = tpu.vector_load_idx %arg15[%add3A_234, %add3A_271] : memref<128x128xf32, #tpu.memory_space<vmem>>[vector<16xi32>, vector<16xi32>], vector<16xf32>,
      %add3A_272 = arith.addi %mul3A_252, %add3A_270 : vector<16xi32>
      %gather3A_273 = tpu.vector_load_idx %arg16[%add3A_234, %add3A_272] : memref<128x128xf32, #tpu.memory_space<vmem>>[vector<16xi32>, vector<16xi32>], vector<16xf32>,
      %add3A_274 = arith.addi %mul3A_252, %add3A_270 : vector<16xi32>
      %gather3A_275 = tpu.vector_load_idx %arg17[%add3A_234, %add3A_274] : memref<128x128xf32, #tpu.memory_space<vmem>>[vector<16xi32>, vector<16xi32>], vector<16xf32>,
      %add3A_276 = arith.addf %gather3A_273, %gather3A_275 : vector<16xf32>
      %add3A_277 = arith.addi %mul3A_260, %add3A_270 : vector<16xi32>
      %gather3A_278 = tpu.vector_load_idx %arg18[%add3A_234, %add3A_277] : memref<128x128xf32, #tpu.memory_space<vmem>>[vector<16xi32>, vector<16xi32>], vector<16xf32>,
      %add3A_279 = arith.addi %mul3A_260, %add3A_270 : vector<16xi32>
      %gather3A_280 = tpu.vector_load_idx %arg19[%add3A_234, %add3A_279] : memref<128x128xf32, #tpu.memory_space<vmem>>[vector<16xi32>, vector<16xi32>], vector<16xf32>,
      %add3A_281 = arith.addf %gather3A_278, %gather3A_280 : vector<16xf32>
      %sub3A = arith.subf %add3A_276, %add3A_281 : vector<16xf32>
      %mul3A_282 = arith.mulf %gather3A, %sub3A : vector<16xf32>
      %add3A_283 = arith.addf %broadcast_in_dim3A_261, %mul3A_282 : vector<16xf32>
      %add3A_284 = arith.constant 0 : i32
      %add3A_285 = vector.broadcast %add3A_284 : i32 to vector<16xi32>
      %add3A_286 = arith.addi %iota3A, %add3A_285 : vector<16xi32>
      %and3A_287 = arith.constant 15 : i32
      %and3A_288 = vector.broadcast %and3A_287 : i32 to vector<16xi32>
      %and3A_289 = arith.andi %add3A_286, %and3A_288 : vector<16xi32>
      %add3A_290 = arith.constant 16 : i32
      %add3A_291 = vector.broadcast %add3A_290 : i32 to vector<16xi32>
      %add3A_292 = arith.addi %and3A_289, %add3A_291 : vector<16xi32>
      %add3A_293 = arith.addi %mul3A_244, %add3A_292 : vector<16xi32>
      %gather3A_294 = tpu.vector_load_idx %arg15[%add3A_234, %add3A_293] : memref<128x128xf32, #tpu.memory_space<vmem>>[vector<16xi32>, vector<16xi32>], vector<16xf32>,
      %add3A_295 = arith.addi %mul3A_252, %add3A_292 : vector<16xi32>
      %gather3A_296 = tpu.vector_load_idx %arg16[%add3A_234, %add3A_295] : memref<128x128xf32, #tpu.memory_space<vmem>>[vector<16xi32>, vector<16xi32>], vector<16xf32>,
      %add3A_297 = arith.addi %mul3A_252, %add3A_292 : vector<16xi32>
      %gather3A_298 = tpu.vector_load_idx %arg17[%add3A_234, %add3A_297] : memref<128x128xf32, #tpu.memory_space<vmem>>[vector<16xi32>, vector<16xi32>], vector<16xf32>,
      %add3A_299 = arith.addf %gather3A_296, %gather3A_298 : vector<16xf32>
      %add3A_300 = arith.addi %mul3A_260, %add3A_292 : vector<16xi32>
      %gather3A_301 = tpu.vector_load_idx %arg18[%add3A_234, %add3A_300] : memref<128x128xf32, #tpu.memory_space<vmem>>[vector<16xi32>, vector<16xi32>], vector<16xf32>,
      %add3A_302 = arith.addi %mul3A_260, %add3A_292 : vector<16xi32>
      %gather3A_303 = tpu.vector_load_idx %arg19[%add3A_234, %add3A_302] : memref<128x128xf32, #tpu.memory_space<vmem>>[vector<16xi32>, vector<16xi32>], vector<16xf32>,
      %add3A_304 = arith.addf %gather3A_301, %gather3A_303 : vector<16xf32>
      %sub3A_305 = arith.subf %add3A_299, %add3A_304 : vector<16xf32>
      %mul3A_306 = arith.mulf %gather3A_294, %sub3A_305 : vector<16xf32>
      %add3A_307 = arith.addf %add3A_283, %mul3A_306 : vector<16xf32>
      %add3A_308 = arith.constant 1 : i32
      %add3A_309 = vector.broadcast %add3A_308 : i32 to vector<16xi32>
      %add3A_310 = arith.addi %iota3A, %add3A_309 : vector<16xi32>
      %and3A_311 = arith.constant 15 : i32
      %and3A_312 = vector.broadcast %and3A_311 : i32 to vector<16xi32>
      %and3A_313 = arith.andi %add3A_310, %and3A_312 : vector<16xi32>
      %add3A_314 = arith.constant 0 : i32
      %add3A_315 = vector.broadcast %add3A_314 : i32 to vector<16xi32>
      %add3A_316 = arith.addi %and3A_313, %add3A_315 : vector<16xi32>
      %add3A_317 = arith.addi %mul3A_244, %add3A_316 : vector<16xi32>
      %gather3A_318 = tpu.vector_load_idx %arg15[%add3A_234, %add3A_317] : memref<128x128xf32, #tpu.memory_space<vmem>>[vector<16xi32>, vector<16xi32>], vector<16xf32>,
      %add3A_319 = arith.addi %mul3A_252, %add3A_316 : vector<16xi32>
      %gather3A_320 = tpu.vector_load_idx %arg16[%add3A_234, %add3A_319] : memref<128x128xf32, #tpu.memory_space<vmem>>[vector<16xi32>, vector<16xi32>], vector<16xf32>,
      %add3A_321 = arith.addi %mul3A_252, %add3A_316 : vector<16xi32>
      %gather3A_322 = tpu.vector_load_idx %arg17[%add3A_234, %add3A_321] : memref<128x128xf32, #tpu.memory_space<vmem>>[vector<16xi32>, vector<16xi32>], vector<16xf32>,
      %add3A_323 = arith.addf %gather3A_320, %gather3A_322 : vector<16xf32>
      %add3A_324 = arith.addi %mul3A_260, %add3A_316 : vector<16xi32>
      %gather3A_325 = tpu.vector_load_idx %arg18[%add3A_234, %add3A_324] : memref<128x128xf32, #tpu.memory_space<vmem>>[vector<16xi32>, vector<16xi32>], vector<16xf32>,
      %add3A_326 = arith.addi %mul3A_260, %add3A_316 : vector<16xi32>
      %gather3A_327 = tpu.vector_load_idx %arg19[%add3A_234, %add3A_326] : memref<128x128xf32, #tpu.memory_space<vmem>>[vector<16xi32>, vector<16xi32>], vector<16xf32>,
      %add3A_328 = arith.addf %gather3A_325, %gather3A_327 : vector<16xf32>
      %sub3A_329 = arith.subf %add3A_323, %add3A_328 : vector<16xf32>
      %mul3A_330 = arith.mulf %gather3A_318, %sub3A_329 : vector<16xf32>
      %add3A_331 = arith.addf %add3A_307, %mul3A_330 : vector<16xf32>
      %add3A_332 = arith.constant 1 : i32
      %add3A_333 = vector.broadcast %add3A_332 : i32 to vector<16xi32>
      %add3A_334 = arith.addi %iota3A, %add3A_333 : vector<16xi32>
      %and3A_335 = arith.constant 15 : i32
      %and3A_336 = vector.broadcast %and3A_335 : i32 to vector<16xi32>
      %and3A_337 = arith.andi %add3A_334, %and3A_336 : vector<16xi32>
      %add3A_338 = arith.constant 16 : i32
      %add3A_339 = vector.broadcast %add3A_338 : i32 to vector<16xi32>
      %add3A_340 = arith.addi %and3A_337, %add3A_339 : vector<16xi32>
      %add3A_341 = arith.addi %mul3A_244, %add3A_340 : vector<16xi32>
      %gather3A_342 = tpu.vector_load_idx %arg15[%add3A_234, %add3A_341] : memref<128x128xf32, #tpu.memory_space<vmem>>[vector<16xi32>, vector<16xi32>], vector<16xf32>,
      %add3A_343 = arith.addi %mul3A_252, %add3A_340 : vector<16xi32>
      %gather3A_344 = tpu.vector_load_idx %arg16[%add3A_234, %add3A_343] : memref<128x128xf32, #tpu.memory_space<vmem>>[vector<16xi32>, vector<16xi32>], vector<16xf32>,
      %add3A_345 = arith.addi %mul3A_252, %add3A_340 : vector<16xi32>
      %gather3A_346 = tpu.vector_load_idx %arg17[%add3A_234, %add3A_345] : memref<128x128xf32, #tpu.memory_space<vmem>>[vector<16xi32>, vector<16xi32>], vector<16xf32>,
      %add3A_347 = arith.addf %gather3A_344, %gather3A_346 : vector<16xf32>
      %add3A_348 = arith.addi %mul3A_260, %add3A_340 : vector<16xi32>
      %gather3A_349 = tpu.vector_load_idx %arg18[%add3A_234, %add3A_348] : memref<128x128xf32, #tpu.memory_space<vmem>>[vector<16xi32>, vector<16xi32>], vector<16xf32>,
      %add3A_350 = arith.addi %mul3A_260, %add3A_340 : vector<16xi32>
      %gather3A_351 = tpu.vector_load_idx %arg19[%add3A_234, %add3A_350] : memref<128x128xf32, #tpu.memory_space<vmem>>[vector<16xi32>, vector<16xi32>], vector<16xf32>,
      %add3A_352 = arith.addf %gather3A_349, %gather3A_351 : vector<16xf32>
      %sub3A_353 = arith.subf %add3A_347, %add3A_352 : vector<16xf32>
      %mul3A_354 = arith.mulf %gather3A_342, %sub3A_353 : vector<16xf32>
      %add3A_355 = arith.addf %add3A_331, %mul3A_354 : vector<16xf32>
      %add3A_356 = arith.constant 2 : i32
      %add3A_357 = vector.broadcast %add3A_356 : i32 to vector<16xi32>
      %add3A_358 = arith.addi %iota3A, %add3A_357 : vector<16xi32>
      %and3A_359 = arith.constant 15 : i32
      %and3A_360 = vector.broadcast %and3A_359 : i32 to vector<16xi32>
      %and3A_361 = arith.andi %add3A_358, %and3A_360 : vector<16xi32>
      %add3A_362 = arith.constant 0 : i32
      %add3A_363 = vector.broadcast %add3A_362 : i32 to vector<16xi32>
      %add3A_364 = arith.addi %and3A_361, %add3A_363 : vector<16xi32>
      %add3A_365 = arith.addi %mul3A_244, %add3A_364 : vector<16xi32>
      %gather3A_366 = tpu.vector_load_idx %arg15[%add3A_234, %add3A_365] : memref<128x128xf32, #tpu.memory_space<vmem>>[vector<16xi32>, vector<16xi32>], vector<16xf32>,
      %add3A_367 = arith.addi %mul3A_252, %add3A_364 : vector<16xi32>
      %gather3A_368 = tpu.vector_load_idx %arg16[%add3A_234, %add3A_367] : memref<128x128xf32, #tpu.memory_space<vmem>>[vector<16xi32>, vector<16xi32>], vector<16xf32>,
      %add3A_369 = arith.addi %mul3A_252, %add3A_364 : vector<16xi32>
      %gather3A_370 = tpu.vector_load_idx %arg17[%add3A_234, %add3A_369] : memref<128x128xf32, #tpu.memory_space<vmem>>[vector<16xi32>, vector<16xi32>], vector<16xf32>,
      %add3A_371 = arith.addf %gather3A_368, %gather3A_370 : vector<16xf32>
      %add3A_372 = arith.addi %mul3A_260, %add3A_364 : vector<16xi32>
      %gather3A_373 = tpu.vector_load_idx %arg18[%add3A_234, %add3A_372] : memref<128x128xf32, #tpu.memory_space<vmem>>[vector<16xi32>, vector<16xi32>], vector<16xf32>,
      %add3A_374 = arith.addi %mul3A_260, %add3A_364 : vector<16xi32>
      %gather3A_375 = tpu.vector_load_idx %arg19[%add3A_234, %add3A_374] : memref<128x128xf32, #tpu.memory_space<vmem>>[vector<16xi32>, vector<16xi32>], vector<16xf32>,
      %add3A_376 = arith.addf %gather3A_373, %gather3A_375 : vector<16xf32>
      %sub3A_377 = arith.subf %add3A_371, %add3A_376 : vector<16xf32>
      %mul3A_378 = arith.mulf %gather3A_366, %sub3A_377 : vector<16xf32>
      %add3A_379 = arith.addf %add3A_355, %mul3A_378 : vector<16xf32>
      %add3A_380 = arith.constant 2 : i32
      %add3A_381 = vector.broadcast %add3A_380 : i32 to vector<16xi32>
      %add3A_382 = arith.addi %iota3A, %add3A_381 : vector<16xi32>
      %and3A_383 = arith.constant 15 : i32
      %and3A_384 = vector.broadcast %and3A_383 : i32 to vector<16xi32>
      %and3A_385 = arith.andi %add3A_382, %and3A_384 : vector<16xi32>
      %add3A_386 = arith.constant 16 : i32
      %add3A_387 = vector.broadcast %add3A_386 : i32 to vector<16xi32>
      %add3A_388 = arith.addi %and3A_385, %add3A_387 : vector<16xi32>
      %add3A_389 = arith.addi %mul3A_244, %add3A_388 : vector<16xi32>
      %gather3A_390 = tpu.vector_load_idx %arg15[%add3A_234, %add3A_389] : memref<128x128xf32, #tpu.memory_space<vmem>>[vector<16xi32>, vector<16xi32>], vector<16xf32>,
      %add3A_391 = arith.addi %mul3A_252, %add3A_388 : vector<16xi32>
      %gather3A_392 = tpu.vector_load_idx %arg16[%add3A_234, %add3A_391] : memref<128x128xf32, #tpu.memory_space<vmem>>[vector<16xi32>, vector<16xi32>], vector<16xf32>,
      %add3A_393 = arith.addi %mul3A_252, %add3A_388 : vector<16xi32>
      %gather3A_394 = tpu.vector_load_idx %arg17[%add3A_234, %add3A_393] : memref<128x128xf32, #tpu.memory_space<vmem>>[vector<16xi32>, vector<16xi32>], vector<16xf32>,
      %add3A_395 = arith.addf %gather3A_392, %gather3A_394 : vector<16xf32>
      %add3A_396 = arith.addi %mul3A_260, %add3A_388 : vector<16xi32>
      %gather3A_397 = tpu.vector_load_idx %arg18[%add3A_234, %add3A_396] : memref<128x128xf32, #tpu.memory_space<vmem>>[vector<16xi32>, vector<16xi32>], vector<16xf32>,
      %add3A_398 = arith.addi %mul3A_260, %add3A_388 : vector<16xi32>
      %gather3A_399 = tpu.vector_load_idx %arg19[%add3A_234, %add3A_398] : memref<128x128xf32, #tpu.memory_space<vmem>>[vector<16xi32>, vector<16xi32>], vector<16xf32>,
      %add3A_400 = arith.addf %gather3A_397, %gather3A_399 : vector<16xf32>
      %sub3A_401 = arith.subf %add3A_395, %add3A_400 : vector<16xf32>
      %mul3A_402 = arith.mulf %gather3A_390, %sub3A_401 : vector<16xf32>
      %add3A_403 = arith.addf %add3A_379, %mul3A_402 : vector<16xf32>
      %add3A_404 = arith.constant 3 : i32
      %add3A_405 = vector.broadcast %add3A_404 : i32 to vector<16xi32>
      %add3A_406 = arith.addi %iota3A, %add3A_405 : vector<16xi32>
      %and3A_407 = arith.constant 15 : i32
      %and3A_408 = vector.broadcast %and3A_407 : i32 to vector<16xi32>
      %and3A_409 = arith.andi %add3A_406, %and3A_408 : vector<16xi32>
      %add3A_410 = arith.constant 0 : i32
      %add3A_411 = vector.broadcast %add3A_410 : i32 to vector<16xi32>
      %add3A_412 = arith.addi %and3A_409, %add3A_411 : vector<16xi32>
      %add3A_413 = arith.addi %mul3A_244, %add3A_412 : vector<16xi32>
      %gather3A_414 = tpu.vector_load_idx %arg15[%add3A_234, %add3A_413] : memref<128x128xf32, #tpu.memory_space<vmem>>[vector<16xi32>, vector<16xi32>], vector<16xf32>,
      %add3A_415 = arith.addi %mul3A_252, %add3A_412 : vector<16xi32>
      %gather3A_416 = tpu.vector_load_idx %arg16[%add3A_234, %add3A_415] : memref<128x128xf32, #tpu.memory_space<vmem>>[vector<16xi32>, vector<16xi32>], vector<16xf32>,
      %add3A_417 = arith.addi %mul3A_252, %add3A_412 : vector<16xi32>
      %gather3A_418 = tpu.vector_load_idx %arg17[%add3A_234, %add3A_417] : memref<128x128xf32, #tpu.memory_space<vmem>>[vector<16xi32>, vector<16xi32>], vector<16xf32>,
      %add3A_419 = arith.addf %gather3A_416, %gather3A_418 : vector<16xf32>
      %add3A_420 = arith.addi %mul3A_260, %add3A_412 : vector<16xi32>
      %gather3A_421 = tpu.vector_load_idx %arg18[%add3A_234, %add3A_420] : memref<128x128xf32, #tpu.memory_space<vmem>>[vector<16xi32>, vector<16xi32>], vector<16xf32>,
      %add3A_422 = arith.addi %mul3A_260, %add3A_412 : vector<16xi32>
      %gather3A_423 = tpu.vector_load_idx %arg19[%add3A_234, %add3A_422] : memref<128x128xf32, #tpu.memory_space<vmem>>[vector<16xi32>, vector<16xi32>], vector<16xf32>,
      %add3A_424 = arith.addf %gather3A_421, %gather3A_423 : vector<16xf32>
      %sub3A_425 = arith.subf %add3A_419, %add3A_424 : vector<16xf32>
      %mul3A_426 = arith.mulf %gather3A_414, %sub3A_425 : vector<16xf32>
      %add3A_427 = arith.addf %add3A_403, %mul3A_426 : vector<16xf32>
      %add3A_428 = arith.constant 3 : i32
      %add3A_429 = vector.broadcast %add3A_428 : i32 to vector<16xi32>
      %add3A_430 = arith.addi %iota3A, %add3A_429 : vector<16xi32>
      %and3A_431 = arith.constant 15 : i32
      %and3A_432 = vector.broadcast %and3A_431 : i32 to vector<16xi32>
      %and3A_433 = arith.andi %add3A_430, %and3A_432 : vector<16xi32>
      %add3A_434 = arith.constant 16 : i32
      %add3A_435 = vector.broadcast %add3A_434 : i32 to vector<16xi32>
      %add3A_436 = arith.addi %and3A_433, %add3A_435 : vector<16xi32>
      %add3A_437 = arith.addi %mul3A_244, %add3A_436 : vector<16xi32>
      %gather3A_438 = tpu.vector_load_idx %arg15[%add3A_234, %add3A_437] : memref<128x128xf32, #tpu.memory_space<vmem>>[vector<16xi32>, vector<16xi32>], vector<16xf32>,
      %add3A_439 = arith.addi %mul3A_252, %add3A_436 : vector<16xi32>
      %gather3A_440 = tpu.vector_load_idx %arg16[%add3A_234, %add3A_439] : memref<128x128xf32, #tpu.memory_space<vmem>>[vector<16xi32>, vector<16xi32>], vector<16xf32>,
      %add3A_441 = arith.addi %mul3A_252, %add3A_436 : vector<16xi32>
      %gather3A_442 = tpu.vector_load_idx %arg17[%add3A_234, %add3A_441] : memref<128x128xf32, #tpu.memory_space<vmem>>[vector<16xi32>, vector<16xi32>], vector<16xf32>,
      %add3A_443 = arith.addf %gather3A_440, %gather3A_442 : vector<16xf32>
      %add3A_444 = arith.addi %mul3A_260, %add3A_436 : vector<16xi32>
      %gather3A_445 = tpu.vector_load_idx %arg18[%add3A_234, %add3A_444] : memref<128x128xf32, #tpu.memory_space<vmem>>[vector<16xi32>, vector<16xi32>], vector<16xf32>,
      %add3A_446 = arith.addi %mul3A_260, %add3A_436 : vector<16xi32>
      %gather3A_447 = tpu.vector_load_idx %arg19[%add3A_234, %add3A_446] : memref<128x128xf32, #tpu.memory_space<vmem>>[vector<16xi32>, vector<16xi32>], vector<16xf32>,
      %add3A_448 = arith.addf %gather3A_445, %gather3A_447 : vector<16xf32>
      %sub3A_449 = arith.subf %add3A_443, %add3A_448 : vector<16xf32>
      %mul3A_450 = arith.mulf %gather3A_438, %sub3A_449 : vector<16xf32>
      %add3A_451 = arith.addf %add3A_427, %mul3A_450 : vector<16xf32>
      %add3A_452 = arith.constant 4 : i32
      %add3A_453 = vector.broadcast %add3A_452 : i32 to vector<16xi32>
      %add3A_454 = arith.addi %iota3A, %add3A_453 : vector<16xi32>
      %and3A_455 = arith.constant 15 : i32
      %and3A_456 = vector.broadcast %and3A_455 : i32 to vector<16xi32>
      %and3A_457 = arith.andi %add3A_454, %and3A_456 : vector<16xi32>
      %add3A_458 = arith.constant 0 : i32
      %add3A_459 = vector.broadcast %add3A_458 : i32 to vector<16xi32>
      %add3A_460 = arith.addi %and3A_457, %add3A_459 : vector<16xi32>
      %add3A_461 = arith.addi %mul3A_244, %add3A_460 : vector<16xi32>
      %gather3A_462 = tpu.vector_load_idx %arg15[%add3A_234, %add3A_461] : memref<128x128xf32, #tpu.memory_space<vmem>>[vector<16xi32>, vector<16xi32>], vector<16xf32>,
      %add3A_463 = arith.addi %mul3A_252, %add3A_460 : vector<16xi32>
      %gather3A_464 = tpu.vector_load_idx %arg16[%add3A_234, %add3A_463] : memref<128x128xf32, #tpu.memory_space<vmem>>[vector<16xi32>, vector<16xi32>], vector<16xf32>,
      %add3A_465 = arith.addi %mul3A_252, %add3A_460 : vector<16xi32>
      %gather3A_466 = tpu.vector_load_idx %arg17[%add3A_234, %add3A_465] : memref<128x128xf32, #tpu.memory_space<vmem>>[vector<16xi32>, vector<16xi32>], vector<16xf32>,
      %add3A_467 = arith.addf %gather3A_464, %gather3A_466 : vector<16xf32>
      %add3A_468 = arith.addi %mul3A_260, %add3A_460 : vector<16xi32>
      %gather3A_469 = tpu.vector_load_idx %arg18[%add3A_234, %add3A_468] : memref<128x128xf32, #tpu.memory_space<vmem>>[vector<16xi32>, vector<16xi32>], vector<16xf32>,
      %add3A_470 = arith.addi %mul3A_260, %add3A_460 : vector<16xi32>
      %gather3A_471 = tpu.vector_load_idx %arg19[%add3A_234, %add3A_470] : memref<128x128xf32, #tpu.memory_space<vmem>>[vector<16xi32>, vector<16xi32>], vector<16xf32>,
      %add3A_472 = arith.addf %gather3A_469, %gather3A_471 : vector<16xf32>
      %sub3A_473 = arith.subf %add3A_467, %add3A_472 : vector<16xf32>
      %mul3A_474 = arith.mulf %gather3A_462, %sub3A_473 : vector<16xf32>
      %add3A_475 = arith.addf %add3A_451, %mul3A_474 : vector<16xf32>
      %add3A_476 = arith.constant 4 : i32
      %add3A_477 = vector.broadcast %add3A_476 : i32 to vector<16xi32>
      %add3A_478 = arith.addi %iota3A, %add3A_477 : vector<16xi32>
      %and3A_479 = arith.constant 15 : i32
      %and3A_480 = vector.broadcast %and3A_479 : i32 to vector<16xi32>
      %and3A_481 = arith.andi %add3A_478, %and3A_480 : vector<16xi32>
      %add3A_482 = arith.constant 16 : i32
      %add3A_483 = vector.broadcast %add3A_482 : i32 to vector<16xi32>
      %add3A_484 = arith.addi %and3A_481, %add3A_483 : vector<16xi32>
      %add3A_485 = arith.addi %mul3A_244, %add3A_484 : vector<16xi32>
      %gather3A_486 = tpu.vector_load_idx %arg15[%add3A_234, %add3A_485] : memref<128x128xf32, #tpu.memory_space<vmem>>[vector<16xi32>, vector<16xi32>], vector<16xf32>,
      %add3A_487 = arith.addi %mul3A_252, %add3A_484 : vector<16xi32>
      %gather3A_488 = tpu.vector_load_idx %arg16[%add3A_234, %add3A_487] : memref<128x128xf32, #tpu.memory_space<vmem>>[vector<16xi32>, vector<16xi32>], vector<16xf32>,
      %add3A_489 = arith.addi %mul3A_252, %add3A_484 : vector<16xi32>
      %gather3A_490 = tpu.vector_load_idx %arg17[%add3A_234, %add3A_489] : memref<128x128xf32, #tpu.memory_space<vmem>>[vector<16xi32>, vector<16xi32>], vector<16xf32>,
      %add3A_491 = arith.addf %gather3A_488, %gather3A_490 : vector<16xf32>
      %add3A_492 = arith.addi %mul3A_260, %add3A_484 : vector<16xi32>
      %gather3A_493 = tpu.vector_load_idx %arg18[%add3A_234, %add3A_492] : memref<128x128xf32, #tpu.memory_space<vmem>>[vector<16xi32>, vector<16xi32>], vector<16xf32>,
      %add3A_494 = arith.addi %mul3A_260, %add3A_484 : vector<16xi32>
      %gather3A_495 = tpu.vector_load_idx %arg19[%add3A_234, %add3A_494] : memref<128x128xf32, #tpu.memory_space<vmem>>[vector<16xi32>, vector<16xi32>], vector<16xf32>,
      %add3A_496 = arith.addf %gather3A_493, %gather3A_495 : vector<16xf32>
      %sub3A_497 = arith.subf %add3A_491, %add3A_496 : vector<16xf32>
      %mul3A_498 = arith.mulf %gather3A_486, %sub3A_497 : vector<16xf32>
      %add3A_499 = arith.addf %add3A_475, %mul3A_498 : vector<16xf32>
      %add3A_500 = arith.constant 5 : i32
      %add3A_501 = vector.broadcast %add3A_500 : i32 to vector<16xi32>
      %add3A_502 = arith.addi %iota3A, %add3A_501 : vector<16xi32>
      %and3A_503 = arith.constant 15 : i32
      %and3A_504 = vector.broadcast %and3A_503 : i32 to vector<16xi32>
      %and3A_505 = arith.andi %add3A_502, %and3A_504 : vector<16xi32>
      %add3A_506 = arith.constant 0 : i32
      %add3A_507 = vector.broadcast %add3A_506 : i32 to vector<16xi32>
      %add3A_508 = arith.addi %and3A_505, %add3A_507 : vector<16xi32>
      %add3A_509 = arith.addi %mul3A_244, %add3A_508 : vector<16xi32>
      %gather3A_510 = tpu.vector_load_idx %arg15[%add3A_234, %add3A_509] : memref<128x128xf32, #tpu.memory_space<vmem>>[vector<16xi32>, vector<16xi32>], vector<16xf32>,
      %add3A_511 = arith.addi %mul3A_252, %add3A_508 : vector<16xi32>
      %gather3A_512 = tpu.vector_load_idx %arg16[%add3A_234, %add3A_511] : memref<128x128xf32, #tpu.memory_space<vmem>>[vector<16xi32>, vector<16xi32>], vector<16xf32>,
      %add3A_513 = arith.addi %mul3A_252, %add3A_508 : vector<16xi32>
      %gather3A_514 = tpu.vector_load_idx %arg17[%add3A_234, %add3A_513] : memref<128x128xf32, #tpu.memory_space<vmem>>[vector<16xi32>, vector<16xi32>], vector<16xf32>,
      %add3A_515 = arith.addf %gather3A_512, %gather3A_514 : vector<16xf32>
      %add3A_516 = arith.addi %mul3A_260, %add3A_508 : vector<16xi32>
      %gather3A_517 = tpu.vector_load_idx %arg18[%add3A_234, %add3A_516] : memref<128x128xf32, #tpu.memory_space<vmem>>[vector<16xi32>, vector<16xi32>], vector<16xf32>,
      %add3A_518 = arith.addi %mul3A_260, %add3A_508 : vector<16xi32>
      %gather3A_519 = tpu.vector_load_idx %arg19[%add3A_234, %add3A_518] : memref<128x128xf32, #tpu.memory_space<vmem>>[vector<16xi32>, vector<16xi32>], vector<16xf32>,
      %add3A_520 = arith.addf %gather3A_517, %gather3A_519 : vector<16xf32>
      %sub3A_521 = arith.subf %add3A_515, %add3A_520 : vector<16xf32>
      %mul3A_522 = arith.mulf %gather3A_510, %sub3A_521 : vector<16xf32>
      %add3A_523 = arith.addf %add3A_499, %mul3A_522 : vector<16xf32>
      %add3A_524 = arith.constant 5 : i32
      %add3A_525 = vector.broadcast %add3A_524 : i32 to vector<16xi32>
      %add3A_526 = arith.addi %iota3A, %add3A_525 : vector<16xi32>
      %and3A_527 = arith.constant 15 : i32
      %and3A_528 = vector.broadcast %and3A_527 : i32 to vector<16xi32>
      %and3A_529 = arith.andi %add3A_526, %and3A_528 : vector<16xi32>
      %add3A_530 = arith.constant 16 : i32
      %add3A_531 = vector.broadcast %add3A_530 : i32 to vector<16xi32>
      %add3A_532 = arith.addi %and3A_529, %add3A_531 : vector<16xi32>
      %add3A_533 = arith.addi %mul3A_244, %add3A_532 : vector<16xi32>
      %gather3A_534 = tpu.vector_load_idx %arg15[%add3A_234, %add3A_533] : memref<128x128xf32, #tpu.memory_space<vmem>>[vector<16xi32>, vector<16xi32>], vector<16xf32>,
      %add3A_535 = arith.addi %mul3A_252, %add3A_532 : vector<16xi32>
      %gather3A_536 = tpu.vector_load_idx %arg16[%add3A_234, %add3A_535] : memref<128x128xf32, #tpu.memory_space<vmem>>[vector<16xi32>, vector<16xi32>], vector<16xf32>,
      %add3A_537 = arith.addi %mul3A_252, %add3A_532 : vector<16xi32>
      %gather3A_538 = tpu.vector_load_idx %arg17[%add3A_234, %add3A_537] : memref<128x128xf32, #tpu.memory_space<vmem>>[vector<16xi32>, vector<16xi32>], vector<16xf32>,
      %add3A_539 = arith.addf %gather3A_536, %gather3A_538 : vector<16xf32>
      %add3A_540 = arith.addi %mul3A_260, %add3A_532 : vector<16xi32>
      %gather3A_541 = tpu.vector_load_idx %arg18[%add3A_234, %add3A_540] : memref<128x128xf32, #tpu.memory_space<vmem>>[vector<16xi32>, vector<16xi32>], vector<16xf32>,
      %add3A_542 = arith.addi %mul3A_260, %add3A_532 : vector<16xi32>
      %gather3A_543 = tpu.vector_load_idx %arg19[%add3A_234, %add3A_542] : memref<128x128xf32, #tpu.memory_space<vmem>>[vector<16xi32>, vector<16xi32>], vector<16xf32>,
      %add3A_544 = arith.addf %gather3A_541, %gather3A_543 : vector<16xf32>
      %sub3A_545 = arith.subf %add3A_539, %add3A_544 : vector<16xf32>
      %mul3A_546 = arith.mulf %gather3A_534, %sub3A_545 : vector<16xf32>
      %add3A_547 = arith.addf %add3A_523, %mul3A_546 : vector<16xf32>
      %add3A_548 = arith.constant 6 : i32
      %add3A_549 = vector.broadcast %add3A_548 : i32 to vector<16xi32>
      %add3A_550 = arith.addi %iota3A, %add3A_549 : vector<16xi32>
      %and3A_551 = arith.constant 15 : i32
      %and3A_552 = vector.broadcast %and3A_551 : i32 to vector<16xi32>
      %and3A_553 = arith.andi %add3A_550, %and3A_552 : vector<16xi32>
      %add3A_554 = arith.constant 0 : i32
      %add3A_555 = vector.broadcast %add3A_554 : i32 to vector<16xi32>
      %add3A_556 = arith.addi %and3A_553, %add3A_555 : vector<16xi32>
      %add3A_557 = arith.addi %mul3A_244, %add3A_556 : vector<16xi32>
      %gather3A_558 = tpu.vector_load_idx %arg15[%add3A_234, %add3A_557] : memref<128x128xf32, #tpu.memory_space<vmem>>[vector<16xi32>, vector<16xi32>], vector<16xf32>,
      %add3A_559 = arith.addi %mul3A_252, %add3A_556 : vector<16xi32>
      %gather3A_560 = tpu.vector_load_idx %arg16[%add3A_234, %add3A_559] : memref<128x128xf32, #tpu.memory_space<vmem>>[vector<16xi32>, vector<16xi32>], vector<16xf32>,
      %add3A_561 = arith.addi %mul3A_252, %add3A_556 : vector<16xi32>
      %gather3A_562 = tpu.vector_load_idx %arg17[%add3A_234, %add3A_561] : memref<128x128xf32, #tpu.memory_space<vmem>>[vector<16xi32>, vector<16xi32>], vector<16xf32>,
      %add3A_563 = arith.addf %gather3A_560, %gather3A_562 : vector<16xf32>
      %add3A_564 = arith.addi %mul3A_260, %add3A_556 : vector<16xi32>
      %gather3A_565 = tpu.vector_load_idx %arg18[%add3A_234, %add3A_564] : memref<128x128xf32, #tpu.memory_space<vmem>>[vector<16xi32>, vector<16xi32>], vector<16xf32>,
      %add3A_566 = arith.addi %mul3A_260, %add3A_556 : vector<16xi32>
      %gather3A_567 = tpu.vector_load_idx %arg19[%add3A_234, %add3A_566] : memref<128x128xf32, #tpu.memory_space<vmem>>[vector<16xi32>, vector<16xi32>], vector<16xf32>,
      %add3A_568 = arith.addf %gather3A_565, %gather3A_567 : vector<16xf32>
      %sub3A_569 = arith.subf %add3A_563, %add3A_568 : vector<16xf32>
      %mul3A_570 = arith.mulf %gather3A_558, %sub3A_569 : vector<16xf32>
      %add3A_571 = arith.addf %add3A_547, %mul3A_570 : vector<16xf32>
      %add3A_572 = arith.constant 6 : i32
      %add3A_573 = vector.broadcast %add3A_572 : i32 to vector<16xi32>
      %add3A_574 = arith.addi %iota3A, %add3A_573 : vector<16xi32>
      %and3A_575 = arith.constant 15 : i32
      %and3A_576 = vector.broadcast %and3A_575 : i32 to vector<16xi32>
      %and3A_577 = arith.andi %add3A_574, %and3A_576 : vector<16xi32>
      %add3A_578 = arith.constant 16 : i32
      %add3A_579 = vector.broadcast %add3A_578 : i32 to vector<16xi32>
      %add3A_580 = arith.addi %and3A_577, %add3A_579 : vector<16xi32>
      %add3A_581 = arith.addi %mul3A_244, %add3A_580 : vector<16xi32>
      %gather3A_582 = tpu.vector_load_idx %arg15[%add3A_234, %add3A_581] : memref<128x128xf32, #tpu.memory_space<vmem>>[vector<16xi32>, vector<16xi32>], vector<16xf32>,
      %add3A_583 = arith.addi %mul3A_252, %add3A_580 : vector<16xi32>
      %gather3A_584 = tpu.vector_load_idx %arg16[%add3A_234, %add3A_583] : memref<128x128xf32, #tpu.memory_space<vmem>>[vector<16xi32>, vector<16xi32>], vector<16xf32>,
      %add3A_585 = arith.addi %mul3A_252, %add3A_580 : vector<16xi32>
      %gather3A_586 = tpu.vector_load_idx %arg17[%add3A_234, %add3A_585] : memref<128x128xf32, #tpu.memory_space<vmem>>[vector<16xi32>, vector<16xi32>], vector<16xf32>,
      %add3A_587 = arith.addf %gather3A_584, %gather3A_586 : vector<16xf32>
      %add3A_588 = arith.addi %mul3A_260, %add3A_580 : vector<16xi32>
      %gather3A_589 = tpu.vector_load_idx %arg18[%add3A_234, %add3A_588] : memref<128x128xf32, #tpu.memory_space<vmem>>[vector<16xi32>, vector<16xi32>], vector<16xf32>,
      %add3A_590 = arith.addi %mul3A_260, %add3A_580 : vector<16xi32>
      %gather3A_591 = tpu.vector_load_idx %arg19[%add3A_234, %add3A_590] : memref<128x128xf32, #tpu.memory_space<vmem>>[vector<16xi32>, vector<16xi32>], vector<16xf32>,
      %add3A_592 = arith.addf %gather3A_589, %gather3A_591 : vector<16xf32>
      %sub3A_593 = arith.subf %add3A_587, %add3A_592 : vector<16xf32>
      %mul3A_594 = arith.mulf %gather3A_582, %sub3A_593 : vector<16xf32>
      %add3A_595 = arith.addf %add3A_571, %mul3A_594 : vector<16xf32>
      %add3A_596 = arith.constant 7 : i32
      %add3A_597 = vector.broadcast %add3A_596 : i32 to vector<16xi32>
      %add3A_598 = arith.addi %iota3A, %add3A_597 : vector<16xi32>
      %and3A_599 = arith.constant 15 : i32
      %and3A_600 = vector.broadcast %and3A_599 : i32 to vector<16xi32>
      %and3A_601 = arith.andi %add3A_598, %and3A_600 : vector<16xi32>
      %add3A_602 = arith.constant 0 : i32
      %add3A_603 = vector.broadcast %add3A_602 : i32 to vector<16xi32>
      %add3A_604 = arith.addi %and3A_601, %add3A_603 : vector<16xi32>
      %add3A_605 = arith.addi %mul3A_244, %add3A_604 : vector<16xi32>
      %gather3A_606 = tpu.vector_load_idx %arg15[%add3A_234, %add3A_605] : memref<128x128xf32, #tpu.memory_space<vmem>>[vector<16xi32>, vector<16xi32>], vector<16xf32>,
      %add3A_607 = arith.addi %mul3A_252, %add3A_604 : vector<16xi32>
      %gather3A_608 = tpu.vector_load_idx %arg16[%add3A_234, %add3A_607] : memref<128x128xf32, #tpu.memory_space<vmem>>[vector<16xi32>, vector<16xi32>], vector<16xf32>,
      %add3A_609 = arith.addi %mul3A_252, %add3A_604 : vector<16xi32>
      %gather3A_610 = tpu.vector_load_idx %arg17[%add3A_234, %add3A_609] : memref<128x128xf32, #tpu.memory_space<vmem>>[vector<16xi32>, vector<16xi32>], vector<16xf32>,
      %add3A_611 = arith.addf %gather3A_608, %gather3A_610 : vector<16xf32>
      %add3A_612 = arith.addi %mul3A_260, %add3A_604 : vector<16xi32>
      %gather3A_613 = tpu.vector_load_idx %arg18[%add3A_234, %add3A_612] : memref<128x128xf32, #tpu.memory_space<vmem>>[vector<16xi32>, vector<16xi32>], vector<16xf32>,
      %add3A_614 = arith.addi %mul3A_260, %add3A_604 : vector<16xi32>
      %gather3A_615 = tpu.vector_load_idx %arg19[%add3A_234, %add3A_614] : memref<128x128xf32, #tpu.memory_space<vmem>>[vector<16xi32>, vector<16xi32>], vector<16xf32>,
      %add3A_616 = arith.addf %gather3A_613, %gather3A_615 : vector<16xf32>
      %sub3A_617 = arith.subf %add3A_611, %add3A_616 : vector<16xf32>
      %mul3A_618 = arith.mulf %gather3A_606, %sub3A_617 : vector<16xf32>
      %add3A_619 = arith.addf %add3A_595, %mul3A_618 : vector<16xf32>
      %add3A_620 = arith.constant 7 : i32
      %add3A_621 = vector.broadcast %add3A_620 : i32 to vector<16xi32>
      %add3A_622 = arith.addi %iota3A, %add3A_621 : vector<16xi32>
      %and3A_623 = arith.constant 15 : i32
      %and3A_624 = vector.broadcast %and3A_623 : i32 to vector<16xi32>
      %and3A_625 = arith.andi %add3A_622, %and3A_624 : vector<16xi32>
      %add3A_626 = arith.constant 16 : i32
      %add3A_627 = vector.broadcast %add3A_626 : i32 to vector<16xi32>
      %add3A_628 = arith.addi %and3A_625, %add3A_627 : vector<16xi32>
      %add3A_629 = arith.addi %mul3A_244, %add3A_628 : vector<16xi32>
      %gather3A_630 = tpu.vector_load_idx %arg15[%add3A_234, %add3A_629] : memref<128x128xf32, #tpu.memory_space<vmem>>[vector<16xi32>, vector<16xi32>], vector<16xf32>,
      %add3A_631 = arith.addi %mul3A_252, %add3A_628 : vector<16xi32>
      %gather3A_632 = tpu.vector_load_idx %arg16[%add3A_234, %add3A_631] : memref<128x128xf32, #tpu.memory_space<vmem>>[vector<16xi32>, vector<16xi32>], vector<16xf32>,
      %add3A_633 = arith.addi %mul3A_252, %add3A_628 : vector<16xi32>
      %gather3A_634 = tpu.vector_load_idx %arg17[%add3A_234, %add3A_633] : memref<128x128xf32, #tpu.memory_space<vmem>>[vector<16xi32>, vector<16xi32>], vector<16xf32>,
      %add3A_635 = arith.addf %gather3A_632, %gather3A_634 : vector<16xf32>
      %add3A_636 = arith.addi %mul3A_260, %add3A_628 : vector<16xi32>
      %gather3A_637 = tpu.vector_load_idx %arg18[%add3A_234, %add3A_636] : memref<128x128xf32, #tpu.memory_space<vmem>>[vector<16xi32>, vector<16xi32>], vector<16xf32>,
      %add3A_638 = arith.addi %mul3A_260, %add3A_628 : vector<16xi32>
      %gather3A_639 = tpu.vector_load_idx %arg19[%add3A_234, %add3A_638] : memref<128x128xf32, #tpu.memory_space<vmem>>[vector<16xi32>, vector<16xi32>], vector<16xf32>,
      %add3A_640 = arith.addf %gather3A_637, %gather3A_639 : vector<16xf32>
      %sub3A_641 = arith.subf %add3A_635, %add3A_640 : vector<16xf32>
      %mul3A_642 = arith.mulf %gather3A_630, %sub3A_641 : vector<16xf32>
      %add3A_643 = arith.addf %add3A_619, %mul3A_642 : vector<16xf32>
      %add3A_644 = arith.constant 8 : i32
      %add3A_645 = vector.broadcast %add3A_644 : i32 to vector<16xi32>
      %add3A_646 = arith.addi %iota3A, %add3A_645 : vector<16xi32>
      %and3A_647 = arith.constant 15 : i32
      %and3A_648 = vector.broadcast %and3A_647 : i32 to vector<16xi32>
      %and3A_649 = arith.andi %add3A_646, %and3A_648 : vector<16xi32>
      %add3A_650 = arith.constant 0 : i32
      %add3A_651 = vector.broadcast %add3A_650 : i32 to vector<16xi32>
      %add3A_652 = arith.addi %and3A_649, %add3A_651 : vector<16xi32>
      %add3A_653 = arith.addi %mul3A_244, %add3A_652 : vector<16xi32>
      %gather3A_654 = tpu.vector_load_idx %arg15[%add3A_234, %add3A_653] : memref<128x128xf32, #tpu.memory_space<vmem>>[vector<16xi32>, vector<16xi32>], vector<16xf32>,
      %add3A_655 = arith.addi %mul3A_252, %add3A_652 : vector<16xi32>
      %gather3A_656 = tpu.vector_load_idx %arg16[%add3A_234, %add3A_655] : memref<128x128xf32, #tpu.memory_space<vmem>>[vector<16xi32>, vector<16xi32>], vector<16xf32>,
      %add3A_657 = arith.addi %mul3A_252, %add3A_652 : vector<16xi32>
      %gather3A_658 = tpu.vector_load_idx %arg17[%add3A_234, %add3A_657] : memref<128x128xf32, #tpu.memory_space<vmem>>[vector<16xi32>, vector<16xi32>], vector<16xf32>,
      %add3A_659 = arith.addf %gather3A_656, %gather3A_658 : vector<16xf32>
      %add3A_660 = arith.addi %mul3A_260, %add3A_652 : vector<16xi32>
      %gather3A_661 = tpu.vector_load_idx %arg18[%add3A_234, %add3A_660] : memref<128x128xf32, #tpu.memory_space<vmem>>[vector<16xi32>, vector<16xi32>], vector<16xf32>,
      %add3A_662 = arith.addi %mul3A_260, %add3A_652 : vector<16xi32>
      %gather3A_663 = tpu.vector_load_idx %arg19[%add3A_234, %add3A_662] : memref<128x128xf32, #tpu.memory_space<vmem>>[vector<16xi32>, vector<16xi32>], vector<16xf32>,
      %add3A_664 = arith.addf %gather3A_661, %gather3A_663 : vector<16xf32>
      %sub3A_665 = arith.subf %add3A_659, %add3A_664 : vector<16xf32>
      %mul3A_666 = arith.mulf %gather3A_654, %sub3A_665 : vector<16xf32>
      %add3A_667 = arith.addf %add3A_643, %mul3A_666 : vector<16xf32>
      %add3A_668 = arith.constant 8 : i32
      %add3A_669 = vector.broadcast %add3A_668 : i32 to vector<16xi32>
      %add3A_670 = arith.addi %iota3A, %add3A_669 : vector<16xi32>
      %and3A_671 = arith.constant 15 : i32
      %and3A_672 = vector.broadcast %and3A_671 : i32 to vector<16xi32>
      %and3A_673 = arith.andi %add3A_670, %and3A_672 : vector<16xi32>
      %add3A_674 = arith.constant 16 : i32
      %add3A_675 = vector.broadcast %add3A_674 : i32 to vector<16xi32>
      %add3A_676 = arith.addi %and3A_673, %add3A_675 : vector<16xi32>
      %add3A_677 = arith.addi %mul3A_244, %add3A_676 : vector<16xi32>
      %gather3A_678 = tpu.vector_load_idx %arg15[%add3A_234, %add3A_677] : memref<128x128xf32, #tpu.memory_space<vmem>>[vector<16xi32>, vector<16xi32>], vector<16xf32>,
      %add3A_679 = arith.addi %mul3A_252, %add3A_676 : vector<16xi32>
      %gather3A_680 = tpu.vector_load_idx %arg16[%add3A_234, %add3A_679] : memref<128x128xf32, #tpu.memory_space<vmem>>[vector<16xi32>, vector<16xi32>], vector<16xf32>,
      %add3A_681 = arith.addi %mul3A_252, %add3A_676 : vector<16xi32>
      %gather3A_682 = tpu.vector_load_idx %arg17[%add3A_234, %add3A_681] : memref<128x128xf32, #tpu.memory_space<vmem>>[vector<16xi32>, vector<16xi32>], vector<16xf32>,
      %add3A_683 = arith.addf %gather3A_680, %gather3A_682 : vector<16xf32>
      %add3A_684 = arith.addi %mul3A_260, %add3A_676 : vector<16xi32>
      %gather3A_685 = tpu.vector_load_idx %arg18[%add3A_234, %add3A_684] : memref<128x128xf32, #tpu.memory_space<vmem>>[vector<16xi32>, vector<16xi32>], vector<16xf32>,
      %add3A_686 = arith.addi %mul3A_260, %add3A_676 : vector<16xi32>
      %gather3A_687 = tpu.vector_load_idx %arg19[%add3A_234, %add3A_686] : memref<128x128xf32, #tpu.memory_space<vmem>>[vector<16xi32>, vector<16xi32>], vector<16xf32>,
      %add3A_688 = arith.addf %gather3A_685, %gather3A_687 : vector<16xf32>
      %sub3A_689 = arith.subf %add3A_683, %add3A_688 : vector<16xf32>
      %mul3A_690 = arith.mulf %gather3A_678, %sub3A_689 : vector<16xf32>
      %add3A_691 = arith.addf %add3A_667, %mul3A_690 : vector<16xf32>
      %add3A_692 = arith.constant 9 : i32
      %add3A_693 = vector.broadcast %add3A_692 : i32 to vector<16xi32>
      %add3A_694 = arith.addi %iota3A, %add3A_693 : vector<16xi32>
      %and3A_695 = arith.constant 15 : i32
      %and3A_696 = vector.broadcast %and3A_695 : i32 to vector<16xi32>
      %and3A_697 = arith.andi %add3A_694, %and3A_696 : vector<16xi32>
      %add3A_698 = arith.constant 0 : i32
      %add3A_699 = vector.broadcast %add3A_698 : i32 to vector<16xi32>
      %add3A_700 = arith.addi %and3A_697, %add3A_699 : vector<16xi32>
      %add3A_701 = arith.addi %mul3A_244, %add3A_700 : vector<16xi32>
      %gather3A_702 = tpu.vector_load_idx %arg15[%add3A_234, %add3A_701] : memref<128x128xf32, #tpu.memory_space<vmem>>[vector<16xi32>, vector<16xi32>], vector<16xf32>,
      %add3A_703 = arith.addi %mul3A_252, %add3A_700 : vector<16xi32>
      %gather3A_704 = tpu.vector_load_idx %arg16[%add3A_234, %add3A_703] : memref<128x128xf32, #tpu.memory_space<vmem>>[vector<16xi32>, vector<16xi32>], vector<16xf32>,
      %add3A_705 = arith.addi %mul3A_252, %add3A_700 : vector<16xi32>
      %gather3A_706 = tpu.vector_load_idx %arg17[%add3A_234, %add3A_705] : memref<128x128xf32, #tpu.memory_space<vmem>>[vector<16xi32>, vector<16xi32>], vector<16xf32>,
      %add3A_707 = arith.addf %gather3A_704, %gather3A_706 : vector<16xf32>
      %add3A_708 = arith.addi %mul3A_260, %add3A_700 : vector<16xi32>
      %gather3A_709 = tpu.vector_load_idx %arg18[%add3A_234, %add3A_708] : memref<128x128xf32, #tpu.memory_space<vmem>>[vector<16xi32>, vector<16xi32>], vector<16xf32>,
      %add3A_710 = arith.addi %mul3A_260, %add3A_700 : vector<16xi32>
      %gather3A_711 = tpu.vector_load_idx %arg19[%add3A_234, %add3A_710] : memref<128x128xf32, #tpu.memory_space<vmem>>[vector<16xi32>, vector<16xi32>], vector<16xf32>,
      %add3A_712 = arith.addf %gather3A_709, %gather3A_711 : vector<16xf32>
      %sub3A_713 = arith.subf %add3A_707, %add3A_712 : vector<16xf32>
      %mul3A_714 = arith.mulf %gather3A_702, %sub3A_713 : vector<16xf32>
      %add3A_715 = arith.addf %add3A_691, %mul3A_714 : vector<16xf32>
      %add3A_716 = arith.constant 9 : i32
      %add3A_717 = vector.broadcast %add3A_716 : i32 to vector<16xi32>
      %add3A_718 = arith.addi %iota3A, %add3A_717 : vector<16xi32>
      %and3A_719 = arith.constant 15 : i32
      %and3A_720 = vector.broadcast %and3A_719 : i32 to vector<16xi32>
      %and3A_721 = arith.andi %add3A_718, %and3A_720 : vector<16xi32>
      %add3A_722 = arith.constant 16 : i32
      %add3A_723 = vector.broadcast %add3A_722 : i32 to vector<16xi32>
      %add3A_724 = arith.addi %and3A_721, %add3A_723 : vector<16xi32>
      %add3A_725 = arith.addi %mul3A_244, %add3A_724 : vector<16xi32>
      %gather3A_726 = tpu.vector_load_idx %arg15[%add3A_234, %add3A_725] : memref<128x128xf32, #tpu.memory_space<vmem>>[vector<16xi32>, vector<16xi32>], vector<16xf32>,
      %add3A_727 = arith.addi %mul3A_252, %add3A_724 : vector<16xi32>
      %gather3A_728 = tpu.vector_load_idx %arg16[%add3A_234, %add3A_727] : memref<128x128xf32, #tpu.memory_space<vmem>>[vector<16xi32>, vector<16xi32>], vector<16xf32>,
      %add3A_729 = arith.addi %mul3A_252, %add3A_724 : vector<16xi32>
      %gather3A_730 = tpu.vector_load_idx %arg17[%add3A_234, %add3A_729] : memref<128x128xf32, #tpu.memory_space<vmem>>[vector<16xi32>, vector<16xi32>], vector<16xf32>,
      %add3A_731 = arith.addf %gather3A_728, %gather3A_730 : vector<16xf32>
      %add3A_732 = arith.addi %mul3A_260, %add3A_724 : vector<16xi32>
      %gather3A_733 = tpu.vector_load_idx %arg18[%add3A_234, %add3A_732] : memref<128x128xf32, #tpu.memory_space<vmem>>[vector<16xi32>, vector<16xi32>], vector<16xf32>,
      %add3A_734 = arith.addi %mul3A_260, %add3A_724 : vector<16xi32>
      %gather3A_735 = tpu.vector_load_idx %arg19[%add3A_234, %add3A_734] : memref<128x128xf32, #tpu.memory_space<vmem>>[vector<16xi32>, vector<16xi32>], vector<16xf32>,
      %add3A_736 = arith.addf %gather3A_733, %gather3A_735 : vector<16xf32>
      %sub3A_737 = arith.subf %add3A_731, %add3A_736 : vector<16xf32>
      %mul3A_738 = arith.mulf %gather3A_726, %sub3A_737 : vector<16xf32>
      %add3A_739 = arith.addf %add3A_715, %mul3A_738 : vector<16xf32>
      %add3A_740 = arith.constant 10 : i32
      %add3A_741 = vector.broadcast %add3A_740 : i32 to vector<16xi32>
      %add3A_742 = arith.addi %iota3A, %add3A_741 : vector<16xi32>
      %and3A_743 = arith.constant 15 : i32
      %and3A_744 = vector.broadcast %and3A_743 : i32 to vector<16xi32>
      %and3A_745 = arith.andi %add3A_742, %and3A_744 : vector<16xi32>
      %add3A_746 = arith.constant 0 : i32
      %add3A_747 = vector.broadcast %add3A_746 : i32 to vector<16xi32>
      %add3A_748 = arith.addi %and3A_745, %add3A_747 : vector<16xi32>
      %add3A_749 = arith.addi %mul3A_244, %add3A_748 : vector<16xi32>
      %gather3A_750 = tpu.vector_load_idx %arg15[%add3A_234, %add3A_749] : memref<128x128xf32, #tpu.memory_space<vmem>>[vector<16xi32>, vector<16xi32>], vector<16xf32>,
      %add3A_751 = arith.addi %mul3A_252, %add3A_748 : vector<16xi32>
      %gather3A_752 = tpu.vector_load_idx %arg16[%add3A_234, %add3A_751] : memref<128x128xf32, #tpu.memory_space<vmem>>[vector<16xi32>, vector<16xi32>], vector<16xf32>,
      %add3A_753 = arith.addi %mul3A_252, %add3A_748 : vector<16xi32>
      %gather3A_754 = tpu.vector_load_idx %arg17[%add3A_234, %add3A_753] : memref<128x128xf32, #tpu.memory_space<vmem>>[vector<16xi32>, vector<16xi32>], vector<16xf32>,
      %add3A_755 = arith.addf %gather3A_752, %gather3A_754 : vector<16xf32>
      %add3A_756 = arith.addi %mul3A_260, %add3A_748 : vector<16xi32>
      %gather3A_757 = tpu.vector_load_idx %arg18[%add3A_234, %add3A_756] : memref<128x128xf32, #tpu.memory_space<vmem>>[vector<16xi32>, vector<16xi32>], vector<16xf32>,
      %add3A_758 = arith.addi %mul3A_260, %add3A_748 : vector<16xi32>
      %gather3A_759 = tpu.vector_load_idx %arg19[%add3A_234, %add3A_758] : memref<128x128xf32, #tpu.memory_space<vmem>>[vector<16xi32>, vector<16xi32>], vector<16xf32>,
      %add3A_760 = arith.addf %gather3A_757, %gather3A_759 : vector<16xf32>
      %sub3A_761 = arith.subf %add3A_755, %add3A_760 : vector<16xf32>
      %mul3A_762 = arith.mulf %gather3A_750, %sub3A_761 : vector<16xf32>
      %add3A_763 = arith.addf %add3A_739, %mul3A_762 : vector<16xf32>
      %add3A_764 = arith.constant 10 : i32
      %add3A_765 = vector.broadcast %add3A_764 : i32 to vector<16xi32>
      %add3A_766 = arith.addi %iota3A, %add3A_765 : vector<16xi32>
      %and3A_767 = arith.constant 15 : i32
      %and3A_768 = vector.broadcast %and3A_767 : i32 to vector<16xi32>
      %and3A_769 = arith.andi %add3A_766, %and3A_768 : vector<16xi32>
      %add3A_770 = arith.constant 16 : i32
      %add3A_771 = vector.broadcast %add3A_770 : i32 to vector<16xi32>
      %add3A_772 = arith.addi %and3A_769, %add3A_771 : vector<16xi32>
      %add3A_773 = arith.addi %mul3A_244, %add3A_772 : vector<16xi32>
      %gather3A_774 = tpu.vector_load_idx %arg15[%add3A_234, %add3A_773] : memref<128x128xf32, #tpu.memory_space<vmem>>[vector<16xi32>, vector<16xi32>], vector<16xf32>,
      %add3A_775 = arith.addi %mul3A_252, %add3A_772 : vector<16xi32>
      %gather3A_776 = tpu.vector_load_idx %arg16[%add3A_234, %add3A_775] : memref<128x128xf32, #tpu.memory_space<vmem>>[vector<16xi32>, vector<16xi32>], vector<16xf32>,
      %add3A_777 = arith.addi %mul3A_252, %add3A_772 : vector<16xi32>
      %gather3A_778 = tpu.vector_load_idx %arg17[%add3A_234, %add3A_777] : memref<128x128xf32, #tpu.memory_space<vmem>>[vector<16xi32>, vector<16xi32>], vector<16xf32>,
      %add3A_779 = arith.addf %gather3A_776, %gather3A_778 : vector<16xf32>
      %add3A_780 = arith.addi %mul3A_260, %add3A_772 : vector<16xi32>
      %gather3A_781 = tpu.vector_load_idx %arg18[%add3A_234, %add3A_780] : memref<128x128xf32, #tpu.memory_space<vmem>>[vector<16xi32>, vector<16xi32>], vector<16xf32>,
      %add3A_782 = arith.addi %mul3A_260, %add3A_772 : vector<16xi32>
      %gather3A_783 = tpu.vector_load_idx %arg19[%add3A_234, %add3A_782] : memref<128x128xf32, #tpu.memory_space<vmem>>[vector<16xi32>, vector<16xi32>], vector<16xf32>,
      %add3A_784 = arith.addf %gather3A_781, %gather3A_783 : vector<16xf32>
      %sub3A_785 = arith.subf %add3A_779, %add3A_784 : vector<16xf32>
      %mul3A_786 = arith.mulf %gather3A_774, %sub3A_785 : vector<16xf32>
      %add3A_787 = arith.addf %add3A_763, %mul3A_786 : vector<16xf32>
      %add3A_788 = arith.constant 11 : i32
      %add3A_789 = vector.broadcast %add3A_788 : i32 to vector<16xi32>
      %add3A_790 = arith.addi %iota3A, %add3A_789 : vector<16xi32>
      %and3A_791 = arith.constant 15 : i32
      %and3A_792 = vector.broadcast %and3A_791 : i32 to vector<16xi32>
      %and3A_793 = arith.andi %add3A_790, %and3A_792 : vector<16xi32>
      %add3A_794 = arith.constant 0 : i32
      %add3A_795 = vector.broadcast %add3A_794 : i32 to vector<16xi32>
      %add3A_796 = arith.addi %and3A_793, %add3A_795 : vector<16xi32>
      %add3A_797 = arith.addi %mul3A_244, %add3A_796 : vector<16xi32>
      %gather3A_798 = tpu.vector_load_idx %arg15[%add3A_234, %add3A_797] : memref<128x128xf32, #tpu.memory_space<vmem>>[vector<16xi32>, vector<16xi32>], vector<16xf32>,
      %add3A_799 = arith.addi %mul3A_252, %add3A_796 : vector<16xi32>
      %gather3A_800 = tpu.vector_load_idx %arg16[%add3A_234, %add3A_799] : memref<128x128xf32, #tpu.memory_space<vmem>>[vector<16xi32>, vector<16xi32>], vector<16xf32>,
      %add3A_801 = arith.addi %mul3A_252, %add3A_796 : vector<16xi32>
      %gather3A_802 = tpu.vector_load_idx %arg17[%add3A_234, %add3A_801] : memref<128x128xf32, #tpu.memory_space<vmem>>[vector<16xi32>, vector<16xi32>], vector<16xf32>,
      %add3A_803 = arith.addf %gather3A_800, %gather3A_802 : vector<16xf32>
      %add3A_804 = arith.addi %mul3A_260, %add3A_796 : vector<16xi32>
      %gather3A_805 = tpu.vector_load_idx %arg18[%add3A_234, %add3A_804] : memref<128x128xf32, #tpu.memory_space<vmem>>[vector<16xi32>, vector<16xi32>], vector<16xf32>,
      %add3A_806 = arith.addi %mul3A_260, %add3A_796 : vector<16xi32>
      %gather3A_807 = tpu.vector_load_idx %arg19[%add3A_234, %add3A_806] : memref<128x128xf32, #tpu.memory_space<vmem>>[vector<16xi32>, vector<16xi32>], vector<16xf32>,
      %add3A_808 = arith.addf %gather3A_805, %gather3A_807 : vector<16xf32>
      %sub3A_809 = arith.subf %add3A_803, %add3A_808 : vector<16xf32>
      %mul3A_810 = arith.mulf %gather3A_798, %sub3A_809 : vector<16xf32>
      %add3A_811 = arith.addf %add3A_787, %mul3A_810 : vector<16xf32>
      %add3A_812 = arith.constant 11 : i32
      %add3A_813 = vector.broadcast %add3A_812 : i32 to vector<16xi32>
      %add3A_814 = arith.addi %iota3A, %add3A_813 : vector<16xi32>
      %and3A_815 = arith.constant 15 : i32
      %and3A_816 = vector.broadcast %and3A_815 : i32 to vector<16xi32>
      %and3A_817 = arith.andi %add3A_814, %and3A_816 : vector<16xi32>
      %add3A_818 = arith.constant 16 : i32
      %add3A_819 = vector.broadcast %add3A_818 : i32 to vector<16xi32>
      %add3A_820 = arith.addi %and3A_817, %add3A_819 : vector<16xi32>
      %add3A_821 = arith.addi %mul3A_244, %add3A_820 : vector<16xi32>
      %gather3A_822 = tpu.vector_load_idx %arg15[%add3A_234, %add3A_821] : memref<128x128xf32, #tpu.memory_space<vmem>>[vector<16xi32>, vector<16xi32>], vector<16xf32>,
      %add3A_823 = arith.addi %mul3A_252, %add3A_820 : vector<16xi32>
      %gather3A_824 = tpu.vector_load_idx %arg16[%add3A_234, %add3A_823] : memref<128x128xf32, #tpu.memory_space<vmem>>[vector<16xi32>, vector<16xi32>], vector<16xf32>,
      %add3A_825 = arith.addi %mul3A_252, %add3A_820 : vector<16xi32>
      %gather3A_826 = tpu.vector_load_idx %arg17[%add3A_234, %add3A_825] : memref<128x128xf32, #tpu.memory_space<vmem>>[vector<16xi32>, vector<16xi32>], vector<16xf32>,
      %add3A_827 = arith.addf %gather3A_824, %gather3A_826 : vector<16xf32>
      %add3A_828 = arith.addi %mul3A_260, %add3A_820 : vector<16xi32>
      %gather3A_829 = tpu.vector_load_idx %arg18[%add3A_234, %add3A_828] : memref<128x128xf32, #tpu.memory_space<vmem>>[vector<16xi32>, vector<16xi32>], vector<16xf32>,
      %add3A_830 = arith.addi %mul3A_260, %add3A_820 : vector<16xi32>
      %gather3A_831 = tpu.vector_load_idx %arg19[%add3A_234, %add3A_830] : memref<128x128xf32, #tpu.memory_space<vmem>>[vector<16xi32>, vector<16xi32>], vector<16xf32>,
      %add3A_832 = arith.addf %gather3A_829, %gather3A_831 : vector<16xf32>
      %sub3A_833 = arith.subf %add3A_827, %add3A_832 : vector<16xf32>
      %mul3A_834 = arith.mulf %gather3A_822, %sub3A_833 : vector<16xf32>
      %add3A_835 = arith.addf %add3A_811, %mul3A_834 : vector<16xf32>
      %add3A_836 = arith.constant 12 : i32
      %add3A_837 = vector.broadcast %add3A_836 : i32 to vector<16xi32>
      %add3A_838 = arith.addi %iota3A, %add3A_837 : vector<16xi32>
      %and3A_839 = arith.constant 15 : i32
      %and3A_840 = vector.broadcast %and3A_839 : i32 to vector<16xi32>
      %and3A_841 = arith.andi %add3A_838, %and3A_840 : vector<16xi32>
      %add3A_842 = arith.constant 0 : i32
      %add3A_843 = vector.broadcast %add3A_842 : i32 to vector<16xi32>
      %add3A_844 = arith.addi %and3A_841, %add3A_843 : vector<16xi32>
      %add3A_845 = arith.addi %mul3A_244, %add3A_844 : vector<16xi32>
      %gather3A_846 = tpu.vector_load_idx %arg15[%add3A_234, %add3A_845] : memref<128x128xf32, #tpu.memory_space<vmem>>[vector<16xi32>, vector<16xi32>], vector<16xf32>,
      %add3A_847 = arith.addi %mul3A_252, %add3A_844 : vector<16xi32>
      %gather3A_848 = tpu.vector_load_idx %arg16[%add3A_234, %add3A_847] : memref<128x128xf32, #tpu.memory_space<vmem>>[vector<16xi32>, vector<16xi32>], vector<16xf32>,
      %add3A_849 = arith.addi %mul3A_252, %add3A_844 : vector<16xi32>
      %gather3A_850 = tpu.vector_load_idx %arg17[%add3A_234, %add3A_849] : memref<128x128xf32, #tpu.memory_space<vmem>>[vector<16xi32>, vector<16xi32>], vector<16xf32>,
      %add3A_851 = arith.addf %gather3A_848, %gather3A_850 : vector<16xf32>
      %add3A_852 = arith.addi %mul3A_260, %add3A_844 : vector<16xi32>
      %gather3A_853 = tpu.vector_load_idx %arg18[%add3A_234, %add3A_852] : memref<128x128xf32, #tpu.memory_space<vmem>>[vector<16xi32>, vector<16xi32>], vector<16xf32>,
      %add3A_854 = arith.addi %mul3A_260, %add3A_844 : vector<16xi32>
      %gather3A_855 = tpu.vector_load_idx %arg19[%add3A_234, %add3A_854] : memref<128x128xf32, #tpu.memory_space<vmem>>[vector<16xi32>, vector<16xi32>], vector<16xf32>,
      %add3A_856 = arith.addf %gather3A_853, %gather3A_855 : vector<16xf32>
      %sub3A_857 = arith.subf %add3A_851, %add3A_856 : vector<16xf32>
      %mul3A_858 = arith.mulf %gather3A_846, %sub3A_857 : vector<16xf32>
      %add3A_859 = arith.addf %add3A_835, %mul3A_858 : vector<16xf32>
      %add3A_860 = arith.constant 12 : i32
      %add3A_861 = vector.broadcast %add3A_860 : i32 to vector<16xi32>
      %add3A_862 = arith.addi %iota3A, %add3A_861 : vector<16xi32>
      %and3A_863 = arith.constant 15 : i32
      %and3A_864 = vector.broadcast %and3A_863 : i32 to vector<16xi32>
      %and3A_865 = arith.andi %add3A_862, %and3A_864 : vector<16xi32>
      %add3A_866 = arith.constant 16 : i32
      %add3A_867 = vector.broadcast %add3A_866 : i32 to vector<16xi32>
      %add3A_868 = arith.addi %and3A_865, %add3A_867 : vector<16xi32>
      %add3A_869 = arith.addi %mul3A_244, %add3A_868 : vector<16xi32>
      %gather3A_870 = tpu.vector_load_idx %arg15[%add3A_234, %add3A_869] : memref<128x128xf32, #tpu.memory_space<vmem>>[vector<16xi32>, vector<16xi32>], vector<16xf32>,
      %add3A_871 = arith.addi %mul3A_252, %add3A_868 : vector<16xi32>
      %gather3A_872 = tpu.vector_load_idx %arg16[%add3A_234, %add3A_871] : memref<128x128xf32, #tpu.memory_space<vmem>>[vector<16xi32>, vector<16xi32>], vector<16xf32>,
      %add3A_873 = arith.addi %mul3A_252, %add3A_868 : vector<16xi32>
      %gather3A_874 = tpu.vector_load_idx %arg17[%add3A_234, %add3A_873] : memref<128x128xf32, #tpu.memory_space<vmem>>[vector<16xi32>, vector<16xi32>], vector<16xf32>,
      %add3A_875 = arith.addf %gather3A_872, %gather3A_874 : vector<16xf32>
      %add3A_876 = arith.addi %mul3A_260, %add3A_868 : vector<16xi32>
      %gather3A_877 = tpu.vector_load_idx %arg18[%add3A_234, %add3A_876] : memref<128x128xf32, #tpu.memory_space<vmem>>[vector<16xi32>, vector<16xi32>], vector<16xf32>,
      %add3A_878 = arith.addi %mul3A_260, %add3A_868 : vector<16xi32>
      %gather3A_879 = tpu.vector_load_idx %arg19[%add3A_234, %add3A_878] : memref<128x128xf32, #tpu.memory_space<vmem>>[vector<16xi32>, vector<16xi32>], vector<16xf32>,
      %add3A_880 = arith.addf %gather3A_877, %gather3A_879 : vector<16xf32>
      %sub3A_881 = arith.subf %add3A_875, %add3A_880 : vector<16xf32>
      %mul3A_882 = arith.mulf %gather3A_870, %sub3A_881 : vector<16xf32>
      %add3A_883 = arith.addf %add3A_859, %mul3A_882 : vector<16xf32>
      %add3A_884 = arith.constant 13 : i32
      %add3A_885 = vector.broadcast %add3A_884 : i32 to vector<16xi32>
      %add3A_886 = arith.addi %iota3A, %add3A_885 : vector<16xi32>
      %and3A_887 = arith.constant 15 : i32
      %and3A_888 = vector.broadcast %and3A_887 : i32 to vector<16xi32>
      %and3A_889 = arith.andi %add3A_886, %and3A_888 : vector<16xi32>
      %add3A_890 = arith.constant 0 : i32
      %add3A_891 = vector.broadcast %add3A_890 : i32 to vector<16xi32>
      %add3A_892 = arith.addi %and3A_889, %add3A_891 : vector<16xi32>
      %add3A_893 = arith.addi %mul3A_244, %add3A_892 : vector<16xi32>
      %gather3A_894 = tpu.vector_load_idx %arg15[%add3A_234, %add3A_893] : memref<128x128xf32, #tpu.memory_space<vmem>>[vector<16xi32>, vector<16xi32>], vector<16xf32>,
      %add3A_895 = arith.addi %mul3A_252, %add3A_892 : vector<16xi32>
      %gather3A_896 = tpu.vector_load_idx %arg16[%add3A_234, %add3A_895] : memref<128x128xf32, #tpu.memory_space<vmem>>[vector<16xi32>, vector<16xi32>], vector<16xf32>,
      %add3A_897 = arith.addi %mul3A_252, %add3A_892 : vector<16xi32>
      %gather3A_898 = tpu.vector_load_idx %arg17[%add3A_234, %add3A_897] : memref<128x128xf32, #tpu.memory_space<vmem>>[vector<16xi32>, vector<16xi32>], vector<16xf32>,
      %add3A_899 = arith.addf %gather3A_896, %gather3A_898 : vector<16xf32>
      %add3A_900 = arith.addi %mul3A_260, %add3A_892 : vector<16xi32>
      %gather3A_901 = tpu.vector_load_idx %arg18[%add3A_234, %add3A_900] : memref<128x128xf32, #tpu.memory_space<vmem>>[vector<16xi32>, vector<16xi32>], vector<16xf32>,
      %add3A_902 = arith.addi %mul3A_260, %add3A_892 : vector<16xi32>
      %gather3A_903 = tpu.vector_load_idx %arg19[%add3A_234, %add3A_902] : memref<128x128xf32, #tpu.memory_space<vmem>>[vector<16xi32>, vector<16xi32>], vector<16xf32>,
      %add3A_904 = arith.addf %gather3A_901, %gather3A_903 : vector<16xf32>
      %sub3A_905 = arith.subf %add3A_899, %add3A_904 : vector<16xf32>
      %mul3A_906 = arith.mulf %gather3A_894, %sub3A_905 : vector<16xf32>
      %add3A_907 = arith.addf %add3A_883, %mul3A_906 : vector<16xf32>
      %add3A_908 = arith.constant 13 : i32
      %add3A_909 = vector.broadcast %add3A_908 : i32 to vector<16xi32>
      %add3A_910 = arith.addi %iota3A, %add3A_909 : vector<16xi32>
      %and3A_911 = arith.constant 15 : i32
      %and3A_912 = vector.broadcast %and3A_911 : i32 to vector<16xi32>
      %and3A_913 = arith.andi %add3A_910, %and3A_912 : vector<16xi32>
      %add3A_914 = arith.constant 16 : i32
      %add3A_915 = vector.broadcast %add3A_914 : i32 to vector<16xi32>
      %add3A_916 = arith.addi %and3A_913, %add3A_915 : vector<16xi32>
      %add3A_917 = arith.addi %mul3A_244, %add3A_916 : vector<16xi32>
      %gather3A_918 = tpu.vector_load_idx %arg15[%add3A_234, %add3A_917] : memref<128x128xf32, #tpu.memory_space<vmem>>[vector<16xi32>, vector<16xi32>], vector<16xf32>,
      %add3A_919 = arith.addi %mul3A_252, %add3A_916 : vector<16xi32>
      %gather3A_920 = tpu.vector_load_idx %arg16[%add3A_234, %add3A_919] : memref<128x128xf32, #tpu.memory_space<vmem>>[vector<16xi32>, vector<16xi32>], vector<16xf32>,
      %add3A_921 = arith.addi %mul3A_252, %add3A_916 : vector<16xi32>
      %gather3A_922 = tpu.vector_load_idx %arg17[%add3A_234, %add3A_921] : memref<128x128xf32, #tpu.memory_space<vmem>>[vector<16xi32>, vector<16xi32>], vector<16xf32>,
      %add3A_923 = arith.addf %gather3A_920, %gather3A_922 : vector<16xf32>
      %add3A_924 = arith.addi %mul3A_260, %add3A_916 : vector<16xi32>
      %gather3A_925 = tpu.vector_load_idx %arg18[%add3A_234, %add3A_924] : memref<128x128xf32, #tpu.memory_space<vmem>>[vector<16xi32>, vector<16xi32>], vector<16xf32>,
      %add3A_926 = arith.addi %mul3A_260, %add3A_916 : vector<16xi32>
      %gather3A_927 = tpu.vector_load_idx %arg19[%add3A_234, %add3A_926] : memref<128x128xf32, #tpu.memory_space<vmem>>[vector<16xi32>, vector<16xi32>], vector<16xf32>,
      %add3A_928 = arith.addf %gather3A_925, %gather3A_927 : vector<16xf32>
      %sub3A_929 = arith.subf %add3A_923, %add3A_928 : vector<16xf32>
      %mul3A_930 = arith.mulf %gather3A_918, %sub3A_929 : vector<16xf32>
      %add3A_931 = arith.addf %add3A_907, %mul3A_930 : vector<16xf32>
      %add3A_932 = arith.constant 14 : i32
      %add3A_933 = vector.broadcast %add3A_932 : i32 to vector<16xi32>
      %add3A_934 = arith.addi %iota3A, %add3A_933 : vector<16xi32>
      %and3A_935 = arith.constant 15 : i32
      %and3A_936 = vector.broadcast %and3A_935 : i32 to vector<16xi32>
      %and3A_937 = arith.andi %add3A_934, %and3A_936 : vector<16xi32>
      %add3A_938 = arith.constant 0 : i32
      %add3A_939 = vector.broadcast %add3A_938 : i32 to vector<16xi32>
      %add3A_940 = arith.addi %and3A_937, %add3A_939 : vector<16xi32>
      %add3A_941 = arith.addi %mul3A_244, %add3A_940 : vector<16xi32>
      %gather3A_942 = tpu.vector_load_idx %arg15[%add3A_234, %add3A_941] : memref<128x128xf32, #tpu.memory_space<vmem>>[vector<16xi32>, vector<16xi32>], vector<16xf32>,
      %add3A_943 = arith.addi %mul3A_252, %add3A_940 : vector<16xi32>
      %gather3A_944 = tpu.vector_load_idx %arg16[%add3A_234, %add3A_943] : memref<128x128xf32, #tpu.memory_space<vmem>>[vector<16xi32>, vector<16xi32>], vector<16xf32>,
      %add3A_945 = arith.addi %mul3A_252, %add3A_940 : vector<16xi32>
      %gather3A_946 = tpu.vector_load_idx %arg17[%add3A_234, %add3A_945] : memref<128x128xf32, #tpu.memory_space<vmem>>[vector<16xi32>, vector<16xi32>], vector<16xf32>,
      %add3A_947 = arith.addf %gather3A_944, %gather3A_946 : vector<16xf32>
      %add3A_948 = arith.addi %mul3A_260, %add3A_940 : vector<16xi32>
      %gather3A_949 = tpu.vector_load_idx %arg18[%add3A_234, %add3A_948] : memref<128x128xf32, #tpu.memory_space<vmem>>[vector<16xi32>, vector<16xi32>], vector<16xf32>,
      %add3A_950 = arith.addi %mul3A_260, %add3A_940 : vector<16xi32>
      %gather3A_951 = tpu.vector_load_idx %arg19[%add3A_234, %add3A_950] : memref<128x128xf32, #tpu.memory_space<vmem>>[vector<16xi32>, vector<16xi32>], vector<16xf32>,
      %add3A_952 = arith.addf %gather3A_949, %gather3A_951 : vector<16xf32>
      %sub3A_953 = arith.subf %add3A_947, %add3A_952 : vector<16xf32>
      %mul3A_954 = arith.mulf %gather3A_942, %sub3A_953 : vector<16xf32>
      %add3A_955 = arith.addf %add3A_931, %mul3A_954 : vector<16xf32>
      %add3A_956 = arith.constant 14 : i32
      %add3A_957 = vector.broadcast %add3A_956 : i32 to vector<16xi32>
      %add3A_958 = arith.addi %iota3A, %add3A_957 : vector<16xi32>
      %and3A_959 = arith.constant 15 : i32
      %and3A_960 = vector.broadcast %and3A_959 : i32 to vector<16xi32>
      %and3A_961 = arith.andi %add3A_958, %and3A_960 : vector<16xi32>
      %add3A_962 = arith.constant 16 : i32
      %add3A_963 = vector.broadcast %add3A_962 : i32 to vector<16xi32>
      %add3A_964 = arith.addi %and3A_961, %add3A_963 : vector<16xi32>
      %add3A_965 = arith.addi %mul3A_244, %add3A_964 : vector<16xi32>
      %gather3A_966 = tpu.vector_load_idx %arg15[%add3A_234, %add3A_965] : memref<128x128xf32, #tpu.memory_space<vmem>>[vector<16xi32>, vector<16xi32>], vector<16xf32>,
      %add3A_967 = arith.addi %mul3A_252, %add3A_964 : vector<16xi32>
      %gather3A_968 = tpu.vector_load_idx %arg16[%add3A_234, %add3A_967] : memref<128x128xf32, #tpu.memory_space<vmem>>[vector<16xi32>, vector<16xi32>], vector<16xf32>,
      %add3A_969 = arith.addi %mul3A_252, %add3A_964 : vector<16xi32>
      %gather3A_970 = tpu.vector_load_idx %arg17[%add3A_234, %add3A_969] : memref<128x128xf32, #tpu.memory_space<vmem>>[vector<16xi32>, vector<16xi32>], vector<16xf32>,
      %add3A_971 = arith.addf %gather3A_968, %gather3A_970 : vector<16xf32>
      %add3A_972 = arith.addi %mul3A_260, %add3A_964 : vector<16xi32>
      %gather3A_973 = tpu.vector_load_idx %arg18[%add3A_234, %add3A_972] : memref<128x128xf32, #tpu.memory_space<vmem>>[vector<16xi32>, vector<16xi32>], vector<16xf32>,
      %add3A_974 = arith.addi %mul3A_260, %add3A_964 : vector<16xi32>
      %gather3A_975 = tpu.vector_load_idx %arg19[%add3A_234, %add3A_974] : memref<128x128xf32, #tpu.memory_space<vmem>>[vector<16xi32>, vector<16xi32>], vector<16xf32>,
      %add3A_976 = arith.addf %gather3A_973, %gather3A_975 : vector<16xf32>
      %sub3A_977 = arith.subf %add3A_971, %add3A_976 : vector<16xf32>
      %mul3A_978 = arith.mulf %gather3A_966, %sub3A_977 : vector<16xf32>
      %add3A_979 = arith.addf %add3A_955, %mul3A_978 : vector<16xf32>
      %add3A_980 = arith.constant 15 : i32
      %add3A_981 = vector.broadcast %add3A_980 : i32 to vector<16xi32>
      %add3A_982 = arith.addi %iota3A, %add3A_981 : vector<16xi32>
      %and3A_983 = arith.constant 15 : i32
      %and3A_984 = vector.broadcast %and3A_983 : i32 to vector<16xi32>
      %and3A_985 = arith.andi %add3A_982, %and3A_984 : vector<16xi32>
      %add3A_986 = arith.constant 0 : i32
      %add3A_987 = vector.broadcast %add3A_986 : i32 to vector<16xi32>
      %add3A_988 = arith.addi %and3A_985, %add3A_987 : vector<16xi32>
      %add3A_989 = arith.addi %mul3A_244, %add3A_988 : vector<16xi32>
      %gather3A_990 = tpu.vector_load_idx %arg15[%add3A_234, %add3A_989] : memref<128x128xf32, #tpu.memory_space<vmem>>[vector<16xi32>, vector<16xi32>], vector<16xf32>,
      %add3A_991 = arith.addi %mul3A_252, %add3A_988 : vector<16xi32>
      %gather3A_992 = tpu.vector_load_idx %arg16[%add3A_234, %add3A_991] : memref<128x128xf32, #tpu.memory_space<vmem>>[vector<16xi32>, vector<16xi32>], vector<16xf32>,
      %add3A_993 = arith.addi %mul3A_252, %add3A_988 : vector<16xi32>
      %gather3A_994 = tpu.vector_load_idx %arg17[%add3A_234, %add3A_993] : memref<128x128xf32, #tpu.memory_space<vmem>>[vector<16xi32>, vector<16xi32>], vector<16xf32>,
      %add3A_995 = arith.addf %gather3A_992, %gather3A_994 : vector<16xf32>
      %add3A_996 = arith.addi %mul3A_260, %add3A_988 : vector<16xi32>
      %gather3A_997 = tpu.vector_load_idx %arg18[%add3A_234, %add3A_996] : memref<128x128xf32, #tpu.memory_space<vmem>>[vector<16xi32>, vector<16xi32>], vector<16xf32>,
      %add3A_998 = arith.addi %mul3A_260, %add3A_988 : vector<16xi32>
      %gather3A_999 = tpu.vector_load_idx %arg19[%add3A_234, %add3A_998] : memref<128x128xf32, #tpu.memory_space<vmem>>[vector<16xi32>, vector<16xi32>], vector<16xf32>,
      %add3A_1000 = arith.addf %gather3A_997, %gather3A_999 : vector<16xf32>
      %sub3A_1001 = arith.subf %add3A_995, %add3A_1000 : vector<16xf32>
      %mul3A_1002 = arith.mulf %gather3A_990, %sub3A_1001 : vector<16xf32>
      %add3A_1003 = arith.addf %add3A_979, %mul3A_1002 : vector<16xf32>
      %add3A_1004 = arith.constant 15 : i32
      %add3A_1005 = vector.broadcast %add3A_1004 : i32 to vector<16xi32>
      %add3A_1006 = arith.addi %iota3A, %add3A_1005 : vector<16xi32>
      %and3A_1007 = arith.constant 15 : i32
      %and3A_1008 = vector.broadcast %and3A_1007 : i32 to vector<16xi32>
      %and3A_1009 = arith.andi %add3A_1006, %and3A_1008 : vector<16xi32>
      %add3A_1010 = arith.constant 16 : i32
      %add3A_1011 = vector.broadcast %add3A_1010 : i32 to vector<16xi32>
      %add3A_1012 = arith.addi %and3A_1009, %add3A_1011 : vector<16xi32>
      %add3A_1013 = arith.addi %mul3A_244, %add3A_1012 : vector<16xi32>
      %gather3A_1014 = tpu.vector_load_idx %arg15[%add3A_234, %add3A_1013] : memref<128x128xf32, #tpu.memory_space<vmem>>[vector<16xi32>, vector<16xi32>], vector<16xf32>,
      %add3A_1015 = arith.addi %mul3A_252, %add3A_1012 : vector<16xi32>
      %gather3A_1016 = tpu.vector_load_idx %arg16[%add3A_234, %add3A_1015] : memref<128x128xf32, #tpu.memory_space<vmem>>[vector<16xi32>, vector<16xi32>], vector<16xf32>,
      %add3A_1017 = arith.addi %mul3A_252, %add3A_1012 : vector<16xi32>
      %gather3A_1018 = tpu.vector_load_idx %arg17[%add3A_234, %add3A_1017] : memref<128x128xf32, #tpu.memory_space<vmem>>[vector<16xi32>, vector<16xi32>], vector<16xf32>,
      %add3A_1019 = arith.addf %gather3A_1016, %gather3A_1018 : vector<16xf32>
      %add3A_1020 = arith.addi %mul3A_260, %add3A_1012 : vector<16xi32>
      %gather3A_1021 = tpu.vector_load_idx %arg18[%add3A_234, %add3A_1020] : memref<128x128xf32, #tpu.memory_space<vmem>>[vector<16xi32>, vector<16xi32>], vector<16xf32>,
      %add3A_1022 = arith.addi %mul3A_260, %add3A_1012 : vector<16xi32>
      %gather3A_1023 = tpu.vector_load_idx %arg19[%add3A_234, %add3A_1022] : memref<128x128xf32, #tpu.memory_space<vmem>>[vector<16xi32>, vector<16xi32>], vector<16xf32>,
      %add3A_1024 = arith.addf %gather3A_1021, %gather3A_1023 : vector<16xf32>
      %sub3A_1025 = arith.subf %add3A_1019, %add3A_1024 : vector<16xf32>
      %mul3A_1026 = arith.mulf %gather3A_1014, %sub3A_1025 : vector<16xf32>
      %add3A_1027 = arith.addf %add3A_1003, %mul3A_1026 : vector<16xf32>
      %swap3A = arith.index_cast %add3A_238 : i32 to index
      %swap3A_1028 = tpu.vector_load %arg20[%swap3A] {strides = array<i32>} : memref<512xf32, #tpu.memory_space<vmem>>, vector<16xf32>,
      tpu.vector_store %arg20[%swap3A], %add3A_1027 {strides = array<i32>} : memref<512xf32, #tpu.memory_space<vmem>>, vector<16xf32>,
    }
    %scan3A_229 = arith.constant 8 : i32
    "tpu.region"() ({
      %run_scoped3A = tpu.sem_alloc : memref<!tpu.dma_semaphore, #tpu.memory_space<semaphore_mem>>
      %dma_start3A_230 = tpu.memref_slice %arg8[%mul3A_2] : memref<16384xf32, #tpu.memory_space<hbm>> -> memref<512xf32, #tpu.memory_space<hbm>>
      %dma_start3A_231 = tpu.memref_slice %arg8[%mul3A_2] : memref<16384xf32, #tpu.memory_space<hbm>> -> memref<512xf32, #tpu.memory_space<hbm>>
      tpu.enqueue_dma source(%arg20 : memref<512xf32, #tpu.memory_space<vmem>>) target(%dma_start3A_231 : memref<512xf32, #tpu.memory_space<hbm>>) target_semaphore(%run_scoped3A : memref<!tpu.dma_semaphore, #tpu.memory_space<semaphore_mem>>)
      %dma_wait3A_232 = tpu.memref_slice %arg8[%mul3A_2] : memref<16384xf32, #tpu.memory_space<hbm>> -> memref<512xf32, #tpu.memory_space<hbm>>
      %dma_wait3A_233 = tpu.memref_slice %arg8[%mul3A_2] : memref<16384xf32, #tpu.memory_space<hbm>> -> memref<512xf32, #tpu.memory_space<hbm>>
      tpu.wait_dma2 semaphore(%run_scoped3A : memref<!tpu.dma_semaphore, #tpu.memory_space<semaphore_mem>>) src(%arg20 : memref<512xf32, #tpu.memory_space<vmem>>) dst(%dma_wait3A_233 : memref<512xf32, #tpu.memory_space<hbm>>)
      tpu.yield
    }) : () -> ()
    return
  }
}

module attributes {stable_mosaic.version = 14 : i64} {
  func.func @_tc_body(%arg0: memref<128x128xf32, #tpu.memory_space<vmem>>, %arg1: memref<1x1xf32, #tpu.memory_space<smem>>) attributes {dimension_semantics = [], scalar_prefetch = 0 : i64, scratch_operands = 0 : i64, tpu.core_type = #tpu.core_type<tc>} {
    %get3A = arith.constant 0 : index
    %get3A_0 = arith.constant 0 : index
    %get3A_1 = vector.load %arg0[%get3A, %get3A_0] : memref<128x128xf32, #tpu.memory_space<vmem>>, vector<128x128xf32>
    %min3A = arith.constant 0.000000e+00 : f32
    %min3A_2 = vector.broadcast %min3A : f32 to vector<128x128xf32>
    %min3A_3 = arith.minimumf %get3A_1, %min3A_2 : vector<128x128xf32>
    %abs3A = math.absf %get3A_1 : vector<128x128xf32>
    %neg3A = arith.constant 0.000000e+00 : f32
    %neg3A_4 = vector.broadcast %neg3A : f32 to vector<128x128xf32>
    %neg3A_5 = arith.subf %neg3A_4, %abs3A : vector<128x128xf32>
    %exp3A = math.exp %neg3A_5 : vector<128x128xf32>
    %log1p3A = math.log1p %exp3A : vector<128x128xf32>
    %sub3A = arith.subf %min3A_3, %log1p3A : vector<128x128xf32>
    %reduce_sum3A = vector.shape_cast %sub3A : vector<128x128xf32> to vector<1x128x128xf32>
    %reduce_sum3A_6 = arith.constant dense<0.000000e+00> : vector<1xf32>
    %reduce_sum3A_7 = vector.multi_reduction <add>, %reduce_sum3A, %reduce_sum3A_6 [1, 2] : vector<1x128x128xf32> to vector<1xf32>
    %reduce_sum3A_8 = vector.shape_cast %reduce_sum3A_7 : vector<1xf32> to vector<1x1x1xf32>
    %reduce_sum3A_9 = vector.extract %reduce_sum3A_8[0, 0, 0] : f32 from vector<1x1x1xf32>
    %swap3A = arith.constant 0 : index
    %swap3A_10 = arith.constant 0 : index
    %swap3A_11 = memref.load %arg1[%swap3A, %swap3A_10] : memref<1x1xf32, #tpu.memory_space<smem>>
    memref.store %reduce_sum3A_9, %arg1[%swap3A, %swap3A_10] : memref<1x1xf32, #tpu.memory_space<smem>>
    return
  }
}

</mosaic_0001>

<sc_bundles>
// kernel: kernel.4.cloned.1.call-start
scs
__scs_entry_jumppad:
0x0: {  	(pc) =	sbr.rel $0x88, $3  }
0x1: {  	(tag) =	ssettag $0x0;
	lr =	simm.s32 $0x1  }
0x2: {  	[smem:$0x3F9D] =	sst lr;
	_ =	strace $0xD0000000  }
0x3: {  	_ = 	snop  }
0x4: {  	_ = 	snop  }
0x5: {  	_ = 	snop  }
0x6: {  	_ = 	snop  }
0x7: {  	_ = 	snop  }
__scs_overlays_trampoline_lowered:
0x8: {  	[smem:$0x3FAC] =	sst s0  }
0x9: {  	[smem:$0x3FAD] =	sst s1  }
0xa: {  	[smem:$0x3FAE] =	sst s2  }
0xb: {  	[smem:$0x3FAF] =	sst s3  }
0xc: {  	[smem:$0x3FB0] =	sst s4  }
0xd: {  	[smem:$0x3FB1] =	sst s5  }
0xe: {  	[smem:$0x3FB2] =	sst s6  }
0xf: {  	[smem:$0x3FB3] =	sst s7  }
0x10: {  	[smem:$0x3FB4] =	sst s8  }
0x11: {  	[smem:$0x3FB5] =	sst s9;
	s0 =	simm.s32 @!p0 $0x0  }
0x12: {  	s1 =	sld [smem:$0x3F9B];
	s0 =	simm.s32 @p0 $0x1  }
0x13: {  	[smem:$0x3FB6] =	sst s0;
	s0 =	simm.s32 @!p1 $0x0  }
0x14: {  	s2 =	sld [smem:$0x3F9A];
	s0 =	simm.s32 @p1 $0x1  }
0x15: {  	[smem:$0x3FB7] =	sst s0;
	s0 =	simm.s32 @!p2 $0x0  }
0x16: {  	s3 =	sld [smem:$0x3FDB];
	s0 =	simm.s32 @p2 $0x1  }
0x17: {  	s4 =	simm.s32 $0x1BF5;
	[smem:$0x3FB9] =	sst s0  }
0x18: {  	s0 =	sld [smem:$0x3F9C];
	_ =	swait.ge [sflag:s4], $0x0  }
0x19: {  	s7 =	sld [smem:$0x3F9D]  }
0x1a: {  	s8 =	sadd.s32 $0xFFFFE003, lr  }
0x1b: {  	s9 =	sadd.s32 $0xFFFFFEF7, lr;
	s5 =	simm.s32 $0xFFFFFFFF;
	p2 =	slt.u32 s8, $0xFFFFF086  }
0x1c: {  	p1 =	slt.u32 s9, $0xF7A;
	s5 =	simm.s32 @!p2 $0x0  }
0x1d: {  	s5 =	simm.s32 @p1 $0x1;
	p0 =	seq.s32 s7, s2  }
0x1e: {  	s7 =	smul.u32 @!p0 $0xF7A, s2;
	p2 =	seq.s32 @!p0 s5, $0x0  }
0x1f: {  	s9 =	smul.u32 $0xF7A, s1;
	s8 =	simm.s32 @!p0 $0x1BF5;
	p2 =	por !p2, p0  }
0x20: {  	[sflag:s8] =	ssyncset.s32 @!p0 $0xFFFFF086;
	s6 =	sadd.s32 @!p0 s3, s7;
	s7 =	simm.s32 @!p0 $0x108  }
0x21: {  	s3 =	sadd.s32 s3, s9;
	s6 =	sadd.s32 @!p0 $0x88, s6;
	s7 =	simm.s32 @p2 $0x1082  }
0x22: {  	[simem:s7], [sflag:s8] =	dma.local @!p0 [hbm:s6], $0xF7A  }
0x23: {  	s9 =	sor.u32 $0xD0000000, s2;
	s6 =	simm.s32 $0x108;
	_ =	swait.ge @!p0 [sflag:s8], $0x0  }
0x24: {  	s3 =	sadd.s32 $0x88, s3;
	s6 =	simm.s32 @!p1 $0x1082;
	[sflag:s4] =	ssyncset.s32 $0xFFFFF086  }
0x25: {  	[simem:s6], [sflag:s4] =	dma.local [hbm:s3], $0xF7A  }
0x26: {  	[smem:$0x3F9D] =	sst s1;
	(tag) =	ssettag s2;
	_ =	strace s9  }
0x27: {  	s1 =	sld [smem:$0x3FAD]  }
0x28: {  	s2 =	sld [smem:$0x3FAE]  }
0x29: {  	s4 =	sld [smem:$0x3FB0]  }
0x2a: {  	p0 =	seq.s32 s5, $0x0;
	s5 =	sld [smem:$0x3FB1]  }
0x2b: {  	s6 =	sld [smem:$0x3FB2]  }
0x2c: {  	s7 =	sld [smem:$0x3FB3]  }
0x2d: {  	s3 =	simm.s32 $0x108;
	s8 =	sld [smem:$0x3FB4]  }
0x2e: {  	s3 =	simm.s32 @!p0 $0x1082;
	s9 =	sld [smem:$0x3FB5]  }
0x2f: {  	lr =	sadd.s32 s0, s3;
	s0 =	sld [smem:$0x3FAC]  }
0x30: {  	s3 =	sld [smem:$0x3FAF]  }
0x31: {  	[smem:$0x3FB8] =	sst s10  }
0x32: {  	s10 =	sld [smem:$0x3FB6];
	_ =	sdelay $0x3  }
0x33: {  	p0 =	seq.s32 s10, $0x1;
	s10 =	sld [smem:$0x3FB8];
	_ =	sdelay $0x3  }
0x34: {  	[smem:$0x3FB8] =	sst s10  }
0x35: {  	s10 =	sld [smem:$0x3FB7];
	_ =	sdelay $0x3  }
0x36: {  	p1 =	seq.s32 s10, $0x1;
	s10 =	sld [smem:$0x3FB8];
	_ =	sdelay $0x3  }
0x37: {  	[smem:$0x3FB8] =	sst s10  }
0x38: {  	s10 =	sld [smem:$0x3FB9]  }
0x39: {  	_ = 	snop;
	(pc) =	sbr.ind lr, $3  }
0x3a: {  	_ = 	snop  }
0x3b: {  	_ = 	snop  }
0x3c: {  	p2 =	seq.s32 s10, $0x1;
	s10 =	sld [smem:$0x3FB8]  }
0x3d: {  	_ =	shalt  }
0x3e: {  	_ =	shalt  }
0x3f: {  	_ =	shalt  }
0x40: {  	_ =	shalt  }
0x41: {  	_ =	shalt  }
0x42: {  	_ =	shalt  }
0x43: {  	_ =	shalt  }
0x44: {  	_ =	shalt  }
0x45: {  	_ =	shalt  }
0x46: {  	_ =	shalt  }
0x47: {  	_ =	shalt  }
0x48: {  	_ =	shalt  }
0x49: {  	_ =	shalt  }
0x4a: {  	_ =	shalt  }
0x4b: {  	_ =	shalt  }
0x4c: {  	_ =	shalt  }
0x4d: {  	_ =	shalt  }
0x4e: {  	_ =	shalt  }
0x4f: {  	_ =	shalt  }
0x50: {  	_ =	shalt  }
0x51: {  	_ =	shalt  }
0x52: {  	_ =	shalt  }
0x53: {  	_ =	shalt  }
0x54: {  	_ =	shalt  }
0x55: {  	_ =	shalt  }
0x56: {  	_ =	shalt  }
0x57: {  	_ =	shalt  }
0x58: {  	_ =	shalt  }
0x59: {  	_ =	shalt  }
0x5a: {  	_ =	shalt  }
0x5b: {  	_ =	shalt  }
0x5c: {  	_ =	shalt  }
0x5d: {  	_ =	shalt  }
0x5e: {  	_ =	shalt  }
0x5f: {  	_ =	shalt  }
0x60: {  	_ =	shalt  }
0x61: {  	_ =	shalt  }
0x62: {  	_ =	shalt  }
0x63: {  	_ =	shalt  }
0x64: {  	_ =	shalt  }
0x65: {  	_ =	shalt  }
0x66: {  	_ =	shalt  }
0x67: {  	_ =	shalt  }
0x68: {  	_ =	shalt  }
0x69: {  	_ =	shalt  }
0x6a: {  	_ =	shalt  }
0x6b: {  	_ =	shalt  }
0x6c: {  	_ =	shalt  }
0x6d: {  	_ =	shalt  }
0x6e: {  	_ =	shalt  }
0x6f: {  	_ =	shalt  }
0x70: {  	_ =	shalt  }
0x71: {  	_ =	shalt  }
0x72: {  	_ =	shalt  }
0x73: {  	_ =	shalt  }
0x74: {  	_ =	shalt  }
0x75: {  	_ =	shalt  }
0x76: {  	_ =	shalt  }
0x77: {  	_ =	shalt  }
0x78: {  	_ =	shalt  }
0x79: {  	_ =	shalt  }
0x7a: {  	_ =	shalt  }
0x7b: {  	_ =	shalt  }
0x7c: {  	_ =	shalt  }
0x7d: {  	_ =	shalt  }
0x7e: {  	_ =	shalt  }
0x7f: {  	_ =	shalt  }
0x80: {  	_ =	shalt  }
0x81: {  	_ =	shalt  }
0x82: {  	_ =	shalt  }
0x83: {  	_ =	shalt  }
0x84: {  	_ =	shalt  }
0x85: {  	_ =	shalt  }
0x86: {  	_ =	shalt  }
0x87: {  	_ =	shalt  }
.Lfunc_end0:
.L_simem_size_0:
called_computation_lowered:
.L_overlay_start_0:
0x88: {  	s2 =	sld [smem:$0x3FD9]  }
0x89: {  	s3 =	sld [smem:$0x3FFE];
	_ =	sdelay $0x1  }
0x8a: {  	s1 =	srdreg.scid  }
0x8b: {  	s0 =	sand.u32 $0x1, s1  }
0x8c: {  	s16 =	sshll.u32 s0, $0xA;
	s2 =	sadd.s32 s3, s2  }
0x8d: {  	s2 =	sadd.s32 s2, s16  }
0x8e: {  	[smem:$0x3FC4] =	sst s2  }
0x8f: {  	_ = 	snop  }
0x90: {  	(tm) =	ssettm $0x1  }
0x91: {  	s17 =	sld [smem:$0x3FFB];
	_ =	sdelay $0x3  }
0x92: {  	_ =	strace s17  }
0x93: {  	s2 =	sld [smem:$0x3FFC];
	_ =	sdelay $0x3  }
0x94: {  	_ =	strace s2  }
0x95: {  	s2 =	sld [smem:$0x3FFD];
	_ =	sdelay $0x3  }
0x96: {  	_ =	strace s2  }
0x97: {  	_ =	strace $0x8FFFFFFF  }
0x98: {  	s18 =	sld [smem:$0x3FDB];
	_ =	sdelay $0x1  }
0x99: {  	s19 =	simm.s32 $_scs_section_size  }
0x9a: {  	s4 =	simm.s32 $_size__tile_overlayer_lowered;
	s5 =	simm.s32 $_tile_overlayer_lowered  }
0x9b: {  	s22 =	simm.s32 $0x1BFF;
	s21 =	sshll.u32 s5, $0x1;
	s2 =	sadd.s32 s19, s18  }
0x9c: {  	s6 =	simm.s32 $0x0;
	s20 =	sshll.u32 s4, $0x1;
	s4 =	sadd.s32 s21, s2  }
0x9d: {  	[timem:s6], [sflag:s22] =	dma.local [hbm:s4], s20  }
0x9e: {  	_ =	swait.ge [sflag:s22], s20  }
0x9f: {  	s3 =	ssub.s32 $0x0, s20;
	[sflag:s22] =	ssyncset.done $0x0  }
0xa0: {  	[sflag:s22] =	ssyncadd.s32 s3;
	_ =	sdelay $0x1  }
0xa1: {  	s23 =	simm.s32 $0x1B8B  }
0xa2: {  	_ =	swait.ge [sflag:s23], $0x1  }
0xa3: {  	[sflag:s23] =	ssyncset.done $0x0  }
0xa4: {  	s25 =	simm.s32 $0x1B8E;
	s24 =	sld [smem:$0x3FFE];
	[sflag:s23] =	ssyncadd.s32 $0xFFFFFFFF  }
0xa5: {  	s26 =	simm.s32 $execute0_lowered;
	[smem:$0x3FD2] =	sst s25  }
0xa6: {  	s4 =	sshll.u32 s26, $0x1;
	_ =	strace $0x80000046;
	[dreg:$0x1] =	wrdreg $0xFFFFFFFF  }
0xa7: {  	s28 =	simm.s32 $_size_execute0_lowered;
	s2 =	sadd.s32 s2, s4;
	[dreg:$0x0] =	wrdreg $0x0  }
0xa8: {  	s4 =	sshll.u32 s28, $0x1;
	[dreg:$0x2] =	wrdreg s2  }
0xa9: {  	[dreg:$0x3] =	wrdreg s4  }
0xaa: {  	[dreg:$0x4] =	wrdreg $0xC0  }
0xab: {  	_ =	task [dreg:s6], $0x5FFFF  }
0xac: {  	[dreg:$0x1] =	wrdreg $0xFFFFFFFF  }
0xad: {  	[dreg:$0x0] =	wrdreg $0x60  }
0xae: {  	[dreg:$0x2] =	wrdreg s24  }
0xaf: {  	[dreg:$0x3] =	wrdreg $0x9  }
0xb0: {  	_ =	task.clear_ibuf [dreg:s6], $0x4FFFF;
	_ =	strace $0x90000046  }
0xb1: {  	s29 =	simm.s32 $0x9;
	_ =	strace $0x80000048  }
0xb2: {  	_ =	swait.ge [sflag:s29], $0x1  }
0xb3: {  	[sflag:s29] =	ssyncadd.s32 $0xFFFFFFFF  }
0xb4: {  	_ =	strace $0x90000048  }
0xb5: {  	_ =	sfence  }
0xb6: {  	s30 =	sld [smem:$0x0];
	_ =	sdelay $0x2  }
0xb7: {  	s31 =	sshll.u32 s1, $0xD;
	s1 =	sshrl.u32 s1, $0x2  }
0xb8: {  	s3 =	sand.u32 $0x4000, s31;
	s1 =	sadd.s32 s1, s30  }
0xb9: {  	s0 =	sor.u32 s3, s0;
	s1 =	sshll.u32 s1, $0x11  }
0xba: {  	s0 =	sor.u32 s1, s0  }
0xbb: {  	s0 =	sadd.s32 $0x8F2B, s0  }
0xbc: {  	[sflag:s0] =	ssyncadd.remote.s32 $0x1  }
0xbd: {  	_ =	sfence.sel $0xFFFF  }
0xbe: {  	[dreg:$0x0] =	wrdreg $0xFFFFFFFF;
	(pc) =	sbr.abs _section_cstart, $3  }
0xbf: {  	[dreg:$0x1] =	wrdreg $0xFFFFFFFF  }
0xc0: {  	_ =	task.clear_ibuf [dreg:s6], $0x2FFFF;
	_ =	strace $0x9FFFFFFF  }
0xc1: {  	(tm) =	ssettm $0x7FFFFFFF  }
tec
execute0_lowered:
.L_overlay_start_1:
0x0: {  	(tag) =	ssettag $0x1  }
0x1: {  	v0 =	vimm.s32 $0xFEDCBA9;
	v1 =	vimm.s32 $0x87654321  }
0x2: {  	v8 =	vlaneseq.u32;
	vm0 =	vcmask $0x1F10;
	v49 =	vimm.s32 $0x1C1B1A19  }
0x3: {  	v50 =	vimm.s32 $0x101F1E1D;
	v2 =	vimm.s32 $0x14131211;
	v3 =	vimm.s32 $0x18171615  }
0x4: {  	v4 =	vimm.s32 $0x10FEDCBA;
	v5 =	vimm.s32 $0x98765432;
	v7 =	vimm.s32 $0x15141312  }
0x5: {  	v9 =	vimm.s32 $0x210FEDCB;
	v10 =	vimm.s32 $0xA9876543;
	v11 =	vimm.s32 $0x19181716  }
0x6: {  	v53 =	vimm.s32 $0x1211101F;
	v13 =	vimm.s32 $0x16151413;
	v22 =	vimm.s32 $0x17161514  }
0x7: {  	v23 =	vimm.s32 $0x1B1A1918;
	v7 =	vunpack.c.0.s8.s32 v7;
	v11 =	vunpack.c.0.s8.s32 v11  }
0x8: {  	v14 =	vimm.s32 $0x3210FEDC;
	v22 =	vunpack.c.0.s8.s32 v22;
	v24 =	vunpack.c.0.s8.s32 v23  }
0x9: {  	v15 =	vimm.s32 $0xBA987654;
	s1 =	simm.s32 $0x0;
	v12 =	vunpack.c.l.s4.s8 v9;
	v9 =	vsel vm0, v11, v7  }
0xa: {  	v16 =	vimm.s32 $0x1A191817;
	v20 =	vmul.u32 $0x80, v8;
	[smem:$0x7FF] =	sst s1;
	v31 =	vsel vm0, v24, v22;
	[tilespmem:$0x1FD30] =	vst v9  }
0xb: {  	s0 =	rddreg [dreg:$0x0];
	v2 =	vunpack.c.0.s8.s32 v2;
	v3 =	vunpack.c.0.s8.s32 v3;
	v4 =	vunpack.c.l.s4.s8 v4;
	_ =	strace $0x80000047;
	[tilespmem:$0x1FD60] =	vst v31  }
0xc: {  	v54 =	vimm.s32 $0x1F1E1D1C;
	v5 =	vunpack.c.l.s4.s8 v5;
	v25 =	vor.u32 $0x10, v8;
	[tilespmem:$0x1FDD0] =	vst v20  }
0xd: {  	v18 =	vimm.s32 $0x13121110;
	v59 =	vsel vm0, v3, v2;
	v60 =	vunpack.c.0.s8.s32 v4;
	[tilespmem:$0x1FDE0] =	vst v25  }
0xe: {  	v19 =	vimm.s32 $0x43210FED;
	v10 =	vunpack.c.l.s4.s8 v10;
	v62 =	vunpack.c.0.s8.s32 v5;
	[tilespmem:$0x1FE00] =	vst v59  }
0xf: {  	v1 =	vunpack.c.l.s4.s8 v1;
	v17 =	vunpack.c.l.s4.s8 v14;
	v46 =	vunpack.c.0.s8.s32 v12;
	[tilespmem:$0x1FE10] =	vst v60  }
0x10: {  	v15 =	vunpack.c.l.s4.s8 v15;
	v13 =	vunpack.c.0.s8.s32 v13;
	v61 =	vunpack.c.0.s8.s32 v10;
	[tilespmem:$0x1FE20] =	vst v62  }
0x11: {  	v44 =	vunpack.c.0.s8.s32 v1;
	v1 =	vunpack.c.0.s8.s32 v50;
	v50 =	vunpack.c.0.s8.s32 v17;
	[tilespmem:$0x1FE60] =	vst v46  }
0x12: {  	v16 =	vunpack.c.0.s8.s32 v16;
	v19 =	vunpack.c.l.s4.s8 v19;
	v55 =	vunpack.c.0.s8.s32 v15;
	[tilespmem:$0x1FE70] =	vst v61  }
0x13: {  	v0 =	vunpack.c.l.s4.s8 v0;
	v18 =	vunpack.c.0.s8.s32 v18;
	v12 =	vunpack.c.0.s8.s32 v53;
	[tilespmem:$0x1FEA0] =	vst v50  }
0x14: {  	v58 =	vsel vm0, v16, v13;
	v15 =	vunpack.c.0.s8.s32 v54;
	v53 =	vunpack.c.0.s8.s32 v19;
	[tilespmem:$0x1FEB0] =	vst v55  }
0x15: {  	v43 =	vunpack.c.0.s8.s32 v0;
	v0 =	vunpack.c.0.s8.s32 v49;
	[tilespmem:$0x1FEE0] =	vst v58  }
0x16: {  	v30 =	vsel vm0, v18, v15;
	[tilespmem:$0x1FF00] =	vst v53  }
0x17: {  	v51 =	vimm.s32 $0x1D1C1B1A;
	v47 =	vsel vm0, v1, v0;
	[tilespmem:$0x1FD50] =	vst v30  }
0x18: {  	v4 =	vunpack.c.0.s8.s32 v51;
	v33 =	vsel vm0, v2, v1;
	[tilespmem:$0x1FDF0] =	vst v47  }
0x19: {  	v6 =	vcombine.low v44, v43;
	v40 =	vsel vm0, v0, v3;
	v44 =	vcombine.low v43, v44;
	[tilespmem:$0x1FF20] =	vst v33  }
0x1a: {  	v54 =	vimm.s32 $0x76543210;
	v41 =	vsel vm0, v4, v11;
	[tilespmem:$0x1FF50] =	vst v40  }
0x1b: {  	v2 =	vunpack.c.l.s4.s8 v54;
	[tilespmem:$0x1FFD0] =	vst v41;
	v54 =	vand.u32 $0xF, v44  }
0x1c: {  	v5 =	vcombine.low v62, v60;
	v27 =	vcombine.low v59, v47;
	v26 =	vand.u32 $0xF, v6;
	[tilespmem:$0x1FDC0] =	vst v54  }
0x1d: {  	v42 =	vimm.s32 $0x6543210F;
	v10 =	vcombine.low v61, v46;
	[tilespmem:$0x1FE30] =	vst v26  }
0x1e: {  	v52 =	vimm.s32 $0x1E1D1C1B;
	v0 =	vunpack.c.l.s4.s8 v42;
	v36 =	vand.u32 $0xF, v5;
	[tilespmem:$0x1FE40] =	vst v27  }
0x1f: {  	v35 =	vcombine.low v40, v33;
	v5 =	vunpack.c.0.s8.s32 v52;
	v52 =	vand.u32 $0xF, v10;
	[tilespmem:$0x1FE50] =	vst v36  }
0x20: {  	v29 =	vunpack.c.0.s8.s32 v0;
	[tilespmem:$0x1FEC0] =	vst v52  }
0x21: {  	v10 =	vcombine.low v55, v50;
	[tilespmem:$0x1FF80] =	vst v35  }
0x22: {  	v6 =	vimm.s32 $0x11101F1E;
	v63 =	vsel vm0, v12, v5;
	[tilespmem:$0x1FFA0] =	vst v29  }
0x23: {  	v6 =	vunpack.c.0.s8.s32 v6;
	v28 =	vand.u32 $0xF, v10;
	[tilespmem:$0x1FED0] =	vst v63  }
0x24: {  	v21 =	vimm.s32 $0xCBA98765;
	v34 =	vsel vm0, v5, v16;
	[tilespmem:$0x1FF10] =	vst v28  }
0x25: {  	v21 =	vunpack.c.l.s4.s8 v21;
	v19 =	vimm.s32 $0x543210FE;
	v57 =	vsel vm0, v6, v4;
	[tilespmem:$0x1FFF0] =	vst v34  }
0x26: {  	v10 =	vunpack.c.l.s4.s8 v19;
	v56 =	vcombine.low v58, v63;
	v32 =	vsel vm0, v7, v6;
	[tilespmem:$0x1FE80] =	vst v57  }
0x27: {  	v49 =	vcombine.low v9, v57;
	v9 =	vunpack.c.0.s8.s32 v21;
	[tilespmem:$0x1FFC0] =	vst v32  }
0x28: {  	v37 =	vunpack.c.0.s8.s32 v10;
	v10 =	vcombine.low v31, v30;
	v31 =	vsel vm0, v13, v12;
	[tilespmem:$0x1FEF0] =	vst v56  }
0x29: {  	v51 =	vimm.s32 $0xFEDCBA98;
	v14 =	vcombine.low v41, v32;
	[tilespmem:$0x1FFE0] =	vst v31  }
0x2a: {  	v45 =	vimm.s32 $0xEDCBA987;
	v0 =	vunpack.c.l.s4.s8 v51;
	[tilespmem:$0x1FD40] =	vst v9  }
0x2b: {  	s2 =	srdreg.scid;
	s4 =	stileid.u32;
	v1 =	vunpack.c.l.s4.s8 v45;
	[tilespmem:$0x1FD70] =	vst v14  }
0x2c: {  	s11 =	simm.s32 $0x2;
	s14 =	simm.s32 $0x80;
	s16 =	simm.s32 $0xC00;
	v0 =	vunpack.c.0.s8.s32 v0;
	v21 =	vimm.s32 $0xDCBA9876;
	[tilespmem:$0x1FE90] =	vst v49  }
0x2d: {  	s17 =	simm.s32 $0x800;
	s18 =	simm.s32 $0x4C00;
	s19 =	simm.s32 $0x8C00;
	v42 =	vunpack.c.0.s8.s32 v2;
	v30 =	vunpack.c.0.s8.s32 v1;
	v19 =	vunpack.c.l.s4.s8 v21;
	[tilespmem:$0x1FF30] =	vst v37  }
0x2e: {  	s20 =	simm.s32 $0xA00;
	s21 =	simm.s32 $0xCC00;
	s22 =	simm.s32 $0x10C00;
	v0 =	vand.u32 $0xF, v0;
	v17 =	vcombine.low v34, v31;
	[tilespmem:$0x1FF60] =	vst v10  }
0x2f: {  	s23 =	simm.s32 $0x1;
	s25 =	simm.s32 $0x880;
	s26 =	simm.s32 $0xA80;
	v0 =	vcombine.low v0, v42;
	v1 =	vcombine.low v30, v29;
	[tilespmem:$0x1FFB0] =	vst v30;
	v39 =	vunpack.c.0.s8.s32 v19  }
0x30: {  	s29 =	simm.s32 $0x900;
	s30 =	simm.s32 $0xB00;
	s2 =	sand.u32 $0x1, s2;
	[tilespmem:$0x1FD90] =	vst v17  }
0x31: {  	s3 =	sadd.s32 $0xF44400, s0;
	s6 =	sshll.u32 s4, $0x6;
	s5 =	sshll.u32 s2, $0xA;
	v21 =	vcombine.low v9, v53;
	[tilespmem:$0x1FDA0] =	vst v0;
	v1 =	vand.u32 $0xF, v1;
	v48 =	vcombine.low v39, v37  }
0x32: {  	s4 =	sadd.s32 $0x1314E00, s0;
	s2 =	ssub.s32 $0x2, s2;
	s6 =	sor.u32 s6, s5;
	v45 =	vsel vm0, v22, v18;
	[tilespmem:$0x1FD80] =	vst v1  }
0x33: {  	s5 =	sadd.s32 $0x16E5800, s0;
	s31 =	sshrl.u32 s2, $0x1;
	s0 =	sadd.s32 s6, s0;
	v19 =	vand.u32 $0xF, v21;
	[tilespmem:$0x1FF40] =	vst v39;
	v38 =	vand.u32 $0xF, v48;
	v48 =	vsel vm0, v15, v24  }
0x34: {  	s13 =	simm.s32 $0x0;
	s2 =	ssub.s32 s2, s31;
	s6 =	sadd.s32 $0x1800, s0;
	[tilespmem:$0x1FF70] =	vst v19;
	v51 =	vcombine.low v48, v45  }
0x35: {  	s7 =	sadd.s32 $0x1000, s0;
	s8 =	sadd.s32 $0x800, s0;
	s9 =	sadd.s32 $0x2000, s0;
	[tilespmem:$0x1FF90] =	vst v38  }
0x36: {  	s10 =	smax.u32 s2, $0x1;
	s0 =	simm.s32 $0x980;
	s2 =	simm.s32 $0xB80;
	[tilespmem:$0x1FDB0] =	vst v51  }
.LBB2_1:
0x37: {  	[tilespmem:s1], [sflag:$0x2] =	stream.linear.gather [hbm4b:s6+s1], $0x200, $0x38;
	[tilespmem:$0x14E00] =	vst v63  }
0x38: {  	_ =	swait.ge [sflag:s11], $0x200  }
0x39: {  	[sflag:s11] =	ssyncset.done $0x0  }
0x3a: {  	s12 =	simm.s32 $0x200;
	[sflag:s11] =	ssyncadd.s32 $0xFFFFFE00  }
0x3b: {  	[tilespmem:s12], [sflag:$0x2] =	stream.linear.gather [hbm4b:s7+s1], $0x200, $0x38;
	[tilespmem:$0x14E00] =	vst v63  }
0x3c: {  	_ =	swait.ge [sflag:s11], $0x200  }
0x3d: {  	[sflag:s11] =	ssyncset.done $0x0  }
0x3e: {  	s31 =	simm.s32 $0x400;
	[sflag:s11] =	ssyncadd.s32 $0xFFFFFE00  }
0x3f: {  	[tilespmem:s31], [sflag:$0x2] =	stream.linear.gather [hbm4b:s8+s1], $0x200, $0x38;
	[tilespmem:$0x14E00] =	vst v63  }
0x40: {  	_ =	swait.ge [sflag:s11], $0x200  }
0x41: {  	[sflag:s11] =	ssyncset.done $0x0  }
0x42: {  	s12 =	simm.s32 $0x0;
	[sflag:s11] =	ssyncadd.s32 $0xFFFFFE00  }
0x43: {  	v1 =	vld [tilespmem:s12+$0x400]  }
0x44: {  	v2 =	vld [tilespmem:s12+$0x0]  }
0x45: {  	s15 =	simm.s32 $0x40;
	v0 =	vld [tilespmem:s12+$0x200]  }
.LBB2_2:
0x46: {  	p0 =	sne.s32 s15, $0x7C0  }
.Ltmp0:
0x47: {  	_ = 	snop;
	(pc) =	sbr.rel @p0 .LBB2_2-.Ltmp0, $4  }
0x48: {  	s24 =	sshra.s32 s15, $0x2;
	v3 =	vshrl.u32 v1, $0x2  }
0x49: {  	v1 =	vld [tilespmem:s24+$0x400];
	v4 =	vshrl.u32 v2, $0x2;
	[tilespmem:s12+$0xA00] =	vst v3  }
0x4a: {  	v2 =	vld [tilespmem:s24+$0x0];
	[tilespmem:s12+$0x600] =	vst v4;
	v3 =	vshrl.u32 v0, $0x2  }
0x4b: {  	s15 =	sadd.s32 $0x40, s15;
	v0 =	vld [tilespmem:s24+$0x200];
	[tilespmem:s12+$0x800] =	vst v3;
	s12 =	smov.u32 s24  }
0x4c: {  	_ =	sdelay $0x1  }
0x4d: {  	v1 =	vshrl.u32 v1, $0x2  }
0x4e: {  	v2 =	vshrl.u32 v2, $0x2;
	[tilespmem:s12+$0xA00] =	vst v1  }
0x4f: {  	[tilespmem:s12+$0x600] =	vst v2;
	v0 =	vshrl.u32 v0, $0x2  }
0x50: {  	s24 =	simm.s32 $0x600;
	[tilespmem:s12+$0x800] =	vst v0  }
0x51: {  	[tilespmem:s16], [sflag:$0x1] =	stream.indirect.gather [hbm4b:s3+s14], $0x80, s24, s14, $0xb8;
	[tilespmem:$0x14E00] =	vst v63  }
0x52: {  	_ = 	snop  }
0x53: {  	[tilespmem:s18], [sflag:$0x1] =	stream.indirect.gather [hbm4b:s4+s14], $0x80, s17, s14, $0xb8;
	[tilespmem:$0x14E00] =	vst v63  }
0x54: {  	_ = 	snop  }
0x55: {  	[tilespmem:s19], [sflag:$0x1] =	stream.indirect.gather [hbm4b:s5+s14], $0x80, s17, s14, $0xb8;
	[tilespmem:$0x14E00] =	vst v63  }
0x56: {  	_ = 	snop  }
0x57: {  	[tilespmem:s21], [sflag:$0x1] =	stream.indirect.gather [hbm4b:s4+s14], $0x80, s20, s14, $0xb8;
	[tilespmem:$0x14E00] =	vst v63  }
0x58: {  	_ = 	snop  }
0x59: {  	[tilespmem:s22], [sflag:$0x1] =	stream.indirect.gather [hbm4b:s5+s14], $0x80, s20, s14, $0xb8;
	[tilespmem:$0x14E00] =	vst v63  }
0x5a: {  	_ =	swait.ge [sflag:s23], $0x4000  }
0x5b: {  	[sflag:s23] =	ssyncset.done $0x0  }
0x5c: {  	[sflag:s23] =	ssyncadd.s32 $0xFFFFC000  }
0x5d: {  	_ =	swait.ge [sflag:s23], $0x4000  }
0x5e: {  	[sflag:s23] =	ssyncset.done $0x0  }
0x5f: {  	[sflag:s23] =	ssyncadd.s32 $0xFFFFC000  }
0x60: {  	_ =	swait.ge [sflag:s23], $0x4000  }
0x61: {  	[sflag:s23] =	ssyncset.done $0x0  }
0x62: {  	[sflag:s23] =	ssyncadd.s32 $0xFFFFC000  }
0x63: {  	_ =	swait.ge [sflag:s23], $0x4000  }
0x64: {  	[sflag:s23] =	ssyncset.done $0x0  }
0x65: {  	[sflag:s23] =	ssyncadd.s32 $0xFFFFC000  }
0x66: {  	s15 =	simm.s32 $0x0;
	_ =	swait.ge [sflag:s23], $0x4000  }
0x67: {  	s28 =	simm.s32 $0x400;
	s31 =	simm.s32 $0x14C00;
	[sflag:s23] =	ssyncset.done $0x0;
	v12 =	vld [tilespmem:$0x1FF10]  }
0x68: {  	s12 =	simm.s32 $0x0;
	s24 =	simm.s32 $0x200;
	v18 =	vld [tilespmem:$0x1FF60];
	[sflag:s23] =	ssyncadd.s32 $0xFFFFC000  }
.LBB2_4:
0x69: {  	v0 =	vld [tilespmem:s15+$0x0];
	_ =	sdelay $0x1  }
0x6a: {  	v1 =	vld [tilespmem:s24+$0x0];
	_ =	sdelay $0x1  }
0x6b: {  	v3 =	vmov s12  }
0x6c: {  	v3 =	vshll.u32 v3, $0x7;
	v0 =	vshll.u32 v0, $0x5  }
0x6d: {  	v3 =	vor.u32 v20, v3;
	v0 =	vand.u32 $0x60, v0  }
0x6e: {  	v2 =	vld [tilespmem:s28+$0x0];
	v1 =	vshll.u32 v1, $0x5;
	v59 =	vor.u32 v3, v0  }
0x6f: {  	v1 =	vand.u32 $0x60, v1;
	v31 =	vor.u32 v8, v59  }
0x70: {  	v61 =	vor.u32 v3, v1;
	v32 =	vor.u32 v25, v59  }
0x71: {  	v4 =	vor.u32 v25, v61;
	_ =	sdelay $0x1  }
0x72: {  	v30 =	vshll.u32 v2, $0x5;
	v2 =	vld [tilespmem:$0x1FD80];
	v33 =	vor.u32 v26, v59  }
0x73: {  	v6 =	vor.u32 v26, v61;
	v34 =	vld.idx.msk [tilespmem:v31+s16+$0x0], $0xffff  }
0x74: {  	v35 =	vld.idx.msk [tilespmem:v32+s16+$0x0], $0xffff  }
0x75: {  	v42 =	vor.u32 v27, v59;
	v28 =	vld.idx.msk [tilespmem:v4+s18+$0x0], $0xffff  }
0x76: {  	v43 =	vor.u32 v27, v61;
	v37 =	vld.idx.msk [tilespmem:v4+s19+$0x0], $0xffff  }
0x77: {  	v57 =	vld.idx.msk [tilespmem:v33+s16+$0x0], $0xffff  }
0x78: {  	v44 =	vor.u32 v36, v59;
	v46 =	vld.idx.msk [tilespmem:v6+s18+$0x0], $0xffff  }
0x79: {  	v55 =	vor.u32 v52, v59;
	v47 =	vld.idx.msk [tilespmem:v6+s19+$0x0], $0xffff  }
0x7a: {  	v58 =	vor.u32 v52, v61;
	v54 =	vld.idx.msk [tilespmem:v42+s16+$0x0], $0xffff  }
0x7b: {  	v9 =	vld.idx.msk [tilespmem:v43+s18+$0x0], $0xffff  }
0x7c: {  	v14 =	vld.idx.msk [tilespmem:v43+s19+$0x0], $0xffff  }
0x7d: {  	v0 =	vand.u32 $0x60, v30;
	v11 =	vor.u32 v12, v61;
	v50 =	vld.idx.msk [tilespmem:v44+s16+$0x0], $0xffff  }
0x7e: {  	v60 =	vor.u32 v3, v0;
	v62 =	vld.idx.msk [tilespmem:v55+s16+$0x0], $0xffff  }
0x7f: {  	v5 =	vor.u32 v25, v60;
	v43 =	vld.idx.msk [tilespmem:v58+s18+$0x0], $0xffff  }
0x80: {  	v44 =	vld.idx.msk [tilespmem:v58+s19+$0x0], $0xffff  }
0x81: {  	v10 =	vor.u32 v26, v60;
	v55 =	vld [tilespmem:$0x1FF10]  }
0x82: {  	v22 =	vld.idx.msk [tilespmem:v11+s18+$0x0], $0xffff  }
0x83: {  	v45 =	vor.u32 v36, v60;
	v4 =	vld [tilespmem:$0x1FF60]  }
0x84: {  	v38 =	vld.idx.msk [tilespmem:v5+s21+$0x0], $0xffff  }
0x85: {  	v41 =	vld.idx.msk [tilespmem:v5+s22+$0x0], $0xffff  }
0x86: {  	v6 =	vor.u32 v27, v60;
	v48 =	vld.idx.msk [tilespmem:v10+s21+$0x0], $0xffff  }
0x87: {  	v1 =	vor.u32 v8, v61;
	v0 =	vor.u32 v8, v60;
	v8 =	vld.idx.msk [tilespmem:v10+s22+$0x0], $0xffff  }
0x88: {  	v31 =	vld.idx.msk [tilespmem:v45+s21+$0x0], $0xffff  }
0x89: {  	v32 =	vld.idx.msk [tilespmem:v45+s22+$0x0], $0xffff  }
0x8a: {  	v10 =	vor.u32 v36, v61;
	v5 =	vld.idx.msk [tilespmem:v11+s19+$0x0], $0xffff  }
0x8b: {  	v17 =	vld.idx.msk [tilespmem:v6+s21+$0x0], $0xffff  }
0x8c: {  	v63 =	vor.u32 v56, v59;
	v20 =	vld.idx.msk [tilespmem:v6+s22+$0x0], $0xffff  }
0x8d: {  	v36 =	vor.u32 v56, v60;
	[tilespmem:$0x1FBF0] =	vst v62;
	v62 =	vld [tilespmem:$0x1FF60]  }
0x8e: {  	[tilespmem:$0x1FBD0] =	vst v50;
	v50 =	vor.u32 v12, v59;
	v12 =	vor.u32 v55, v60;
	v55 =	vld [tilespmem:$0x1FF80]  }
0x8f: {  	v58 =	vor.u32 v18, v59;
	v23 =	vld.idx.msk [tilespmem:v10+s18+$0x0], $0xffff  }
0x90: {  	v6 =	vor.u32 v49, v61;
	v30 =	vld.idx.msk [tilespmem:v10+s19+$0x0], $0xffff  }
0x91: {  	v51 =	vor.u32 v49, v59;
	v10 =	vor.u32 v49, v60;
	v49 =	vld.idx.msk [tilespmem:v63+s16+$0x0], $0xffff  }
0x92: {  	v21 =	vld.idx.msk [tilespmem:v36+s21+$0x0], $0xffff  }
0x93: {  	v63 =	vld.idx.msk [tilespmem:v36+s22+$0x0], $0xffff  }
0x94: {  	v36 =	vld.idx.msk [tilespmem:v58+s16+$0x0], $0xffff  }
0x95: {  	v33 =	vld.idx.msk [tilespmem:v6+s18+$0x0], $0xffff  }
0x96: {  	v39 =	vld.idx.msk [tilespmem:v6+s19+$0x0], $0xffff  }
0x97: {  	v11 =	vor.u32 v4, v60;
	v6 =	vor.u32 v52, v60;
	v4 =	vld.idx.msk [tilespmem:v12+s22+$0x0], $0xffff  }
0x98: {  	v40 =	vld.idx.msk [tilespmem:v10+s21+$0x0], $0xffff  }
0x99: {  	[tilespmem:$0x1FC00] =	vst v49;
	v49 =	vld [tilespmem:$0x1FF70]  }
0x9a: {  	v18 =	vor.u32 v62, v61;
	v42 =	vld.idx.msk [tilespmem:v10+s22+$0x0], $0xffff  }
0x9b: {  	v10 =	vor.u32 v56, v61;
	v56 =	vld.idx.msk [tilespmem:v50+s16+$0x0], $0xffff  }
0x9c: {  	v45 =	vld.idx.msk [tilespmem:v6+s21+$0x0], $0xffff  }
0x9d: {  	v52 =	vld.idx.msk [tilespmem:v6+s22+$0x0], $0xffff  }
0x9e: {  	v6 =	vld.idx.msk [tilespmem:v12+s21+$0x0], $0xffff;
	v12 =	vor.u32 v49, v61  }
0x9f: {  	v26 =	vld.idx.msk [tilespmem:v18+s18+$0x0], $0xffff  }
0xa0: {  	v24 =	vld.idx.msk [tilespmem:v18+s19+$0x0], $0xffff;
	v18 =	vor.u32 v49, v60  }
0xa1: {  	v16 =	vld.idx.msk [tilespmem:v1+s18+$0x0], $0xffff  }
0xa2: {  	v62 =	vld [tilespmem:$0x1FF90];
	[tilespmem:$0x1FC20] =	vst v56;
	v56 =	vor.u32 v55, v59  }
0xa3: {  	v50 =	vor.u32 v49, v59;
	v49 =	vld.idx.msk [tilespmem:v12+s18+$0x0], $0xffff  }
0xa4: {  	[tilespmem:$0x1FC30] =	vst v36;
	v36 =	vld.idx.msk [tilespmem:v12+s19+$0x0], $0xffff  }
0xa5: {  	v29 =	vld.idx.msk [tilespmem:v18+s21+$0x0], $0xffff  }
0xa6: {  	v12 =	vld.idx.msk [tilespmem:v18+s22+$0x0], $0xffff  }
0xa7: {  	v58 =	vld.idx.msk [tilespmem:v56+s16+$0x0], $0xffff;
	v18 =	vor.u32 v62, v59  }
0xa8: {  	v53 =	vld.idx.msk [tilespmem:v51+s16+$0x0], $0xffff  }
0xa9: {  	v15 =	vld.idx.msk [tilespmem:v1+s19+$0x0], $0xffff  }
0xaa: {  	v1 =	vld [tilespmem:$0x1FD70]  }
0xab: {  	v25 =	vld.idx.msk [tilespmem:v11+s21+$0x0], $0xffff  }
0xac: {  	v56 =	vor.u32 v62, v61;
	[tilespmem:$0x1FC70] =	vst v58;
	v58 =	vld.idx.msk [tilespmem:v18+s16+$0x0], $0xffff  }
0xad: {  	[tilespmem:$0x1FBE0] =	vst v53;
	v53 =	vld.idx.msk [tilespmem:v10+s18+$0x0], $0xffff  }
0xae: {  	v19 =	vld.idx.msk [tilespmem:v10+s19+$0x0], $0xffff  }
0xaf: {  	v10 =	vld.idx.msk [tilespmem:v11+s22+$0x0], $0xffff;
	v11 =	vor.u32 v55, v61  }
0xb0: {  	v13 =	vld.idx.msk [tilespmem:v0+s21+$0x0], $0xffff  }
0xb1: {  	[tilespmem:$0x1FCB0] =	vst v58;
	v58 =	vld.idx.msk [tilespmem:v56+s18+$0x0], $0xffff  }
0xb2: {  	v7 =	vld.idx.msk [tilespmem:v0+s22+$0x0], $0xffff;
	v27 =	vor.u32 v55, v60  }
0xb3: {  	v51 =	vld.idx.msk [tilespmem:v50+s16+$0x0], $0xffff  }
0xb4: {  	v55 =	vld.idx.msk [tilespmem:v11+s18+$0x0], $0xffff;
	v62 =	vor.u32 v62, v60  }
0xb5: {  	v0 =	vor.u32 v1, v61;
	v50 =	vld.idx.msk [tilespmem:v11+s19+$0x0], $0xffff  }
0xb6: {  	[tilespmem:$0x1FC50] =	vst v58;
	v58 =	vld.idx.msk [tilespmem:v56+s19+$0x0], $0xffff  }
0xb7: {  	v11 =	vld.idx.msk [tilespmem:v27+s22+$0x0], $0xffff;
	v18 =	vor.u32 v1, v59  }
0xb8: {  	[tilespmem:$0x1FC40] =	vst v51;
	v51 =	vld.idx.msk [tilespmem:v27+s21+$0x0], $0xffff  }
0xb9: {  	v27 =	vld.idx.msk [tilespmem:v62+s22+$0x0], $0xffff  }
0xba: {  	v56 =	vor.u32 v1, v60;
	v1 =	vld.idx.msk [tilespmem:v0+s18+$0x0], $0xffff  }
0xbb: {  	v15 =	vadd.f32 v15, v16;
	v16 =	vadd.f32 v7, v13;
	[tilespmem:$0x1FC60] =	vst v58;
	v58 =	vld.idx.msk [tilespmem:v62+s21+$0x0], $0xffff  }
0xbc: {  	v28 =	vadd.f32 v37, v28;
	v62 =	vld.idx.msk [tilespmem:v18+s16+$0x0], $0xffff  }
0xbd: {  	v37 =	vadd.f32 v41, v38;
	v16 =	vsub.f32 v15, v16;
	_ =	sdelay $0x1  }
0xbe: {  	v16 =	vmul.f32 v16, v34;
	v34 =	vsub.f32 v28, v37;
	v0 =	vld.idx.msk [tilespmem:v0+s19+$0x0], $0xffff  }
0xbf: {  	v46 =	vadd.f32 v47, v46;
	v47 =	vld [tilespmem:$0x1FE10];
	[tilespmem:$0x1FC90] =	vst v1;
	v1 =	vor.u32 v2, v61  }
0xc0: {  	v34 =	vmul.f32 v34, v35;
	v35 =	vadd.f32 $0.0e+00, v16;
	v16 =	vld [tilespmem:$0x1FDF0];
	[tilespmem:$0x1FCF0] =	vst v62;
	v62 =	vor.u32 v2, v59  }
0xc1: {  	v19 =	vadd.f32 v19, v53;
	v53 =	vld [tilespmem:$0x1FD30]  }
0xc2: {  	v18 =	vld.idx.msk [tilespmem:v56+s21+$0x0], $0xffff  }
0xc3: {  	[tilespmem:$0x1FCA0] =	vst v0;
	v0 =	vld [tilespmem:$0x1FD90]  }
0xc4: {  	v2 =	vor.u32 v2, v60;
	v3 =	vld.idx.msk [tilespmem:v1+s18+$0x0], $0xffff  }
0xc5: {  	v62 =	vld.idx.msk [tilespmem:v62+s16+$0x0], $0xffff  }
0xc6: {  	v56 =	vld.idx.msk [tilespmem:v56+s22+$0x0], $0xffff  }
0xc7: {  	v1 =	vld.idx.msk [tilespmem:v1+s19+$0x0], $0xffff  }
0xc8: {  	v13 =	vor.u32 v0, v60;
	v27 =	vadd.f32 v27, v58;
	v58 =	vld [tilespmem:$0x1FCA0]  }
0xc9: {  	[tilespmem:$0x1FCC0] =	vst v3;
	v3 =	vor.u32 v0, v61;
	v7 =	vld.idx.msk [tilespmem:v2+s21+$0x0], $0xffff  }
0xca: {  	v15 =	vld.idx.msk [tilespmem:v2+s22+$0x0], $0xffff;
	[tilespmem:$0x1FD00] =	vst v62;
	v62 =	vor.u32 v0, v59  }
0xcb: {  	v0 =	vld [tilespmem:$0x1FDA0]  }
0xcc: {  	v48 =	vadd.f32 v8, v48;
	[tilespmem:$0x1FCD0] =	vst v1;
	v1 =	vld [tilespmem:$0x1FE00]  }
0xcd: {  	v9 =	vadd.f32 v14, v9;
	v17 =	vadd.f32 v20, v17;
	v28 =	vld.idx.msk [tilespmem:v13+s21+$0x0], $0xffff  }
0xce: {  	v2 =	vsub.f32 v46, v48;
	v38 =	vld.idx.msk [tilespmem:v3+s18+$0x0], $0xffff  }
0xcf: {  	v9 =	vsub.f32 v9, v17;
	v41 =	vld.idx.msk [tilespmem:v62+s16+$0x0], $0xffff  }
0xd0: {  	v2 =	vmul.f32 v2, v57;
	v37 =	vld.idx.msk [tilespmem:v3+s19+$0x0], $0xffff;
	v3 =	vadd.f32 v34, v35;
	v62 =	vor.u32 v0, v61  }
0xd1: {  	v57 =	vld [tilespmem:$0x1FDC0]  }
0xd2: {  	v2 =	vadd.f32 v2, v3;
	v3 =	vmul.f32 v9, v54;
	v54 =	vadd.f32 v42, v40;
	v42 =	vld [tilespmem:$0x1FBD0]  }
0xd3: {  	v17 =	vadd.f32 v30, v23;
	v23 =	vadd.f32 v32, v31;
	v13 =	vld.idx.msk [tilespmem:v13+s22+$0x0], $0xffff  }
0xd4: {  	v48 =	vld [tilespmem:$0x1FE60];
	[tilespmem:$0x1FD10] =	vst v41;
	v41 =	vor.u32 v0, v59  }
0xd5: {  	v23 =	vsub.f32 v17, v23;
	v34 =	vld.idx.msk [tilespmem:v62+s18+$0x0], $0xffff  }
0xd6: {  	v14 =	vor.u32 v0, v60;
	v30 =	vld.idx.msk [tilespmem:v62+s19+$0x0], $0xffff  }
0xd7: {  	v23 =	vmul.f32 v23, v42;
	v42 =	vor.u32 v57, v60;
	v62 =	vld [tilespmem:$0x1FE20]  }
0xd8: {  	v46 =	vld [tilespmem:$0x1FE70]  }
0xd9: {  	v8 =	vld.idx.msk [tilespmem:v41+s16+$0x0], $0xffff  }
0xda: {  	v41 =	vld [tilespmem:$0x1FDB0]  }
0xdb: {  	v2 =	vadd.f32 v3, v2;
	v3 =	vor.u32 v57, v61;
	v31 =	vld.idx.msk [tilespmem:v14+s21+$0x0], $0xffff  }
0xdc: {  	v45 =	vadd.f32 v52, v45;
	v4 =	vadd.f32 v4, v6;
	v6 =	vld.idx.msk [tilespmem:v42+s22+$0x0], $0xffff;
	v52 =	vcombine.low v47, v62  }
0xdd: {  	v62 =	vld [tilespmem:$0x1FE80]  }
0xde: {  	v47 =	vand.u32 $0xF, v52;
	v52 =	vld [tilespmem:$0x1FC00]  }
0xdf: {  	v20 =	vor.u32 v41, v59;
	v35 =	vor.u32 v41, v61;
	v32 =	vor.u32 v41, v60;
	v41 =	vld.idx.msk [tilespmem:v14+s22+$0x0], $0xffff  }
0xe0: {  	v14 =	vadd.f32 v39, v33;
	v39 =	vld.idx.msk [tilespmem:v3+s18+$0x0], $0xffff  }
0xe1: {  	v21 =	vadd.f32 v63, v21;
	v33 =	vadd.f32 v44, v43;
	v44 =	vld.idx.msk [tilespmem:v42+s21+$0x0], $0xffff  }
0xe2: {  	v0 =	vcombine.low v62, v53;
	v62 =	vld [tilespmem:$0x1FC30]  }
0xe3: {  	v53 =	vld [tilespmem:$0x1FC70];
	v14 =	vsub.f32 v14, v54;
	v54 =	vcombine.low v16, v1;
	v16 =	vsub.f32 v19, v21  }
0xe4: {  	v33 =	vsub.f32 v33, v45;
	v45 =	vld [tilespmem:$0x1FBF0]  }
0xe5: {  	v16 =	vmul.f32 v16, v52;
	v52 =	vld [tilespmem:$0x1FEE0]  }
0xe6: {  	v9 =	vld.idx.msk [tilespmem:v20+s16+$0x0], $0xffff  }
0xe7: {  	v17 =	vld.idx.msk [tilespmem:v35+s18+$0x0], $0xffff  }
0xe8: {  	v10 =	vadd.f32 v10, v25;
	v21 =	vadd.f32 v24, v26;
	v35 =	vld.idx.msk [tilespmem:v35+s19+$0x0], $0xffff  }
0xe9: {  	v12 =	vadd.f32 v12, v29;
	v2 =	vadd.f32 v23, v2;
	v40 =	vld.idx.msk [tilespmem:v32+s21+$0x0], $0xffff  }
0xea: {  	v10 =	vsub.f32 v21, v10;
	v21 =	vadd.f32 v36, v49;
	v23 =	vld.idx.msk [tilespmem:v32+s22+$0x0], $0xffff  }
0xeb: {  	v19 =	vor.u32 v47, v59;
	v20 =	vor.u32 v57, v59;
	v57 =	vld [tilespmem:$0x1FBE0]  }
0xec: {  	v26 =	vor.u32 v47, v60;
	v12 =	vsub.f32 v21, v12;
	v21 =	vcombine.low v48, v46;
	v46 =	vld [tilespmem:$0x1FC40]  }
0xed: {  	v25 =	vor.u32 v0, v59;
	v48 =	vld [tilespmem:$0x1FED0]  }
0xee: {  	v43 =	vor.u32 v54, v61;
	v10 =	vmul.f32 v10, v62;
	v62 =	vld [tilespmem:$0x1FCB0]  }
0xef: {  	v32 =	vmul.f32 v33, v45;
	v33 =	vld.idx.msk [tilespmem:v3+s19+$0x0], $0xffff  }
0xf0: {  	v63 =	vor.u32 v54, v60;
	v19 =	vld.idx.msk [tilespmem:v19+s16+$0x0], $0xffff  }
0xf1: {  	v5 =	vadd.f32 v5, v22;
	v36 =	vld.idx.msk [tilespmem:v26+s21+$0x0], $0xffff  }
0xf2: {  	v45 =	vand.u32 $0xF, v21;
	v21 =	vld.idx.msk [tilespmem:v25+s16+$0x0], $0xffff  }
0xf3: {  	v4 =	vsub.f32 v5, v4;
	v5 =	vld.idx.msk [tilespmem:v43+s18+$0x0], $0xffff  }
0xf4: {  	v22 =	vld.idx.msk [tilespmem:v43+s19+$0x0], $0xffff  }
0xf5: {  	v24 =	vld.idx.msk [tilespmem:v63+s21+$0x0], $0xffff  }
0xf6: {  	v29 =	vor.u32 v0, v61;
	v1 =	vmul.f32 v14, v57;
	v14 =	vld.idx.msk [tilespmem:v20+s16+$0x0], $0xffff  }
0xf7: {  	v43 =	vor.u32 v45, v61;
	v57 =	vld [tilespmem:$0x1FC20]  }
0xf8: {  	v20 =	vor.u32 v54, v59;
	v23 =	vadd.f32 v23, v40;
	v40 =	vld [tilespmem:$0x1FFF0]  }
0xf9: {  	v12 =	vmul.f32 v12, v46;
	v46 =	vld [tilespmem:$0x1FCC0];
	v2 =	vadd.f32 v1, v2  }
0xfa: {  	v33 =	vadd.f32 v33, v39;
	v39 =	vld [tilespmem:$0x1FFB0]  }
0xfb: {  	v2 =	vadd.f32 v32, v2;
	v32 =	vld.idx.msk [tilespmem:v29+s18+$0x0], $0xffff  }
0xfc: {  	v7 =	vadd.f32 v15, v7;
	v15 =	vld.idx.msk [tilespmem:v43+s19+$0x0], $0xffff  }
0xfd: {  	v3 =	vld.idx.msk [tilespmem:v20+s16+$0x0], $0xffff  }
0xfe: {  	[tilespmem:$0x1FC10] =	vst v47;
	v20 =	vor.u32 v47, v61;
	v47 =	vld [tilespmem:$0x1FC50]  }
0xff: {  	v4 =	vmul.f32 v4, v57;
	v57 =	vld [tilespmem:$0x1FC90]  }
0x100: {  	v2 =	vadd.f32 v16, v2;
	v16 =	vld.idx.msk [tilespmem:v63+s22+$0x0], $0xffff  }
0x101: {  	v63 =	vadd.f32 v50, v55;
	v55 =	vld [tilespmem:$0x1FEB0]  }
0x102: {  	v50 =	vld [tilespmem:$0x1FEA0]  }
0x103: {  	v2 =	vadd.f32 v4, v2;
	v4 =	vld.idx.msk [tilespmem:v20+s18+$0x0], $0xffff  }
0x104: {  	v11 =	vadd.f32 v11, v51;
	v20 =	vld.idx.msk [tilespmem:v20+s19+$0x0], $0xffff  }
0x105: {  	v25 =	vor.u32 v45, v59;
	v2 =	vadd.f32 v10, v2;
	v10 =	vld.idx.msk [tilespmem:v26+s22+$0x0], $0xffff  }
0x106: {  	v11 =	vsub.f32 v63, v11;
	v26 =	vld [tilespmem:$0x1FC60]  }
0x107: {  	v18 =	vadd.f32 v56, v18;
	v51 =	vmov v0;
	v50 =	vcombine.low v50, v55;
	v55 =	vld [tilespmem:$0x1FD10]  }
0x108: {  	v42 =	vor.u32 v0, v60;
	v11 =	vmul.f32 v11, v53;
	v2 =	vadd.f32 v12, v2;
	v12 =	vld.idx.msk [tilespmem:v29+s19+$0x0], $0xffff  }
0x109: {  	[tilespmem:$0x1FC80] =	vst v45;
	v0 =	vcombine.low v48, v52;
	v29 =	vor.u32 v45, v60;
	v45 =	vadd.f32 v58, v57;
	v57 =	vld [tilespmem:$0x1FCF0]  }
0x10a: {  	v2 =	vadd.f32 v11, v2;
	v11 =	vld.idx.msk [tilespmem:v25+s16+$0x0], $0xffff  }
0x10b: {  	v25 =	vor.u32 v0, v59;
	v18 =	vsub.f32 v45, v18;
	v45 =	vld.idx.msk [tilespmem:v43+s18+$0x0], $0xffff  }
0x10c: {  	v43 =	vand.u32 $0xF, v50;
	v50 =	vld [tilespmem:$0x1FF00];
	v26 =	vadd.f32 v26, v47  }
0x10d: {  	v47 =	vld [tilespmem:$0x1FCD0]  }
0x10e: {  	v13 =	vadd.f32 v13, v28;
	v28 =	vor.u32 v43, v59;
	v26 =	vsub.f32 v26, v27;
	v27 =	vld.idx.msk [tilespmem:v42+s21+$0x0], $0xffff  }
0x10f: {  	v42 =	vld.idx.msk [tilespmem:v42+s22+$0x0], $0xffff  }
0x110: {  	v25 =	vld.idx.msk [tilespmem:v25+s16+$0x0], $0xffff  }
0x111: {  	v63 =	vor.u32 v0, v61;
	v26 =	vmul.f32 v26, v62;
	v62 =	vld [tilespmem:$0x1FD00]  }
0x112: {  	v1 =	vadd.f32 v47, v46;
	v46 =	vld [tilespmem:$0x1FD60]  }
0x113: {  	v53 =	vor.u32 v0, v60;
	v28 =	vld.idx.msk [tilespmem:v28+s16+$0x0], $0xffff  }
0x114: {  	v18 =	vmul.f32 v18, v57;
	v2 =	vadd.f32 v26, v2;
	v26 =	vld.idx.msk [tilespmem:v29+s21+$0x0], $0xffff  }
0x115: {  	v1 =	vsub.f32 v1, v7;
	v7 =	vld.idx.msk [tilespmem:v29+s22+$0x0], $0xffff;
	v29 =	vadd.f32 v37, v38  }
0x116: {  	v58 =	vor.u32 v43, v61;
	v2 =	vadd.f32 v18, v2;
	v18 =	vld.idx.msk [tilespmem:v63+s18+$0x0], $0xffff  }
0x117: {  	v13 =	vsub.f32 v29, v13;
	v29 =	vadd.f32 v30, v34;
	v30 =	vld.idx.msk [tilespmem:v63+s19+$0x0], $0xffff  }
0x118: {  	v1 =	vmul.f32 v1, v62;
	v34 =	vld.idx.msk [tilespmem:v53+s21+$0x0], $0xffff  }
0x119: {  	v31 =	vadd.f32 v41, v31;
	v38 =	vor.u32 v43, v60;
	v63 =	vld [tilespmem:$0x1FD50]  }
0x11a: {  	v1 =	vadd.f32 v1, v2;
	v2 =	vld.idx.msk [tilespmem:v53+s22+$0x0], $0xffff  }
0x11b: {  	[tilespmem:$0x1FCE0] =	vst v0;
	v0 =	vmul.f32 v13, v55;
	v13 =	vsub.f32 v29, v31;
	v31 =	vld.idx.msk [tilespmem:v58+s18+$0x0], $0xffff  }
0x11c: {  	v53 =	vld [tilespmem:$0x1FFD0]  }
0x11d: {  	v55 =	vld [tilespmem:$0x1FF30]  }
0x11e: {  	v17 =	vadd.f32 v35, v17;
	v35 =	vld.idx.msk [tilespmem:v38+s21+$0x0], $0xffff  }
0x11f: {  	v57 =	vmul.f32 v13, v8;
	v13 =	vld [tilespmem:$0x1FD40];
	v47 =	vcombine.low v63, v46  }
0x120: {  	v38 =	vld.idx.msk [tilespmem:v38+s22+$0x0], $0xffff  }
0x121: {  	v8 =	vld.idx.msk [tilespmem:v58+s19+$0x0], $0xffff;
	v29 =	vor.u32 v47, v59  }
0x122: {  	v58 =	vld [tilespmem:$0x1FF50];
	v41 =	vor.u32 v47, v61  }
0x123: {  	v63 =	vld [tilespmem:$0x1FF40];
	v62 =	vor.u32 v47, v60  }
0x124: {  	v13 =	vcombine.low v50, v13;
	v50 =	vld [tilespmem:$0x1FF20]  }
0x125: {  	v6 =	vadd.f32 v6, v44;
	v46 =	vld [tilespmem:$0x1FFE0]  }
0x126: {  	v0 =	vadd.f32 v0, v1;
	v44 =	vand.u32 $0xF, v13;
	v13 =	vsub.f32 v17, v23;
	v17 =	vld.idx.msk [tilespmem:v29+s16+$0x0], $0xffff  }
0x127: {  	[tilespmem:$0x1FD20] =	vst v47;
	v47 =	vsub.f32 v33, v6;
	v6 =	vld.idx.msk [tilespmem:v41+s18+$0x0], $0xffff;
	v29 =	vor.u32 v44, v61  }
0x128: {  	v5 =	vadd.f32 v22, v5;
	v0 =	vadd.f32 v57, v0;
	v22 =	vld.idx.msk [tilespmem:v62+s21+$0x0], $0xffff;
	v9 =	vmul.f32 v13, v9  }
0x129: {  	v23 =	vor.u32 v44, v59;
	v13 =	vadd.f32 v16, v24;
	v16 =	vld.idx.msk [tilespmem:v41+s19+$0x0], $0xffff;
	v48 =	vcombine.low v50, v58  }
0x12a: {  	v4 =	vadd.f32 v20, v4;
	v24 =	vor.u32 v44, v60;
	v0 =	vadd.f32 v9, v0;
	v9 =	vld.idx.msk [tilespmem:v62+s22+$0x0], $0xffff  }
0x12b: {  	v10 =	vadd.f32 v10, v36;
	v1 =	vmul.f32 v47, v14;
	v62 =	vld [tilespmem:$0x1FFC0];
	v14 =	vor.u32 v48, v59  }
0x12c: {  	v20 =	vor.u32 v48, v61;
	v57 =	vld.idx.msk [tilespmem:v29+s18+$0x0], $0xffff  }
0x12d: {  	v4 =	vsub.f32 v4, v10;
	v12 =	vadd.f32 v12, v32;
	v58 =	vld.idx.msk [tilespmem:v29+s19+$0x0], $0xffff;
	v29 =	vor.u32 v48, v60  }
0x12e: {  	v10 =	vcombine.low v55, v63;
	v5 =	vsub.f32 v5, v13;
	v13 =	vld.idx.msk [tilespmem:v23+s16+$0x0], $0xffff;
	v23 =	vadd.f32 v42, v27  }
0x12f: {  	v15 =	vadd.f32 v15, v45;
	v7 =	vadd.f32 v7, v26;
	v27 =	vld.idx.msk [tilespmem:v24+s21+$0x0], $0xffff  }
0x130: {  	v42 =	vand.u32 $0xF, v10;
	v10 =	vsub.f32 v12, v23;
	v12 =	vld.idx.msk [tilespmem:v14+s16+$0x0], $0xffff  }
0x131: {  	v4 =	vmul.f32 v4, v19;
	v7 =	vsub.f32 v15, v7;
	v19 =	vld.idx.msk [tilespmem:v20+s18+$0x0], $0xffff  }
0x132: {  	v0 =	vadd.f32 v1, v0;
	v3 =	vmul.f32 v5, v3;
	v23 =	vor.u32 v42, v61;
	v15 =	vld.idx.msk [tilespmem:v29+s21+$0x0], $0xffff  }
0x133: {  	v37 =	vmul.f32 v10, v21;
	v21 =	vld.idx.msk [tilespmem:v29+s22+$0x0], $0xffff  }
0x134: {  	v18 =	vadd.f32 v30, v18;
	v0 =	vadd.f32 v3, v0;
	v14 =	vor.u32 v42, v59;
	v29 =	vld [tilespmem:$0x1FFA0]  }
0x135: {  	v2 =	vadd.f32 v2, v34;
	v45 =	vcombine.low v62, v53;
	v10 =	vld.idx.msk [tilespmem:v20+s19+$0x0], $0xffff;
	v20 =	vor.u32 v42, v60  }
0x136: {  	v7 =	vmul.f32 v7, v11;
	v63 =	vld.idx.msk [tilespmem:v24+s22+$0x0], $0xffff;
	v0 =	vadd.f32 v4, v0  }
0x137: {  	v26 =	vadd.f32 v38, v35;
	v2 =	vsub.f32 v18, v2;
	v18 =	vor.u32 v45, v61;
	v11 =	vld.idx.msk [tilespmem:v23+s18+$0x0], $0xffff  }
0x138: {  	v8 =	vadd.f32 v8, v31;
	v0 =	vadd.f32 v37, v0;
	v23 =	vld.idx.msk [tilespmem:v23+s19+$0x0], $0xffff  }
0x139: {  	v2 =	vmul.f32 v2, v25;
	v25 =	vor.u32 v45, v60;
	v41 =	vld.idx.msk [tilespmem:v14+s16+$0x0], $0xffff;
	v24 =	vcombine.low v29, v39  }
0x13a: {  	v6 =	vadd.f32 v16, v6;
	v0 =	vadd.f32 v7, v0;
	v7 =	vld.idx.msk [tilespmem:v20+s21+$0x0], $0xffff  }
0x13b: {  	v9 =	vadd.f32 v9, v22;
	v14 =	vor.u32 v45, v59;
	v20 =	vld.idx.msk [tilespmem:v20+s22+$0x0], $0xffff;
	v35 =	vand.u32 $0xF, v24  }
0x13c: {  	v38 =	vcombine.low v46, v40;
	v47 =	vsub.f32 v8, v26;
	v8 =	vld.idx.msk [tilespmem:v18+s18+$0x0], $0xffff;
	v16 =	vor.u32 v35, v61  }
0x13d: {  	v6 =	vsub.f32 v6, v9;
	v9 =	vld.idx.msk [tilespmem:v18+s19+$0x0], $0xffff  }
0x13e: {  	v1 =	vadd.f32 v58, v57;
	v3 =	vadd.f32 v63, v27;
	v50 =	vld.idx.msk [tilespmem:v25+s21+$0x0], $0xffff;
	v24 =	vor.u32 v38, v61  }
0x13f: {  	v53 =	vmul.f32 v6, v17;
	v6 =	vadd.f32 v10, v19;
	v0 =	vadd.f32 v2, v0;
	v22 =	vld.idx.msk [tilespmem:v25+s22+$0x0], $0xffff  }
0x140: {  	v2 =	vmul.f32 v47, v28;
	v10 =	vadd.f32 v21, v15;
	v18 =	vor.u32 v35, v60;
	v14 =	vld.idx.msk [tilespmem:v14+s16+$0x0], $0xffff  }
0x141: {  	v1 =	vsub.f32 v1, v3;
	v55 =	vld.idx.msk [tilespmem:v16+s18+$0x0], $0xffff  }
0x142: {  	v0 =	vadd.f32 v2, v0;
	v6 =	vsub.f32 v6, v10;
	v15 =	vld.idx.msk [tilespmem:v16+s19+$0x0], $0xffff;
	v16 =	vor.u32 v38, v60  }
0x143: {  	v1 =	vmul.f32 v1, v13;
	v13 =	vld.idx.msk [tilespmem:v24+s18+$0x0], $0xffff  }
0x144: {  	v0 =	vadd.f32 v53, v0;
	v6 =	vmul.f32 v6, v12;
	v12 =	vld.idx.msk [tilespmem:v24+s19+$0x0], $0xffff  }
0x145: {  	v11 =	vadd.f32 v23, v11;
	v58 =	vor.u32 v35, v59;
	v57 =	vld.idx.msk [tilespmem:v18+s21+$0x0], $0xffff  }
0x146: {  	v7 =	vadd.f32 v20, v7;
	v0 =	vadd.f32 v1, v0;
	v10 =	vld.idx.msk [tilespmem:v18+s22+$0x0], $0xffff  }
0x147: {  	v17 =	vor.u32 v38, v59;
	v8 =	vadd.f32 v9, v8;
	v5 =	vadd.f32 v22, v50;
	v18 =	vld.idx.msk [tilespmem:v16+s21+$0x0], $0xffff  }
0x148: {  	v0 =	vadd.f32 v6, v0;
	v6 =	vsub.f32 v11, v7;
	v7 =	vld.idx.msk [tilespmem:v16+s22+$0x0], $0xffff;
	_ =	sdelay $0x1  }
0x149: {  	v5 =	vsub.f32 v8, v5;
	v1 =	vld.idx.msk [tilespmem:v58+s16+$0x0], $0xffff;
	v4 =	vmul.f32 v6, v41  }
0x14a: {  	v56 =	vld [tilespmem:$0x1FEF0];
	v3 =	vadd.f32 v15, v55;
	v2 =	vadd.f32 v10, v57  }
0x14b: {  	v59 =	vld.idx.msk [tilespmem:v17+s16+$0x0], $0xffff;
	v0 =	vadd.f32 v4, v0;
	v61 =	vadd.f32 v12, v13  }
0x14c: {  	v49 =	vld [tilespmem:$0x1FE90];
	v60 =	vmul.f32 v5, v14;
	v2 =	vsub.f32 v3, v2;
	v6 =	vadd.f32 v7, v18  }
0x14d: {  	v52 =	vld [tilespmem:$0x1FEC0]  }
0x14e: {  	v36 =	vld [tilespmem:$0x1FE50];
	v0 =	vadd.f32 v60, v0;
	v1 =	vmul.f32 v2, v1;
	v62 =	vsub.f32 v61, v6  }
0x14f: {  	p0 =	sne.s32 s12, $0x70;
	v26 =	vld [tilespmem:$0x1FE30]  }
.Ltmp1:
0x150: {  	v27 =	vld [tilespmem:$0x1FE40];
	v0 =	vadd.f32 v1, v0;
	v63 =	vmul.f32 v62, v59;
	(pc) =	sbr.rel @p0 .LBB2_4-.Ltmp1, $4  }
0x151: {  	v25 =	vld [tilespmem:$0x1FDE0]  }
0x152: {  	v20 =	vld [tilespmem:$0x1FDD0];
	v0 =	vadd.f32 v63, v0  }
0x153: {  	s15 =	sadd.s32 $0x10, s15;
	s24 =	sadd.s32 $0x10, s24;
	v12 =	vld [tilespmem:$0x1FF10]  }
0x154: {  	s28 =	sadd.s32 $0x10, s28;
	s12 =	sadd.s32 $0x10, s12;
	v8 =	vlaneseq.u32;
	v18 =	vld [tilespmem:$0x1FF60];
	[tilespmem:s31+$0x0] =	vst v0;
	s31 =	sadd.s32 $0x10, s31  }
0x155: {  	s15 =	simm.s32 $0x80;
	s12 =	simm.s32 $0x680  }
0x156: {  	[tilespmem:s16], [sflag:$0x1] =	stream.indirect.gather [hbm4b:s3+s15], $0x80, s12, s15, $0xb8;
	[tilespmem:$0x14E00] =	vst v63  }
0x157: {  	_ = 	snop  }
0x158: {  	[tilespmem:s18], [sflag:$0x1] =	stream.indirect.gather [hbm4b:s4+s15], $0x80, s25, s15, $0xb8;
	[tilespmem:$0x14E00] =	vst v63  }
0x159: {  	_ = 	snop  }
0x15a: {  	[tilespmem:s19], [sflag:$0x1] =	stream.indirect.gather [hbm4b:s5+s15], $0x80, s25, s15, $0xb8;
	[tilespmem:$0x14E00] =	vst v63  }
0x15b: {  	_ = 	snop  }
0x15c: {  	[tilespmem:s21], [sflag:$0x1] =	stream.indirect.gather [hbm4b:s4+s15], $0x80, s26, s15, $0xb8;
	[tilespmem:$0x14E00] =	vst v63  }
0x15d: {  	_ = 	snop  }
0x15e: {  	[tilespmem:s22], [sflag:$0x1] =	stream.indirect.gather [hbm4b:s5+s15], $0x80, s26, s15, $0xb8;
	[tilespmem:$0x14E00] =	vst v63  }
0x15f: {  	_ =	swait.ge [sflag:s23], $0x4000  }
0x160: {  	[sflag:s23] =	ssyncset.done $0x0  }
0x161: {  	[sflag:s23] =	ssyncadd.s32 $0xFFFFC000  }
0x162: {  	_ =	swait.ge [sflag:s23], $0x4000  }
0x163: {  	[sflag:s23] =	ssyncset.done $0x0  }
0x164: {  	[sflag:s23] =	ssyncadd.s32 $0xFFFFC000  }
0x165: {  	_ =	swait.ge [sflag:s23], $0x4000  }
0x166: {  	[sflag:s23] =	ssyncset.done $0x0  }
0x167: {  	[sflag:s23] =	ssyncadd.s32 $0xFFFFC000  }
0x168: {  	_ =	swait.ge [sflag:s23], $0x4000  }
0x169: {  	[sflag:s23] =	ssyncset.done $0x0  }
0x16a: {  	[sflag:s23] =	ssyncadd.s32 $0xFFFFC000  }
0x16b: {  	_ =	swait.ge [sflag:s23], $0x4000  }
0x16c: {  	[tilespmem:$0x1FB40] =	vst v54  }
0x16d: {  	[tilespmem:$0x1FB50] =	vst v44  }
0x16e: {  	[tilespmem:$0x1FB60] =	vst v48  }
0x16f: {  	[tilespmem:$0x1FB70] =	vst v42  }
0x170: {  	[tilespmem:$0x1FB80] =	vst v45  }
0x171: {  	[tilespmem:$0x1FB90] =	vst v38  }
0x172: {  	[tilespmem:$0x1FBA0] =	vst v51  }
0x173: {  	s24 =	simm.s32 $0x280;
	s28 =	simm.s32 $0x480;
	[sflag:s23] =	ssyncset.done $0x0;
	[tilespmem:$0x1FBB0] =	vst v43  }
0x174: {  	s31 =	simm.s32 $0x14C80;
	s12 =	simm.s32 $0x0;
	[tilespmem:$0x1FBC0] =	vst v35;
	[sflag:s23] =	ssyncadd.s32 $0xFFFFC000  }
.LBB2_6:
0x175: {  	v0 =	vld [tilespmem:s15+$0x0]  }
0x176: {  	v1 =	vld [tilespmem:s24+$0x0];
	_ =	sdelay $0x2  }
0x177: {  	v3 =	vmov s12  }
0x178: {  	v3 =	vshll.u32 v3, $0x7;
	v0 =	vshll.u32 v0, $0x5  }
0x179: {  	v3 =	vor.u32 v20, v3;
	v1 =	vshll.u32 v1, $0x5;
	v0 =	vand.u32 $0x60, v0  }
0x17a: {  	v2 =	vld [tilespmem:s28+$0x0];
	v1 =	vand.u32 $0x60, v1;
	v59 =	vor.u32 v3, v0  }
0x17b: {  	v61 =	vor.u32 v3, v1;
	v39 =	vor.u32 v8, v59  }
0x17c: {  	v1 =	vor.u32 v8, v61;
	_ =	sdelay $0x1  }
0x17d: {  	v40 =	vor.u32 v25, v59  }
0x17e: {  	v38 =	vshll.u32 v2, $0x5;
	v41 =	vor.u32 v25, v61  }
0x17f: {  	v0 =	vand.u32 $0x60, v38;
	v2 =	vld.idx.msk [tilespmem:v39+s16+$0x0], $0xffff  }
0x180: {  	v60 =	vor.u32 v3, v0;
	v44 =	vor.u32 v26, v61;
	v7 =	vld.idx.msk [tilespmem:v1+s18+$0x0], $0xffff  }
0x181: {  	v0 =	vor.u32 v8, v60;
	v8 =	vld.idx.msk [tilespmem:v1+s19+$0x0], $0xffff  }
0x182: {  	v46 =	vor.u32 v27, v59;
	v22 =	vld.idx.msk [tilespmem:v40+s16+$0x0], $0xffff  }
0x183: {  	v47 =	vor.u32 v27, v61;
	v20 =	vld.idx.msk [tilespmem:v41+s18+$0x0], $0xffff  }
0x184: {  	v23 =	vld.idx.msk [tilespmem:v41+s19+$0x0], $0xffff  }
0x185: {  	v51 =	vor.u32 v36, v61;
	v30 =	vld.idx.msk [tilespmem:v44+s18+$0x0], $0xffff  }
0x186: {  	v55 =	vor.u32 v49, v61;
	v31 =	vld.idx.msk [tilespmem:v44+s19+$0x0], $0xffff  }
0x187: {  	v38 =	vld.idx.msk [tilespmem:v46+s16+$0x0], $0xffff  }
0x188: {  	v39 =	vld.idx.msk [tilespmem:v47+s18+$0x0], $0xffff  }
0x189: {  	v43 =	vor.u32 v26, v59;
	v40 =	vld.idx.msk [tilespmem:v47+s19+$0x0], $0xffff  }
0x18a: {  	v62 =	vor.u32 v52, v61;
	v44 =	vld.idx.msk [tilespmem:v51+s18+$0x0], $0xffff  }
0x18b: {  	v54 =	vor.u32 v49, v59;
	v35 =	vor.u32 v56, v61;
	v57 =	vor.u32 v49, v60;
	v49 =	vld.idx.msk [tilespmem:v55+s19+$0x0], $0xffff  }
0x18c: {  	v42 =	vor.u32 v25, v60;
	v9 =	vld.idx.msk [tilespmem:v0+s21+$0x0], $0xffff  }
0x18d: {  	v14 =	vld.idx.msk [tilespmem:v0+s22+$0x0], $0xffff  }
0x18e: {  	v50 =	vor.u32 v36, v59;
	v0 =	vld.idx.msk [tilespmem:v43+s16+$0x0], $0xffff  }
0x18f: {  	v58 =	vor.u32 v52, v59;
	v45 =	vor.u32 v26, v60;
	v63 =	vor.u32 v52, v60;
	v52 =	vld.idx.msk [tilespmem:v62+s18+$0x0], $0xffff  }
0x190: {  	v34 =	vor.u32 v56, v59;
	v53 =	vor.u32 v36, v60;
	v36 =	vor.u32 v56, v60;
	v56 =	vld.idx.msk [tilespmem:v35+s18+$0x0], $0xffff  }
0x191: {  	v48 =	vor.u32 v27, v60;
	v25 =	vld.idx.msk [tilespmem:v42+s21+$0x0], $0xffff  }
0x192: {  	v29 =	vld.idx.msk [tilespmem:v42+s22+$0x0], $0xffff  }
0x193: {  	[tilespmem:$0x1FA30] =	vst v0;
	v0 =	vld.idx.msk [tilespmem:v50+s16+$0x0], $0xffff  }
0x194: {  	v32 =	vld.idx.msk [tilespmem:v45+s21+$0x0], $0xffff  }
0x195: {  	v33 =	vld.idx.msk [tilespmem:v45+s22+$0x0], $0xffff  }
0x196: {  	v42 =	vld.idx.msk [tilespmem:v48+s21+$0x0], $0xffff  }
0x197: {  	v43 =	vld.idx.msk [tilespmem:v48+s22+$0x0], $0xffff  }
0x198: {  	[tilespmem:$0x1FA40] =	vst v0;
	v0 =	vld.idx.msk [tilespmem:v54+s16+$0x0], $0xffff  }
0x199: {  	v45 =	vld.idx.msk [tilespmem:v51+s19+$0x0], $0xffff  }
0x19a: {  	v46 =	vld.idx.msk [tilespmem:v53+s21+$0x0], $0xffff  }
0x19b: {  	v47 =	vld.idx.msk [tilespmem:v53+s22+$0x0], $0xffff  }
0x19c: {  	v48 =	vld.idx.msk [tilespmem:v55+s18+$0x0], $0xffff  }
0x19d: {  	[tilespmem:$0x1FA50] =	vst v0;
	v0 =	vld.idx.msk [tilespmem:v58+s16+$0x0], $0xffff  }
0x19e: {  	v51 =	vld.idx.msk [tilespmem:v57+s22+$0x0], $0xffff  }
0x19f: {  	v55 =	vld.idx.msk [tilespmem:v63+s22+$0x0], $0xffff  }
0x1a0: {  	v50 =	vld.idx.msk [tilespmem:v57+s21+$0x0], $0xffff  }
0x1a1: {  	v57 =	vld.idx.msk [tilespmem:v35+s19+$0x0], $0xffff  }
0x1a2: {  	v37 =	vor.u32 v12, v59;
	[tilespmem:$0x1FA60] =	vst v0;
	v0 =	vld.idx.msk [tilespmem:v34+s16+$0x0], $0xffff  }
0x1a3: {  	v54 =	vld.idx.msk [tilespmem:v63+s21+$0x0], $0xffff  }
0x1a4: {  	v41 =	vor.u32 v12, v61;
	v63 =	vld.idx.msk [tilespmem:v36+s22+$0x0], $0xffff  }
0x1a5: {  	v1 =	vor.u32 v18, v61;
	v58 =	vld.idx.msk [tilespmem:v36+s21+$0x0], $0xffff  }
0x1a6: {  	v36 =	vld [tilespmem:$0x1FF70]  }
0x1a7: {  	v35 =	vor.u32 v18, v59;
	[tilespmem:$0x1FA70] =	vst v0;
	v0 =	vld.idx.msk [tilespmem:v37+s16+$0x0], $0xffff  }
0x1a8: {  	v53 =	vld.idx.msk [tilespmem:v62+s19+$0x0], $0xffff;
	v34 =	vor.u32 v12, v60  }
0x1a9: {  	v24 =	vld.idx.msk [tilespmem:v41+s18+$0x0], $0xffff  }
0x1aa: {  	v21 =	vld.idx.msk [tilespmem:v1+s19+$0x0], $0xffff  }
0x1ab: {  	v37 =	vld.idx.msk [tilespmem:v41+s19+$0x0], $0xffff  }
0x1ac: {  	v41 =	vor.u32 v36, v59;
	[tilespmem:$0x1FA80] =	vst v0;
	v0 =	vld.idx.msk [tilespmem:v35+s16+$0x0], $0xffff  }
0x1ad: {  	v62 =	vor.u32 v36, v61;
	v6 =	vld.idx.msk [tilespmem:v34+s21+$0x0], $0xffff  }
0x1ae: {  	v5 =	vld.idx.msk [tilespmem:v34+s22+$0x0], $0xffff  }
0x1af: {  	v34 =	vld.idx.msk [tilespmem:v1+s18+$0x0], $0xffff  }
0x1b0: {  	v4 =	vor.u32 v18, v60;
	v1 =	vld [tilespmem:$0x1FD80]  }
0x1b1: {  	[tilespmem:$0x1FAA0] =	vst v0;
	v0 =	vld.idx.msk [tilespmem:v41+s16+$0x0], $0xffff  }
0x1b2: {  	v41 =	vld.idx.msk [tilespmem:v62+s18+$0x0], $0xffff  }
0x1b3: {  	v35 =	vld [tilespmem:$0x1FF80];
	_ =	sdelay $0x1  }
0x1b4: {  	v10 =	vld.idx.msk [tilespmem:v4+s22+$0x0], $0xffff;
	v15 =	vor.u32 v36, v60  }
0x1b5: {  	[tilespmem:$0x1FA20] =	vst v2;
	v18 =	vld.idx.msk [tilespmem:v4+s21+$0x0], $0xffff;
	v2 =	vor.u32 v1, v61  }
0x1b6: {  	[tilespmem:$0x1FA90] =	vst v41;
	v41 =	vld.idx.msk [tilespmem:v62+s19+$0x0], $0xffff  }
0x1b7: {  	v36 =	vor.u32 v35, v59;
	v19 =	vor.u32 v35, v61;
	v62 =	vor.u32 v35, v60;
	v35 =	vld [tilespmem:$0x1FF90]  }
0x1b8: {  	v30 =	vadd.f32 v31, v30;
	v31 =	vadd.f32 v33, v32;
	v33 =	vld [tilespmem:$0x1FA20]  }
0x1b9: {  	v27 =	vld.idx.msk [tilespmem:v15+s21+$0x0], $0xffff  }
0x1ba: {  	v3 =	vld.idx.msk [tilespmem:v2+s18+$0x0], $0xffff  }
0x1bb: {  	v7 =	vadd.f32 v8, v7;
	v2 =	vld.idx.msk [tilespmem:v2+s19+$0x0], $0xffff  }
0x1bc: {  	v14 =	vadd.f32 v14, v9;
	[tilespmem:$0x1FAB0] =	vst v0;
	v0 =	vld.idx.msk [tilespmem:v36+s16+$0x0], $0xffff;
	v36 =	vor.u32 v35, v59  }
0x1bd: {  	v13 =	vld.idx.msk [tilespmem:v15+s22+$0x0], $0xffff;
	v15 =	vor.u32 v35, v61  }
0x1be: {  	v7 =	vsub.f32 v7, v14;
	v16 =	vld.idx.msk [tilespmem:v19+s18+$0x0], $0xffff  }
0x1bf: {  	v4 =	vld.idx.msk [tilespmem:v19+s19+$0x0], $0xffff  }
0x1c0: {  	[tilespmem:$0x1FB10] =	vst v2;
	v2 =	vmul.f32 v7, v33;
	v33 =	vadd.f32 v43, v42;
	v42 =	vld [tilespmem:$0x1FA30]  }
0x1c1: {  	[tilespmem:$0x1FAD0] =	vst v0;
	v19 =	vor.u32 v35, v60;
	v0 =	vld.idx.msk [tilespmem:v36+s16+$0x0], $0xffff  }
0x1c2: {  	v36 =	vld.idx.msk [tilespmem:v15+s18+$0x0], $0xffff  }
0x1c3: {  	v20 =	vadd.f32 v23, v20;
	v23 =	vadd.f32 v29, v25;
	v12 =	vld.idx.msk [tilespmem:v62+s21+$0x0], $0xffff  }
0x1c4: {  	v11 =	vld.idx.msk [tilespmem:v62+s22+$0x0], $0xffff  }
0x1c5: {  	v20 =	vsub.f32 v20, v23;
	v62 =	vld [tilespmem:$0x1FD70]  }
0x1c6: {  	v30 =	vsub.f32 v30, v31;
	v31 =	vadd.f32 v40, v39;
	v17 =	vld.idx.msk [tilespmem:v19+s22+$0x0], $0xffff  }
0x1c7: {  	v20 =	vmul.f32 v20, v22;
	v2 =	vadd.f32 $0.0e+00, v2;
	[tilespmem:$0x1FAC0] =	vst v36;
	v36 =	vld.idx.msk [tilespmem:v19+s21+$0x0], $0xffff;
	v19 =	vor.u32 v1, v59  }
0x1c8: {  	v43 =	vsub.f32 v31, v33  }
0x1c9: {  	v2 =	vadd.f32 v20, v2;
	v20 =	vmul.f32 v30, v42  }
0x1ca: {  	v30 =	vmul.f32 v43, v38;
	v42 =	vadd.f32 v47, v46  }
0x1cb: {  	v47 =	vadd.f32 v53, v52;
	v53 =	vld [tilespmem:$0x1FBA0];
	v2 =	vadd.f32 v20, v2;
	v26 =	vor.u32 v62, v59  }
0x1cc: {  	v38 =	vadd.f32 v45, v44;
	[tilespmem:$0x1FAE0] =	vst v0;
	v0 =	vld.idx.msk [tilespmem:v19+s16+$0x0], $0xffff  }
0x1cd: {  	v52 =	vld [tilespmem:$0x1FA50];
	v2 =	vadd.f32 v30, v2  }
0x1ce: {  	v30 =	vsub.f32 v38, v42;
	v42 =	vadd.f32 v51, v50;
	v51 =	vld [tilespmem:$0x1FA40];
	v35 =	vor.u32 v62, v61  }
0x1cf: {  	v28 =	vld.idx.msk [tilespmem:v15+s19+$0x0], $0xffff  }
0x1d0: {  	v15 =	vor.u32 v62, v60;
	v62 =	vld.idx.msk [tilespmem:v26+s16+$0x0], $0xffff  }
0x1d1: {  	[tilespmem:$0x1FB20] =	vst v0;
	v0 =	vld [tilespmem:$0x1FD90]  }
0x1d2: {  	v50 =	vld [tilespmem:$0x1FA70]  }
0x1d3: {  	v21 =	vadd.f32 v21, v34;
	v34 =	vor.u32 v53, v59;
	v26 =	vld.idx.msk [tilespmem:v35+s18+$0x0], $0xffff  }
0x1d4: {  	v35 =	vld.idx.msk [tilespmem:v35+s19+$0x0], $0xffff;
	v1 =	vor.u32 v1, v60  }
0x1d5: {  	[tilespmem:$0x1FAF0] =	vst v62;
	v62 =	vld.idx.msk [tilespmem:v15+s21+$0x0], $0xffff  }
0x1d6: {  	[tilespmem:$0x1FB00] =	vst v3;
	v19 =	vor.u32 v0, v59;
	v3 =	vor.u32 v0, v61;
	v8 =	vor.u32 v0, v60;
	v0 =	vld [tilespmem:$0x1FDA0]  }
0x1d7: {  	v15 =	vld.idx.msk [tilespmem:v15+s22+$0x0], $0xffff  }
0x1d8: {  	v4 =	vadd.f32 v4, v16;
	v16 =	vld.idx.msk [tilespmem:v34+s16+$0x0], $0xffff  }
0x1d9: {  	v9 =	vld.idx.msk [tilespmem:v1+s21+$0x0], $0xffff  }
0x1da: {  	v29 =	vld.idx.msk [tilespmem:v1+s22+$0x0], $0xffff  }
0x1db: {  	v1 =	vld.idx.msk [tilespmem:v19+s16+$0x0], $0xffff;
	v19 =	vor.u32 v0, v59  }
0x1dc: {  	v15 =	vadd.f32 v15, v62;
	v62 =	vld [tilespmem:$0x1FAF0]  }
0x1dd: {  	v25 =	vld.idx.msk [tilespmem:v3+s18+$0x0], $0xffff  }
0x1de: {  	v23 =	vor.u32 v0, v61;
	v32 =	vor.u32 v0, v60;
	v0 =	vld [tilespmem:$0x1FDB0]  }
0x1df: {  	v14 =	vld.idx.msk [tilespmem:v3+s19+$0x0], $0xffff  }
0x1e0: {  	v40 =	vld.idx.msk [tilespmem:v19+s16+$0x0], $0xffff  }
0x1e1: {  	v7 =	vld.idx.msk [tilespmem:v8+s21+$0x0], $0xffff  }
0x1e2: {  	v8 =	vld.idx.msk [tilespmem:v8+s22+$0x0], $0xffff  }
0x1e3: {  	v19 =	vor.u32 v0, v59;
	v39 =	vld.idx.msk [tilespmem:v23+s18+$0x0], $0xffff  }
0x1e4: {  	v23 =	vld.idx.msk [tilespmem:v23+s19+$0x0], $0xffff;
	v33 =	vor.u32 v0, v60  }
0x1e5: {  	v31 =	vld.idx.msk [tilespmem:v32+s21+$0x0], $0xffff;
	[tilespmem:$0x1FB30] =	vst v40;
	v40 =	vor.u32 v0, v61  }
0x1e6: {  	v0 =	vld [tilespmem:$0x1FDC0]  }
0x1e7: {  	v32 =	vld.idx.msk [tilespmem:v32+s22+$0x0], $0xffff  }
0x1e8: {  	v20 =	vld.idx.msk [tilespmem:v19+s16+$0x0], $0xffff  }
0x1e9: {  	v45 =	vld.idx.msk [tilespmem:v33+s21+$0x0], $0xffff  }
0x1ea: {  	v43 =	vld.idx.msk [tilespmem:v40+s18+$0x0], $0xffff  }
0x1eb: {  	v19 =	vor.u32 v0, v59;
	v38 =	vld.idx.msk [tilespmem:v40+s19+$0x0], $0xffff  }
0x1ec: {  	v44 =	vor.u32 v0, v61;
	v40 =	vadd.f32 v49, v48;
	v48 =	vadd.f32 v55, v54;
	v54 =	vld [tilespmem:$0x1FB40]  }
0x1ed: {  	v33 =	vld.idx.msk [tilespmem:v33+s22+$0x0], $0xffff  }
0x1ee: {  	v30 =	vmul.f32 v30, v51;
	v46 =	vor.u32 v0, v60;
	v55 =	vld [tilespmem:$0x1FBB0]  }
0x1ef: {  	v49 =	vadd.f32 v57, v56;
	v57 =	vld [tilespmem:$0x1FC10]  }
0x1f0: {  	v2 =	vadd.f32 v30, v2;
	v19 =	vld.idx.msk [tilespmem:v19+s16+$0x0], $0xffff  }
0x1f1: {  	v40 =	vsub.f32 v40, v42;
	v30 =	vsub.f32 v47, v48;
	v42 =	vor.u32 v54, v59;
	v47 =	vld.idx.msk [tilespmem:v44+s18+$0x0], $0xffff  }
0x1f2: {  	v48 =	vor.u32 v54, v61;
	v44 =	vld.idx.msk [tilespmem:v44+s19+$0x0], $0xffff  }
0x1f3: {  	v40 =	vmul.f32 v40, v52;
	v51 =	vld.idx.msk [tilespmem:v46+s21+$0x0], $0xffff  }
0x1f4: {  	v63 =	vadd.f32 v63, v58;
	v24 =	vadd.f32 v37, v24;
	v46 =	vld.idx.msk [tilespmem:v46+s22+$0x0], $0xffff  }
0x1f5: {  	v5 =	vadd.f32 v5, v6;
	v58 =	vor.u32 v57, v59;
	v2 =	vadd.f32 v40, v2;
	v40 =	vld [tilespmem:$0x1FA60]  }
0x1f6: {  	v52 =	vor.u32 v54, v60;
	v54 =	vsub.f32 v49, v63;
	v63 =	vor.u32 v57, v61;
	v6 =	vld.idx.msk [tilespmem:v42+s16+$0x0], $0xffff  }
0x1f7: {  	v42 =	vld.idx.msk [tilespmem:v48+s18+$0x0], $0xffff  }
0x1f8: {  	v5 =	vsub.f32 v24, v5;
	v24 =	vld.idx.msk [tilespmem:v48+s19+$0x0], $0xffff  }
0x1f9: {  	v48 =	vor.u32 v57, v60;
	v57 =	vld [tilespmem:$0x1FA80]  }
0x1fa: {  	v10 =	vadd.f32 v10, v18;
	v54 =	vmul.f32 v54, v50;
	v50 =	vor.u32 v53, v61;
	v18 =	vld.idx.msk [tilespmem:v58+s16+$0x0], $0xffff  }
0x1fb: {  	v37 =	vld.idx.msk [tilespmem:v63+s18+$0x0], $0xffff  }
0x1fc: {  	v58 =	vsub.f32 v21, v10;
	v10 =	vld.idx.msk [tilespmem:v63+s19+$0x0], $0xffff;
	v30 =	vmul.f32 v30, v40  }
0x1fd: {  	v63 =	vld [tilespmem:$0x1FA90]  }
0x1fe: {  	v40 =	vld.idx.msk [tilespmem:v52+s21+$0x0], $0xffff;
	v2 =	vadd.f32 v30, v2  }
0x1ff: {  	v22 =	vld.idx.msk [tilespmem:v50+s19+$0x0], $0xffff  }
0x200: {  	v2 =	vadd.f32 v54, v2;
	v54 =	vld [tilespmem:$0x1FAA0]  }
0x201: {  	v30 =	vld.idx.msk [tilespmem:v52+s22+$0x0], $0xffff  }
0x202: {  	v13 =	vadd.f32 v13, v27;
	v27 =	vld.idx.msk [tilespmem:v48+s21+$0x0], $0xffff  }
0x203: {  	v5 =	vmul.f32 v5, v57;
	v57 =	vadd.f32 v11, v12;
	v12 =	vld [tilespmem:$0x1FAB0]  }
0x204: {  	v21 =	vadd.f32 v41, v63;
	v11 =	vld.idx.msk [tilespmem:v48+s22+$0x0], $0xffff  }
0x205: {  	v2 =	vadd.f32 v5, v2;
	v5 =	vmul.f32 v58, v54;
	v58 =	vld [tilespmem:$0x1FC80]  }
0x206: {  	v41 =	vor.u32 v53, v60;
	v53 =	vld [tilespmem:$0x1FAD0];
	v13 =	vsub.f32 v21, v13  }
0x207: {  	v3 =	vsub.f32 v4, v57;
	v4 =	vld.idx.msk [tilespmem:v50+s18+$0x0], $0xffff  }
0x208: {  	v13 =	vmul.f32 v13, v12;
	v12 =	vld [tilespmem:$0x1FAC0]  }
0x209: {  	v54 =	vld [tilespmem:$0x1FCE0]  }
0x20a: {  	v50 =	vld [tilespmem:$0x1FB00];
	v2 =	vadd.f32 v5, v2;
	v21 =	vor.u32 v58, v59  }
0x20b: {  	v34 =	vld.idx.msk [tilespmem:v41+s21+$0x0], $0xffff;
	v63 =	vor.u32 v58, v61  }
0x20c: {  	v2 =	vadd.f32 v13, v2;
	v13 =	vld.idx.msk [tilespmem:v41+s22+$0x0], $0xffff  }
0x20d: {  	v48 =	vor.u32 v58, v60;
	v58 =	vld [tilespmem:$0x1FAE0]  }
0x20e: {  	v28 =	vadd.f32 v28, v12;
	v12 =	vadd.f32 v17, v36;
	v57 =	vor.u32 v54, v61;
	v17 =	vld [tilespmem:$0x1FB10]  }
0x20f: {  	v3 =	vmul.f32 v3, v53;
	v21 =	vld.idx.msk [tilespmem:v21+s16+$0x0], $0xffff  }
0x210: {  	v26 =	vadd.f32 v35, v26;
	v12 =	vsub.f32 v28, v12;
	v35 =	vld.idx.msk [tilespmem:v63+s18+$0x0], $0xffff  }
0x211: {  	v2 =	vadd.f32 v3, v2;
	v5 =	vld.idx.msk [tilespmem:v63+s19+$0x0], $0xffff  }
0x212: {  	v28 =	vor.u32 v54, v59;
	v3 =	vmul.f32 v12, v58;
	v12 =	vsub.f32 v26, v15;
	v15 =	vld.idx.msk [tilespmem:v48+s21+$0x0], $0xffff  }
0x213: {  	v41 =	vld.idx.msk [tilespmem:v57+s18+$0x0], $0xffff  }
0x214: {  	v0 =	vadd.f32 v17, v50;
	v17 =	vld [tilespmem:$0x1FB20]  }
0x215: {  	v53 =	vor.u32 v55, v61;
	v58 =	vld [tilespmem:$0x1FB30]  }
0x216: {  	v9 =	vadd.f32 v29, v9;
	v63 =	vmul.f32 v12, v62;
	v12 =	vld.idx.msk [tilespmem:v48+s22+$0x0], $0xffff  }
0x217: {  	v29 =	vor.u32 v55, v59;
	v28 =	vld.idx.msk [tilespmem:v28+s16+$0x0], $0xffff  }
0x218: {  	v2 =	vadd.f32 v3, v2;
	v0 =	vsub.f32 v0, v9;
	v3 =	vld.idx.msk [tilespmem:v57+s19+$0x0], $0xffff  }
0x219: {  	v9 =	vadd.f32 v14, v25;
	v14 =	vor.u32 v55, v60;
	v55 =	vadd.f32 v33, v45;
	v45 =	vld [tilespmem:$0x1FB80]  }
0x21a: {  	v7 =	vadd.f32 v8, v7;
	v25 =	vadd.f32 v32, v31;
	v32 =	vld.idx.msk [tilespmem:v53+s19+$0x0], $0xffff  }
0x21b: {  	v23 =	vadd.f32 v23, v39;
	v26 =	vor.u32 v54, v60;
	v48 =	vld [tilespmem:$0x1FB60]  }
0x21c: {  	v7 =	vsub.f32 v9, v7;
	v9 =	vld.idx.msk [tilespmem:v29+s16+$0x0], $0xffff  }
0x21d: {  	v54 =	vsub.f32 v23, v25;
	v23 =	vld.idx.msk [tilespmem:v53+s18+$0x0], $0xffff  }
0x21e: {  	v0 =	vmul.f32 v0, v17;
	v17 =	vld [tilespmem:$0x1FD20]  }
0x21f: {  	v2 =	vadd.f32 v63, v2;
	v63 =	vld [tilespmem:$0x1FB50]  }
0x220: {  	v8 =	vld.idx.msk [tilespmem:v26+s21+$0x0], $0xffff;
	v1 =	vmul.f32 v7, v1;
	v7 =	vadd.f32 v38, v43  }
0x221: {  	v11 =	vadd.f32 v11, v27;
	v26 =	vld.idx.msk [tilespmem:v26+s22+$0x0], $0xffff;
	v0 =	vadd.f32 v0, v2;
	v27 =	vor.u32 v48, v60  }
0x222: {  	v10 =	vadd.f32 v10, v37;
	v33 =	vld.idx.msk [tilespmem:v14+s21+$0x0], $0xffff;
	v62 =	vsub.f32 v7, v55  }
0x223: {  	v7 =	vld.idx.msk [tilespmem:v14+s22+$0x0], $0xffff;
	v0 =	vadd.f32 v1, v0;
	v1 =	vmul.f32 v54, v58;
	v29 =	vor.u32 v17, v59  }
0x224: {  	v10 =	vsub.f32 v10, v11;
	v14 =	vadd.f32 v44, v47;
	v44 =	vld [tilespmem:$0x1FBC0];
	v25 =	vor.u32 v17, v61  }
0x225: {  	v58 =	vld [tilespmem:$0x1FB70];
	v53 =	vmul.f32 v62, v20;
	v0 =	vadd.f32 v1, v0  }
0x226: {  	v10 =	vmul.f32 v10, v18;
	v57 =	vor.u32 v17, v60;
	v18 =	vld.idx.msk [tilespmem:v27+s21+$0x0], $0xffff  }
0x227: {  	v0 =	vadd.f32 v53, v0;
	v53 =	vld [tilespmem:$0x1FB90]  }
0x228: {  	v50 =	vor.u32 v63, v59;
	v17 =	vadd.f32 v46, v51;
	v29 =	vld.idx.msk [tilespmem:v29+s16+$0x0], $0xffff  }
0x229: {  	v51 =	vor.u32 v63, v61;
	v38 =	vld.idx.msk [tilespmem:v25+s18+$0x0], $0xffff  }
0x22a: {  	v62 =	vor.u32 v48, v59;
	v54 =	vsub.f32 v14, v17;
	v14 =	vld.idx.msk [tilespmem:v25+s19+$0x0], $0xffff  }
0x22b: {  	v17 =	vld.idx.msk [tilespmem:v57+s21+$0x0], $0xffff  }
0x22c: {  	v20 =	vor.u32 v63, v60;
	v57 =	vld.idx.msk [tilespmem:v57+s22+$0x0], $0xffff  }
0x22d: {  	v5 =	vadd.f32 v5, v35;
	v12 =	vadd.f32 v12, v15;
	v55 =	vmul.f32 v54, v19;
	v25 =	vld.idx.msk [tilespmem:v50+s16+$0x0], $0xffff  }
0x22e: {  	v19 =	vadd.f32 v24, v42;
	v24 =	vadd.f32 v30, v40;
	v40 =	vor.u32 v48, v61;
	v63 =	vld.idx.msk [tilespmem:v51+s18+$0x0], $0xffff  }
0x22f: {  	v3 =	vadd.f32 v3, v41;
	v8 =	vadd.f32 v26, v8;
	v11 =	vld.idx.msk [tilespmem:v62+s16+$0x0], $0xffff  }
0x230: {  	v4 =	vadd.f32 v22, v4;
	v22 =	vor.u32 v58, v60;
	v43 =	vsub.f32 v19, v24;
	v19 =	vld.idx.msk [tilespmem:v51+s19+$0x0], $0xffff  }
0x231: {  	v5 =	vsub.f32 v5, v12;
	v3 =	vsub.f32 v3, v8;
	v24 =	vld.idx.msk [tilespmem:v20+s21+$0x0], $0xffff  }
0x232: {  	v8 =	vor.u32 v45, v60;
	v1 =	vmul.f32 v43, v6;
	v6 =	vadd.f32 v13, v34;
	v13 =	vld.idx.msk [tilespmem:v20+s22+$0x0], $0xffff  }
0x233: {  	v7 =	vadd.f32 v7, v33;
	v48 =	vmul.f32 v5, v21;
	v21 =	vadd.f32 v32, v23;
	v47 =	vld.idx.msk [tilespmem:v40+s18+$0x0], $0xffff  }
0x234: {  	v0 =	vadd.f32 v55, v0;
	v20 =	vor.u32 v58, v59;
	v15 =	vld.idx.msk [tilespmem:v40+s19+$0x0], $0xffff  }
0x235: {  	v7 =	vsub.f32 v21, v7;
	v51 =	vld.idx.msk [tilespmem:v22+s21+$0x0], $0xffff  }
0x236: {  	v22 =	vld.idx.msk [tilespmem:v22+s22+$0x0], $0xffff;
	v0 =	vadd.f32 v1, v0;
	v46 =	vsub.f32 v4, v6;
	v6 =	vor.u32 v58, v61  }
0x237: {  	v7 =	vmul.f32 v7, v9;
	v9 =	vadd.f32 v19, v63;
	v19 =	vld.idx.msk [tilespmem:v8+s21+$0x0], $0xffff  }
0x238: {  	v0 =	vadd.f32 v10, v0;
	v1 =	vmul.f32 v46, v16;
	v10 =	vld.idx.msk [tilespmem:v27+s22+$0x0], $0xffff;
	v16 =	vor.u32 v45, v59  }
0x239: {  	v14 =	vadd.f32 v14, v38;
	v2 =	vadd.f32 v57, v17;
	v12 =	vld.idx.msk [tilespmem:v20+s16+$0x0], $0xffff;
	v20 =	vor.u32 v45, v61  }
0x23a: {  	v8 =	vld.idx.msk [tilespmem:v8+s22+$0x0], $0xffff  }
0x23b: {  	v2 =	vsub.f32 v14, v2;
	v14 =	vor.u32 v44, v60;
	v50 =	vld.idx.msk [tilespmem:v6+s18+$0x0], $0xffff  }
0x23c: {  	v0 =	vadd.f32 v1, v0;
	v4 =	vadd.f32 v15, v47;
	v15 =	vor.u32 v53, v60;
	v6 =	vld.idx.msk [tilespmem:v6+s19+$0x0], $0xffff  }
0x23d: {  	v17 =	vor.u32 v44, v61;
	v16 =	vld.idx.msk [tilespmem:v16+s16+$0x0], $0xffff  }
0x23e: {  	v3 =	vmul.f32 v3, v28;
	v0 =	vadd.f32 v48, v0;
	v10 =	vadd.f32 v10, v18;
	v21 =	vld.idx.msk [tilespmem:v20+s18+$0x0], $0xffff  }
0x23f: {  	v13 =	vadd.f32 v13, v24;
	v54 =	vld.idx.msk [tilespmem:v20+s19+$0x0], $0xffff  }
0x240: {  	v0 =	vadd.f32 v3, v0;
	v4 =	vsub.f32 v4, v10;
	v10 =	vld.idx.msk [tilespmem:v14+s22+$0x0], $0xffff  }
0x241: {  	v20 =	vor.u32 v53, v61;
	v58 =	vld.idx.msk [tilespmem:v15+s22+$0x0], $0xffff  }
0x242: {  	v0 =	vadd.f32 v7, v0;
	v7 =	vsub.f32 v9, v13;
	v9 =	vld.idx.msk [tilespmem:v17+s18+$0x0], $0xffff  }
0x243: {  	v2 =	vmul.f32 v2, v29;
	v13 =	vld.idx.msk [tilespmem:v17+s19+$0x0], $0xffff  }
0x244: {  	v57 =	vor.u32 v44, v59;
	v1 =	vadd.f32 v22, v51;
	v17 =	vld.idx.msk [tilespmem:v15+s21+$0x0], $0xffff  }
0x245: {  	v5 =	vadd.f32 v6, v50;
	v0 =	vadd.f32 v2, v0;
	v55 =	vmul.f32 v7, v25;
	v7 =	vld.idx.msk [tilespmem:v14+s21+$0x0], $0xffff  }
0x246: {  	v4 =	vmul.f32 v4, v11;
	v11 =	vor.u32 v53, v59;
	v14 =	vld.idx.msk [tilespmem:v20+s18+$0x0], $0xffff  }
0x247: {  	v1 =	vsub.f32 v5, v1;
	v6 =	vld.idx.msk [tilespmem:v20+s19+$0x0], $0xffff;
	v0 =	vadd.f32 v55, v0  }
0x248: {  	v59 =	vadd.f32 v8, v19;
	v3 =	vadd.f32 v54, v21  }
0x249: {  	v2 =	vld.idx.msk [tilespmem:v57+s16+$0x0], $0xffff;
	v1 =	vmul.f32 v1, v12;
	v8 =	vadd.f32 v13, v9;
	v0 =	vadd.f32 v4, v0  }
0x24a: {  	v56 =	vld [tilespmem:$0x1FEF0];
	v3 =	vsub.f32 v3, v59;
	v7 =	vadd.f32 v10, v7  }
0x24b: {  	v61 =	vld.idx.msk [tilespmem:v11+s16+$0x0], $0xffff;
	v4 =	vadd.f32 v58, v17;
	v0 =	vadd.f32 v1, v0  }
0x24c: {  	v49 =	vld [tilespmem:$0x1FE90];
	v3 =	vmul.f32 v3, v16;
	v6 =	vadd.f32 v6, v14;
	v60 =	vsub.f32 v8, v7  }
0x24d: {  	v52 =	vld [tilespmem:$0x1FEC0]  }
0x24e: {  	v36 =	vld [tilespmem:$0x1FE50];
	v0 =	vadd.f32 v3, v0;
	v62 =	vsub.f32 v6, v4;
	v1 =	vmul.f32 v60, v2  }
0x24f: {  	p0 =	sne.s32 s12, $0x70;
	v26 =	vld [tilespmem:$0x1FE30]  }
.Ltmp2:
0x250: {  	v27 =	vld [tilespmem:$0x1FE40];
	v63 =	vmul.f32 v62, v61;
	v0 =	vadd.f32 v1, v0;
	(pc) =	sbr.rel @p0 .LBB2_6-.Ltmp2, $4  }
0x251: {  	v18 =	vld [tilespmem:$0x1FF60]  }
0x252: {  	v25 =	vld [tilespmem:$0x1FDE0];
	v0 =	vadd.f32 v63, v0  }
0x253: {  	s15 =	sadd.s32 $0x10, s15;
	s24 =	sadd.s32 $0x10, s24;
	v20 =	vld [tilespmem:$0x1FDD0]  }
0x254: {  	s28 =	sadd.s32 $0x10, s28;
	s12 =	sadd.s32 $0x10, s12;
	v12 =	vld [tilespmem:$0x1FF10];
	v8 =	vlaneseq.u32;
	[tilespmem:s31+$0x0] =	vst v0;
	s31 =	sadd.s32 $0x10, s31  }
0x255: {  	s12 =	simm.s32 $0x700  }
0x256: {  	[tilespmem:s16], [sflag:$0x1] =	stream.indirect.gather [hbm4b:s3+s14], $0x80, s12, s14, $0xb8;
	[tilespmem:$0x14E00] =	vst v63  }
0x257: {  	_ = 	snop  }
0x258: {  	[tilespmem:s18], [sflag:$0x1] =	stream.indirect.gather [hbm4b:s4+s14], $0x80, s29, s14, $0xb8;
	[tilespmem:$0x14E00] =	vst v63  }
0x259: {  	_ = 	snop  }
0x25a: {  	[tilespmem:s19], [sflag:$0x1] =	stream.indirect.gather [hbm4b:s5+s14], $0x80, s29, s14, $0xb8;
	[tilespmem:$0x14E00] =	vst v63  }
0x25b: {  	_ = 	snop  }
0x25c: {  	[tilespmem:s21], [sflag:$0x1] =	stream.indirect.gather [hbm4b:s4+s14], $0x80, s30, s14, $0xb8;
	[tilespmem:$0x14E00] =	vst v63  }
0x25d: {  	_ = 	snop  }
0x25e: {  	[tilespmem:s22], [sflag:$0x1] =	stream.indirect.gather [hbm4b:s5+s14], $0x80, s30, s14, $0xb8;
	[tilespmem:$0x14E00] =	vst v63  }
0x25f: {  	_ =	swait.ge [sflag:s23], $0x4000  }
0x260: {  	[sflag:s23] =	ssyncset.done $0x0  }
0x261: {  	[sflag:s23] =	ssyncadd.s32 $0xFFFFC000  }
0x262: {  	_ =	swait.ge [sflag:s23], $0x4000  }
0x263: {  	[sflag:s23] =	ssyncset.done $0x0  }
0x264: {  	[sflag:s23] =	ssyncadd.s32 $0xFFFFC000  }
0x265: {  	_ =	swait.ge [sflag:s23], $0x4000  }
0x266: {  	[sflag:s23] =	ssyncset.done $0x0  }
0x267: {  	[sflag:s23] =	ssyncadd.s32 $0xFFFFC000  }
0x268: {  	_ =	swait.ge [sflag:s23], $0x4000  }
0x269: {  	[sflag:s23] =	ssyncset.done $0x0  }
0x26a: {  	[sflag:s23] =	ssyncadd.s32 $0xFFFFC000  }
0x26b: {  	s15 =	simm.s32 $0x100;
	_ =	swait.ge [sflag:s23], $0x4000  }
0x26c: {  	s24 =	simm.s32 $0x300;
	s28 =	simm.s32 $0x500;
	[sflag:s23] =	ssyncset.done $0x0;
	v19 =	vld [tilespmem:$0x1FF70]  }
0x26d: {  	s31 =	simm.s32 $0x14D00;
	s12 =	simm.s32 $0x0;
	v10 =	vmov v18;
	v28 =	vmov v12;
	v35 =	vld [tilespmem:$0x1FF80];
	[sflag:s23] =	ssyncadd.s32 $0xFFFFC000  }
.LBB2_8:
0x26e: {  	v0 =	vld [tilespmem:s15+$0x0]  }
0x26f: {  	v1 =	vld [tilespmem:s24+$0x0];
	_ =	sdelay $0x2  }
0x270: {  	v3 =	vmov s12  }
0x271: {  	v3 =	vshll.u32 v3, $0x7;
	v0 =	vshll.u32 v0, $0x5  }
0x272: {  	v2 =	vld [tilespmem:s28+$0x0];
	v3 =	vor.u32 v20, v3;
	v1 =	vshll.u32 v1, $0x5;
	v0 =	vand.u32 $0x60, v0  }
0x273: {  	v1 =	vand.u32 $0x60, v1;
	v59 =	vor.u32 v3, v0  }
0x274: {  	v61 =	vor.u32 v3, v1;
	v50 =	vor.u32 v8, v59  }
0x275: {  	v1 =	vor.u32 v8, v61;
	_ =	sdelay $0x1  }
0x276: {  	v48 =	vshll.u32 v2, $0x5;
	v51 =	vor.u32 v25, v59  }
0x277: {  	v0 =	vand.u32 $0x60, v48;
	v53 =	vor.u32 v25, v61  }
0x278: {  	v60 =	vor.u32 v3, v0;
	v41 =	vld.idx.msk [tilespmem:v50+s16+$0x0], $0xffff  }
0x279: {  	v57 =	vor.u32 v26, v61;
	v0 =	vor.u32 v8, v60;
	v8 =	vld.idx.msk [tilespmem:v1+s18+$0x0], $0xffff  }
0x27a: {  	v9 =	vld.idx.msk [tilespmem:v1+s19+$0x0], $0xffff  }
0x27b: {  	v62 =	vor.u32 v27, v59;
	v20 =	vld.idx.msk [tilespmem:v51+s16+$0x0], $0xffff  }
0x27c: {  	v63 =	vor.u32 v27, v61;
	v23 =	vld.idx.msk [tilespmem:v53+s18+$0x0], $0xffff  }
0x27d: {  	v54 =	vor.u32 v25, v60;
	v25 =	vld.idx.msk [tilespmem:v53+s19+$0x0], $0xffff  }
0x27e: {  	v13 =	vor.u32 v36, v59;
	v31 =	vld.idx.msk [tilespmem:v57+s18+$0x0], $0xffff  }
0x27f: {  	v4 =	vor.u32 v36, v61;
	v32 =	vld.idx.msk [tilespmem:v57+s19+$0x0], $0xffff  }
0x280: {  	v38 =	vor.u32 v49, v61;
	v12 =	vor.u32 v27, v60;
	v27 =	vld.idx.msk [tilespmem:v62+s16+$0x0], $0xffff  }
0x281: {  	v39 =	vld.idx.msk [tilespmem:v63+s18+$0x0], $0xffff  }
0x282: {  	v40 =	vld.idx.msk [tilespmem:v63+s19+$0x0], $0xffff  }
0x283: {  	v34 =	vld.idx.msk [tilespmem:v13+s16+$0x0], $0xffff  }
0x284: {  	v44 =	vld.idx.msk [tilespmem:v4+s18+$0x0], $0xffff  }
0x285: {  	v55 =	vor.u32 v26, v59;
	v48 =	vld.idx.msk [tilespmem:v38+s18+$0x0], $0xffff  }
0x286: {  	v15 =	vor.u32 v36, v60;
	v36 =	vor.u32 v49, v59;
	v53 =	vor.u32 v49, v60;
	v49 =	vld.idx.msk [tilespmem:v38+s19+$0x0], $0xffff  }
0x287: {  	v58 =	vor.u32 v26, v60;
	v14 =	vld.idx.msk [tilespmem:v0+s21+$0x0], $0xffff  }
0x288: {  	v17 =	vld.idx.msk [tilespmem:v0+s22+$0x0], $0xffff  }
0x289: {  	v29 =	vld.idx.msk [tilespmem:v54+s21+$0x0], $0xffff  }
0x28a: {  	v30 =	vld.idx.msk [tilespmem:v54+s22+$0x0], $0xffff  }
0x28b: {  	v0 =	vld.idx.msk [tilespmem:v55+s16+$0x0], $0xffff  }
0x28c: {  	v33 =	vld.idx.msk [tilespmem:v58+s21+$0x0], $0xffff  }
0x28d: {  	v37 =	vld.idx.msk [tilespmem:v58+s22+$0x0], $0xffff  }
0x28e: {  	v42 =	vld.idx.msk [tilespmem:v12+s21+$0x0], $0xffff  }
0x28f: {  	v43 =	vld.idx.msk [tilespmem:v12+s22+$0x0], $0xffff  }
0x290: {  	v57 =	vor.u32 v52, v61;
	v46 =	vld.idx.msk [tilespmem:v15+s21+$0x0], $0xffff  }
0x291: {  	v47 =	vld.idx.msk [tilespmem:v15+s22+$0x0], $0xffff  }
0x292: {  	v63 =	vor.u32 v56, v59;
	v54 =	vld.idx.msk [tilespmem:v36+s16+$0x0], $0xffff  }
0x293: {  	v13 =	vor.u32 v56, v60;
	v50 =	vld.idx.msk [tilespmem:v53+s21+$0x0], $0xffff  }
0x294: {  	v38 =	vor.u32 v28, v60;
	v51 =	vld.idx.msk [tilespmem:v53+s22+$0x0], $0xffff  }
0x295: {  	v55 =	vor.u32 v52, v59;
	v58 =	vor.u32 v52, v60;
	v52 =	vld.idx.msk [tilespmem:v57+s18+$0x0], $0xffff  }
0x296: {  	v53 =	vld.idx.msk [tilespmem:v57+s19+$0x0], $0xffff  }
0x297: {  	v15 =	vld.idx.msk [tilespmem:v63+s16+$0x0], $0xffff  }
0x298: {  	v12 =	vor.u32 v56, v61;
	v63 =	vld.idx.msk [tilespmem:v13+s22+$0x0], $0xffff  }
0x299: {  	v6 =	vld.idx.msk [tilespmem:v38+s21+$0x0], $0xffff  }
0x29a: {  	[tilespmem:$0x1F920] =	vst v34;
	v34 =	vor.u32 v28, v59;
	v62 =	vld.idx.msk [tilespmem:v55+s16+$0x0], $0xffff  }
0x29b: {  	[tilespmem:$0x1F930] =	vst v54;
	v54 =	vld.idx.msk [tilespmem:v58+s21+$0x0], $0xffff  }
0x29c: {  	v36 =	vor.u32 v28, v61;
	v55 =	vld.idx.msk [tilespmem:v58+s22+$0x0], $0xffff  }
0x29d: {  	v56 =	vld.idx.msk [tilespmem:v12+s18+$0x0], $0xffff  }
0x29e: {  	v57 =	vld.idx.msk [tilespmem:v12+s19+$0x0], $0xffff;
	v12 =	vor.u32 v10, v59  }
0x29f: {  	v5 =	vld.idx.msk [tilespmem:v34+s16+$0x0], $0xffff  }
0x2a0: {  	v58 =	vld.idx.msk [tilespmem:v13+s21+$0x0], $0xffff  }
0x2a1: {  	v24 =	vld.idx.msk [tilespmem:v36+s18+$0x0], $0xffff;
	[tilespmem:$0x1F950] =	vst v15;
	v15 =	vor.u32 v10, v60  }
0x2a2: {  	v11 =	vld.idx.msk [tilespmem:v36+s19+$0x0], $0xffff  }
0x2a3: {  	v36 =	vor.u32 v19, v59;
	v34 =	vld.idx.msk [tilespmem:v12+s16+$0x0], $0xffff  }
0x2a4: {  	[tilespmem:$0x1F960] =	vst v5;
	v5 =	vld.idx.msk [tilespmem:v38+s22+$0x0], $0xffff;
	v38 =	vor.u32 v19, v61  }
0x2a5: {  	[tilespmem:$0x1F910] =	vst v0;
	v0 =	vld [tilespmem:$0x1FD70]  }
0x2a6: {  	v21 =	vld.idx.msk [tilespmem:v15+s21+$0x0], $0xffff  }
0x2a7: {  	v12 =	vld.idx.msk [tilespmem:v15+s22+$0x0], $0xffff  }
0x2a8: {  	v7 =	vor.u32 v19, v60;
	[tilespmem:$0x1F980] =	vst v34;
	v34 =	vld.idx.msk [tilespmem:v36+s16+$0x0], $0xffff  }
0x2a9: {  	v15 =	vor.u32 v35, v59;
	v36 =	vld.idx.msk [tilespmem:v38+s18+$0x0], $0xffff  }
0x2aa: {  	v13 =	vor.u32 v10, v61;
	v28 =	vld.idx.msk [tilespmem:v38+s19+$0x0], $0xffff  }
0x2ab: {  	v19 =	vor.u32 v35, v61;
	v38 =	vor.u32 v35, v60;
	v35 =	vld [tilespmem:$0x1FF90]  }
0x2ac: {  	v45 =	vld.idx.msk [tilespmem:v4+s19+$0x0], $0xffff  }
0x2ad: {  	v16 =	vld.idx.msk [tilespmem:v7+s22+$0x0], $0xffff;
	v4 =	vor.u32 v0, v59  }
0x2ae: {  	v15 =	vld.idx.msk [tilespmem:v15+s16+$0x0], $0xffff  }
0x2af: {  	[tilespmem:$0x1F940] =	vst v62;
	v62 =	vld.idx.msk [tilespmem:v13+s18+$0x0], $0xffff  }
0x2b0: {  	[tilespmem:$0x1F990] =	vst v34;
	v34 =	vld.idx.msk [tilespmem:v7+s21+$0x0], $0xffff;
	v7 =	vor.u32 v35, v59  }
0x2b1: {  	v22 =	vld.idx.msk [tilespmem:v13+s19+$0x0], $0xffff  }
0x2b2: {  	v4 =	vld.idx.msk [tilespmem:v4+s16+$0x0], $0xffff  }
0x2b3: {  	v26 =	vld.idx.msk [tilespmem:v19+s18+$0x0], $0xffff;
	[tilespmem:$0x1F9B0] =	vst v15;
	v15 =	vor.u32 v35, v61  }
0x2b4: {  	v10 =	vld.idx.msk [tilespmem:v19+s19+$0x0], $0xffff;
	v19 =	vor.u32 v35, v60;
	v35 =	vor.u32 v0, v61  }
0x2b5: {  	[tilespmem:$0x1F970] =	vst v36;
	v36 =	vld.idx.msk [tilespmem:v7+s16+$0x0], $0xffff  }
0x2b6: {  	v18 =	vld.idx.msk [tilespmem:v38+s21+$0x0], $0xffff  }
0x2b7: {  	v23 =	vadd.f32 v25, v23;
	v25 =	vadd.f32 v30, v29;
	v13 =	vld.idx.msk [tilespmem:v38+s22+$0x0], $0xffff  }
0x2b8: {  	v30 =	vadd.f32 v32, v31;
	v31 =	vadd.f32 v37, v33;
	v38 =	vld.idx.msk [tilespmem:v15+s18+$0x0], $0xffff  }
0x2b9: {  	[tilespmem:$0x1F9F0] =	vst v4;
	v4 =	vld.idx.msk [tilespmem:v35+s18+$0x0], $0xffff  }
0x2ba: {  	v30 =	vsub.f32 v30, v31;
	[tilespmem:$0x1F9E0] =	vst v36;
	v36 =	vld.idx.msk [tilespmem:v15+s19+$0x0], $0xffff;
	v15 =	vor.u32 v0, v60  }
0x2bb: {  	v1 =	vld [tilespmem:$0x1FD80];
	v31 =	vadd.f32 v40, v39;
	v40 =	vadd.f32 v51, v50  }
0x2bc: {  	v50 =	vadd.f32 v55, v54;
	v54 =	vadd.f32 v63, v58;
	v58 =	vld [tilespmem:$0x1FC10];
	_ =	sdelay $0x1  }
0x2bd: {  	v7 =	vld.idx.msk [tilespmem:v19+s22+$0x0], $0xffff  }
0x2be: {  	[tilespmem:$0x1F9C0] =	vst v4;
	v4 =	vld.idx.msk [tilespmem:v15+s21+$0x0], $0xffff  }
0x2bf: {  	[tilespmem:$0x1F9A0] =	vst v38;
	v38 =	vld.idx.msk [tilespmem:v19+s21+$0x0], $0xffff;
	v19 =	vor.u32 v1, v59  }
0x2c0: {  	v55 =	vld [tilespmem:$0x1F930];
	v11 =	vadd.f32 v11, v24;
	v24 =	vor.u32 v58, v59  }
0x2c1: {  	v0 =	vld [tilespmem:$0x1FD90]  }
0x2c2: {  	v2 =	vor.u32 v1, v61;
	v22 =	vadd.f32 v22, v62;
	v62 =	vld [tilespmem:$0x1F980];
	v1 =	vor.u32 v1, v60  }
0x2c3: {  	[tilespmem:$0x1F9D0] =	vst v4;
	v4 =	vld.idx.msk [tilespmem:v15+s22+$0x0], $0xffff  }
0x2c4: {  	v15 =	vld.idx.msk [tilespmem:v19+s16+$0x0], $0xffff  }
0x2c5: {  	v12 =	vadd.f32 v12, v21;
	v21 =	vld.idx.msk [tilespmem:v24+s16+$0x0], $0xffff  }
0x2c6: {  	v35 =	vld.idx.msk [tilespmem:v35+s19+$0x0], $0xffff;
	v3 =	vor.u32 v0, v61  }
0x2c7: {  	v8 =	vadd.f32 v9, v8;
	v14 =	vadd.f32 v17, v14;
	v9 =	vld.idx.msk [tilespmem:v1+s21+$0x0], $0xffff;
	v17 =	vor.u32 v0, v60  }
0x2c8: {  	v29 =	vld.idx.msk [tilespmem:v1+s22+$0x0], $0xffff;
	v19 =	vor.u32 v0, v59  }
0x2c9: {  	[tilespmem:$0x1FA10] =	vst v15;
	v15 =	vld.idx.msk [tilespmem:v2+s18+$0x0], $0xffff  }
0x2ca: {  	v0 =	vld [tilespmem:$0x1FDA0]  }
0x2cb: {  	v8 =	vsub.f32 v8, v14;
	v14 =	vsub.f32 v23, v25;
	v25 =	vld.idx.msk [tilespmem:v3+s18+$0x0], $0xffff  }
0x2cc: {  	v32 =	vld.idx.msk [tilespmem:v17+s22+$0x0], $0xffff  }
0x2cd: {  	v1 =	vld.idx.msk [tilespmem:v19+s16+$0x0], $0xffff  }
0x2ce: {  	[tilespmem:$0x1FA00] =	vst v15;
	v15 =	vld.idx.msk [tilespmem:v2+s19+$0x0], $0xffff  }
0x2cf: {  	v19 =	vor.u32 v0, v59;
	v2 =	vmul.f32 v8, v41;
	v41 =	vld.idx.msk [tilespmem:v17+s21+$0x0], $0xffff  }
0x2d0: {  	v23 =	vor.u32 v0, v61;
	v17 =	vadd.f32 v43, v42;
	v42 =	vld [tilespmem:$0x1FDB0]  }
0x2d1: {  	v37 =	vld.idx.msk [tilespmem:v3+s19+$0x0], $0xffff  }
0x2d2: {  	v3 =	vld [tilespmem:$0x1FBA0]  }
0x2d3: {  	v8 =	vor.u32 v0, v60;
	v43 =	vld [tilespmem:$0x1F910]  }
0x2d4: {  	v20 =	vmul.f32 v14, v20;
	v14 =	vld.idx.msk [tilespmem:v19+s16+$0x0], $0xffff  }
0x2d5: {  	v33 =	vld.idx.msk [tilespmem:v23+s18+$0x0], $0xffff;
	v19 =	vor.u32 v42, v59  }
0x2d6: {  	v23 =	vld.idx.msk [tilespmem:v23+s19+$0x0], $0xffff;
	v2 =	vadd.f32 $0.0e+00, v2;
	v39 =	vor.u32 v42, v61  }
0x2d7: {  	v0 =	vld [tilespmem:$0x1FDC0];
	v17 =	vsub.f32 v31, v17  }
0x2d8: {  	v2 =	vadd.f32 v20, v2;
	v20 =	vmul.f32 v30, v43;
	v30 =	vld.idx.msk [tilespmem:v8+s21+$0x0], $0xffff;
	v31 =	vor.u32 v42, v60  }
0x2d9: {  	v47 =	vadd.f32 v47, v46;
	v8 =	vld.idx.msk [tilespmem:v8+s22+$0x0], $0xffff  }
0x2da: {  	v2 =	vadd.f32 v20, v2;
	v20 =	vmul.f32 v17, v27;
	v27 =	vadd.f32 v45, v44;
	v17 =	vld.idx.msk [tilespmem:v19+s16+$0x0], $0xffff  }
0x2db: {  	v42 =	vld.idx.msk [tilespmem:v39+s18+$0x0], $0xffff  }
0x2dc: {  	v2 =	vadd.f32 v20, v2;
	v20 =	vsub.f32 v27, v47;
	v27 =	vld.idx.msk [tilespmem:v39+s19+$0x0], $0xffff  }
0x2dd: {  	v44 =	vld.idx.msk [tilespmem:v31+s21+$0x0], $0xffff  }
0x2de: {  	v43 =	vor.u32 v0, v61;
	v39 =	vadd.f32 v49, v48;
	v48 =	vld [tilespmem:$0x1F920]  }
0x2df: {  	v49 =	vadd.f32 v53, v52;
	v52 =	vld [tilespmem:$0x1FEC0]  }
0x2e0: {  	v53 =	vld [tilespmem:$0x1FBB0]  }
0x2e1: {  	v45 =	vor.u32 v0, v60;
	v19 =	vor.u32 v0, v59;
	v0 =	vld [tilespmem:$0x1FB40]  }
0x2e2: {  	v31 =	vld.idx.msk [tilespmem:v31+s22+$0x0], $0xffff  }
0x2e3: {  	v46 =	vld.idx.msk [tilespmem:v43+s18+$0x0], $0xffff;
	v39 =	vsub.f32 v39, v40  }
0x2e4: {  	v43 =	vld.idx.msk [tilespmem:v43+s19+$0x0], $0xffff  }
0x2e5: {  	v63 =	vor.u32 v58, v61;
	v39 =	vmul.f32 v39, v55;
	v55 =	vld [tilespmem:$0x1F940];
	v20 =	vmul.f32 v20, v48  }
0x2e6: {  	v19 =	vld.idx.msk [tilespmem:v19+s16+$0x0], $0xffff;
	v48 =	vadd.f32 v57, v56  }
0x2e7: {  	v2 =	vadd.f32 v20, v2;
	v20 =	vsub.f32 v49, v50;
	v50 =	vld.idx.msk [tilespmem:v45+s21+$0x0], $0xffff  }
0x2e8: {  	v40 =	vor.u32 v0, v59;
	v45 =	vld.idx.msk [tilespmem:v45+s22+$0x0], $0xffff  }
0x2e9: {  	v47 =	vor.u32 v0, v61;
	v57 =	vsub.f32 v48, v54;
	v54 =	vld [tilespmem:$0x1F960]  }
0x2ea: {  	v49 =	vld.idx.msk [tilespmem:v63+s18+$0x0], $0xffff  }
0x2eb: {  	v48 =	vld [tilespmem:$0x1FB60]  }
0x2ec: {  	v24 =	vor.u32 v3, v59;
	v20 =	vmul.f32 v20, v55;
	v55 =	vsub.f32 v22, v12;
	v12 =	vld.idx.msk [tilespmem:v63+s19+$0x0], $0xffff  }
0x2ed: {  	v5 =	vadd.f32 v5, v6;
	v6 =	vld.idx.msk [tilespmem:v40+s16+$0x0], $0xffff  }
0x2ee: {  	v51 =	vor.u32 v0, v60;
	v2 =	vadd.f32 v39, v2;
	v40 =	vld.idx.msk [tilespmem:v47+s18+$0x0], $0xffff  }
0x2ef: {  	v5 =	vsub.f32 v11, v5;
	v11 =	vld.idx.msk [tilespmem:v47+s19+$0x0], $0xffff  }
0x2f0: {  	v47 =	vor.u32 v58, v60;
	v2 =	vadd.f32 v20, v2;
	v20 =	vld [tilespmem:$0x1F950]  }
0x2f1: {  	v63 =	vadd.f32 v13, v18;
	v18 =	vld.idx.msk [tilespmem:v24+s16+$0x0], $0xffff  }
0x2f2: {  	v24 =	vld [tilespmem:$0x1F990];
	v58 =	vor.u32 v3, v60  }
0x2f3: {  	v39 =	vld.idx.msk [tilespmem:v51+s21+$0x0], $0xffff  }
0x2f4: {  	v5 =	vmul.f32 v5, v54;
	v54 =	vld [tilespmem:$0x1FC80]  }
0x2f5: {  	v13 =	vld.idx.msk [tilespmem:v47+s22+$0x0], $0xffff;
	v20 =	vmul.f32 v57, v20  }
0x2f6: {  	v57 =	vld [tilespmem:$0x1F970]  }
0x2f7: {  	v7 =	vadd.f32 v7, v38;
	v38 =	vld.idx.msk [tilespmem:v58+s21+$0x0], $0xffff;
	v2 =	vadd.f32 v20, v2  }
0x2f8: {  	v20 =	vld.idx.msk [tilespmem:v51+s22+$0x0], $0xffff;
	v51 =	vor.u32 v3, v61  }
0x2f9: {  	v2 =	vadd.f32 v5, v2;
	v5 =	vmul.f32 v55, v62;
	v55 =	vld [tilespmem:$0x1F9B0]  }
0x2fa: {  	v62 =	vld [tilespmem:$0x1FCE0]  }
0x2fb: {  	v22 =	vadd.f32 v28, v57;
	v28 =	vld.idx.msk [tilespmem:v47+s21+$0x0], $0xffff  }
0x2fc: {  	v10 =	vadd.f32 v10, v26;
	v16 =	vadd.f32 v16, v34;
	v57 =	vld [tilespmem:$0x1F9C0]  }
0x2fd: {  	v2 =	vadd.f32 v5, v2;
	v5 =	vld.idx.msk [tilespmem:v51+s18+$0x0], $0xffff  }
0x2fe: {  	v3 =	vsub.f32 v10, v63;
	v16 =	vsub.f32 v22, v16;
	v26 =	vld.idx.msk [tilespmem:v51+s19+$0x0], $0xffff  }
0x2ff: {  	v10 =	vor.u32 v54, v61;
	v47 =	vor.u32 v54, v60;
	v22 =	vor.u32 v54, v59;
	v54 =	vld [tilespmem:$0x1F9E0]  }
0x300: {  	v16 =	vmul.f32 v16, v24;
	v24 =	vld [tilespmem:$0x1F9A0];
	v51 =	vor.u32 v62, v61  }
0x301: {  	v3 =	vmul.f32 v3, v55;
	v55 =	vld [tilespmem:$0x1F9F0];
	v13 =	vadd.f32 v13, v28;
	v28 =	vor.u32 v48, v60  }
0x302: {  	v12 =	vadd.f32 v12, v49;
	v2 =	vadd.f32 v16, v2;
	v16 =	vld.idx.msk [tilespmem:v58+s22+$0x0], $0xffff  }
0x303: {  	v58 =	vld [tilespmem:$0x1F9D0]  }
0x304: {  	v22 =	vld.idx.msk [tilespmem:v22+s16+$0x0], $0xffff;
	v12 =	vsub.f32 v12, v13  }
0x305: {  	v24 =	vadd.f32 v36, v24;
	v34 =	vld.idx.msk [tilespmem:v51+s18+$0x0], $0xffff  }
0x306: {  	v12 =	vmul.f32 v12, v21;
	v21 =	vld.idx.msk [tilespmem:v28+s21+$0x0], $0xffff  }
0x307: {  	v7 =	vsub.f32 v24, v7;
	v24 =	vadd.f32 v35, v57;
	v35 =	vld.idx.msk [tilespmem:v10+s18+$0x0], $0xffff  }
0x308: {  	v4 =	vadd.f32 v4, v58;
	v58 =	vld [tilespmem:$0x1FA00]  }
0x309: {  	v2 =	vadd.f32 v3, v2;
	v3 =	vmul.f32 v7, v54;
	v7 =	vld.idx.msk [tilespmem:v10+s19+$0x0], $0xffff  }
0x30a: {  	v4 =	vsub.f32 v24, v4;
	v10 =	vld.idx.msk [tilespmem:v47+s21+$0x0], $0xffff  }
0x30b: {  	v63 =	vor.u32 v62, v59;
	v54 =	vld [tilespmem:$0x1FB50]  }
0x30c: {  	v57 =	vmul.f32 v4, v55;
	v4 =	vld.idx.msk [tilespmem:v47+s22+$0x0], $0xffff  }
0x30d: {  	v24 =	vor.u32 v62, v60;
	v2 =	vadd.f32 v3, v2;
	v3 =	vld.idx.msk [tilespmem:v51+s19+$0x0], $0xffff  }
0x30e: {  	v51 =	vld [tilespmem:$0x1FD20]  }
0x30f: {  	v9 =	vadd.f32 v29, v9;
	v47 =	vld [tilespmem:$0x1FB70];
	v0 =	vadd.f32 v15, v58  }
0x310: {  	v62 =	vor.u32 v53, v61;
	v15 =	vld.idx.msk [tilespmem:v63+s16+$0x0], $0xffff  }
0x311: {  	v58 =	vadd.f32 v43, v46;
	v43 =	vld [tilespmem:$0x1FB80];
	v0 =	vsub.f32 v0, v9  }
0x312: {  	v29 =	vor.u32 v53, v59;
	v9 =	vadd.f32 v37, v25;
	v25 =	vadd.f32 v32, v41;
	v32 =	vld.idx.msk [tilespmem:v24+s21+$0x0], $0xffff  }
0x313: {  	v23 =	vadd.f32 v23, v33;
	v8 =	vadd.f32 v8, v30;
	v63 =	vor.u32 v53, v60;
	v41 =	vld [tilespmem:$0x1FA10]  }
0x314: {  	v24 =	vld.idx.msk [tilespmem:v24+s22+$0x0], $0xffff  }
0x315: {  	v53 =	vsub.f32 v23, v8;
	v8 =	vld.idx.msk [tilespmem:v62+s18+$0x0], $0xffff  }
0x316: {  	v30 =	vld.idx.msk [tilespmem:v62+s19+$0x0], $0xffff;
	v7 =	vadd.f32 v7, v35;
	v9 =	vsub.f32 v9, v25  }
0x317: {  	v25 =	vld.idx.msk [tilespmem:v29+s16+$0x0], $0xffff;
	v29 =	vor.u32 v51, v59;
	v23 =	vor.u32 v51, v61;
	v4 =	vadd.f32 v4, v10  }
0x318: {  	v1 =	vmul.f32 v9, v1;
	v9 =	vadd.f32 v27, v42;
	v27 =	vadd.f32 v31, v44;
	v31 =	vld.idx.msk [tilespmem:v63+s21+$0x0], $0xffff  }
0x319: {  	v11 =	vadd.f32 v11, v40;
	v4 =	vsub.f32 v7, v4;
	v7 =	vld.idx.msk [tilespmem:v28+s22+$0x0], $0xffff  }
0x31a: {  	v5 =	vadd.f32 v26, v5;
	v33 =	vor.u32 v51, v60;
	v40 =	vadd.f32 v24, v32;
	v24 =	vld [tilespmem:$0x1FBC0]  }
0x31b: {  	v2 =	vadd.f32 v57, v2;
	v26 =	vor.u32 v47, v60;
	v57 =	vsub.f32 v9, v27;
	v9 =	vld.idx.msk [tilespmem:v63+s22+$0x0], $0xffff  }
0x31c: {  	v29 =	vld.idx.msk [tilespmem:v29+s16+$0x0], $0xffff  }
0x31d: {  	v62 =	vor.u32 v54, v59;
	v37 =	vld.idx.msk [tilespmem:v23+s18+$0x0], $0xffff  }
0x31e: {  	v55 =	vmul.f32 v53, v14;
	v27 =	vadd.f32 v45, v50;
	v14 =	vld.idx.msk [tilespmem:v23+s19+$0x0], $0xffff  }
0x31f: {  	v0 =	vmul.f32 v0, v41;
	v63 =	vor.u32 v54, v61;
	v53 =	vld.idx.msk [tilespmem:v33+s22+$0x0], $0xffff  }
0x320: {  	v41 =	vmul.f32 v4, v22;
	v22 =	vor.u32 v43, v61;
	v44 =	vld.idx.msk [tilespmem:v26+s21+$0x0], $0xffff;
	v46 =	vsub.f32 v58, v27  }
0x321: {  	v0 =	vadd.f32 v0, v2;
	v45 =	vmul.f32 v57, v17;
	v17 =	vld.idx.msk [tilespmem:v33+s21+$0x0], $0xffff  }
0x322: {  	v23 =	vor.u32 v54, v60;
	v51 =	vmul.f32 v46, v19;
	v19 =	vadd.f32 v20, v39;
	v20 =	vld.idx.msk [tilespmem:v62+s16+$0x0], $0xffff  }
0x323: {  	v0 =	vadd.f32 v1, v0;
	v46 =	vld [tilespmem:$0x1FB90]  }
0x324: {  	v27 =	vor.u32 v48, v59;
	v54 =	vld.idx.msk [tilespmem:v63+s18+$0x0], $0xffff  }
0x325: {  	v0 =	vadd.f32 v55, v0;
	v55 =	vor.u32 v48, v61;
	v48 =	vld.idx.msk [tilespmem:v22+s19+$0x0], $0xffff  }
0x326: {  	v8 =	vadd.f32 v30, v8;
	v57 =	vsub.f32 v11, v19;
	v11 =	vld.idx.msk [tilespmem:v63+s19+$0x0], $0xffff  }
0x327: {  	v9 =	vadd.f32 v9, v31;
	v19 =	vld.idx.msk [tilespmem:v23+s21+$0x0], $0xffff;
	v0 =	vadd.f32 v45, v0  }
0x328: {  	v1 =	vmul.f32 v57, v6;
	v6 =	vadd.f32 v16, v38;
	v16 =	vld.idx.msk [tilespmem:v23+s22+$0x0], $0xffff;
	v23 =	vor.u32 v47, v59  }
0x329: {  	v58 =	vld.idx.msk [tilespmem:v27+s16+$0x0], $0xffff;
	v0 =	vadd.f32 v51, v0  }
0x32a: {  	v45 =	vor.u32 v43, v60;
	v8 =	vsub.f32 v8, v9;
	v9 =	vld.idx.msk [tilespmem:v22+s18+$0x0], $0xffff  }
0x32b: {  	v62 =	vsub.f32 v5, v6;
	v63 =	vld.idx.msk [tilespmem:v55+s18+$0x0], $0xffff;
	v6 =	vor.u32 v47, v61;
	v0 =	vadd.f32 v1, v0  }
0x32c: {  	v3 =	vadd.f32 v3, v34;
	v10 =	vld.idx.msk [tilespmem:v55+s19+$0x0], $0xffff  }
0x32d: {  	v1 =	vmul.f32 v62, v18;
	v0 =	vadd.f32 v12, v0;
	v18 =	vld.idx.msk [tilespmem:v23+s16+$0x0], $0xffff;
	v23 =	vor.u32 v43, v59  }
0x32e: {  	v3 =	vsub.f32 v3, v40;
	v47 =	vld.idx.msk [tilespmem:v26+s22+$0x0], $0xffff  }
0x32f: {  	v22 =	vor.u32 v46, v61;
	v16 =	vadd.f32 v16, v19;
	v19 =	vld.idx.msk [tilespmem:v45+s21+$0x0], $0xffff;
	v0 =	vadd.f32 v1, v0  }
0x330: {  	v7 =	vadd.f32 v7, v21;
	v50 =	vor.u32 v24, v60;
	v42 =	vld.idx.msk [tilespmem:v6+s18+$0x0], $0xffff  }
0x331: {  	v3 =	vmul.f32 v3, v15;
	v14 =	vadd.f32 v14, v37;
	v6 =	vld.idx.msk [tilespmem:v6+s19+$0x0], $0xffff;
	v0 =	vadd.f32 v41, v0  }
0x332: {  	v2 =	vadd.f32 v53, v17;
	v5 =	vadd.f32 v10, v63;
	v17 =	vld.idx.msk [tilespmem:v23+s16+$0x0], $0xffff;
	v23 =	vor.u32 v24, v61  }
0x333: {  	v8 =	vmul.f32 v8, v25;
	v11 =	vadd.f32 v11, v54;
	v12 =	vld.idx.msk [tilespmem:v45+s22+$0x0], $0xffff;
	v0 =	vadd.f32 v3, v0  }
0x334: {  	v2 =	vsub.f32 v14, v2;
	v54 =	vld.idx.msk [tilespmem:v22+s18+$0x0], $0xffff;
	v5 =	vsub.f32 v5, v7  }
0x335: {  	v7 =	vld.idx.msk [tilespmem:v50+s22+$0x0], $0xffff;
	v0 =	vadd.f32 v8, v0;
	v8 =	vsub.f32 v11, v16;
	v16 =	vor.u32 v46, v60  }
0x336: {  	v4 =	vadd.f32 v6, v42;
	v6 =	vld.idx.msk [tilespmem:v22+s19+$0x0], $0xffff  }
0x337: {  	v2 =	vmul.f32 v2, v29;
	v11 =	vld.idx.msk [tilespmem:v23+s18+$0x0], $0xffff  }
0x338: {  	v53 =	vor.u32 v24, v59;
	v10 =	vld.idx.msk [tilespmem:v23+s19+$0x0], $0xffff  }
0x339: {  	v1 =	vadd.f32 v47, v44;
	v0 =	vadd.f32 v2, v0;
	v51 =	vmul.f32 v8, v20;
	v8 =	vld.idx.msk [tilespmem:v50+s21+$0x0], $0xffff  }
0x33a: {  	v55 =	vor.u32 v46, v59;
	v59 =	vadd.f32 v12, v19;
	v3 =	vadd.f32 v48, v9;
	v57 =	vld.idx.msk [tilespmem:v16+s21+$0x0], $0xffff  }
0x33b: {  	v5 =	vmul.f32 v5, v58;
	v1 =	vsub.f32 v4, v1;
	v0 =	vadd.f32 v51, v0;
	v58 =	vld.idx.msk [tilespmem:v16+s22+$0x0], $0xffff  }
0x33c: {  	v56 =	vld [tilespmem:$0x1FEF0]  }
0x33d: {  	v3 =	vsub.f32 v3, v59;
	v2 =	vld.idx.msk [tilespmem:v53+s16+$0x0], $0xffff;
	v1 =	vmul.f32 v1, v18;
	v0 =	vadd.f32 v5, v0  }
0x33e: {  	v49 =	vld [tilespmem:$0x1FE90];
	v9 =	vadd.f32 v10, v11;
	v7 =	vadd.f32 v7, v8  }
0x33f: {  	v61 =	vld.idx.msk [tilespmem:v55+s16+$0x0], $0xffff;
	v6 =	vadd.f32 v6, v54;
	v0 =	vadd.f32 v1, v0  }
0x340: {  	v36 =	vld [tilespmem:$0x1FE50];
	v3 =	vmul.f32 v3, v17;
	v60 =	vsub.f32 v9, v7;
	v4 =	vadd.f32 v58, v57  }
0x341: {  	v35 =	vld [tilespmem:$0x1FF80]  }
0x342: {  	v28 =	vld [tilespmem:$0x1FF10];
	v0 =	vadd.f32 v3, v0;
	v1 =	vmul.f32 v60, v2;
	v62 =	vsub.f32 v6, v4  }
0x343: {  	p0 =	sne.s32 s12, $0x70;
	v27 =	vld [tilespmem:$0x1FE40]  }
.Ltmp3:
0x344: {  	v25 =	vld [tilespmem:$0x1FDE0];
	v0 =	vadd.f32 v1, v0;
	v63 =	vmul.f32 v62, v61;
	(pc) =	sbr.rel @p0 .LBB2_8-.Ltmp3, $4  }
0x345: {  	v26 =	vld [tilespmem:$0x1FE30]  }
0x346: {  	v19 =	vld [tilespmem:$0x1FF70];
	v0 =	vadd.f32 v63, v0  }
0x347: {  	s15 =	sadd.s32 $0x10, s15;
	s24 =	sadd.s32 $0x10, s24;
	v20 =	vld [tilespmem:$0x1FDD0]  }
0x348: {  	s28 =	sadd.s32 $0x10, s28;
	s12 =	sadd.s32 $0x10, s12;
	v10 =	vld [tilespmem:$0x1FF60];
	v8 =	vlaneseq.u32;
	[tilespmem:s31+$0x0] =	vst v0;
	s31 =	sadd.s32 $0x10, s31  }
0x349: {  	s12 =	simm.s32 $0x780  }
0x34a: {  	[tilespmem:s16], [sflag:$0x1] =	stream.indirect.gather [hbm4b:s3+s14], $0x80, s12, s14, $0xb8;
	[tilespmem:$0x14E00] =	vst v63  }
0x34b: {  	_ = 	snop  }
0x34c: {  	[tilespmem:s18], [sflag:$0x1] =	stream.indirect.gather [hbm4b:s4+s14], $0x80, s0, s14, $0xb8;
	[tilespmem:$0x14E00] =	vst v63  }
0x34d: {  	_ = 	snop  }
0x34e: {  	[tilespmem:s19], [sflag:$0x1] =	stream.indirect.gather [hbm4b:s5+s14], $0x80, s0, s14, $0xb8;
	[tilespmem:$0x14E00] =	vst v63  }
0x34f: {  	_ = 	snop  }
0x350: {  	[tilespmem:s21], [sflag:$0x1] =	stream.indirect.gather [hbm4b:s4+s14], $0x80, s2, s14, $0xb8;
	[tilespmem:$0x14E00] =	vst v63  }
0x351: {  	_ = 	snop  }
0x352: {  	[tilespmem:s22], [sflag:$0x1] =	stream.indirect.gather [hbm4b:s5+s14], $0x80, s2, s14, $0xb8;
	[tilespmem:$0x14E00] =	vst v63  }
0x353: {  	_ =	swait.ge [sflag:s23], $0x4000  }
0x354: {  	[sflag:s23] =	ssyncset.done $0x0  }
0x355: {  	[sflag:s23] =	ssyncadd.s32 $0xFFFFC000  }
0x356: {  	_ =	swait.ge [sflag:s23], $0x4000  }
0x357: {  	[sflag:s23] =	ssyncset.done $0x0  }
0x358: {  	[sflag:s23] =	ssyncadd.s32 $0xFFFFC000  }
0x359: {  	_ =	swait.ge [sflag:s23], $0x4000  }
0x35a: {  	[sflag:s23] =	ssyncset.done $0x0  }
0x35b: {  	[sflag:s23] =	ssyncadd.s32 $0xFFFFC000  }
0x35c: {  	_ =	swait.ge [sflag:s23], $0x4000  }
0x35d: {  	[sflag:s23] =	ssyncset.done $0x0  }
0x35e: {  	[sflag:s23] =	ssyncadd.s32 $0xFFFFC000  }
0x35f: {  	s15 =	simm.s32 $0x180;
	_ =	swait.ge [sflag:s23], $0x4000  }
0x360: {  	s24 =	simm.s32 $0x380;
	s28 =	simm.s32 $0x580;
	[sflag:s23] =	ssyncset.done $0x0  }
0x361: {  	s31 =	simm.s32 $0x14D80;
	s12 =	simm.s32 $0x0;
	v38 =	vld [tilespmem:$0x1FF90];
	[sflag:s23] =	ssyncadd.s32 $0xFFFFC000  }
.LBB2_10:
0x362: {  	v0 =	vld [tilespmem:s15+$0x0]  }
0x363: {  	v1 =	vld [tilespmem:s24+$0x0];
	_ =	sdelay $0x2  }
0x364: {  	v3 =	vmov s12  }
0x365: {  	v3 =	vshll.u32 v3, $0x7;
	v0 =	vshll.u32 v0, $0x5  }
0x366: {  	v2 =	vld [tilespmem:s28+$0x0];
	v3 =	vor.u32 v20, v3;
	v1 =	vshll.u32 v1, $0x5;
	v0 =	vand.u32 $0x60, v0  }
0x367: {  	v1 =	vand.u32 $0x60, v1;
	v59 =	vor.u32 v3, v0  }
0x368: {  	v61 =	vor.u32 v3, v1;
	v43 =	vor.u32 v8, v59  }
0x369: {  	v1 =	vor.u32 v8, v61;
	_ =	sdelay $0x1  }
0x36a: {  	v42 =	vshll.u32 v2, $0x5;
	v44 =	vor.u32 v25, v59  }
0x36b: {  	v0 =	vand.u32 $0x60, v42;
	v45 =	vor.u32 v25, v61  }
0x36c: {  	v60 =	vor.u32 v3, v0;
	v41 =	vld.idx.msk [tilespmem:v43+s16+$0x0], $0xffff  }
0x36d: {  	v48 =	vor.u32 v26, v61;
	v0 =	vor.u32 v8, v60;
	v8 =	vld.idx.msk [tilespmem:v1+s18+$0x0], $0xffff  }
0x36e: {  	v9 =	vld.idx.msk [tilespmem:v1+s19+$0x0], $0xffff  }
0x36f: {  	v51 =	vor.u32 v27, v59;
	v20 =	vld.idx.msk [tilespmem:v44+s16+$0x0], $0xffff  }
0x370: {  	v53 =	vor.u32 v27, v61;
	v23 =	vld.idx.msk [tilespmem:v45+s18+$0x0], $0xffff  }
0x371: {  	v46 =	vor.u32 v25, v60;
	v25 =	vld.idx.msk [tilespmem:v45+s19+$0x0], $0xffff  }
0x372: {  	v55 =	vor.u32 v36, v59;
	v31 =	vld.idx.msk [tilespmem:v48+s18+$0x0], $0xffff  }
0x373: {  	v4 =	vor.u32 v36, v61;
	v32 =	vld.idx.msk [tilespmem:v48+s19+$0x0], $0xffff  }
0x374: {  	v54 =	vor.u32 v27, v60;
	v27 =	vld.idx.msk [tilespmem:v51+s16+$0x0], $0xffff  }
0x375: {  	v62 =	vor.u32 v49, v59;
	v39 =	vld.idx.msk [tilespmem:v53+s18+$0x0], $0xffff  }
0x376: {  	v63 =	vor.u32 v49, v61;
	v40 =	vld.idx.msk [tilespmem:v53+s19+$0x0], $0xffff  }
0x377: {  	v58 =	vld.idx.msk [tilespmem:v55+s16+$0x0], $0xffff  }
0x378: {  	v34 =	vor.u32 v52, v61;
	v44 =	vld.idx.msk [tilespmem:v4+s18+$0x0], $0xffff  }
0x379: {  	v45 =	vld.idx.msk [tilespmem:v4+s19+$0x0], $0xffff  }
0x37a: {  	v13 =	vld.idx.msk [tilespmem:v62+s16+$0x0], $0xffff  }
0x37b: {  	v48 =	vld.idx.msk [tilespmem:v63+s18+$0x0], $0xffff  }
0x37c: {  	v12 =	vor.u32 v49, v60;
	v49 =	vld.idx.msk [tilespmem:v63+s19+$0x0], $0xffff  }
0x37d: {  	v15 =	vor.u32 v52, v59;
	v57 =	vor.u32 v36, v60;
	v36 =	vor.u32 v52, v60;
	v52 =	vld.idx.msk [tilespmem:v34+s18+$0x0], $0xffff  }
0x37e: {  	v47 =	vor.u32 v26, v59;
	v53 =	vld.idx.msk [tilespmem:v34+s19+$0x0], $0xffff  }
0x37f: {  	v50 =	vor.u32 v26, v60;
	v14 =	vld.idx.msk [tilespmem:v0+s21+$0x0], $0xffff  }
0x380: {  	v17 =	vld.idx.msk [tilespmem:v0+s22+$0x0], $0xffff  }
0x381: {  	v29 =	vld.idx.msk [tilespmem:v46+s21+$0x0], $0xffff  }
0x382: {  	v30 =	vld.idx.msk [tilespmem:v46+s22+$0x0], $0xffff  }
0x383: {  	v0 =	vld.idx.msk [tilespmem:v47+s16+$0x0], $0xffff  }
0x384: {  	v33 =	vld.idx.msk [tilespmem:v50+s21+$0x0], $0xffff  }
0x385: {  	v37 =	vld.idx.msk [tilespmem:v50+s22+$0x0], $0xffff  }
0x386: {  	v42 =	vld.idx.msk [tilespmem:v54+s21+$0x0], $0xffff  }
0x387: {  	v43 =	vld.idx.msk [tilespmem:v54+s22+$0x0], $0xffff  }
0x388: {  	v46 =	vld.idx.msk [tilespmem:v57+s21+$0x0], $0xffff  }
0x389: {  	v47 =	vld.idx.msk [tilespmem:v57+s22+$0x0], $0xffff  }
0x38a: {  	v62 =	vor.u32 v56, v61;
	v50 =	vld.idx.msk [tilespmem:v12+s21+$0x0], $0xffff  }
0x38b: {  	v34 =	vor.u32 v28, v60;
	v51 =	vld.idx.msk [tilespmem:v12+s22+$0x0], $0xffff  }
0x38c: {  	v57 =	vld.idx.msk [tilespmem:v15+s16+$0x0], $0xffff  }
0x38d: {  	v54 =	vld.idx.msk [tilespmem:v36+s21+$0x0], $0xffff  }
0x38e: {  	v55 =	vld.idx.msk [tilespmem:v36+s22+$0x0], $0xffff;
	v15 =	vor.u32 v28, v61  }
0x38f: {  	v63 =	vor.u32 v56, v60;
	[tilespmem:$0x1F810] =	vst v58;
	v58 =	vor.u32 v56, v59;
	v56 =	vld.idx.msk [tilespmem:v62+s18+$0x0], $0xffff  }
0x390: {  	[tilespmem:$0x1F820] =	vst v13;
	v13 =	vor.u32 v28, v59;
	v6 =	vld.idx.msk [tilespmem:v34+s21+$0x0], $0xffff  }
0x391: {  	[tilespmem:$0x1F830] =	vst v57;
	v57 =	vld.idx.msk [tilespmem:v62+s19+$0x0], $0xffff;
	v62 =	vor.u32 v10, v59  }
0x392: {  	v5 =	vld.idx.msk [tilespmem:v34+s22+$0x0], $0xffff  }
0x393: {  	v7 =	vor.u32 v19, v60;
	v24 =	vld.idx.msk [tilespmem:v15+s18+$0x0], $0xffff  }
0x394: {  	v11 =	vld.idx.msk [tilespmem:v15+s19+$0x0], $0xffff  }
0x395: {  	v36 =	vld.idx.msk [tilespmem:v13+s16+$0x0], $0xffff  }
0x396: {  	v34 =	vor.u32 v19, v59;
	v15 =	vld.idx.msk [tilespmem:v62+s16+$0x0], $0xffff  }
0x397: {  	v12 =	vld.idx.msk [tilespmem:v58+s16+$0x0], $0xffff  }
0x398: {  	v16 =	vld.idx.msk [tilespmem:v7+s22+$0x0], $0xffff  }
0x399: {  	v58 =	vld.idx.msk [tilespmem:v63+s21+$0x0], $0xffff;
	v13 =	vor.u32 v10, v60  }
0x39a: {  	v63 =	vld.idx.msk [tilespmem:v63+s22+$0x0], $0xffff;
	[tilespmem:$0x1F850] =	vst v36;
	v36 =	vor.u32 v19, v61  }
0x39b: {  	v23 =	vadd.f32 v25, v23;
	v25 =	vadd.f32 v30, v29;
	[tilespmem:$0x1F870] =	vst v15;
	v15 =	vld.idx.msk [tilespmem:v34+s16+$0x0], $0xffff  }
0x39c: {  	v30 =	vadd.f32 v32, v31;
	v31 =	vadd.f32 v37, v33;
	[tilespmem:$0x1F840] =	vst v12;
	v12 =	vor.u32 v10, v61  }
0x39d: {  	[tilespmem:$0x1F800] =	vst v0;
	v0 =	vld [tilespmem:$0x1FD70]  }
0x39e: {  	v30 =	vsub.f32 v30, v31;
	v21 =	vld.idx.msk [tilespmem:v13+s21+$0x0], $0xffff  }
0x39f: {  	v31 =	vadd.f32 v40, v39;
	v40 =	vadd.f32 v51, v50;
	v34 =	vld.idx.msk [tilespmem:v36+s18+$0x0], $0xffff  }
0x3a0: {  	v50 =	vadd.f32 v55, v54;
	v54 =	vadd.f32 v63, v58;
	v58 =	vld [tilespmem:$0x1FC10];
	[tilespmem:$0x1F880] =	vst v15;
	v15 =	vor.u32 v35, v59  }
0x3a1: {  	v62 =	vld.idx.msk [tilespmem:v12+s18+$0x0], $0xffff  }
0x3a2: {  	v28 =	vld.idx.msk [tilespmem:v36+s19+$0x0], $0xffff;
	v36 =	vor.u32 v35, v60  }
0x3a3: {  	v22 =	vld.idx.msk [tilespmem:v12+s19+$0x0], $0xffff  }
0x3a4: {  	[tilespmem:$0x1F860] =	vst v34;
	v34 =	vld.idx.msk [tilespmem:v7+s21+$0x0], $0xffff;
	v7 =	vor.u32 v38, v59  }
0x3a5: {  	v4 =	vor.u32 v0, v59;
	v19 =	vor.u32 v35, v61;
	v35 =	vld.idx.msk [tilespmem:v15+s16+$0x0], $0xffff  }
0x3a6: {  	v12 =	vld.idx.msk [tilespmem:v13+s22+$0x0], $0xffff  }
0x3a7: {  	v18 =	vld.idx.msk [tilespmem:v36+s21+$0x0], $0xffff  }
0x3a8: {  	v13 =	vld.idx.msk [tilespmem:v36+s22+$0x0], $0xffff;
	v15 =	vor.u32 v38, v61  }
0x3a9: {  	v36 =	vld.idx.msk [tilespmem:v7+s16+$0x0], $0xffff  }
0x3aa: {  	v4 =	vld.idx.msk [tilespmem:v4+s16+$0x0], $0xffff;
	[tilespmem:$0x1F8A0] =	vst v35;
	v35 =	vor.u32 v0, v61  }
0x3ab: {  	v26 =	vld.idx.msk [tilespmem:v19+s18+$0x0], $0xffff  }
0x3ac: {  	v10 =	vld.idx.msk [tilespmem:v19+s19+$0x0], $0xffff  }
0x3ad: {  	v19 =	vor.u32 v38, v60;
	v38 =	vld.idx.msk [tilespmem:v15+s18+$0x0], $0xffff  }
0x3ae: {  	[tilespmem:$0x1F8D0] =	vst v36;
	v36 =	vld.idx.msk [tilespmem:v15+s19+$0x0], $0xffff  }
0x3af: {  	[tilespmem:$0x1F8E0] =	vst v4;
	v15 =	vor.u32 v0, v60;
	v4 =	vld.idx.msk [tilespmem:v35+s18+$0x0], $0xffff  }
0x3b0: {  	v1 =	vld [tilespmem:$0x1FD80];
	_ =	sdelay $0x2  }
0x3b1: {  	v11 =	vadd.f32 v11, v24;
	v24 =	vor.u32 v58, v59;
	v7 =	vld.idx.msk [tilespmem:v19+s22+$0x0], $0xffff  }
0x3b2: {  	[tilespmem:$0x1F8B0] =	vst v4;
	v4 =	vld.idx.msk [tilespmem:v15+s21+$0x0], $0xffff  }
0x3b3: {  	[tilespmem:$0x1F890] =	vst v38;
	v38 =	vld.idx.msk [tilespmem:v19+s21+$0x0], $0xffff;
	v19 =	vor.u32 v1, v59  }
0x3b4: {  	v55 =	vld [tilespmem:$0x1F820]  }
0x3b5: {  	v0 =	vld [tilespmem:$0x1FD90]  }
0x3b6: {  	v2 =	vor.u32 v1, v61;
	v12 =	vadd.f32 v12, v21;
	v21 =	vld.idx.msk [tilespmem:v24+s16+$0x0], $0xffff;
	v1 =	vor.u32 v1, v60  }
0x3b7: {  	[tilespmem:$0x1F8C0] =	vst v4;
	v4 =	vld.idx.msk [tilespmem:v15+s22+$0x0], $0xffff  }
0x3b8: {  	v15 =	vld.idx.msk [tilespmem:v19+s16+$0x0], $0xffff  }
0x3b9: {  	v22 =	vadd.f32 v22, v62;
	v62 =	vld [tilespmem:$0x1F870]  }
0x3ba: {  	v35 =	vld.idx.msk [tilespmem:v35+s19+$0x0], $0xffff;
	v3 =	vor.u32 v0, v61  }
0x3bb: {  	v8 =	vadd.f32 v9, v8;
	v14 =	vadd.f32 v17, v14;
	v17 =	vor.u32 v0, v60;
	v9 =	vld.idx.msk [tilespmem:v1+s21+$0x0], $0xffff  }
0x3bc: {  	v29 =	vld.idx.msk [tilespmem:v1+s22+$0x0], $0xffff;
	v19 =	vor.u32 v0, v59  }
0x3bd: {  	[tilespmem:$0x1F900] =	vst v15;
	v15 =	vld.idx.msk [tilespmem:v2+s18+$0x0], $0xffff  }
0x3be: {  	v0 =	vld [tilespmem:$0x1FDA0]  }
0x3bf: {  	v8 =	vsub.f32 v8, v14;
	v14 =	vsub.f32 v23, v25;
	v25 =	vld.idx.msk [tilespmem:v3+s18+$0x0], $0xffff  }
0x3c0: {  	v32 =	vld.idx.msk [tilespmem:v17+s22+$0x0], $0xffff  }
0x3c1: {  	v1 =	vld.idx.msk [tilespmem:v19+s16+$0x0], $0xffff  }
0x3c2: {  	[tilespmem:$0x1F8F0] =	vst v15;
	v15 =	vld.idx.msk [tilespmem:v2+s19+$0x0], $0xffff  }
0x3c3: {  	v19 =	vor.u32 v0, v59;
	v2 =	vmul.f32 v8, v41;
	v41 =	vld.idx.msk [tilespmem:v17+s21+$0x0], $0xffff  }
0x3c4: {  	v23 =	vor.u32 v0, v61;
	v17 =	vadd.f32 v43, v42;
	v42 =	vld [tilespmem:$0x1FDB0]  }
0x3c5: {  	v37 =	vld.idx.msk [tilespmem:v3+s19+$0x0], $0xffff  }
0x3c6: {  	v3 =	vld [tilespmem:$0x1FBA0]  }
0x3c7: {  	v8 =	vor.u32 v0, v60;
	v43 =	vld [tilespmem:$0x1F800]  }
0x3c8: {  	v20 =	vmul.f32 v14, v20;
	v14 =	vld.idx.msk [tilespmem:v19+s16+$0x0], $0xffff  }
0x3c9: {  	v33 =	vld.idx.msk [tilespmem:v23+s18+$0x0], $0xffff;
	v19 =	vor.u32 v42, v59  }
0x3ca: {  	v23 =	vld.idx.msk [tilespmem:v23+s19+$0x0], $0xffff;
	v2 =	vadd.f32 $0.0e+00, v2;
	v39 =	vor.u32 v42, v61  }
0x3cb: {  	v0 =	vld [tilespmem:$0x1FDC0];
	v17 =	vsub.f32 v31, v17  }
0x3cc: {  	v2 =	vadd.f32 v20, v2;
	v20 =	vmul.f32 v30, v43;
	v30 =	vld.idx.msk [tilespmem:v8+s21+$0x0], $0xffff;
	v31 =	vor.u32 v42, v60  }
0x3cd: {  	v47 =	vadd.f32 v47, v46;
	v8 =	vld.idx.msk [tilespmem:v8+s22+$0x0], $0xffff  }
0x3ce: {  	v2 =	vadd.f32 v20, v2;
	v20 =	vmul.f32 v17, v27;
	v27 =	vadd.f32 v45, v44;
	v17 =	vld.idx.msk [tilespmem:v19+s16+$0x0], $0xffff  }
0x3cf: {  	v42 =	vld.idx.msk [tilespmem:v39+s18+$0x0], $0xffff  }
0x3d0: {  	v2 =	vadd.f32 v20, v2;
	v20 =	vsub.f32 v27, v47;
	v27 =	vld.idx.msk [tilespmem:v39+s19+$0x0], $0xffff  }
0x3d1: {  	v44 =	vld.idx.msk [tilespmem:v31+s21+$0x0], $0xffff  }
0x3d2: {  	v43 =	vor.u32 v0, v61;
	v39 =	vadd.f32 v49, v48;
	v48 =	vld [tilespmem:$0x1F810]  }
0x3d3: {  	v49 =	vadd.f32 v53, v52;
	v52 =	vld [tilespmem:$0x1FEC0]  }
0x3d4: {  	v53 =	vld [tilespmem:$0x1FBB0]  }
0x3d5: {  	v45 =	vor.u32 v0, v60;
	v19 =	vor.u32 v0, v59;
	v0 =	vld [tilespmem:$0x1FB40]  }
0x3d6: {  	v31 =	vld.idx.msk [tilespmem:v31+s22+$0x0], $0xffff  }
0x3d7: {  	v46 =	vld.idx.msk [tilespmem:v43+s18+$0x0], $0xffff;
	v39 =	vsub.f32 v39, v40  }
0x3d8: {  	v43 =	vld.idx.msk [tilespmem:v43+s19+$0x0], $0xffff  }
0x3d9: {  	v39 =	vmul.f32 v39, v55;
	v55 =	vld [tilespmem:$0x1F830]  }
0x3da: {  	v63 =	vor.u32 v58, v61;
	v20 =	vmul.f32 v20, v48;
	v19 =	vld.idx.msk [tilespmem:v19+s16+$0x0], $0xffff  }
0x3db: {  	v48 =	vadd.f32 v57, v56;
	v56 =	vld [tilespmem:$0x1FEF0]  }
0x3dc: {  	v2 =	vadd.f32 v20, v2;
	v20 =	vsub.f32 v49, v50;
	v50 =	vld.idx.msk [tilespmem:v45+s21+$0x0], $0xffff  }
0x3dd: {  	v40 =	vor.u32 v0, v59;
	v45 =	vld.idx.msk [tilespmem:v45+s22+$0x0], $0xffff  }
0x3de: {  	v47 =	vor.u32 v0, v61;
	v57 =	vsub.f32 v48, v54;
	v54 =	vld [tilespmem:$0x1F850]  }
0x3df: {  	v49 =	vld.idx.msk [tilespmem:v63+s18+$0x0], $0xffff  }
0x3e0: {  	v48 =	vld [tilespmem:$0x1FB60]  }
0x3e1: {  	v24 =	vor.u32 v3, v59;
	v20 =	vmul.f32 v20, v55;
	v55 =	vsub.f32 v22, v12;
	v12 =	vld.idx.msk [tilespmem:v63+s19+$0x0], $0xffff  }
0x3e2: {  	v5 =	vadd.f32 v5, v6;
	v6 =	vld.idx.msk [tilespmem:v40+s16+$0x0], $0xffff  }
0x3e3: {  	v51 =	vor.u32 v0, v60;
	v2 =	vadd.f32 v39, v2;
	v40 =	vld.idx.msk [tilespmem:v47+s18+$0x0], $0xffff  }
0x3e4: {  	v5 =	vsub.f32 v11, v5;
	v11 =	vld.idx.msk [tilespmem:v47+s19+$0x0], $0xffff  }
0x3e5: {  	v47 =	vor.u32 v58, v60;
	v2 =	vadd.f32 v20, v2;
	v20 =	vld [tilespmem:$0x1F840]  }
0x3e6: {  	v63 =	vadd.f32 v13, v18;
	v18 =	vld.idx.msk [tilespmem:v24+s16+$0x0], $0xffff  }
0x3e7: {  	v24 =	vld [tilespmem:$0x1F880];
	v58 =	vor.u32 v3, v60  }
0x3e8: {  	v39 =	vld.idx.msk [tilespmem:v51+s21+$0x0], $0xffff  }
0x3e9: {  	v5 =	vmul.f32 v5, v54;
	v54 =	vld [tilespmem:$0x1FC80]  }
0x3ea: {  	v13 =	vld.idx.msk [tilespmem:v47+s22+$0x0], $0xffff;
	v20 =	vmul.f32 v57, v20  }
0x3eb: {  	v57 =	vld [tilespmem:$0x1F860]  }
0x3ec: {  	v7 =	vadd.f32 v7, v38;
	v38 =	vld.idx.msk [tilespmem:v58+s21+$0x0], $0xffff;
	v2 =	vadd.f32 v20, v2  }
0x3ed: {  	v20 =	vld.idx.msk [tilespmem:v51+s22+$0x0], $0xffff;
	v51 =	vor.u32 v3, v61  }
0x3ee: {  	v2 =	vadd.f32 v5, v2;
	v5 =	vmul.f32 v55, v62;
	v55 =	vld [tilespmem:$0x1F8A0]  }
0x3ef: {  	v62 =	vld [tilespmem:$0x1FCE0]  }
0x3f0: {  	v22 =	vadd.f32 v28, v57;
	v28 =	vld.idx.msk [tilespmem:v47+s21+$0x0], $0xffff  }
0x3f1: {  	v10 =	vadd.f32 v10, v26;
	v16 =	vadd.f32 v16, v34;
	v57 =	vld [tilespmem:$0x1F8B0]  }
0x3f2: {  	v2 =	vadd.f32 v5, v2;
	v5 =	vld.idx.msk [tilespmem:v51+s18+$0x0], $0xffff  }
0x3f3: {  	v3 =	vsub.f32 v10, v63;
	v16 =	vsub.f32 v22, v16;
	v26 =	vld.idx.msk [tilespmem:v51+s19+$0x0], $0xffff  }
0x3f4: {  	v10 =	vor.u32 v54, v61;
	v47 =	vor.u32 v54, v60;
	v22 =	vor.u32 v54, v59;
	v54 =	vld [tilespmem:$0x1F8D0]  }
0x3f5: {  	v16 =	vmul.f32 v16, v24;
	v24 =	vld [tilespmem:$0x1F890];
	v51 =	vor.u32 v62, v61  }
0x3f6: {  	v3 =	vmul.f32 v3, v55;
	v55 =	vld [tilespmem:$0x1F8E0];
	v13 =	vadd.f32 v13, v28;
	v28 =	vor.u32 v48, v60  }
0x3f7: {  	v12 =	vadd.f32 v12, v49;
	v2 =	vadd.f32 v16, v2;
	v16 =	vld.idx.msk [tilespmem:v58+s22+$0x0], $0xffff  }
0x3f8: {  	v58 =	vld [tilespmem:$0x1F8C0]  }
0x3f9: {  	v22 =	vld.idx.msk [tilespmem:v22+s16+$0x0], $0xffff;
	v12 =	vsub.f32 v12, v13  }
0x3fa: {  	v24 =	vadd.f32 v36, v24;
	v34 =	vld.idx.msk [tilespmem:v51+s18+$0x0], $0xffff  }
0x3fb: {  	v12 =	vmul.f32 v12, v21;
	v21 =	vld.idx.msk [tilespmem:v28+s21+$0x0], $0xffff  }
0x3fc: {  	v7 =	vsub.f32 v24, v7;
	v24 =	vadd.f32 v35, v57;
	v35 =	vld.idx.msk [tilespmem:v10+s18+$0x0], $0xffff  }
0x3fd: {  	v4 =	vadd.f32 v4, v58;
	v58 =	vld [tilespmem:$0x1F8F0]  }
0x3fe: {  	v2 =	vadd.f32 v3, v2;
	v3 =	vmul.f32 v7, v54;
	v7 =	vld.idx.msk [tilespmem:v10+s19+$0x0], $0xffff  }
0x3ff: {  	v4 =	vsub.f32 v24, v4;
	v10 =	vld.idx.msk [tilespmem:v47+s21+$0x0], $0xffff  }
0x400: {  	v63 =	vor.u32 v62, v59;
	v54 =	vld [tilespmem:$0x1FB50]  }
0x401: {  	v57 =	vmul.f32 v4, v55;
	v4 =	vld.idx.msk [tilespmem:v47+s22+$0x0], $0xffff  }
0x402: {  	v24 =	vor.u32 v62, v60;
	v2 =	vadd.f32 v3, v2;
	v3 =	vld.idx.msk [tilespmem:v51+s19+$0x0], $0xffff  }
0x403: {  	v51 =	vld [tilespmem:$0x1FD20]  }
0x404: {  	v9 =	vadd.f32 v29, v9;
	v62 =	vor.u32 v53, v61;
	v47 =	vld [tilespmem:$0x1FB70];
	v0 =	vadd.f32 v15, v58  }
0x405: {  	v23 =	vadd.f32 v23, v33;
	v8 =	vadd.f32 v8, v30;
	v15 =	vld.idx.msk [tilespmem:v63+s16+$0x0], $0xffff  }
0x406: {  	v58 =	vadd.f32 v43, v46;
	v43 =	vld [tilespmem:$0x1FB80];
	v0 =	vsub.f32 v0, v9  }
0x407: {  	v29 =	vor.u32 v53, v59;
	v9 =	vadd.f32 v37, v25;
	v25 =	vadd.f32 v32, v41;
	v32 =	vld.idx.msk [tilespmem:v24+s21+$0x0], $0xffff  }
0x408: {  	v63 =	vor.u32 v53, v60;
	v41 =	vld [tilespmem:$0x1F900]  }
0x409: {  	v53 =	vsub.f32 v23, v8;
	v8 =	vld.idx.msk [tilespmem:v62+s18+$0x0], $0xffff  }
0x40a: {  	v30 =	vld.idx.msk [tilespmem:v62+s19+$0x0], $0xffff  }
0x40b: {  	v24 =	vld.idx.msk [tilespmem:v24+s22+$0x0], $0xffff;
	v9 =	vsub.f32 v9, v25  }
0x40c: {  	v7 =	vadd.f32 v7, v35;
	v25 =	vld.idx.msk [tilespmem:v29+s16+$0x0], $0xffff;
	v29 =	vor.u32 v51, v59;
	v4 =	vadd.f32 v4, v10  }
0x40d: {  	v1 =	vmul.f32 v9, v1;
	v9 =	vadd.f32 v27, v42;
	v27 =	vadd.f32 v31, v44;
	v31 =	vld.idx.msk [tilespmem:v63+s21+$0x0], $0xffff  }
0x40e: {  	v23 =	vor.u32 v51, v61;
	v4 =	vsub.f32 v7, v4;
	v7 =	vld.idx.msk [tilespmem:v28+s22+$0x0], $0xffff  }
0x40f: {  	v8 =	vadd.f32 v30, v8;
	v30 =	vld [tilespmem:$0x1FB90]  }
0x410: {  	v33 =	vor.u32 v51, v60;
	v0 =	vmul.f32 v0, v41;
	v41 =	vadd.f32 v24, v32;
	v24 =	vld [tilespmem:$0x1FBC0]  }
0x411: {  	v2 =	vadd.f32 v57, v2;
	v57 =	vsub.f32 v9, v27;
	v9 =	vld.idx.msk [tilespmem:v63+s22+$0x0], $0xffff  }
0x412: {  	v62 =	vor.u32 v54, v59;
	v29 =	vld.idx.msk [tilespmem:v29+s16+$0x0], $0xffff  }
0x413: {  	v55 =	vmul.f32 v53, v14;
	v27 =	vadd.f32 v45, v50;
	v63 =	vor.u32 v54, v61;
	v37 =	vld.idx.msk [tilespmem:v23+s18+$0x0], $0xffff  }
0x414: {  	v42 =	vmul.f32 v4, v22;
	v22 =	vor.u32 v43, v61;
	v0 =	vadd.f32 v0, v2;
	v14 =	vld.idx.msk [tilespmem:v23+s19+$0x0], $0xffff  }
0x415: {  	v23 =	vor.u32 v54, v60;
	v54 =	vld.idx.msk [tilespmem:v33+s22+$0x0], $0xffff;
	v46 =	vsub.f32 v58, v27  }
0x416: {  	v45 =	vmul.f32 v57, v17;
	v17 =	vld.idx.msk [tilespmem:v33+s21+$0x0], $0xffff;
	v0 =	vadd.f32 v1, v0  }
0x417: {  	v27 =	vor.u32 v48, v59;
	v53 =	vmul.f32 v46, v19;
	v19 =	vadd.f32 v20, v39;
	v20 =	vld.idx.msk [tilespmem:v62+s16+$0x0], $0xffff  }
0x418: {  	v11 =	vadd.f32 v11, v40;
	v0 =	vadd.f32 v55, v0;
	v55 =	vld.idx.msk [tilespmem:v63+s18+$0x0], $0xffff  }
0x419: {  	v57 =	vor.u32 v48, v61;
	v48 =	vld.idx.msk [tilespmem:v22+s19+$0x0], $0xffff  }
0x41a: {  	v58 =	vsub.f32 v11, v19;
	v11 =	vld.idx.msk [tilespmem:v63+s19+$0x0], $0xffff  }
0x41b: {  	v5 =	vadd.f32 v26, v5;
	v19 =	vld.idx.msk [tilespmem:v23+s21+$0x0], $0xffff  }
0x41c: {  	v26 =	vor.u32 v47, v60;
	v9 =	vadd.f32 v9, v31;
	v0 =	vadd.f32 v45, v0;
	v62 =	vld.idx.msk [tilespmem:v27+s16+$0x0], $0xffff  }
0x41d: {  	v1 =	vmul.f32 v58, v6;
	v6 =	vadd.f32 v16, v38;
	v16 =	vld.idx.msk [tilespmem:v23+s22+$0x0], $0xffff;
	v23 =	vor.u32 v47, v59  }
0x41e: {  	v40 =	vld.idx.msk [tilespmem:v57+s18+$0x0], $0xffff;
	v0 =	vadd.f32 v53, v0  }
0x41f: {  	v8 =	vsub.f32 v8, v9;
	v9 =	vld.idx.msk [tilespmem:v22+s18+$0x0], $0xffff;
	v22 =	vor.u32 v30, v61  }
0x420: {  	v10 =	vld.idx.msk [tilespmem:v57+s19+$0x0], $0xffff;
	v63 =	vsub.f32 v5, v6;
	v6 =	vor.u32 v47, v61;
	v0 =	vadd.f32 v1, v0  }
0x421: {  	v3 =	vadd.f32 v3, v34;
	v45 =	vld.idx.msk [tilespmem:v26+s21+$0x0], $0xffff  }
0x422: {  	v1 =	vmul.f32 v63, v18;
	v0 =	vadd.f32 v12, v0;
	v18 =	vld.idx.msk [tilespmem:v23+s16+$0x0], $0xffff;
	v23 =	vor.u32 v43, v59  }
0x423: {  	v3 =	vsub.f32 v3, v41;
	v46 =	vor.u32 v43, v60;
	v47 =	vld.idx.msk [tilespmem:v26+s22+$0x0], $0xffff  }
0x424: {  	v2 =	vadd.f32 v54, v17;
	v54 =	vld.idx.msk [tilespmem:v22+s18+$0x0], $0xffff;
	v0 =	vadd.f32 v1, v0  }
0x425: {  	v7 =	vadd.f32 v7, v21;
	v50 =	vor.u32 v24, v60;
	v44 =	vld.idx.msk [tilespmem:v6+s18+$0x0], $0xffff  }
0x426: {  	v3 =	vmul.f32 v3, v15;
	v14 =	vadd.f32 v14, v37;
	v6 =	vld.idx.msk [tilespmem:v6+s19+$0x0], $0xffff;
	v0 =	vadd.f32 v42, v0  }
0x427: {  	v11 =	vadd.f32 v11, v55;
	v5 =	vadd.f32 v10, v40;
	v17 =	vld.idx.msk [tilespmem:v23+s16+$0x0], $0xffff;
	v23 =	vor.u32 v24, v61  }
0x428: {  	v8 =	vmul.f32 v8, v25;
	v16 =	vadd.f32 v16, v19;
	v19 =	vld.idx.msk [tilespmem:v46+s21+$0x0], $0xffff;
	v0 =	vadd.f32 v3, v0  }
0x429: {  	v2 =	vsub.f32 v14, v2;
	v12 =	vld.idx.msk [tilespmem:v46+s22+$0x0], $0xffff;
	v5 =	vsub.f32 v5, v7  }
0x42a: {  	v7 =	vld.idx.msk [tilespmem:v50+s22+$0x0], $0xffff;
	v0 =	vadd.f32 v8, v0;
	v8 =	vsub.f32 v11, v16;
	v16 =	vor.u32 v30, v60  }
0x42b: {  	v4 =	vadd.f32 v6, v44;
	v6 =	vld.idx.msk [tilespmem:v22+s19+$0x0], $0xffff  }
0x42c: {  	v2 =	vmul.f32 v2, v29;
	v11 =	vld.idx.msk [tilespmem:v23+s18+$0x0], $0xffff  }
0x42d: {  	v53 =	vor.u32 v24, v59;
	v10 =	vld.idx.msk [tilespmem:v23+s19+$0x0], $0xffff  }
0x42e: {  	v1 =	vadd.f32 v47, v45;
	v0 =	vadd.f32 v2, v0;
	v51 =	vmul.f32 v8, v20;
	v8 =	vld.idx.msk [tilespmem:v50+s21+$0x0], $0xffff  }
0x42f: {  	v55 =	vor.u32 v30, v59;
	v59 =	vadd.f32 v12, v19;
	v3 =	vadd.f32 v48, v9;
	v57 =	vld.idx.msk [tilespmem:v16+s21+$0x0], $0xffff  }
0x430: {  	v5 =	vmul.f32 v5, v62;
	v1 =	vsub.f32 v4, v1;
	v0 =	vadd.f32 v51, v0;
	v58 =	vld.idx.msk [tilespmem:v16+s22+$0x0], $0xffff  }
0x431: {  	v49 =	vld [tilespmem:$0x1FE90]  }
0x432: {  	v3 =	vsub.f32 v3, v59;
	v2 =	vld.idx.msk [tilespmem:v53+s16+$0x0], $0xffff;
	v1 =	vmul.f32 v1, v18;
	v0 =	vadd.f32 v5, v0  }
0x433: {  	v36 =	vld [tilespmem:$0x1FE50];
	v9 =	vadd.f32 v10, v11;
	v7 =	vadd.f32 v7, v8  }
0x434: {  	v61 =	vld.idx.msk [tilespmem:v55+s16+$0x0], $0xffff;
	v6 =	vadd.f32 v6, v54;
	v0 =	vadd.f32 v1, v0  }
0x435: {  	v35 =	vld [tilespmem:$0x1FF80];
	v3 =	vmul.f32 v3, v17;
	v60 =	vsub.f32 v9, v7;
	v4 =	vadd.f32 v58, v57  }
0x436: {  	v28 =	vld [tilespmem:$0x1FF10]  }
0x437: {  	v27 =	vld [tilespmem:$0x1FE40];
	v0 =	vadd.f32 v3, v0;
	v1 =	vmul.f32 v60, v2;
	v62 =	vsub.f32 v6, v4  }
0x438: {  	p0 =	sne.s32 s12, $0x70;
	v38 =	vld [tilespmem:$0x1FF90]  }
.Ltmp4:
0x439: {  	v25 =	vld [tilespmem:$0x1FDE0];
	v0 =	vadd.f32 v1, v0;
	v63 =	vmul.f32 v62, v61;
	(pc) =	sbr.rel @p0 .LBB2_10-.Ltmp4, $4  }
0x43a: {  	v26 =	vld [tilespmem:$0x1FE30]  }
0x43b: {  	v19 =	vld [tilespmem:$0x1FF70];
	v0 =	vadd.f32 v63, v0  }
0x43c: {  	s15 =	sadd.s32 $0x10, s15;
	s24 =	sadd.s32 $0x10, s24;
	v20 =	vld [tilespmem:$0x1FDD0]  }
0x43d: {  	s28 =	sadd.s32 $0x10, s28;
	s12 =	sadd.s32 $0x10, s12;
	v10 =	vld [tilespmem:$0x1FF60];
	v8 =	vlaneseq.u32;
	[tilespmem:s31+$0x0] =	vst v0;
	s31 =	sadd.s32 $0x10, s31  }
0x43e: {  	s13 =	sadd.s32 $0x1, s13  }
0x43f: {  	p0 =	sne.s32 s13, s10  }
.Ltmp5:
0x440: {  	s12 =	simm.s32 $0x14C00;
	(pc) =	sbr.rel @p0 .LBB2_1-.Ltmp5, $4  }
0x441: {  	[hbm4b:s9+s1] =	stream.linear.scatter [tilespmem:s12], [sflag:$0x2], $0x200, $0x38;
	[tilespmem:$0x14E00] =	vst v63  }
0x442: {  	_ =	swait.ge [sflag:s11], $0x200  }
0x443: {  	[sflag:s11] =	ssyncset.done $0x0  }
0x444: {  	[sflag:s11] =	ssyncadd.s32 $0xFFFFFE00  }
0x445: {  	_ =	sfence.sel $0x180000  }
0x446: {  	[bflag:$0x0] =	sbarrier.arrive $0xFFFF  }
0x447: {  	_ =	strace $0x90000047  }
0x448: {  	s0 =	stileid.u32;
	[bflag:$0x2] =	sbarrier.arrive $0xFFFF  }
0x449: {  	p0 =	sne.s32 s0, $0x0;
	s0 =	rddreg [dreg:$0x1]  }
0x44a: {  	s0 =	sadd.s32 @!p0 $0x100000, s0  }
0x44b: {  	[sflag:s0] =	ssyncadd.tile.s32 @!p0 $0x1;
	_ =	shalt  }
.Lfunc_end2:
_tile_overlayer_lowered:
.L_overlay_start_2:
0x44c: {  	(tag) =	ssettag $0x2  }
0x44d: {  	s0 =	rddreg [dreg:$0x0];
	s2 =	stileid.u32  }
0x44e: {  	s1 =	rddreg [dreg:$0x1];
	p0 =	sne.s32 s2, $0x0  }
0x44f: {  	s3 =	rddreg [dreg:$0x2];
	[bflag:$0x3] =	sbarrier.arrive $0xFFFF;
	s2 =	simm.s32 @!p0 $0x1C02  }
0x450: {  	[timem:s3], [sflag:s2] =	dma.local @!p0 [hbm:s0], s1  }
0x451: {  	s0 =	simm.s32 @!p0 $0x2  }
0x452: {  	_ =	swait.ge @!p0 [sflag:s0], s1  }
0x453: {  	s1 =	ssub.s32 @!p0 $0x0, s1;
	[sflag:s0] =	ssyncset.done @!p0 $0x0  }
0x454: {  	[sflag:s0] =	ssyncadd.s32 @!p0 s1  }
0x455: {  	[bflag:$0x3] =	sbarrier.arrive $0xFFFF  }
0x456: {  	_ =	shalt  }

</sc_bundles>
